<compile_context>
chip_gen: v7x
topology: tpu7x:2x2x1
jax: 0.10.2.dev20260603
libtpu: 0.0.44.dev20260713+nightly
codegen_flags: <defaults>
</compile_context>

<pallas_src>
import functools

import jax
import jax.numpy as jnp
from jax import lax
from jax.experimental import pallas as pl
from jax.experimental.pallas import tpu as pltpu
from jax.experimental.pallas import tpu_sc as plsc


def _phrase_embed_sc(idx2, phrase_emb, pos_emb, L, NBH):
    NC, NS = 2, 16
    NW = NC * NS
    n_slabs, SB = idx2.shape
    P, D = pos_emb.shape
    DG = D // 8
    G = D // 16
    SP = SB + 1
    SPW = n_slabs // NW
    NBUF = 5
    assert SPW % NBUF == 0

    mesh = plsc.VectorSubcoreMesh(core_axis_name="c", subcore_axis_name="s")

    @functools.partial(
        pl.kernel,
        out_type=jax.ShapeDtypeStruct((L, DG, NBH, 8, SB), jnp.float32),
        mesh=mesh,
        scratch_types=[
            pltpu.VMEM((SPW, SB), jnp.int32),
            pltpu.VMEM((P, D), jnp.float32),
            pltpu.VMEM((NBUF, SB, D), jnp.float32),
            pltpu.VMEM((NBUF, DG, 8, SP), jnp.float32),
            pltpu.SemaphoreType.DMA((NBUF,)),
            pltpu.SemaphoreType.DMA((NBUF,)),
        ],
        compiler_params=pltpu.CompilerParams(
            use_tc_tiling_on_sc=False, needs_layout_passes=False
        ),
    )
    def k(idx_hbm, emb_hbm, pos_hbm, out_hbm, idx_v, pos_v, rows_v, trows_v,
          gsem, ssem):
        wid = lax.axis_index("s") * NC + lax.axis_index("c")
        s0 = wid * SPW
        pltpu.sync_copy(idx_hbm.at[pl.ds(s0, SPW)], idx_v)
        pltpu.sync_copy(pos_hbm, pos_v)

        def start_gather(j, b):
            pltpu.async_copy(emb_hbm.at[idx_v.at[j]], rows_v.at[b], gsem.at[b])

        for b in range(NBUF):
            start_gather(b, b)

        lane = lax.iota(jnp.int32, 16)
        zero16 = jnp.zeros((16,), jnp.int32)
        dhvec = [(lane + 16 * g) // 8 for g in range(G)]
        dlvec = [(lane + 16 * g) % 8 for g in range(G)]

        @pl.loop(0, SPW, step=NBUF)
        def _round(j0):
            for b in range(NBUF):
                j = j0 + b
                s = s0 + j
                l = s // NBH
                bh = s % NBH
                pltpu.make_async_copy(
                    emb_hbm.at[idx_v.at[j]], rows_v.at[b], gsem.at[b]
                ).wait()

                @pl.when(j0 > 0)
                def _():
                    pltpu.make_async_copy(
                        trows_v.at[b, :, :, pl.ds(0, SB)],
                        out_hbm.at[0, :, 0],
                        ssem.at[b],
                    ).wait()

                pos_g = [pos_v[l, pl.ds(16 * g, 16)] for g in range(G)]

                @pl.loop(0, SB, unroll=4)
                def _tok(t):
                    tvec = zero16 + t
                    for g in range(G):
                        vals = rows_v[b, t, pl.ds(16 * g, 16)] + pos_g[g]
                        plsc.store_scatter(
                            trows_v.at[b], [dhvec[g], dlvec[g], tvec], vals
                        )

                @pl.when(j + NBUF < SPW)
                def _():
                    start_gather(j + NBUF, b)

                pltpu.async_copy(
                    trows_v.at[b, :, :, pl.ds(0, SB)],
                    out_hbm.at[l, :, bh],
                    ssem.at[b],
                )

        for b in range(NBUF):
            pltpu.make_async_copy(
                trows_v.at[b, :, :, pl.ds(0, SB)], out_hbm.at[0, :, 0],
                ssem.at[b],
            ).wait()

    return k(idx2, phrase_emb, pos_emb)


def kernel(phrase, phrase_emb, pos_emb):
    B, L = phrase.shape
    _, D = phrase_emb.shape
    SB = 128
    NBH = B // SB
    idx2 = phrase.T.reshape(L * NBH, SB)
    out6 = _phrase_embed_sc(idx2, phrase_emb, pos_emb, L, NBH)
    return out6.transpose(2, 4, 0, 1, 3).reshape(B, L, D)

# --- scband reference (transcript-rebuilt; emitter-appended) ---
"""Pipeline reference for scband-phrase-embedding-17111149707636 (READ-ONLY COPY).

The authoritative reference and input builder live on the scoring server;
editing this copy changes nothing except your own understanding.
"""

import jax, jax.numpy as jnp
import numpy as np

VOCAB_LEN = 1000000
MAX_PHRASE_LEN = 200
HID_DIM = 64


def setup_inputs(seed: int = 0) -> dict:
    key = jax.random.key(seed)
    k1, k2, k3 = jax.random.split(key, 3)
    phrase = jax.random.randint(k1, (4096, 50), 0, VOCAB_LEN, dtype=jnp.int64 if jax.config.jax_enable_x64 else jnp.int32).astype(jnp.int32)
    phrase_emb = jax.random.normal(k2, (VOCAB_LEN, HID_DIM), dtype=jnp.float32)
    pos_emb = jax.random.normal(k3, (MAX_PHRASE_LEN, HID_DIM), dtype=jnp.float32)
    return {"phrase": phrase, "phrase_emb": phrase_emb, "pos_emb": pos_emb}


def reference(phrase, phrase_emb, pos_emb):
    # phrase: int[B, L]; phrase_emb: [vocab, d]; pos_emb: [max_phrase_len, d]
    B, L = phrase.shape
    tok = jnp.take(phrase_emb, phrase, axis=0)  # [B, L, d]
    pos_idx = jnp.broadcast_to(jnp.arange(L, dtype=phrase.dtype)[None, :], (B, L))
    pos = jnp.take(pos_emb, pos_idx, axis=0)  # [B, L, d]
    return tok + pos

if __name__ == "__main__":
    import jax
    _d = setup_inputs()
    print(jax.jit(kernel)(*tuple(_d.values())))

</pallas_src>

<mosaic_0001>
#map = affine_map<(d0, d1) -> (0, 0)>
#map1 = affine_map<(d0, d1) -> (0, 0, 0, 0, 0)>
module attributes {stable_mosaic.version = 14 : i64} {
  func.func @k(%arg0: i32, %arg1: i32, %arg2: memref<1600x128xi32, #tpu.memory_space<hbm>>, %arg3: memref<1000000x64xf32, #tpu.memory_space<hbm>>, %arg4: memref<200x64xf32, #tpu.memory_space<hbm>>, %arg5: memref<50x8x32x8x128xf32, #tpu.memory_space<hbm>>, %arg6: memref<50x128xi32, #tpu.memory_space<vmem>>, %arg7: memref<200x64xf32, #tpu.memory_space<vmem>>, %arg8: memref<5x128x64xf32, #tpu.memory_space<vmem>>, %arg9: memref<5x8x8x129xf32, #tpu.memory_space<vmem>>, %arg10: memref<5x!tpu.dma_semaphore, #tpu.memory_space<semaphore_mem>>, %arg11: memref<5x!tpu.dma_semaphore, #tpu.memory_space<semaphore_mem>>) attributes {dimension_semantics = [#tpu.dimension_semantics<core_parallel>, #tpu.dimension_semantics<subcore_parallel>], iteration_bounds = array<i64: 2, 16>, scalar_prefetch = 0 : i64, scratch_operands = 6 : i64, tpu.core_type = #tpu.core_type<sc_vector_subcore>, window_params = [{transform_indices = #map}, {transform_indices = #map}, {transform_indices = #map}, {transform_indices = #map1}]} {
    %mul3A = arith.constant 2 : i32
    %mul3A_0 = arith.muli %arg1, %mul3A : i32
    %add3A = arith.addi %mul3A_0, %arg0 : i32
    %mul3A_1 = arith.constant 50 : i32
    %mul3A_2 = arith.muli %add3A, %mul3A_1 : i32
    "tpu.region"() ({
      %run_scoped3A = tpu.sem_alloc : memref<!tpu.dma_semaphore, #tpu.memory_space<semaphore_mem>>
      %dma_start3A_437 = arith.constant 0 : i32
      %dma_start3A_438 = tpu.memref_slice %arg2[%mul3A_2, %dma_start3A_437] : memref<1600x128xi32, #tpu.memory_space<hbm>> -> memref<50x128xi32, #tpu.memory_space<hbm>>
      %dma_start3A_439 = arith.constant 0 : i32
      %dma_start3A_440 = tpu.memref_slice %arg2[%mul3A_2, %dma_start3A_439] : memref<1600x128xi32, #tpu.memory_space<hbm>> -> memref<50x128xi32, #tpu.memory_space<hbm>>
      tpu.enqueue_dma source(%dma_start3A_440 : memref<50x128xi32, #tpu.memory_space<hbm>>) target(%arg6 : memref<50x128xi32, #tpu.memory_space<vmem>>) target_semaphore(%run_scoped3A : memref<!tpu.dma_semaphore, #tpu.memory_space<semaphore_mem>>)
      %dma_wait3A_441 = arith.constant 0 : i32
      %dma_wait3A_442 = tpu.memref_slice %arg2[%mul3A_2, %dma_wait3A_441] : memref<1600x128xi32, #tpu.memory_space<hbm>> -> memref<50x128xi32, #tpu.memory_space<hbm>>
      %dma_wait3A_443 = arith.constant 0 : i32
      %dma_wait3A_444 = tpu.memref_slice %arg2[%mul3A_2, %dma_wait3A_443] : memref<1600x128xi32, #tpu.memory_space<hbm>> -> memref<50x128xi32, #tpu.memory_space<hbm>>
      tpu.wait_dma2 semaphore(%run_scoped3A : memref<!tpu.dma_semaphore, #tpu.memory_space<semaphore_mem>>) src(%dma_wait3A_444 : memref<50x128xi32, #tpu.memory_space<hbm>>) dst(%arg6 : memref<50x128xi32, #tpu.memory_space<vmem>>)
      tpu.yield
    }) : () -> ()
    "tpu.region"() ({
      %run_scoped3A = tpu.sem_alloc : memref<!tpu.dma_semaphore, #tpu.memory_space<semaphore_mem>>
      tpu.enqueue_dma source(%arg4 : memref<200x64xf32, #tpu.memory_space<hbm>>) target(%arg7 : memref<200x64xf32, #tpu.memory_space<vmem>>) target_semaphore(%run_scoped3A : memref<!tpu.dma_semaphore, #tpu.memory_space<semaphore_mem>>)
      tpu.wait_dma2 semaphore(%run_scoped3A : memref<!tpu.dma_semaphore, #tpu.memory_space<semaphore_mem>>) src(%arg4 : memref<200x64xf32, #tpu.memory_space<hbm>>) dst(%arg7 : memref<200x64xf32, #tpu.memory_space<vmem>>)
      tpu.yield
    }) : () -> ()
    %dma_start3A = arith.constant 0 : i32
    %dma_start3A_3 = arith.constant 0 : i32
    %dma_start3A_4 = arith.constant 0 : i32
    %dma_start3A_5 = arith.constant 0 : i32
    %dma_start3A_6 = arith.constant 0 : i32
    %dma_start3A_7 = tpu.memref_slice %arg8[%dma_start3A_3, %dma_start3A_5, %dma_start3A_6] : memref<5x128x64xf32, #tpu.memory_space<vmem>> -> memref<1x128x64xf32, #tpu.memory_space<vmem>>
    %dma_start3A_8 = tpu.memref_squeeze %dma_start3A_7 : memref<1x128x64xf32, #tpu.memory_space<vmem>> -> memref<128x64xf32, #tpu.memory_space<vmem>>
    %dma_start3A_9 = arith.constant 0 : i32
    %dma_start3A_10 = tpu.memref_slice %arg6[%dma_start3A, %dma_start3A_9] : memref<50x128xi32, #tpu.memory_space<vmem>> -> memref<1x128xi32, #tpu.memory_space<vmem>>
    %dma_start3A_11 = tpu.memref_squeeze %dma_start3A_10 : memref<1x128xi32, #tpu.memory_space<vmem>> -> memref<128xi32, #tpu.memory_space<vmem>>
    %dma_start3A_12 = arith.constant 0 : i32
    %dma_start3A_13 = arith.constant 0 : i32
    %dma_start3A_14 = tpu.memref_slice %arg3[%dma_start3A_12, %dma_start3A_13] : memref<1000000x64xf32, #tpu.memory_space<hbm>> -> memref<1000000x64xf32, #tpu.memory_space<hbm>>
    %dma_start3A_15 = tpu.memref_slice %arg10[%dma_start3A_4] : memref<5x!tpu.dma_semaphore, #tpu.memory_space<semaphore_mem>> -> memref<1x!tpu.dma_semaphore, #tpu.memory_space<semaphore_mem>>
    %dma_start3A_16 = tpu.memref_squeeze %dma_start3A_15 : memref<1x!tpu.dma_semaphore, #tpu.memory_space<semaphore_mem>> -> memref<!tpu.dma_semaphore, #tpu.memory_space<semaphore_mem>>
    tpu.enqueue_indirect_dma source(%dma_start3A_14 : memref<1000000x64xf32, #tpu.memory_space<hbm>>) target(%dma_start3A_8 : memref<128x64xf32, #tpu.memory_space<vmem>>) offsets(%dma_start3A_11 : memref<128xi32, #tpu.memory_space<vmem>>) semaphore(%dma_start3A_16 : memref<!tpu.dma_semaphore, #tpu.memory_space<semaphore_mem>>)
    %dma_start3A_17 = arith.constant 1 : i32
    %dma_start3A_18 = arith.constant 1 : i32
    %dma_start3A_19 = arith.constant 1 : i32
    %dma_start3A_20 = arith.constant 0 : i32
    %dma_start3A_21 = arith.constant 0 : i32
    %dma_start3A_22 = tpu.memref_slice %arg8[%dma_start3A_18, %dma_start3A_20, %dma_start3A_21] : memref<5x128x64xf32, #tpu.memory_space<vmem>> -> memref<1x128x64xf32, #tpu.memory_space<vmem>>
    %dma_start3A_23 = tpu.memref_squeeze %dma_start3A_22 : memref<1x128x64xf32, #tpu.memory_space<vmem>> -> memref<128x64xf32, #tpu.memory_space<vmem>>
    %dma_start3A_24 = arith.constant 0 : i32
    %dma_start3A_25 = tpu.memref_slice %arg6[%dma_start3A_17, %dma_start3A_24] : memref<50x128xi32, #tpu.memory_space<vmem>> -> memref<1x128xi32, #tpu.memory_space<vmem>>
    %dma_start3A_26 = tpu.memref_squeeze %dma_start3A_25 : memref<1x128xi32, #tpu.memory_space<vmem>> -> memref<128xi32, #tpu.memory_space<vmem>>
    %dma_start3A_27 = arith.constant 0 : i32
    %dma_start3A_28 = arith.constant 0 : i32
    %dma_start3A_29 = tpu.memref_slice %arg3[%dma_start3A_27, %dma_start3A_28] : memref<1000000x64xf32, #tpu.memory_space<hbm>> -> memref<1000000x64xf32, #tpu.memory_space<hbm>>
    %dma_start3A_30 = tpu.memref_slice %arg10[%dma_start3A_19] : memref<5x!tpu.dma_semaphore, #tpu.memory_space<semaphore_mem>> -> memref<1x!tpu.dma_semaphore, #tpu.memory_space<semaphore_mem>>
    %dma_start3A_31 = tpu.memref_squeeze %dma_start3A_30 : memref<1x!tpu.dma_semaphore, #tpu.memory_space<semaphore_mem>> -> memref<!tpu.dma_semaphore, #tpu.memory_space<semaphore_mem>>
    tpu.enqueue_indirect_dma source(%dma_start3A_29 : memref<1000000x64xf32, #tpu.memory_space<hbm>>) target(%dma_start3A_23 : memref<128x64xf32, #tpu.memory_space<vmem>>) offsets(%dma_start3A_26 : memref<128xi32, #tpu.memory_space<vmem>>) semaphore(%dma_start3A_31 : memref<!tpu.dma_semaphore, #tpu.memory_space<semaphore_mem>>)
    %dma_start3A_32 = arith.constant 2 : i32
    %dma_start3A_33 = arith.constant 2 : i32
    %dma_start3A_34 = arith.constant 2 : i32
    %dma_start3A_35 = arith.constant 0 : i32
    %dma_start3A_36 = arith.constant 0 : i32
    %dma_start3A_37 = tpu.memref_slice %arg8[%dma_start3A_33, %dma_start3A_35, %dma_start3A_36] : memref<5x128x64xf32, #tpu.memory_space<vmem>> -> memref<1x128x64xf32, #tpu.memory_space<vmem>>
    %dma_start3A_38 = tpu.memref_squeeze %dma_start3A_37 : memref<1x128x64xf32, #tpu.memory_space<vmem>> -> memref<128x64xf32, #tpu.memory_space<vmem>>
    %dma_start3A_39 = arith.constant 0 : i32
    %dma_start3A_40 = tpu.memref_slice %arg6[%dma_start3A_32, %dma_start3A_39] : memref<50x128xi32, #tpu.memory_space<vmem>> -> memref<1x128xi32, #tpu.memory_space<vmem>>
    %dma_start3A_41 = tpu.memref_squeeze %dma_start3A_40 : memref<1x128xi32, #tpu.memory_space<vmem>> -> memref<128xi32, #tpu.memory_space<vmem>>
    %dma_start3A_42 = arith.constant 0 : i32
    %dma_start3A_43 = arith.constant 0 : i32
    %dma_start3A_44 = tpu.memref_slice %arg3[%dma_start3A_42, %dma_start3A_43] : memref<1000000x64xf32, #tpu.memory_space<hbm>> -> memref<1000000x64xf32, #tpu.memory_space<hbm>>
    %dma_start3A_45 = tpu.memref_slice %arg10[%dma_start3A_34] : memref<5x!tpu.dma_semaphore, #tpu.memory_space<semaphore_mem>> -> memref<1x!tpu.dma_semaphore, #tpu.memory_space<semaphore_mem>>
    %dma_start3A_46 = tpu.memref_squeeze %dma_start3A_45 : memref<1x!tpu.dma_semaphore, #tpu.memory_space<semaphore_mem>> -> memref<!tpu.dma_semaphore, #tpu.memory_space<semaphore_mem>>
    tpu.enqueue_indirect_dma source(%dma_start3A_44 : memref<1000000x64xf32, #tpu.memory_space<hbm>>) target(%dma_start3A_38 : memref<128x64xf32, #tpu.memory_space<vmem>>) offsets(%dma_start3A_41 : memref<128xi32, #tpu.memory_space<vmem>>) semaphore(%dma_start3A_46 : memref<!tpu.dma_semaphore, #tpu.memory_space<semaphore_mem>>)
    %dma_start3A_47 = arith.constant 3 : i32
    %dma_start3A_48 = arith.constant 3 : i32
    %dma_start3A_49 = arith.constant 3 : i32
    %dma_start3A_50 = arith.constant 0 : i32
    %dma_start3A_51 = arith.constant 0 : i32
    %dma_start3A_52 = tpu.memref_slice %arg8[%dma_start3A_48, %dma_start3A_50, %dma_start3A_51] : memref<5x128x64xf32, #tpu.memory_space<vmem>> -> memref<1x128x64xf32, #tpu.memory_space<vmem>>
    %dma_start3A_53 = tpu.memref_squeeze %dma_start3A_52 : memref<1x128x64xf32, #tpu.memory_space<vmem>> -> memref<128x64xf32, #tpu.memory_space<vmem>>
    %dma_start3A_54 = arith.constant 0 : i32
    %dma_start3A_55 = tpu.memref_slice %arg6[%dma_start3A_47, %dma_start3A_54] : memref<50x128xi32, #tpu.memory_space<vmem>> -> memref<1x128xi32, #tpu.memory_space<vmem>>
    %dma_start3A_56 = tpu.memref_squeeze %dma_start3A_55 : memref<1x128xi32, #tpu.memory_space<vmem>> -> memref<128xi32, #tpu.memory_space<vmem>>
    %dma_start3A_57 = arith.constant 0 : i32
    %dma_start3A_58 = arith.constant 0 : i32
    %dma_start3A_59 = tpu.memref_slice %arg3[%dma_start3A_57, %dma_start3A_58] : memref<1000000x64xf32, #tpu.memory_space<hbm>> -> memref<1000000x64xf32, #tpu.memory_space<hbm>>
    %dma_start3A_60 = tpu.memref_slice %arg10[%dma_start3A_49] : memref<5x!tpu.dma_semaphore, #tpu.memory_space<semaphore_mem>> -> memref<1x!tpu.dma_semaphore, #tpu.memory_space<semaphore_mem>>
    %dma_start3A_61 = tpu.memref_squeeze %dma_start3A_60 : memref<1x!tpu.dma_semaphore, #tpu.memory_space<semaphore_mem>> -> memref<!tpu.dma_semaphore, #tpu.memory_space<semaphore_mem>>
    tpu.enqueue_indirect_dma source(%dma_start3A_59 : memref<1000000x64xf32, #tpu.memory_space<hbm>>) target(%dma_start3A_53 : memref<128x64xf32, #tpu.memory_space<vmem>>) offsets(%dma_start3A_56 : memref<128xi32, #tpu.memory_space<vmem>>) semaphore(%dma_start3A_61 : memref<!tpu.dma_semaphore, #tpu.memory_space<semaphore_mem>>)
    %dma_start3A_62 = arith.constant 4 : i32
    %dma_start3A_63 = arith.constant 4 : i32
    %dma_start3A_64 = arith.constant 4 : i32
    %dma_start3A_65 = arith.constant 0 : i32
    %dma_start3A_66 = arith.constant 0 : i32
    %dma_start3A_67 = tpu.memref_slice %arg8[%dma_start3A_63, %dma_start3A_65, %dma_start3A_66] : memref<5x128x64xf32, #tpu.memory_space<vmem>> -> memref<1x128x64xf32, #tpu.memory_space<vmem>>
    %dma_start3A_68 = tpu.memref_squeeze %dma_start3A_67 : memref<1x128x64xf32, #tpu.memory_space<vmem>> -> memref<128x64xf32, #tpu.memory_space<vmem>>
    %dma_start3A_69 = arith.constant 0 : i32
    %dma_start3A_70 = tpu.memref_slice %arg6[%dma_start3A_62, %dma_start3A_69] : memref<50x128xi32, #tpu.memory_space<vmem>> -> memref<1x128xi32, #tpu.memory_space<vmem>>
    %dma_start3A_71 = tpu.memref_squeeze %dma_start3A_70 : memref<1x128xi32, #tpu.memory_space<vmem>> -> memref<128xi32, #tpu.memory_space<vmem>>
    %dma_start3A_72 = arith.constant 0 : i32
    %dma_start3A_73 = arith.constant 0 : i32
    %dma_start3A_74 = tpu.memref_slice %arg3[%dma_start3A_72, %dma_start3A_73] : memref<1000000x64xf32, #tpu.memory_space<hbm>> -> memref<1000000x64xf32, #tpu.memory_space<hbm>>
    %dma_start3A_75 = tpu.memref_slice %arg10[%dma_start3A_64] : memref<5x!tpu.dma_semaphore, #tpu.memory_space<semaphore_mem>> -> memref<1x!tpu.dma_semaphore, #tpu.memory_space<semaphore_mem>>
    %dma_start3A_76 = tpu.memref_squeeze %dma_start3A_75 : memref<1x!tpu.dma_semaphore, #tpu.memory_space<semaphore_mem>> -> memref<!tpu.dma_semaphore, #tpu.memory_space<semaphore_mem>>
    tpu.enqueue_indirect_dma source(%dma_start3A_74 : memref<1000000x64xf32, #tpu.memory_space<hbm>>) target(%dma_start3A_68 : memref<128x64xf32, #tpu.memory_space<vmem>>) offsets(%dma_start3A_71 : memref<128xi32, #tpu.memory_space<vmem>>) semaphore(%dma_start3A_76 : memref<!tpu.dma_semaphore, #tpu.memory_space<semaphore_mem>>)
    %iota3A = tpu.iota {dimensions = array<i32: 0>} : vector<16xi32>
    %broadcast_in_dim3A = arith.constant 0 : i32
    %broadcast_in_dim3A_77 = vector.broadcast %broadcast_in_dim3A : i32 to vector<16xi32>
    %add3A_78 = arith.constant 0 : i32
    %add3A_79 = vector.broadcast %add3A_78 : i32 to vector<16xi32>
    %add3A_80 = arith.addi %iota3A, %add3A_79 : vector<16xi32>
    %jit3A = arith.constant 8 : i32
    %div3A = vector.broadcast %jit3A : i32 to vector<16xi32>
    %div3A_81 = arith.divsi %add3A_80, %div3A : vector<16xi32>
    %sign3A = arith.constant 0 : i32
    %sign3A_82 = vector.broadcast %sign3A : i32 to vector<16xi32>
    %sign3A_83 = arith.cmpi sgt, %add3A_80, %sign3A_82 : vector<16xi32>
    %sign3A_84 = arith.extui %sign3A_83 : vector<16xi1> to vector<16xi32>
    %sign3A_85 = arith.constant 0 : i32
    %sign3A_86 = vector.broadcast %sign3A_85 : i32 to vector<16xi32>
    %sign3A_87 = arith.cmpi slt, %add3A_80, %sign3A_86 : vector<16xi32>
    %sign3A_88 = arith.extui %sign3A_87 : vector<16xi1> to vector<16xi32>
    %sign3A_89 = arith.subi %sign3A_84, %sign3A_88 : vector<16xi32>
    %sign3A_90 = arith.constant 0 : i32
    %sign3A_91 = arith.cmpi sgt, %jit3A, %sign3A_90 : i32
    %sign3A_92 = arith.extui %sign3A_91 : i1 to i32
    %sign3A_93 = arith.constant 0 : i32
    %sign3A_94 = arith.cmpi slt, %jit3A, %sign3A_93 : i32
    %sign3A_95 = arith.extui %sign3A_94 : i1 to i32
    %sign3A_96 = arith.subi %sign3A_92, %sign3A_95 : i32
    %ne3A = vector.broadcast %sign3A_96 : i32 to vector<16xi32>
    %ne3A_97 = arith.cmpi ne, %sign3A_89, %ne3A : vector<16xi32>
    %rem3A = vector.broadcast %jit3A : i32 to vector<16xi32>
    %rem3A_98 = arith.remsi %add3A_80, %rem3A : vector<16xi32>
    %ne3A_99 = arith.constant 0 : i32
    %ne3A_100 = vector.broadcast %ne3A_99 : i32 to vector<16xi32>
    %ne3A_101 = arith.cmpi ne, %rem3A_98, %ne3A_100 : vector<16xi32>
    %and3A = arith.andi %ne3A_97, %ne3A_101 : vector<16xi1>
    %sub3A = arith.constant 1 : i32
    %sub3A_102 = vector.broadcast %sub3A : i32 to vector<16xi32>
    %sub3A_103 = arith.subi %div3A_81, %sub3A_102 : vector<16xi32>
    %select_n3A = arith.select %and3A, %sub3A_103, %div3A_81 : vector<16xi1>, vector<16xi32>
    %add3A_104 = arith.constant 16 : i32
    %add3A_105 = vector.broadcast %add3A_104 : i32 to vector<16xi32>
    %add3A_106 = arith.addi %iota3A, %add3A_105 : vector<16xi32>
    %jit3A_107 = arith.constant 8 : i32
    %div3A_108 = vector.broadcast %jit3A_107 : i32 to vector<16xi32>
    %div3A_109 = arith.divsi %add3A_106, %div3A_108 : vector<16xi32>
    %sign3A_110 = arith.constant 0 : i32
    %sign3A_111 = vector.broadcast %sign3A_110 : i32 to vector<16xi32>
    %sign3A_112 = arith.cmpi sgt, %add3A_106, %sign3A_111 : vector<16xi32>
    %sign3A_113 = arith.extui %sign3A_112 : vector<16xi1> to vector<16xi32>
    %sign3A_114 = arith.constant 0 : i32
    %sign3A_115 = vector.broadcast %sign3A_114 : i32 to vector<16xi32>
    %sign3A_116 = arith.cmpi slt, %add3A_106, %sign3A_115 : vector<16xi32>
    %sign3A_117 = arith.extui %sign3A_116 : vector<16xi1> to vector<16xi32>
    %sign3A_118 = arith.subi %sign3A_113, %sign3A_117 : vector<16xi32>
    %sign3A_119 = arith.constant 0 : i32
    %sign3A_120 = arith.cmpi sgt, %jit3A_107, %sign3A_119 : i32
    %sign3A_121 = arith.extui %sign3A_120 : i1 to i32
    %sign3A_122 = arith.constant 0 : i32
    %sign3A_123 = arith.cmpi slt, %jit3A_107, %sign3A_122 : i32
    %sign3A_124 = arith.extui %sign3A_123 : i1 to i32
    %sign3A_125 = arith.subi %sign3A_121, %sign3A_124 : i32
    %ne3A_126 = vector.broadcast %sign3A_125 : i32 to vector<16xi32>
    %ne3A_127 = arith.cmpi ne, %sign3A_118, %ne3A_126 : vector<16xi32>
    %rem3A_128 = vector.broadcast %jit3A_107 : i32 to vector<16xi32>
    %rem3A_129 = arith.remsi %add3A_106, %rem3A_128 : vector<16xi32>
    %ne3A_130 = arith.constant 0 : i32
    %ne3A_131 = vector.broadcast %ne3A_130 : i32 to vector<16xi32>
    %ne3A_132 = arith.cmpi ne, %rem3A_129, %ne3A_131 : vector<16xi32>
    %and3A_133 = arith.andi %ne3A_127, %ne3A_132 : vector<16xi1>
    %sub3A_134 = arith.constant 1 : i32
    %sub3A_135 = vector.broadcast %sub3A_134 : i32 to vector<16xi32>
    %sub3A_136 = arith.subi %div3A_109, %sub3A_135 : vector<16xi32>
    %select_n3A_137 = arith.select %and3A_133, %sub3A_136, %div3A_109 : vector<16xi1>, vector<16xi32>
    %add3A_138 = arith.constant 32 : i32
    %add3A_139 = vector.broadcast %add3A_138 : i32 to vector<16xi32>
    %add3A_140 = arith.addi %iota3A, %add3A_139 : vector<16xi32>
    %jit3A_141 = arith.constant 8 : i32
    %div3A_142 = vector.broadcast %jit3A_141 : i32 to vector<16xi32>
    %div3A_143 = arith.divsi %add3A_140, %div3A_142 : vector<16xi32>
    %sign3A_144 = arith.constant 0 : i32
    %sign3A_145 = vector.broadcast %sign3A_144 : i32 to vector<16xi32>
    %sign3A_146 = arith.cmpi sgt, %add3A_140, %sign3A_145 : vector<16xi32>
    %sign3A_147 = arith.extui %sign3A_146 : vector<16xi1> to vector<16xi32>
    %sign3A_148 = arith.constant 0 : i32
    %sign3A_149 = vector.broadcast %sign3A_148 : i32 to vector<16xi32>
    %sign3A_150 = arith.cmpi slt, %add3A_140, %sign3A_149 : vector<16xi32>
    %sign3A_151 = arith.extui %sign3A_150 : vector<16xi1> to vector<16xi32>
    %sign3A_152 = arith.subi %sign3A_147, %sign3A_151 : vector<16xi32>
    %sign3A_153 = arith.constant 0 : i32
    %sign3A_154 = arith.cmpi sgt, %jit3A_141, %sign3A_153 : i32
    %sign3A_155 = arith.extui %sign3A_154 : i1 to i32
    %sign3A_156 = arith.constant 0 : i32
    %sign3A_157 = arith.cmpi slt, %jit3A_141, %sign3A_156 : i32
    %sign3A_158 = arith.extui %sign3A_157 : i1 to i32
    %sign3A_159 = arith.subi %sign3A_155, %sign3A_158 : i32
    %ne3A_160 = vector.broadcast %sign3A_159 : i32 to vector<16xi32>
    %ne3A_161 = arith.cmpi ne, %sign3A_152, %ne3A_160 : vector<16xi32>
    %rem3A_162 = vector.broadcast %jit3A_141 : i32 to vector<16xi32>
    %rem3A_163 = arith.remsi %add3A_140, %rem3A_162 : vector<16xi32>
    %ne3A_164 = arith.constant 0 : i32
    %ne3A_165 = vector.broadcast %ne3A_164 : i32 to vector<16xi32>
    %ne3A_166 = arith.cmpi ne, %rem3A_163, %ne3A_165 : vector<16xi32>
    %and3A_167 = arith.andi %ne3A_161, %ne3A_166 : vector<16xi1>
    %sub3A_168 = arith.constant 1 : i32
    %sub3A_169 = vector.broadcast %sub3A_168 : i32 to vector<16xi32>
    %sub3A_170 = arith.subi %div3A_143, %sub3A_169 : vector<16xi32>
    %select_n3A_171 = arith.select %and3A_167, %sub3A_170, %div3A_143 : vector<16xi1>, vector<16xi32>
    %add3A_172 = arith.constant 48 : i32
    %add3A_173 = vector.broadcast %add3A_172 : i32 to vector<16xi32>
    %add3A_174 = arith.addi %iota3A, %add3A_173 : vector<16xi32>
    %jit3A_175 = arith.constant 8 : i32
    %div3A_176 = vector.broadcast %jit3A_175 : i32 to vector<16xi32>
    %div3A_177 = arith.divsi %add3A_174, %div3A_176 : vector<16xi32>
    %sign3A_178 = arith.constant 0 : i32
    %sign3A_179 = vector.broadcast %sign3A_178 : i32 to vector<16xi32>
    %sign3A_180 = arith.cmpi sgt, %add3A_174, %sign3A_179 : vector<16xi32>
    %sign3A_181 = arith.extui %sign3A_180 : vector<16xi1> to vector<16xi32>
    %sign3A_182 = arith.constant 0 : i32
    %sign3A_183 = vector.broadcast %sign3A_182 : i32 to vector<16xi32>
    %sign3A_184 = arith.cmpi slt, %add3A_174, %sign3A_183 : vector<16xi32>
    %sign3A_185 = arith.extui %sign3A_184 : vector<16xi1> to vector<16xi32>
    %sign3A_186 = arith.subi %sign3A_181, %sign3A_185 : vector<16xi32>
    %sign3A_187 = arith.constant 0 : i32
    %sign3A_188 = arith.cmpi sgt, %jit3A_175, %sign3A_187 : i32
    %sign3A_189 = arith.extui %sign3A_188 : i1 to i32
    %sign3A_190 = arith.constant 0 : i32
    %sign3A_191 = arith.cmpi slt, %jit3A_175, %sign3A_190 : i32
    %sign3A_192 = arith.extui %sign3A_191 : i1 to i32
    %sign3A_193 = arith.subi %sign3A_189, %sign3A_192 : i32
    %ne3A_194 = vector.broadcast %sign3A_193 : i32 to vector<16xi32>
    %ne3A_195 = arith.cmpi ne, %sign3A_186, %ne3A_194 : vector<16xi32>
    %rem3A_196 = vector.broadcast %jit3A_175 : i32 to vector<16xi32>
    %rem3A_197 = arith.remsi %add3A_174, %rem3A_196 : vector<16xi32>
    %ne3A_198 = arith.constant 0 : i32
    %ne3A_199 = vector.broadcast %ne3A_198 : i32 to vector<16xi32>
    %ne3A_200 = arith.cmpi ne, %rem3A_197, %ne3A_199 : vector<16xi32>
    %and3A_201 = arith.andi %ne3A_195, %ne3A_200 : vector<16xi1>
    %sub3A_202 = arith.constant 1 : i32
    %sub3A_203 = vector.broadcast %sub3A_202 : i32 to vector<16xi32>
    %sub3A_204 = arith.subi %div3A_177, %sub3A_203 : vector<16xi32>
    %select_n3A_205 = arith.select %and3A_201, %sub3A_204, %div3A_177 : vector<16xi1>, vector<16xi32>
    %add3A_206 = arith.constant 0 : i32
    %add3A_207 = vector.broadcast %add3A_206 : i32 to vector<16xi32>
    %add3A_208 = arith.addi %iota3A, %add3A_207 : vector<16xi32>
    %jit3A_209 = arith.constant 8 : i32
    %eq3A = arith.constant 0 : i32
    %eq3A_210 = arith.cmpi eq, %jit3A_209, %eq3A : i32
    %jit3A_211 = arith.constant 1 : i32
    %select_n3A_212 = arith.select %eq3A_210, %jit3A_211, %jit3A_209 : i32
    %rem3A_213 = vector.broadcast %select_n3A_212 : i32 to vector<16xi32>
    %rem3A_214 = arith.remsi %add3A_208, %rem3A_213 : vector<16xi32>
    %ne3A_215 = arith.constant 0 : i32
    %ne3A_216 = vector.broadcast %ne3A_215 : i32 to vector<16xi32>
    %ne3A_217 = arith.cmpi ne, %rem3A_214, %ne3A_216 : vector<16xi32>
    %lt3A = arith.constant 0 : i32
    %lt3A_218 = vector.broadcast %lt3A : i32 to vector<16xi32>
    %lt3A_219 = arith.cmpi slt, %rem3A_214, %lt3A_218 : vector<16xi32>
    %lt3A_220 = arith.constant 0 : i32
    %lt3A_221 = arith.cmpi slt, %select_n3A_212, %lt3A_220 : i32
    %ne3A_222 = vector.broadcast %lt3A_221 : i1 to vector<16xi1>
    %ne3A_223 = vector.broadcast %ne3A_222 : vector<16xi1> to vector<16xi1>
    %ne3A_224 = arith.xori %lt3A_219, %ne3A_223 : vector<16xi1>
    %and3A_225 = arith.andi %ne3A_224, %ne3A_217 : vector<16xi1>
    %add3A_226 = vector.broadcast %select_n3A_212 : i32 to vector<16xi32>
    %add3A_227 = arith.addi %rem3A_214, %add3A_226 : vector<16xi32>
    %select_n3A_228 = arith.select %and3A_225, %add3A_227, %rem3A_214 : vector<16xi1>, vector<16xi32>
    %add3A_229 = arith.constant 16 : i32
    %add3A_230 = vector.broadcast %add3A_229 : i32 to vector<16xi32>
    %add3A_231 = arith.addi %iota3A, %add3A_230 : vector<16xi32>
    %jit3A_232 = arith.constant 8 : i32
    %eq3A_233 = arith.constant 0 : i32
    %eq3A_234 = arith.cmpi eq, %jit3A_232, %eq3A_233 : i32
    %jit3A_235 = arith.constant 1 : i32
    %select_n3A_236 = arith.select %eq3A_234, %jit3A_235, %jit3A_232 : i32
    %rem3A_237 = vector.broadcast %select_n3A_236 : i32 to vector<16xi32>
    %rem3A_238 = arith.remsi %add3A_231, %rem3A_237 : vector<16xi32>
    %ne3A_239 = arith.constant 0 : i32
    %ne3A_240 = vector.broadcast %ne3A_239 : i32 to vector<16xi32>
    %ne3A_241 = arith.cmpi ne, %rem3A_238, %ne3A_240 : vector<16xi32>
    %lt3A_242 = arith.constant 0 : i32
    %lt3A_243 = vector.broadcast %lt3A_242 : i32 to vector<16xi32>
    %lt3A_244 = arith.cmpi slt, %rem3A_238, %lt3A_243 : vector<16xi32>
    %lt3A_245 = arith.constant 0 : i32
    %lt3A_246 = arith.cmpi slt, %select_n3A_236, %lt3A_245 : i32
    %ne3A_247 = vector.broadcast %lt3A_246 : i1 to vector<16xi1>
    %ne3A_248 = vector.broadcast %ne3A_247 : vector<16xi1> to vector<16xi1>
    %ne3A_249 = arith.xori %lt3A_244, %ne3A_248 : vector<16xi1>
    %and3A_250 = arith.andi %ne3A_249, %ne3A_241 : vector<16xi1>
    %add3A_251 = vector.broadcast %select_n3A_236 : i32 to vector<16xi32>
    %add3A_252 = arith.addi %rem3A_238, %add3A_251 : vector<16xi32>
    %select_n3A_253 = arith.select %and3A_250, %add3A_252, %rem3A_238 : vector<16xi1>, vector<16xi32>
    %add3A_254 = arith.constant 32 : i32
    %add3A_255 = vector.broadcast %add3A_254 : i32 to vector<16xi32>
    %add3A_256 = arith.addi %iota3A, %add3A_255 : vector<16xi32>
    %jit3A_257 = arith.constant 8 : i32
    %eq3A_258 = arith.constant 0 : i32
    %eq3A_259 = arith.cmpi eq, %jit3A_257, %eq3A_258 : i32
    %jit3A_260 = arith.constant 1 : i32
    %select_n3A_261 = arith.select %eq3A_259, %jit3A_260, %jit3A_257 : i32
    %rem3A_262 = vector.broadcast %select_n3A_261 : i32 to vector<16xi32>
    %rem3A_263 = arith.remsi %add3A_256, %rem3A_262 : vector<16xi32>
    %ne3A_264 = arith.constant 0 : i32
    %ne3A_265 = vector.broadcast %ne3A_264 : i32 to vector<16xi32>
    %ne3A_266 = arith.cmpi ne, %rem3A_263, %ne3A_265 : vector<16xi32>
    %lt3A_267 = arith.constant 0 : i32
    %lt3A_268 = vector.broadcast %lt3A_267 : i32 to vector<16xi32>
    %lt3A_269 = arith.cmpi slt, %rem3A_263, %lt3A_268 : vector<16xi32>
    %lt3A_270 = arith.constant 0 : i32
    %lt3A_271 = arith.cmpi slt, %select_n3A_261, %lt3A_270 : i32
    %ne3A_272 = vector.broadcast %lt3A_271 : i1 to vector<16xi1>
    %ne3A_273 = vector.broadcast %ne3A_272 : vector<16xi1> to vector<16xi1>
    %ne3A_274 = arith.xori %lt3A_269, %ne3A_273 : vector<16xi1>
    %and3A_275 = arith.andi %ne3A_274, %ne3A_266 : vector<16xi1>
    %add3A_276 = vector.broadcast %select_n3A_261 : i32 to vector<16xi32>
    %add3A_277 = arith.addi %rem3A_263, %add3A_276 : vector<16xi32>
    %select_n3A_278 = arith.select %and3A_275, %add3A_277, %rem3A_263 : vector<16xi1>, vector<16xi32>
    %add3A_279 = arith.constant 48 : i32
    %add3A_280 = vector.broadcast %add3A_279 : i32 to vector<16xi32>
    %add3A_281 = arith.addi %iota3A, %add3A_280 : vector<16xi32>
    %jit3A_282 = arith.constant 8 : i32
    %eq3A_283 = arith.constant 0 : i32
    %eq3A_284 = arith.cmpi eq, %jit3A_282, %eq3A_283 : i32
    %jit3A_285 = arith.constant 1 : i32
    %select_n3A_286 = arith.select %eq3A_284, %jit3A_285, %jit3A_282 : i32
    %rem3A_287 = vector.broadcast %select_n3A_286 : i32 to vector<16xi32>
    %rem3A_288 = arith.remsi %add3A_281, %rem3A_287 : vector<16xi32>
    %ne3A_289 = arith.constant 0 : i32
    %ne3A_290 = vector.broadcast %ne3A_289 : i32 to vector<16xi32>
    %ne3A_291 = arith.cmpi ne, %rem3A_288, %ne3A_290 : vector<16xi32>
    %lt3A_292 = arith.constant 0 : i32
    %lt3A_293 = vector.broadcast %lt3A_292 : i32 to vector<16xi32>
    %lt3A_294 = arith.cmpi slt, %rem3A_288, %lt3A_293 : vector<16xi32>
    %lt3A_295 = arith.constant 0 : i32
    %lt3A_296 = arith.cmpi slt, %select_n3A_286, %lt3A_295 : i32
    %ne3A_297 = vector.broadcast %lt3A_296 : i1 to vector<16xi1>
    %ne3A_298 = vector.broadcast %ne3A_297 : vector<16xi1> to vector<16xi1>
    %ne3A_299 = arith.xori %lt3A_294, %ne3A_298 : vector<16xi1>
    %and3A_300 = arith.andi %ne3A_299, %ne3A_291 : vector<16xi1>
    %add3A_301 = vector.broadcast %select_n3A_286 : i32 to vector<16xi32>
    %add3A_302 = arith.addi %rem3A_288, %add3A_301 : vector<16xi32>
    %select_n3A_303 = arith.select %and3A_300, %add3A_302, %rem3A_288 : vector<16xi1>, vector<16xi32>
    %scan3A = arith.constant 0 : i32
    %scan3A_304 = arith.constant 10 : i32
    %scan3A_305 = arith.addi %scan3A, %scan3A_304 : i32
    %scan3A_306 = arith.constant 1 : i32
    scf.for %scan3A_437 = %scan3A to %scan3A_305 step %scan3A_306  : i32 {
      %mul3A_438 = arith.constant 5 : i32
      %mul3A_439 = arith.muli %scan3A_437, %mul3A_438 : i32
      %add3A_440 = arith.constant 0 : i32
      %add3A_441 = arith.addi %add3A_440, %mul3A_439 : i32
      %add3A_442 = arith.constant 0 : i32
      %add3A_443 = arith.addi %add3A_441, %add3A_442 : i32
      %add3A_444 = arith.addi %mul3A_2, %add3A_443 : i32
      %jit3A_445 = arith.constant 32 : i32
      %div3A_446 = arith.divsi %add3A_444, %jit3A_445 : i32
      %sign3A_447 = arith.constant 0 : i32
      %sign3A_448 = arith.cmpi sgt, %add3A_444, %sign3A_447 : i32
      %sign3A_449 = arith.extui %sign3A_448 : i1 to i32
      %sign3A_450 = arith.constant 0 : i32
      %sign3A_451 = arith.cmpi slt, %add3A_444, %sign3A_450 : i32
      %sign3A_452 = arith.extui %sign3A_451 : i1 to i32
      %sign3A_453 = arith.subi %sign3A_449, %sign3A_452 : i32
      %sign3A_454 = arith.constant 0 : i32
      %sign3A_455 = arith.cmpi sgt, %jit3A_445, %sign3A_454 : i32
      %sign3A_456 = arith.extui %sign3A_455 : i1 to i32
      %sign3A_457 = arith.constant 0 : i32
      %sign3A_458 = arith.cmpi slt, %jit3A_445, %sign3A_457 : i32
      %sign3A_459 = arith.extui %sign3A_458 : i1 to i32
      %sign3A_460 = arith.subi %sign3A_456, %sign3A_459 : i32
      %ne3A_461 = arith.cmpi ne, %sign3A_453, %sign3A_460 : i32
      %rem3A_462 = arith.remsi %add3A_444, %jit3A_445 : i32
      %ne3A_463 = arith.constant 0 : i32
      %ne3A_464 = arith.cmpi ne, %rem3A_462, %ne3A_463 : i32
      %and3A_465 = arith.andi %ne3A_461, %ne3A_464 : i1
      %sub3A_466 = arith.constant 1 : i32
      %sub3A_467 = arith.subi %div3A_446, %sub3A_466 : i32
      %select_n3A_468 = arith.select %and3A_465, %sub3A_467, %div3A_446 : i32
      %jit3A_469 = arith.constant 32 : i32
      %eq3A_470 = arith.constant 0 : i32
      %eq3A_471 = arith.cmpi eq, %jit3A_469, %eq3A_470 : i32
      %jit3A_472 = arith.constant 1 : i32
      %select_n3A_473 = arith.select %eq3A_471, %jit3A_472, %jit3A_469 : i32
      %rem3A_474 = arith.remsi %add3A_444, %select_n3A_473 : i32
      %ne3A_475 = arith.constant 0 : i32
      %ne3A_476 = arith.cmpi ne, %rem3A_474, %ne3A_475 : i32
      %lt3A_477 = arith.constant 0 : i32
      %lt3A_478 = arith.cmpi slt, %rem3A_474, %lt3A_477 : i32
      %lt3A_479 = arith.constant 0 : i32
      %lt3A_480 = arith.cmpi slt, %select_n3A_473, %lt3A_479 : i32
      %ne3A_481 = arith.xori %lt3A_478, %lt3A_480 : i1
      %and3A_482 = arith.andi %ne3A_481, %ne3A_476 : i1
      %add3A_483 = arith.addi %rem3A_474, %select_n3A_473 : i32
      %select_n3A_484 = arith.select %and3A_482, %add3A_483, %rem3A_474 : i32
      %dma_wait3A_485 = arith.constant 0 : i32
      %dma_wait3A_486 = arith.constant 0 : i32
      %dma_wait3A_487 = arith.constant 0 : i32
      %dma_wait3A_488 = arith.constant 0 : i32
      %dma_wait3A_489 = tpu.memref_slice %arg8[%dma_wait3A_485, %dma_wait3A_487, %dma_wait3A_488] : memref<5x128x64xf32, #tpu.memory_space<vmem>> -> memref<1x128x64xf32, #tpu.memory_space<vmem>>
      %dma_wait3A_490 = tpu.memref_squeeze %dma_wait3A_489 : memref<1x128x64xf32, #tpu.memory_space<vmem>> -> memref<128x64xf32, #tpu.memory_space<vmem>>
      %dma_wait3A_491 = arith.constant 0 : i32
      %dma_wait3A_492 = tpu.memref_slice %arg6[%add3A_443, %dma_wait3A_491] : memref<50x128xi32, #tpu.memory_space<vmem>> -> memref<1x128xi32, #tpu.memory_space<vmem>>
      %dma_wait3A_493 = tpu.memref_squeeze %dma_wait3A_492 : memref<1x128xi32, #tpu.memory_space<vmem>> -> memref<128xi32, #tpu.memory_space<vmem>>
      %dma_wait3A_494 = arith.constant 0 : i32
      %dma_wait3A_495 = arith.constant 0 : i32
      %dma_wait3A_496 = tpu.memref_slice %arg3[%dma_wait3A_494, %dma_wait3A_495] : memref<1000000x64xf32, #tpu.memory_space<hbm>> -> memref<1000000x64xf32, #tpu.memory_space<hbm>>
      %dma_wait3A_497 = tpu.memref_slice %arg10[%dma_wait3A_486] : memref<5x!tpu.dma_semaphore, #tpu.memory_space<semaphore_mem>> -> memref<1x!tpu.dma_semaphore, #tpu.memory_space<semaphore_mem>>
      %dma_wait3A_498 = tpu.memref_squeeze %dma_wait3A_497 : memref<1x!tpu.dma_semaphore, #tpu.memory_space<semaphore_mem>> -> memref<!tpu.dma_semaphore, #tpu.memory_space<semaphore_mem>>
      tpu.wait_indirect_dma semaphore(%dma_wait3A_498 : memref<!tpu.dma_semaphore, #tpu.memory_space<semaphore_mem>>) src(%dma_wait3A_496 : memref<1000000x64xf32, #tpu.memory_space<hbm>>) dst(%dma_wait3A_490 : memref<128x64xf32, #tpu.memory_space<vmem>>)
      %gt3A = arith.constant 0 : i32
      %gt3A_499 = arith.cmpi sgt, %add3A_441, %gt3A : i32
      %convert_element_type3A = arith.extui %gt3A_499 : i1 to i32
      %cond3A = arith.constant 0 : i32
      %cond3A_500 = arith.cmpi ne, %convert_element_type3A, %cond3A : i32
      scf.if %cond3A_500 {
        %dma_wait3A_988 = arith.constant 0 : i32
        %dma_wait3A_989 = arith.constant 0 : i32
        %dma_wait3A_990 = arith.constant 0 : i32
        %dma_wait3A_991 = arith.constant 0 : i32
        %dma_wait3A_992 = arith.constant 0 : i32
        %dma_wait3A_993 = arith.constant 0 : i32
        %dma_wait3A_994 = arith.constant 0 : i32
        %dma_wait3A_995 = tpu.memref_slice %arg9[%dma_wait3A_988, %dma_wait3A_992, %dma_wait3A_993, %dma_wait3A_994] : memref<5x8x8x129xf32, #tpu.memory_space<vmem>> -> memref<1x8x8x128xf32, #tpu.memory_space<vmem>>
        %dma_wait3A_996 = tpu.memref_squeeze %dma_wait3A_995 : memref<1x8x8x128xf32, #tpu.memory_space<vmem>> -> memref<8x8x128xf32, #tpu.memory_space<vmem>>
        %dma_wait3A_997 = arith.constant 0 : i32
        %dma_wait3A_998 = arith.constant 0 : i32
        %dma_wait3A_999 = arith.constant 0 : i32
        %dma_wait3A_1000 = tpu.memref_slice %arg5[%dma_wait3A_989, %dma_wait3A_997, %dma_wait3A_990, %dma_wait3A_998, %dma_wait3A_999] : memref<50x8x32x8x128xf32, #tpu.memory_space<hbm>> -> memref<1x8x1x8x128xf32, #tpu.memory_space<hbm>>
        %dma_wait3A_1001 = tpu.memref_squeeze %dma_wait3A_1000 : memref<1x8x1x8x128xf32, #tpu.memory_space<hbm>> -> memref<8x8x128xf32, #tpu.memory_space<hbm>>
        %dma_wait3A_1002 = tpu.memref_slice %arg11[%dma_wait3A_991] : memref<5x!tpu.dma_semaphore, #tpu.memory_space<semaphore_mem>> -> memref<1x!tpu.dma_semaphore, #tpu.memory_space<semaphore_mem>>
        %dma_wait3A_1003 = tpu.memref_squeeze %dma_wait3A_1002 : memref<1x!tpu.dma_semaphore, #tpu.memory_space<semaphore_mem>> -> memref<!tpu.dma_semaphore, #tpu.memory_space<semaphore_mem>>
        %dma_wait3A_1004 = arith.constant 0 : i32
        %dma_wait3A_1005 = arith.constant 0 : i32
        %dma_wait3A_1006 = arith.constant 0 : i32
        %dma_wait3A_1007 = tpu.memref_slice %arg5[%dma_wait3A_989, %dma_wait3A_1004, %dma_wait3A_990, %dma_wait3A_1005, %dma_wait3A_1006] : memref<50x8x32x8x128xf32, #tpu.memory_space<hbm>> -> memref<1x8x1x8x128xf32, #tpu.memory_space<hbm>>
        %dma_wait3A_1008 = tpu.memref_squeeze %dma_wait3A_1007 : memref<1x8x1x8x128xf32, #tpu.memory_space<hbm>> -> memref<8x8x128xf32, #tpu.memory_space<hbm>>
        %dma_wait3A_1009 = arith.constant 0 : i32
        %dma_wait3A_1010 = arith.constant 0 : i32
        %dma_wait3A_1011 = arith.constant 0 : i32
        %dma_wait3A_1012 = tpu.memref_slice %arg9[%dma_wait3A_988, %dma_wait3A_1009, %dma_wait3A_1010, %dma_wait3A_1011] : memref<5x8x8x129xf32, #tpu.memory_space<vmem>> -> memref<1x8x8x128xf32, #tpu.memory_space<vmem>>
        %dma_wait3A_1013 = tpu.memref_squeeze %dma_wait3A_1012 : memref<1x8x8x128xf32, #tpu.memory_space<vmem>> -> memref<8x8x128xf32, #tpu.memory_space<vmem>>
        tpu.wait_dma2 semaphore(%dma_wait3A_1003 : memref<!tpu.dma_semaphore, #tpu.memory_space<semaphore_mem>>) src(%dma_wait3A_1013 : memref<8x8x128xf32, #tpu.memory_space<vmem>>) dst(%dma_wait3A_1008 : memref<8x8x128xf32, #tpu.memory_space<hbm>>)
      } else {
      }
      %get3A = arith.index_cast %select_n3A_468 : i32 to index
      %get3A_501 = arith.constant 0 : index
      %get3A_502 = tpu.vector_load %arg7[%get3A, %get3A_501] {strides = array<i32>} : memref<200x64xf32, #tpu.memory_space<vmem>>, vector<16xf32>,
      %get3A_503 = arith.index_cast %select_n3A_468 : i32 to index
      %get3A_504 = arith.constant 16 : index
      %get3A_505 = tpu.vector_load %arg7[%get3A_503, %get3A_504] {strides = array<i32>} : memref<200x64xf32, #tpu.memory_space<vmem>>, vector<16xf32>,
      %get3A_506 = arith.index_cast %select_n3A_468 : i32 to index
      %get3A_507 = arith.constant 32 : index
      %get3A_508 = tpu.vector_load %arg7[%get3A_506, %get3A_507] {strides = array<i32>} : memref<200x64xf32, #tpu.memory_space<vmem>>, vector<16xf32>,
      %get3A_509 = arith.index_cast %select_n3A_468 : i32 to index
      %get3A_510 = arith.constant 48 : index
      %get3A_511 = tpu.vector_load %arg7[%get3A_509, %get3A_510] {strides = array<i32>} : memref<200x64xf32, #tpu.memory_space<vmem>>, vector<16xf32>,
      %scan3A_512 = arith.constant 0 : i32
      %scan3A_513 = arith.constant 128 : i32
      %scan3A_514 = arith.addi %scan3A_512, %scan3A_513 : i32
      %scan3A_515 = arith.constant 4 : i32
      scf.for %scan3A_988 = %scan3A_512 to %scan3A_514 step %scan3A_515  : i32 {
        %mul3A_989 = arith.constant 1 : i32
        %mul3A_990 = arith.muli %scan3A_988, %mul3A_989 : i32
        %add3A_991 = arith.constant 0 : i32
        %add3A_992 = arith.addi %add3A_991, %mul3A_990 : i32
        %add3A_993 = vector.broadcast %add3A_992 : i32 to vector<16xi32>
        %add3A_994 = arith.addi %broadcast_in_dim3A_77, %add3A_993 : vector<16xi32>
        %get3A_995 = arith.constant 0 : i32
        %get3A_996 = arith.index_cast %get3A_995 : i32 to index
        %get3A_997 = arith.index_cast %add3A_992 : i32 to index
        %get3A_998 = arith.constant 0 : index
        %get3A_999 = tpu.vector_load %arg8[%get3A_996, %get3A_997, %get3A_998] {strides = array<i32>} : memref<5x128x64xf32, #tpu.memory_space<vmem>>, vector<16xf32>,
        %add3A_1000 = arith.addf %get3A_999, %get3A_502 : vector<16xf32>
        %scatter3A = arith.constant 0 : i32
        %scatter3A_1001 = arith.constant 0 : i32
        %scatter3A_1002 = arith.constant 0 : i32
        %scatter3A_1003 = arith.constant 0 : i32
        %scatter3A_1004 = tpu.memref_slice %arg9[%scatter3A, %scatter3A_1001, %scatter3A_1002, %scatter3A_1003] : memref<5x8x8x129xf32, #tpu.memory_space<vmem>> -> memref<1x8x8x129xf32, #tpu.memory_space<vmem>>
        %scatter3A_1005 = tpu.memref_squeeze %scatter3A_1004 : memref<1x8x8x129xf32, #tpu.memory_space<vmem>> -> memref<8x8x129xf32, #tpu.memory_space<vmem>>
        tpu.vector_store_idx %scatter3A_1005[%select_n3A, %select_n3A_228, %add3A_994], %add3A_1000 : memref<8x8x129xf32, #tpu.memory_space<vmem>>[vector<16xi32>, vector<16xi32>, vector<16xi32>], vector<16xf32>,
        %get3A_1006 = arith.constant 0 : i32
        %get3A_1007 = arith.index_cast %get3A_1006 : i32 to index
        %get3A_1008 = arith.index_cast %add3A_992 : i32 to index
        %get3A_1009 = arith.constant 16 : index
        %get3A_1010 = tpu.vector_load %arg8[%get3A_1007, %get3A_1008, %get3A_1009] {strides = array<i32>} : memref<5x128x64xf32, #tpu.memory_space<vmem>>, vector<16xf32>,
        %add3A_1011 = arith.addf %get3A_1010, %get3A_505 : vector<16xf32>
        %scatter3A_1012 = arith.constant 0 : i32
        %scatter3A_1013 = arith.constant 0 : i32
        %scatter3A_1014 = arith.constant 0 : i32
        %scatter3A_1015 = arith.constant 0 : i32
        %scatter3A_1016 = tpu.memref_slice %arg9[%scatter3A_1012, %scatter3A_1013, %scatter3A_1014, %scatter3A_1015] : memref<5x8x8x129xf32, #tpu.memory_space<vmem>> -> memref<1x8x8x129xf32, #tpu.memory_space<vmem>>
        %scatter3A_1017 = tpu.memref_squeeze %scatter3A_1016 : memref<1x8x8x129xf32, #tpu.memory_space<vmem>> -> memref<8x8x129xf32, #tpu.memory_space<vmem>>
        tpu.vector_store_idx %scatter3A_1017[%select_n3A_137, %select_n3A_253, %add3A_994], %add3A_1011 : memref<8x8x129xf32, #tpu.memory_space<vmem>>[vector<16xi32>, vector<16xi32>, vector<16xi32>], vector<16xf32>,
        %get3A_1018 = arith.constant 0 : i32
        %get3A_1019 = arith.index_cast %get3A_1018 : i32 to index
        %get3A_1020 = arith.index_cast %add3A_992 : i32 to index
        %get3A_1021 = arith.constant 32 : index
        %get3A_1022 = tpu.vector_load %arg8[%get3A_1019, %get3A_1020, %get3A_1021] {strides = array<i32>} : memref<5x128x64xf32, #tpu.memory_space<vmem>>, vector<16xf32>,
        %add3A_1023 = arith.addf %get3A_1022, %get3A_508 : vector<16xf32>
        %scatter3A_1024 = arith.constant 0 : i32
        %scatter3A_1025 = arith.constant 0 : i32
        %scatter3A_1026 = arith.constant 0 : i32
        %scatter3A_1027 = arith.constant 0 : i32
        %scatter3A_1028 = tpu.memref_slice %arg9[%scatter3A_1024, %scatter3A_1025, %scatter3A_1026, %scatter3A_1027] : memref<5x8x8x129xf32, #tpu.memory_space<vmem>> -> memref<1x8x8x129xf32, #tpu.memory_space<vmem>>
        %scatter3A_1029 = tpu.memref_squeeze %scatter3A_1028 : memref<1x8x8x129xf32, #tpu.memory_space<vmem>> -> memref<8x8x129xf32, #tpu.memory_space<vmem>>
        tpu.vector_store_idx %scatter3A_1029[%select_n3A_171, %select_n3A_278, %add3A_994], %add3A_1023 : memref<8x8x129xf32, #tpu.memory_space<vmem>>[vector<16xi32>, vector<16xi32>, vector<16xi32>], vector<16xf32>,
        %get3A_1030 = arith.constant 0 : i32
        %get3A_1031 = arith.index_cast %get3A_1030 : i32 to index
        %get3A_1032 = arith.index_cast %add3A_992 : i32 to index
        %get3A_1033 = arith.constant 48 : index
        %get3A_1034 = tpu.vector_load %arg8[%get3A_1031, %get3A_1032, %get3A_1033] {strides = array<i32>} : memref<5x128x64xf32, #tpu.memory_space<vmem>>, vector<16xf32>,
        %add3A_1035 = arith.addf %get3A_1034, %get3A_511 : vector<16xf32>
        %scatter3A_1036 = arith.constant 0 : i32
        %scatter3A_1037 = arith.constant 0 : i32
        %scatter3A_1038 = arith.constant 0 : i32
        %scatter3A_1039 = arith.constant 0 : i32
        %scatter3A_1040 = tpu.memref_slice %arg9[%scatter3A_1036, %scatter3A_1037, %scatter3A_1038, %scatter3A_1039] : memref<5x8x8x129xf32, #tpu.memory_space<vmem>> -> memref<1x8x8x129xf32, #tpu.memory_space<vmem>>
        %scatter3A_1041 = tpu.memref_squeeze %scatter3A_1040 : memref<1x8x8x129xf32, #tpu.memory_space<vmem>> -> memref<8x8x129xf32, #tpu.memory_space<vmem>>
        tpu.vector_store_idx %scatter3A_1041[%select_n3A_205, %select_n3A_303, %add3A_994], %add3A_1035 : memref<8x8x129xf32, #tpu.memory_space<vmem>>[vector<16xi32>, vector<16xi32>, vector<16xi32>], vector<16xf32>,
        %scan3A_1042 = arith.constant 1 : i32
        %scan3A_1043 = arith.addi %scan3A_988, %scan3A_1042 : i32
        %mul3A_1044 = arith.constant 1 : i32
        %mul3A_1045 = arith.muli %scan3A_1043, %mul3A_1044 : i32
        %add3A_1046 = arith.constant 0 : i32
        %add3A_1047 = arith.addi %add3A_1046, %mul3A_1045 : i32
        %add3A_1048 = vector.broadcast %add3A_1047 : i32 to vector<16xi32>
        %add3A_1049 = arith.addi %broadcast_in_dim3A_77, %add3A_1048 : vector<16xi32>
        %get3A_1050 = arith.constant 0 : i32
        %get3A_1051 = arith.index_cast %get3A_1050 : i32 to index
        %get3A_1052 = arith.index_cast %add3A_1047 : i32 to index
        %get3A_1053 = arith.constant 0 : index
        %get3A_1054 = tpu.vector_load %arg8[%get3A_1051, %get3A_1052, %get3A_1053] {strides = array<i32>} : memref<5x128x64xf32, #tpu.memory_space<vmem>>, vector<16xf32>,
        %add3A_1055 = arith.addf %get3A_1054, %get3A_502 : vector<16xf32>
        %scatter3A_1056 = arith.constant 0 : i32
        %scatter3A_1057 = arith.constant 0 : i32
        %scatter3A_1058 = arith.constant 0 : i32
        %scatter3A_1059 = arith.constant 0 : i32
        %scatter3A_1060 = tpu.memref_slice %arg9[%scatter3A_1056, %scatter3A_1057, %scatter3A_1058, %scatter3A_1059] : memref<5x8x8x129xf32, #tpu.memory_space<vmem>> -> memref<1x8x8x129xf32, #tpu.memory_space<vmem>>
        %scatter3A_1061 = tpu.memref_squeeze %scatter3A_1060 : memref<1x8x8x129xf32, #tpu.memory_space<vmem>> -> memref<8x8x129xf32, #tpu.memory_space<vmem>>
        tpu.vector_store_idx %scatter3A_1061[%select_n3A, %select_n3A_228, %add3A_1049], %add3A_1055 : memref<8x8x129xf32, #tpu.memory_space<vmem>>[vector<16xi32>, vector<16xi32>, vector<16xi32>], vector<16xf32>,
        %get3A_1062 = arith.constant 0 : i32
        %get3A_1063 = arith.index_cast %get3A_1062 : i32 to index
        %get3A_1064 = arith.index_cast %add3A_1047 : i32 to index
        %get3A_1065 = arith.constant 16 : index
        %get3A_1066 = tpu.vector_load %arg8[%get3A_1063, %get3A_1064, %get3A_1065] {strides = array<i32>} : memref<5x128x64xf32, #tpu.memory_space<vmem>>, vector<16xf32>,
        %add3A_1067 = arith.addf %get3A_1066, %get3A_505 : vector<16xf32>
        %scatter3A_1068 = arith.constant 0 : i32
        %scatter3A_1069 = arith.constant 0 : i32
        %scatter3A_1070 = arith.constant 0 : i32
        %scatter3A_1071 = arith.constant 0 : i32
        %scatter3A_1072 = tpu.memref_slice %arg9[%scatter3A_1068, %scatter3A_1069, %scatter3A_1070, %scatter3A_1071] : memref<5x8x8x129xf32, #tpu.memory_space<vmem>> -> memref<1x8x8x129xf32, #tpu.memory_space<vmem>>
        %scatter3A_1073 = tpu.memref_squeeze %scatter3A_1072 : memref<1x8x8x129xf32, #tpu.memory_space<vmem>> -> memref<8x8x129xf32, #tpu.memory_space<vmem>>
        tpu.vector_store_idx %scatter3A_1073[%select_n3A_137, %select_n3A_253, %add3A_1049], %add3A_1067 : memref<8x8x129xf32, #tpu.memory_space<vmem>>[vector<16xi32>, vector<16xi32>, vector<16xi32>], vector<16xf32>,
        %get3A_1074 = arith.constant 0 : i32
        %get3A_1075 = arith.index_cast %get3A_1074 : i32 to index
        %get3A_1076 = arith.index_cast %add3A_1047 : i32 to index
        %get3A_1077 = arith.constant 32 : index
        %get3A_1078 = tpu.vector_load %arg8[%get3A_1075, %get3A_1076, %get3A_1077] {strides = array<i32>} : memref<5x128x64xf32, #tpu.memory_space<vmem>>, vector<16xf32>,
        %add3A_1079 = arith.addf %get3A_1078, %get3A_508 : vector<16xf32>
        %scatter3A_1080 = arith.constant 0 : i32
        %scatter3A_1081 = arith.constant 0 : i32
        %scatter3A_1082 = arith.constant 0 : i32
        %scatter3A_1083 = arith.constant 0 : i32
        %scatter3A_1084 = tpu.memref_slice %arg9[%scatter3A_1080, %scatter3A_1081, %scatter3A_1082, %scatter3A_1083] : memref<5x8x8x129xf32, #tpu.memory_space<vmem>> -> memref<1x8x8x129xf32, #tpu.memory_space<vmem>>
        %scatter3A_1085 = tpu.memref_squeeze %scatter3A_1084 : memref<1x8x8x129xf32, #tpu.memory_space<vmem>> -> memref<8x8x129xf32, #tpu.memory_space<vmem>>
        tpu.vector_store_idx %scatter3A_1085[%select_n3A_171, %select_n3A_278, %add3A_1049], %add3A_1079 : memref<8x8x129xf32, #tpu.memory_space<vmem>>[vector<16xi32>, vector<16xi32>, vector<16xi32>], vector<16xf32>,
        %get3A_1086 = arith.constant 0 : i32
        %get3A_1087 = arith.index_cast %get3A_1086 : i32 to index
        %get3A_1088 = arith.index_cast %add3A_1047 : i32 to index
        %get3A_1089 = arith.constant 48 : index
        %get3A_1090 = tpu.vector_load %arg8[%get3A_1087, %get3A_1088, %get3A_1089] {strides = array<i32>} : memref<5x128x64xf32, #tpu.memory_space<vmem>>, vector<16xf32>,
        %add3A_1091 = arith.addf %get3A_1090, %get3A_511 : vector<16xf32>
        %scatter3A_1092 = arith.constant 0 : i32
        %scatter3A_1093 = arith.constant 0 : i32
        %scatter3A_1094 = arith.constant 0 : i32
        %scatter3A_1095 = arith.constant 0 : i32
        %scatter3A_1096 = tpu.memref_slice %arg9[%scatter3A_1092, %scatter3A_1093, %scatter3A_1094, %scatter3A_1095] : memref<5x8x8x129xf32, #tpu.memory_space<vmem>> -> memref<1x8x8x129xf32, #tpu.memory_space<vmem>>
        %scatter3A_1097 = tpu.memref_squeeze %scatter3A_1096 : memref<1x8x8x129xf32, #tpu.memory_space<vmem>> -> memref<8x8x129xf32, #tpu.memory_space<vmem>>
        tpu.vector_store_idx %scatter3A_1097[%select_n3A_205, %select_n3A_303, %add3A_1049], %add3A_1091 : memref<8x8x129xf32, #tpu.memory_space<vmem>>[vector<16xi32>, vector<16xi32>, vector<16xi32>], vector<16xf32>,
        %scan3A_1098 = arith.constant 2 : i32
        %scan3A_1099 = arith.addi %scan3A_988, %scan3A_1098 : i32
        %mul3A_1100 = arith.constant 1 : i32
        %mul3A_1101 = arith.muli %scan3A_1099, %mul3A_1100 : i32
        %add3A_1102 = arith.constant 0 : i32
        %add3A_1103 = arith.addi %add3A_1102, %mul3A_1101 : i32
        %add3A_1104 = vector.broadcast %add3A_1103 : i32 to vector<16xi32>
        %add3A_1105 = arith.addi %broadcast_in_dim3A_77, %add3A_1104 : vector<16xi32>
        %get3A_1106 = arith.constant 0 : i32
        %get3A_1107 = arith.index_cast %get3A_1106 : i32 to index
        %get3A_1108 = arith.index_cast %add3A_1103 : i32 to index
        %get3A_1109 = arith.constant 0 : index
        %get3A_1110 = tpu.vector_load %arg8[%get3A_1107, %get3A_1108, %get3A_1109] {strides = array<i32>} : memref<5x128x64xf32, #tpu.memory_space<vmem>>, vector<16xf32>,
        %add3A_1111 = arith.addf %get3A_1110, %get3A_502 : vector<16xf32>
        %scatter3A_1112 = arith.constant 0 : i32
        %scatter3A_1113 = arith.constant 0 : i32
        %scatter3A_1114 = arith.constant 0 : i32
        %scatter3A_1115 = arith.constant 0 : i32
        %scatter3A_1116 = tpu.memref_slice %arg9[%scatter3A_1112, %scatter3A_1113, %scatter3A_1114, %scatter3A_1115] : memref<5x8x8x129xf32, #tpu.memory_space<vmem>> -> memref<1x8x8x129xf32, #tpu.memory_space<vmem>>
        %scatter3A_1117 = tpu.memref_squeeze %scatter3A_1116 : memref<1x8x8x129xf32, #tpu.memory_space<vmem>> -> memref<8x8x129xf32, #tpu.memory_space<vmem>>
        tpu.vector_store_idx %scatter3A_1117[%select_n3A, %select_n3A_228, %add3A_1105], %add3A_1111 : memref<8x8x129xf32, #tpu.memory_space<vmem>>[vector<16xi32>, vector<16xi32>, vector<16xi32>], vector<16xf32>,
        %get3A_1118 = arith.constant 0 : i32
        %get3A_1119 = arith.index_cast %get3A_1118 : i32 to index
        %get3A_1120 = arith.index_cast %add3A_1103 : i32 to index
        %get3A_1121 = arith.constant 16 : index
        %get3A_1122 = tpu.vector_load %arg8[%get3A_1119, %get3A_1120, %get3A_1121] {strides = array<i32>} : memref<5x128x64xf32, #tpu.memory_space<vmem>>, vector<16xf32>,
        %add3A_1123 = arith.addf %get3A_1122, %get3A_505 : vector<16xf32>
        %scatter3A_1124 = arith.constant 0 : i32
        %scatter3A_1125 = arith.constant 0 : i32
        %scatter3A_1126 = arith.constant 0 : i32
        %scatter3A_1127 = arith.constant 0 : i32
        %scatter3A_1128 = tpu.memref_slice %arg9[%scatter3A_1124, %scatter3A_1125, %scatter3A_1126, %scatter3A_1127] : memref<5x8x8x129xf32, #tpu.memory_space<vmem>> -> memref<1x8x8x129xf32, #tpu.memory_space<vmem>>
        %scatter3A_1129 = tpu.memref_squeeze %scatter3A_1128 : memref<1x8x8x129xf32, #tpu.memory_space<vmem>> -> memref<8x8x129xf32, #tpu.memory_space<vmem>>
        tpu.vector_store_idx %scatter3A_1129[%select_n3A_137, %select_n3A_253, %add3A_1105], %add3A_1123 : memref<8x8x129xf32, #tpu.memory_space<vmem>>[vector<16xi32>, vector<16xi32>, vector<16xi32>], vector<16xf32>,
        %get3A_1130 = arith.constant 0 : i32
        %get3A_1131 = arith.index_cast %get3A_1130 : i32 to index
        %get3A_1132 = arith.index_cast %add3A_1103 : i32 to index
        %get3A_1133 = arith.constant 32 : index
        %get3A_1134 = tpu.vector_load %arg8[%get3A_1131, %get3A_1132, %get3A_1133] {strides = array<i32>} : memref<5x128x64xf32, #tpu.memory_space<vmem>>, vector<16xf32>,
        %add3A_1135 = arith.addf %get3A_1134, %get3A_508 : vector<16xf32>
        %scatter3A_1136 = arith.constant 0 : i32
        %scatter3A_1137 = arith.constant 0 : i32
        %scatter3A_1138 = arith.constant 0 : i32
        %scatter3A_1139 = arith.constant 0 : i32
        %scatter3A_1140 = tpu.memref_slice %arg9[%scatter3A_1136, %scatter3A_1137, %scatter3A_1138, %scatter3A_1139] : memref<5x8x8x129xf32, #tpu.memory_space<vmem>> -> memref<1x8x8x129xf32, #tpu.memory_space<vmem>>
        %scatter3A_1141 = tpu.memref_squeeze %scatter3A_1140 : memref<1x8x8x129xf32, #tpu.memory_space<vmem>> -> memref<8x8x129xf32, #tpu.memory_space<vmem>>
        tpu.vector_store_idx %scatter3A_1141[%select_n3A_171, %select_n3A_278, %add3A_1105], %add3A_1135 : memref<8x8x129xf32, #tpu.memory_space<vmem>>[vector<16xi32>, vector<16xi32>, vector<16xi32>], vector<16xf32>,
        %get3A_1142 = arith.constant 0 : i32
        %get3A_1143 = arith.index_cast %get3A_1142 : i32 to index
        %get3A_1144 = arith.index_cast %add3A_1103 : i32 to index
        %get3A_1145 = arith.constant 48 : index
        %get3A_1146 = tpu.vector_load %arg8[%get3A_1143, %get3A_1144, %get3A_1145] {strides = array<i32>} : memref<5x128x64xf32, #tpu.memory_space<vmem>>, vector<16xf32>,
        %add3A_1147 = arith.addf %get3A_1146, %get3A_511 : vector<16xf32>
        %scatter3A_1148 = arith.constant 0 : i32
        %scatter3A_1149 = arith.constant 0 : i32
        %scatter3A_1150 = arith.constant 0 : i32
        %scatter3A_1151 = arith.constant 0 : i32
        %scatter3A_1152 = tpu.memref_slice %arg9[%scatter3A_1148, %scatter3A_1149, %scatter3A_1150, %scatter3A_1151] : memref<5x8x8x129xf32, #tpu.memory_space<vmem>> -> memref<1x8x8x129xf32, #tpu.memory_space<vmem>>
        %scatter3A_1153 = tpu.memref_squeeze %scatter3A_1152 : memref<1x8x8x129xf32, #tpu.memory_space<vmem>> -> memref<8x8x129xf32, #tpu.memory_space<vmem>>
        tpu.vector_store_idx %scatter3A_1153[%select_n3A_205, %select_n3A_303, %add3A_1105], %add3A_1147 : memref<8x8x129xf32, #tpu.memory_space<vmem>>[vector<16xi32>, vector<16xi32>, vector<16xi32>], vector<16xf32>,
        %scan3A_1154 = arith.constant 3 : i32
        %scan3A_1155 = arith.addi %scan3A_988, %scan3A_1154 : i32
        %mul3A_1156 = arith.constant 1 : i32
        %mul3A_1157 = arith.muli %scan3A_1155, %mul3A_1156 : i32
        %add3A_1158 = arith.constant 0 : i32
        %add3A_1159 = arith.addi %add3A_1158, %mul3A_1157 : i32
        %add3A_1160 = vector.broadcast %add3A_1159 : i32 to vector<16xi32>
        %add3A_1161 = arith.addi %broadcast_in_dim3A_77, %add3A_1160 : vector<16xi32>
        %get3A_1162 = arith.constant 0 : i32
        %get3A_1163 = arith.index_cast %get3A_1162 : i32 to index
        %get3A_1164 = arith.index_cast %add3A_1159 : i32 to index
        %get3A_1165 = arith.constant 0 : index
        %get3A_1166 = tpu.vector_load %arg8[%get3A_1163, %get3A_1164, %get3A_1165] {strides = array<i32>} : memref<5x128x64xf32, #tpu.memory_space<vmem>>, vector<16xf32>,
        %add3A_1167 = arith.addf %get3A_1166, %get3A_502 : vector<16xf32>
        %scatter3A_1168 = arith.constant 0 : i32
        %scatter3A_1169 = arith.constant 0 : i32
        %scatter3A_1170 = arith.constant 0 : i32
        %scatter3A_1171 = arith.constant 0 : i32
        %scatter3A_1172 = tpu.memref_slice %arg9[%scatter3A_1168, %scatter3A_1169, %scatter3A_1170, %scatter3A_1171] : memref<5x8x8x129xf32, #tpu.memory_space<vmem>> -> memref<1x8x8x129xf32, #tpu.memory_space<vmem>>
        %scatter3A_1173 = tpu.memref_squeeze %scatter3A_1172 : memref<1x8x8x129xf32, #tpu.memory_space<vmem>> -> memref<8x8x129xf32, #tpu.memory_space<vmem>>
        tpu.vector_store_idx %scatter3A_1173[%select_n3A, %select_n3A_228, %add3A_1161], %add3A_1167 : memref<8x8x129xf32, #tpu.memory_space<vmem>>[vector<16xi32>, vector<16xi32>, vector<16xi32>], vector<16xf32>,
        %get3A_1174 = arith.constant 0 : i32
        %get3A_1175 = arith.index_cast %get3A_1174 : i32 to index
        %get3A_1176 = arith.index_cast %add3A_1159 : i32 to index
        %get3A_1177 = arith.constant 16 : index
        %get3A_1178 = tpu.vector_load %arg8[%get3A_1175, %get3A_1176, %get3A_1177] {strides = array<i32>} : memref<5x128x64xf32, #tpu.memory_space<vmem>>, vector<16xf32>,
        %add3A_1179 = arith.addf %get3A_1178, %get3A_505 : vector<16xf32>
        %scatter3A_1180 = arith.constant 0 : i32
        %scatter3A_1181 = arith.constant 0 : i32
        %scatter3A_1182 = arith.constant 0 : i32
        %scatter3A_1183 = arith.constant 0 : i32
        %scatter3A_1184 = tpu.memref_slice %arg9[%scatter3A_1180, %scatter3A_1181, %scatter3A_1182, %scatter3A_1183] : memref<5x8x8x129xf32, #tpu.memory_space<vmem>> -> memref<1x8x8x129xf32, #tpu.memory_space<vmem>>
        %scatter3A_1185 = tpu.memref_squeeze %scatter3A_1184 : memref<1x8x8x129xf32, #tpu.memory_space<vmem>> -> memref<8x8x129xf32, #tpu.memory_space<vmem>>
        tpu.vector_store_idx %scatter3A_1185[%select_n3A_137, %select_n3A_253, %add3A_1161], %add3A_1179 : memref<8x8x129xf32, #tpu.memory_space<vmem>>[vector<16xi32>, vector<16xi32>, vector<16xi32>], vector<16xf32>,
        %get3A_1186 = arith.constant 0 : i32
        %get3A_1187 = arith.index_cast %get3A_1186 : i32 to index
        %get3A_1188 = arith.index_cast %add3A_1159 : i32 to index
        %get3A_1189 = arith.constant 32 : index
        %get3A_1190 = tpu.vector_load %arg8[%get3A_1187, %get3A_1188, %get3A_1189] {strides = array<i32>} : memref<5x128x64xf32, #tpu.memory_space<vmem>>, vector<16xf32>,
        %add3A_1191 = arith.addf %get3A_1190, %get3A_508 : vector<16xf32>
        %scatter3A_1192 = arith.constant 0 : i32
        %scatter3A_1193 = arith.constant 0 : i32
        %scatter3A_1194 = arith.constant 0 : i32
        %scatter3A_1195 = arith.constant 0 : i32
        %scatter3A_1196 = tpu.memref_slice %arg9[%scatter3A_1192, %scatter3A_1193, %scatter3A_1194, %scatter3A_1195] : memref<5x8x8x129xf32, #tpu.memory_space<vmem>> -> memref<1x8x8x129xf32, #tpu.memory_space<vmem>>
        %scatter3A_1197 = tpu.memref_squeeze %scatter3A_1196 : memref<1x8x8x129xf32, #tpu.memory_space<vmem>> -> memref<8x8x129xf32, #tpu.memory_space<vmem>>
        tpu.vector_store_idx %scatter3A_1197[%select_n3A_171, %select_n3A_278, %add3A_1161], %add3A_1191 : memref<8x8x129xf32, #tpu.memory_space<vmem>>[vector<16xi32>, vector<16xi32>, vector<16xi32>], vector<16xf32>,
        %get3A_1198 = arith.constant 0 : i32
        %get3A_1199 = arith.index_cast %get3A_1198 : i32 to index
        %get3A_1200 = arith.index_cast %add3A_1159 : i32 to index
        %get3A_1201 = arith.constant 48 : index
        %get3A_1202 = tpu.vector_load %arg8[%get3A_1199, %get3A_1200, %get3A_1201] {strides = array<i32>} : memref<5x128x64xf32, #tpu.memory_space<vmem>>, vector<16xf32>,
        %add3A_1203 = arith.addf %get3A_1202, %get3A_511 : vector<16xf32>
        %scatter3A_1204 = arith.constant 0 : i32
        %scatter3A_1205 = arith.constant 0 : i32
        %scatter3A_1206 = arith.constant 0 : i32
        %scatter3A_1207 = arith.constant 0 : i32
        %scatter3A_1208 = tpu.memref_slice %arg9[%scatter3A_1204, %scatter3A_1205, %scatter3A_1206, %scatter3A_1207] : memref<5x8x8x129xf32, #tpu.memory_space<vmem>> -> memref<1x8x8x129xf32, #tpu.memory_space<vmem>>
        %scatter3A_1209 = tpu.memref_squeeze %scatter3A_1208 : memref<1x8x8x129xf32, #tpu.memory_space<vmem>> -> memref<8x8x129xf32, #tpu.memory_space<vmem>>
        tpu.vector_store_idx %scatter3A_1209[%select_n3A_205, %select_n3A_303, %add3A_1161], %add3A_1203 : memref<8x8x129xf32, #tpu.memory_space<vmem>>[vector<16xi32>, vector<16xi32>, vector<16xi32>], vector<16xf32>,
      }
      %scan3A_516 = arith.constant 128 : i32
      %add3A_517 = arith.constant 5 : i32
      %add3A_518 = arith.addi %add3A_443, %add3A_517 : i32
      %lt3A_519 = arith.constant 50 : i32
      %lt3A_520 = arith.cmpi slt, %add3A_518, %lt3A_519 : i32
      %convert_element_type3A_521 = arith.extui %lt3A_520 : i1 to i32
      %cond3A_522 = arith.constant 0 : i32
      %cond3A_523 = arith.cmpi ne, %convert_element_type3A_521, %cond3A_522 : i32
      scf.if %cond3A_523 {
        %add3A_988 = arith.constant 5 : i32
        %add3A_989 = arith.addi %add3A_443, %add3A_988 : i32
        %dma_start3A_990 = arith.constant 0 : i32
        %dma_start3A_991 = arith.constant 0 : i32
        %dma_start3A_992 = arith.constant 0 : i32
        %dma_start3A_993 = arith.constant 0 : i32
        %dma_start3A_994 = tpu.memref_slice %arg8[%dma_start3A_990, %dma_start3A_992, %dma_start3A_993] : memref<5x128x64xf32, #tpu.memory_space<vmem>> -> memref<1x128x64xf32, #tpu.memory_space<vmem>>
        %dma_start3A_995 = tpu.memref_squeeze %dma_start3A_994 : memref<1x128x64xf32, #tpu.memory_space<vmem>> -> memref<128x64xf32, #tpu.memory_space<vmem>>
        %dma_start3A_996 = arith.constant 0 : i32
        %dma_start3A_997 = tpu.memref_slice %arg6[%add3A_989, %dma_start3A_996] : memref<50x128xi32, #tpu.memory_space<vmem>> -> memref<1x128xi32, #tpu.memory_space<vmem>>
        %dma_start3A_998 = tpu.memref_squeeze %dma_start3A_997 : memref<1x128xi32, #tpu.memory_space<vmem>> -> memref<128xi32, #tpu.memory_space<vmem>>
        %dma_start3A_999 = arith.constant 0 : i32
        %dma_start3A_1000 = arith.constant 0 : i32
        %dma_start3A_1001 = tpu.memref_slice %arg3[%dma_start3A_999, %dma_start3A_1000] : memref<1000000x64xf32, #tpu.memory_space<hbm>> -> memref<1000000x64xf32, #tpu.memory_space<hbm>>
        %dma_start3A_1002 = tpu.memref_slice %arg10[%dma_start3A_991] : memref<5x!tpu.dma_semaphore, #tpu.memory_space<semaphore_mem>> -> memref<1x!tpu.dma_semaphore, #tpu.memory_space<semaphore_mem>>
        %dma_start3A_1003 = tpu.memref_squeeze %dma_start3A_1002 : memref<1x!tpu.dma_semaphore, #tpu.memory_space<semaphore_mem>> -> memref<!tpu.dma_semaphore, #tpu.memory_space<semaphore_mem>>
        tpu.enqueue_indirect_dma source(%dma_start3A_1001 : memref<1000000x64xf32, #tpu.memory_space<hbm>>) target(%dma_start3A_995 : memref<128x64xf32, #tpu.memory_space<vmem>>) offsets(%dma_start3A_998 : memref<128xi32, #tpu.memory_space<vmem>>) semaphore(%dma_start3A_1003 : memref<!tpu.dma_semaphore, #tpu.memory_space<semaphore_mem>>)
      } else {
      }
      %dma_start3A_524 = arith.constant 0 : i32
      %dma_start3A_525 = arith.constant 0 : i32
      %dma_start3A_526 = arith.constant 0 : i32
      %dma_start3A_527 = arith.constant 0 : i32
      %dma_start3A_528 = arith.constant 0 : i32
      %dma_start3A_529 = tpu.memref_slice %arg9[%dma_start3A_524, %dma_start3A_526, %dma_start3A_527, %dma_start3A_528] : memref<5x8x8x129xf32, #tpu.memory_space<vmem>> -> memref<1x8x8x128xf32, #tpu.memory_space<vmem>>
      %dma_start3A_530 = tpu.memref_squeeze %dma_start3A_529 : memref<1x8x8x128xf32, #tpu.memory_space<vmem>> -> memref<8x8x128xf32, #tpu.memory_space<vmem>>
      %dma_start3A_531 = arith.constant 0 : i32
      %dma_start3A_532 = arith.constant 0 : i32
      %dma_start3A_533 = arith.constant 0 : i32
      %dma_start3A_534 = tpu.memref_slice %arg5[%select_n3A_468, %dma_start3A_531, %select_n3A_484, %dma_start3A_532, %dma_start3A_533] : memref<50x8x32x8x128xf32, #tpu.memory_space<hbm>> -> memref<1x8x1x8x128xf32, #tpu.memory_space<hbm>>
      %dma_start3A_535 = tpu.memref_squeeze %dma_start3A_534 : memref<1x8x1x8x128xf32, #tpu.memory_space<hbm>> -> memref<8x8x128xf32, #tpu.memory_space<hbm>>
      %dma_start3A_536 = tpu.memref_slice %arg11[%dma_start3A_525] : memref<5x!tpu.dma_semaphore, #tpu.memory_space<semaphore_mem>> -> memref<1x!tpu.dma_semaphore, #tpu.memory_space<semaphore_mem>>
      %dma_start3A_537 = tpu.memref_squeeze %dma_start3A_536 : memref<1x!tpu.dma_semaphore, #tpu.memory_space<semaphore_mem>> -> memref<!tpu.dma_semaphore, #tpu.memory_space<semaphore_mem>>
      %dma_start3A_538 = arith.constant 0 : i32
      %dma_start3A_539 = arith.constant 0 : i32
      %dma_start3A_540 = arith.constant 0 : i32
      %dma_start3A_541 = tpu.memref_slice %arg5[%select_n3A_468, %dma_start3A_538, %select_n3A_484, %dma_start3A_539, %dma_start3A_540] : memref<50x8x32x8x128xf32, #tpu.memory_space<hbm>> -> memref<1x8x1x8x128xf32, #tpu.memory_space<hbm>>
      %dma_start3A_542 = tpu.memref_squeeze %dma_start3A_541 : memref<1x8x1x8x128xf32, #tpu.memory_space<hbm>> -> memref<8x8x128xf32, #tpu.memory_space<hbm>>
      %dma_start3A_543 = arith.constant 0 : i32
      %dma_start3A_544 = arith.constant 0 : i32
      %dma_start3A_545 = arith.constant 0 : i32
      %dma_start3A_546 = tpu.memref_slice %arg9[%dma_start3A_524, %dma_start3A_543, %dma_start3A_544, %dma_start3A_545] : memref<5x8x8x129xf32, #tpu.memory_space<vmem>> -> memref<1x8x8x128xf32, #tpu.memory_space<vmem>>
      %dma_start3A_547 = tpu.memref_squeeze %dma_start3A_546 : memref<1x8x8x128xf32, #tpu.memory_space<vmem>> -> memref<8x8x128xf32, #tpu.memory_space<vmem>>
      tpu.enqueue_dma source(%dma_start3A_547 : memref<8x8x128xf32, #tpu.memory_space<vmem>>) target(%dma_start3A_542 : memref<8x8x128xf32, #tpu.memory_space<hbm>>) target_semaphore(%dma_start3A_537 : memref<!tpu.dma_semaphore, #tpu.memory_space<semaphore_mem>>)
      %add3A_548 = arith.constant 1 : i32
      %add3A_549 = arith.addi %add3A_441, %add3A_548 : i32
      %add3A_550 = arith.addi %mul3A_2, %add3A_549 : i32
      %jit3A_551 = arith.constant 32 : i32
      %div3A_552 = arith.divsi %add3A_550, %jit3A_551 : i32
      %sign3A_553 = arith.constant 0 : i32
      %sign3A_554 = arith.cmpi sgt, %add3A_550, %sign3A_553 : i32
      %sign3A_555 = arith.extui %sign3A_554 : i1 to i32
      %sign3A_556 = arith.constant 0 : i32
      %sign3A_557 = arith.cmpi slt, %add3A_550, %sign3A_556 : i32
      %sign3A_558 = arith.extui %sign3A_557 : i1 to i32
      %sign3A_559 = arith.subi %sign3A_555, %sign3A_558 : i32
      %sign3A_560 = arith.constant 0 : i32
      %sign3A_561 = arith.cmpi sgt, %jit3A_551, %sign3A_560 : i32
      %sign3A_562 = arith.extui %sign3A_561 : i1 to i32
      %sign3A_563 = arith.constant 0 : i32
      %sign3A_564 = arith.cmpi slt, %jit3A_551, %sign3A_563 : i32
      %sign3A_565 = arith.extui %sign3A_564 : i1 to i32
      %sign3A_566 = arith.subi %sign3A_562, %sign3A_565 : i32
      %ne3A_567 = arith.cmpi ne, %sign3A_559, %sign3A_566 : i32
      %rem3A_568 = arith.remsi %add3A_550, %jit3A_551 : i32
      %ne3A_569 = arith.constant 0 : i32
      %ne3A_570 = arith.cmpi ne, %rem3A_568, %ne3A_569 : i32
      %and3A_571 = arith.andi %ne3A_567, %ne3A_570 : i1
      %sub3A_572 = arith.constant 1 : i32
      %sub3A_573 = arith.subi %div3A_552, %sub3A_572 : i32
      %select_n3A_574 = arith.select %and3A_571, %sub3A_573, %div3A_552 : i32
      %jit3A_575 = arith.constant 32 : i32
      %eq3A_576 = arith.constant 0 : i32
      %eq3A_577 = arith.cmpi eq, %jit3A_575, %eq3A_576 : i32
      %jit3A_578 = arith.constant 1 : i32
      %select_n3A_579 = arith.select %eq3A_577, %jit3A_578, %jit3A_575 : i32
      %rem3A_580 = arith.remsi %add3A_550, %select_n3A_579 : i32
      %ne3A_581 = arith.constant 0 : i32
      %ne3A_582 = arith.cmpi ne, %rem3A_580, %ne3A_581 : i32
      %lt3A_583 = arith.constant 0 : i32
      %lt3A_584 = arith.cmpi slt, %rem3A_580, %lt3A_583 : i32
      %lt3A_585 = arith.constant 0 : i32
      %lt3A_586 = arith.cmpi slt, %select_n3A_579, %lt3A_585 : i32
      %ne3A_587 = arith.xori %lt3A_584, %lt3A_586 : i1
      %and3A_588 = arith.andi %ne3A_587, %ne3A_582 : i1
      %add3A_589 = arith.addi %rem3A_580, %select_n3A_579 : i32
      %select_n3A_590 = arith.select %and3A_588, %add3A_589, %rem3A_580 : i32
      %dma_wait3A_591 = arith.constant 1 : i32
      %dma_wait3A_592 = arith.constant 1 : i32
      %dma_wait3A_593 = arith.constant 0 : i32
      %dma_wait3A_594 = arith.constant 0 : i32
      %dma_wait3A_595 = tpu.memref_slice %arg8[%dma_wait3A_591, %dma_wait3A_593, %dma_wait3A_594] : memref<5x128x64xf32, #tpu.memory_space<vmem>> -> memref<1x128x64xf32, #tpu.memory_space<vmem>>
      %dma_wait3A_596 = tpu.memref_squeeze %dma_wait3A_595 : memref<1x128x64xf32, #tpu.memory_space<vmem>> -> memref<128x64xf32, #tpu.memory_space<vmem>>
      %dma_wait3A_597 = arith.constant 0 : i32
      %dma_wait3A_598 = tpu.memref_slice %arg6[%add3A_549, %dma_wait3A_597] : memref<50x128xi32, #tpu.memory_space<vmem>> -> memref<1x128xi32, #tpu.memory_space<vmem>>
      %dma_wait3A_599 = tpu.memref_squeeze %dma_wait3A_598 : memref<1x128xi32, #tpu.memory_space<vmem>> -> memref<128xi32, #tpu.memory_space<vmem>>
      %dma_wait3A_600 = arith.constant 0 : i32
      %dma_wait3A_601 = arith.constant 0 : i32
      %dma_wait3A_602 = tpu.memref_slice %arg3[%dma_wait3A_600, %dma_wait3A_601] : memref<1000000x64xf32, #tpu.memory_space<hbm>> -> memref<1000000x64xf32, #tpu.memory_space<hbm>>
      %dma_wait3A_603 = tpu.memref_slice %arg10[%dma_wait3A_592] : memref<5x!tpu.dma_semaphore, #tpu.memory_space<semaphore_mem>> -> memref<1x!tpu.dma_semaphore, #tpu.memory_space<semaphore_mem>>
      %dma_wait3A_604 = tpu.memref_squeeze %dma_wait3A_603 : memref<1x!tpu.dma_semaphore, #tpu.memory_space<semaphore_mem>> -> memref<!tpu.dma_semaphore, #tpu.memory_space<semaphore_mem>>
      tpu.wait_indirect_dma semaphore(%dma_wait3A_604 : memref<!tpu.dma_semaphore, #tpu.memory_space<semaphore_mem>>) src(%dma_wait3A_602 : memref<1000000x64xf32, #tpu.memory_space<hbm>>) dst(%dma_wait3A_596 : memref<128x64xf32, #tpu.memory_space<vmem>>)
      %gt3A_605 = arith.constant 0 : i32
      %gt3A_606 = arith.cmpi sgt, %add3A_441, %gt3A_605 : i32
      %convert_element_type3A_607 = arith.extui %gt3A_606 : i1 to i32
      %cond3A_608 = arith.constant 0 : i32
      %cond3A_609 = arith.cmpi ne, %convert_element_type3A_607, %cond3A_608 : i32
      scf.if %cond3A_609 {
        %dma_wait3A_988 = arith.constant 1 : i32
        %dma_wait3A_989 = arith.constant 0 : i32
        %dma_wait3A_990 = arith.constant 0 : i32
        %dma_wait3A_991 = arith.constant 1 : i32
        %dma_wait3A_992 = arith.constant 0 : i32
        %dma_wait3A_993 = arith.constant 0 : i32
        %dma_wait3A_994 = arith.constant 0 : i32
        %dma_wait3A_995 = tpu.memref_slice %arg9[%dma_wait3A_988, %dma_wait3A_992, %dma_wait3A_993, %dma_wait3A_994] : memref<5x8x8x129xf32, #tpu.memory_space<vmem>> -> memref<1x8x8x128xf32, #tpu.memory_space<vmem>>
        %dma_wait3A_996 = tpu.memref_squeeze %dma_wait3A_995 : memref<1x8x8x128xf32, #tpu.memory_space<vmem>> -> memref<8x8x128xf32, #tpu.memory_space<vmem>>
        %dma_wait3A_997 = arith.constant 0 : i32
        %dma_wait3A_998 = arith.constant 0 : i32
        %dma_wait3A_999 = arith.constant 0 : i32
        %dma_wait3A_1000 = tpu.memref_slice %arg5[%dma_wait3A_989, %dma_wait3A_997, %dma_wait3A_990, %dma_wait3A_998, %dma_wait3A_999] : memref<50x8x32x8x128xf32, #tpu.memory_space<hbm>> -> memref<1x8x1x8x128xf32, #tpu.memory_space<hbm>>
        %dma_wait3A_1001 = tpu.memref_squeeze %dma_wait3A_1000 : memref<1x8x1x8x128xf32, #tpu.memory_space<hbm>> -> memref<8x8x128xf32, #tpu.memory_space<hbm>>
        %dma_wait3A_1002 = tpu.memref_slice %arg11[%dma_wait3A_991] : memref<5x!tpu.dma_semaphore, #tpu.memory_space<semaphore_mem>> -> memref<1x!tpu.dma_semaphore, #tpu.memory_space<semaphore_mem>>
        %dma_wait3A_1003 = tpu.memref_squeeze %dma_wait3A_1002 : memref<1x!tpu.dma_semaphore, #tpu.memory_space<semaphore_mem>> -> memref<!tpu.dma_semaphore, #tpu.memory_space<semaphore_mem>>
        %dma_wait3A_1004 = arith.constant 0 : i32
        %dma_wait3A_1005 = arith.constant 0 : i32
        %dma_wait3A_1006 = arith.constant 0 : i32
        %dma_wait3A_1007 = tpu.memref_slice %arg5[%dma_wait3A_989, %dma_wait3A_1004, %dma_wait3A_990, %dma_wait3A_1005, %dma_wait3A_1006] : memref<50x8x32x8x128xf32, #tpu.memory_space<hbm>> -> memref<1x8x1x8x128xf32, #tpu.memory_space<hbm>>
        %dma_wait3A_1008 = tpu.memref_squeeze %dma_wait3A_1007 : memref<1x8x1x8x128xf32, #tpu.memory_space<hbm>> -> memref<8x8x128xf32, #tpu.memory_space<hbm>>
        %dma_wait3A_1009 = arith.constant 0 : i32
        %dma_wait3A_1010 = arith.constant 0 : i32
        %dma_wait3A_1011 = arith.constant 0 : i32
        %dma_wait3A_1012 = tpu.memref_slice %arg9[%dma_wait3A_988, %dma_wait3A_1009, %dma_wait3A_1010, %dma_wait3A_1011] : memref<5x8x8x129xf32, #tpu.memory_space<vmem>> -> memref<1x8x8x128xf32, #tpu.memory_space<vmem>>
        %dma_wait3A_1013 = tpu.memref_squeeze %dma_wait3A_1012 : memref<1x8x8x128xf32, #tpu.memory_space<vmem>> -> memref<8x8x128xf32, #tpu.memory_space<vmem>>
        tpu.wait_dma2 semaphore(%dma_wait3A_1003 : memref<!tpu.dma_semaphore, #tpu.memory_space<semaphore_mem>>) src(%dma_wait3A_1013 : memref<8x8x128xf32, #tpu.memory_space<vmem>>) dst(%dma_wait3A_1008 : memref<8x8x128xf32, #tpu.memory_space<hbm>>)
      } else {
      }
      %get3A_610 = arith.index_cast %select_n3A_574 : i32 to index
      %get3A_611 = arith.constant 0 : index
      %get3A_612 = tpu.vector_load %arg7[%get3A_610, %get3A_611] {strides = array<i32>} : memref<200x64xf32, #tpu.memory_space<vmem>>, vector<16xf32>,
      %get3A_613 = arith.index_cast %select_n3A_574 : i32 to index
      %get3A_614 = arith.constant 16 : index
      %get3A_615 = tpu.vector_load %arg7[%get3A_613, %get3A_614] {strides = array<i32>} : memref<200x64xf32, #tpu.memory_space<vmem>>, vector<16xf32>,
      %get3A_616 = arith.index_cast %select_n3A_574 : i32 to index
      %get3A_617 = arith.constant 32 : index
      %get3A_618 = tpu.vector_load %arg7[%get3A_616, %get3A_617] {strides = array<i32>} : memref<200x64xf32, #tpu.memory_space<vmem>>, vector<16xf32>,
      %get3A_619 = arith.index_cast %select_n3A_574 : i32 to index
      %get3A_620 = arith.constant 48 : index
      %get3A_621 = tpu.vector_load %arg7[%get3A_619, %get3A_620] {strides = array<i32>} : memref<200x64xf32, #tpu.memory_space<vmem>>, vector<16xf32>,
      %scan3A_622 = arith.constant 0 : i32
      %scan3A_623 = arith.constant 128 : i32
      %scan3A_624 = arith.addi %scan3A_622, %scan3A_623 : i32
      %scan3A_625 = arith.constant 4 : i32
      scf.for %scan3A_988 = %scan3A_622 to %scan3A_624 step %scan3A_625  : i32 {
        %mul3A_989 = arith.constant 1 : i32
        %mul3A_990 = arith.muli %scan3A_988, %mul3A_989 : i32
        %add3A_991 = arith.constant 0 : i32
        %add3A_992 = arith.addi %add3A_991, %mul3A_990 : i32
        %add3A_993 = vector.broadcast %add3A_992 : i32 to vector<16xi32>
        %add3A_994 = arith.addi %broadcast_in_dim3A_77, %add3A_993 : vector<16xi32>
        %get3A_995 = arith.constant 1 : i32
        %get3A_996 = arith.index_cast %get3A_995 : i32 to index
        %get3A_997 = arith.index_cast %add3A_992 : i32 to index
        %get3A_998 = arith.constant 0 : index
        %get3A_999 = tpu.vector_load %arg8[%get3A_996, %get3A_997, %get3A_998] {strides = array<i32>} : memref<5x128x64xf32, #tpu.memory_space<vmem>>, vector<16xf32>,
        %add3A_1000 = arith.addf %get3A_999, %get3A_612 : vector<16xf32>
        %scatter3A = arith.constant 1 : i32
        %scatter3A_1001 = arith.constant 0 : i32
        %scatter3A_1002 = arith.constant 0 : i32
        %scatter3A_1003 = arith.constant 0 : i32
        %scatter3A_1004 = tpu.memref_slice %arg9[%scatter3A, %scatter3A_1001, %scatter3A_1002, %scatter3A_1003] : memref<5x8x8x129xf32, #tpu.memory_space<vmem>> -> memref<1x8x8x129xf32, #tpu.memory_space<vmem>>
        %scatter3A_1005 = tpu.memref_squeeze %scatter3A_1004 : memref<1x8x8x129xf32, #tpu.memory_space<vmem>> -> memref<8x8x129xf32, #tpu.memory_space<vmem>>
        tpu.vector_store_idx %scatter3A_1005[%select_n3A, %select_n3A_228, %add3A_994], %add3A_1000 : memref<8x8x129xf32, #tpu.memory_space<vmem>>[vector<16xi32>, vector<16xi32>, vector<16xi32>], vector<16xf32>,
        %get3A_1006 = arith.constant 1 : i32
        %get3A_1007 = arith.index_cast %get3A_1006 : i32 to index
        %get3A_1008 = arith.index_cast %add3A_992 : i32 to index
        %get3A_1009 = arith.constant 16 : index
        %get3A_1010 = tpu.vector_load %arg8[%get3A_1007, %get3A_1008, %get3A_1009] {strides = array<i32>} : memref<5x128x64xf32, #tpu.memory_space<vmem>>, vector<16xf32>,
        %add3A_1011 = arith.addf %get3A_1010, %get3A_615 : vector<16xf32>
        %scatter3A_1012 = arith.constant 1 : i32
        %scatter3A_1013 = arith.constant 0 : i32
        %scatter3A_1014 = arith.constant 0 : i32
        %scatter3A_1015 = arith.constant 0 : i32
        %scatter3A_1016 = tpu.memref_slice %arg9[%scatter3A_1012, %scatter3A_1013, %scatter3A_1014, %scatter3A_1015] : memref<5x8x8x129xf32, #tpu.memory_space<vmem>> -> memref<1x8x8x129xf32, #tpu.memory_space<vmem>>
        %scatter3A_1017 = tpu.memref_squeeze %scatter3A_1016 : memref<1x8x8x129xf32, #tpu.memory_space<vmem>> -> memref<8x8x129xf32, #tpu.memory_space<vmem>>
        tpu.vector_store_idx %scatter3A_1017[%select_n3A_137, %select_n3A_253, %add3A_994], %add3A_1011 : memref<8x8x129xf32, #tpu.memory_space<vmem>>[vector<16xi32>, vector<16xi32>, vector<16xi32>], vector<16xf32>,
        %get3A_1018 = arith.constant 1 : i32
        %get3A_1019 = arith.index_cast %get3A_1018 : i32 to index
        %get3A_1020 = arith.index_cast %add3A_992 : i32 to index
        %get3A_1021 = arith.constant 32 : index
        %get3A_1022 = tpu.vector_load %arg8[%get3A_1019, %get3A_1020, %get3A_1021] {strides = array<i32>} : memref<5x128x64xf32, #tpu.memory_space<vmem>>, vector<16xf32>,
        %add3A_1023 = arith.addf %get3A_1022, %get3A_618 : vector<16xf32>
        %scatter3A_1024 = arith.constant 1 : i32
        %scatter3A_1025 = arith.constant 0 : i32
        %scatter3A_1026 = arith.constant 0 : i32
        %scatter3A_1027 = arith.constant 0 : i32
        %scatter3A_1028 = tpu.memref_slice %arg9[%scatter3A_1024, %scatter3A_1025, %scatter3A_1026, %scatter3A_1027] : memref<5x8x8x129xf32, #tpu.memory_space<vmem>> -> memref<1x8x8x129xf32, #tpu.memory_space<vmem>>
        %scatter3A_1029 = tpu.memref_squeeze %scatter3A_1028 : memref<1x8x8x129xf32, #tpu.memory_space<vmem>> -> memref<8x8x129xf32, #tpu.memory_space<vmem>>
        tpu.vector_store_idx %scatter3A_1029[%select_n3A_171, %select_n3A_278, %add3A_994], %add3A_1023 : memref<8x8x129xf32, #tpu.memory_space<vmem>>[vector<16xi32>, vector<16xi32>, vector<16xi32>], vector<16xf32>,
        %get3A_1030 = arith.constant 1 : i32
        %get3A_1031 = arith.index_cast %get3A_1030 : i32 to index
        %get3A_1032 = arith.index_cast %add3A_992 : i32 to index
        %get3A_1033 = arith.constant 48 : index
        %get3A_1034 = tpu.vector_load %arg8[%get3A_1031, %get3A_1032, %get3A_1033] {strides = array<i32>} : memref<5x128x64xf32, #tpu.memory_space<vmem>>, vector<16xf32>,
        %add3A_1035 = arith.addf %get3A_1034, %get3A_621 : vector<16xf32>
        %scatter3A_1036 = arith.constant 1 : i32
        %scatter3A_1037 = arith.constant 0 : i32
        %scatter3A_1038 = arith.constant 0 : i32
        %scatter3A_1039 = arith.constant 0 : i32
        %scatter3A_1040 = tpu.memref_slice %arg9[%scatter3A_1036, %scatter3A_1037, %scatter3A_1038, %scatter3A_1039] : memref<5x8x8x129xf32, #tpu.memory_space<vmem>> -> memref<1x8x8x129xf32, #tpu.memory_space<vmem>>
        %scatter3A_1041 = tpu.memref_squeeze %scatter3A_1040 : memref<1x8x8x129xf32, #tpu.memory_space<vmem>> -> memref<8x8x129xf32, #tpu.memory_space<vmem>>
        tpu.vector_store_idx %scatter3A_1041[%select_n3A_205, %select_n3A_303, %add3A_994], %add3A_1035 : memref<8x8x129xf32, #tpu.memory_space<vmem>>[vector<16xi32>, vector<16xi32>, vector<16xi32>], vector<16xf32>,
        %scan3A_1042 = arith.constant 1 : i32
        %scan3A_1043 = arith.addi %scan3A_988, %scan3A_1042 : i32
        %mul3A_1044 = arith.constant 1 : i32
        %mul3A_1045 = arith.muli %scan3A_1043, %mul3A_1044 : i32
        %add3A_1046 = arith.constant 0 : i32
        %add3A_1047 = arith.addi %add3A_1046, %mul3A_1045 : i32
        %add3A_1048 = vector.broadcast %add3A_1047 : i32 to vector<16xi32>
        %add3A_1049 = arith.addi %broadcast_in_dim3A_77, %add3A_1048 : vector<16xi32>
        %get3A_1050 = arith.constant 1 : i32
        %get3A_1051 = arith.index_cast %get3A_1050 : i32 to index
        %get3A_1052 = arith.index_cast %add3A_1047 : i32 to index
        %get3A_1053 = arith.constant 0 : index
        %get3A_1054 = tpu.vector_load %arg8[%get3A_1051, %get3A_1052, %get3A_1053] {strides = array<i32>} : memref<5x128x64xf32, #tpu.memory_space<vmem>>, vector<16xf32>,
        %add3A_1055 = arith.addf %get3A_1054, %get3A_612 : vector<16xf32>
        %scatter3A_1056 = arith.constant 1 : i32
        %scatter3A_1057 = arith.constant 0 : i32
        %scatter3A_1058 = arith.constant 0 : i32
        %scatter3A_1059 = arith.constant 0 : i32
        %scatter3A_1060 = tpu.memref_slice %arg9[%scatter3A_1056, %scatter3A_1057, %scatter3A_1058, %scatter3A_1059] : memref<5x8x8x129xf32, #tpu.memory_space<vmem>> -> memref<1x8x8x129xf32, #tpu.memory_space<vmem>>
        %scatter3A_1061 = tpu.memref_squeeze %scatter3A_1060 : memref<1x8x8x129xf32, #tpu.memory_space<vmem>> -> memref<8x8x129xf32, #tpu.memory_space<vmem>>
        tpu.vector_store_idx %scatter3A_1061[%select_n3A, %select_n3A_228, %add3A_1049], %add3A_1055 : memref<8x8x129xf32, #tpu.memory_space<vmem>>[vector<16xi32>, vector<16xi32>, vector<16xi32>], vector<16xf32>,
        %get3A_1062 = arith.constant 1 : i32
        %get3A_1063 = arith.index_cast %get3A_1062 : i32 to index
        %get3A_1064 = arith.index_cast %add3A_1047 : i32 to index
        %get3A_1065 = arith.constant 16 : index
        %get3A_1066 = tpu.vector_load %arg8[%get3A_1063, %get3A_1064, %get3A_1065] {strides = array<i32>} : memref<5x128x64xf32, #tpu.memory_space<vmem>>, vector<16xf32>,
        %add3A_1067 = arith.addf %get3A_1066, %get3A_615 : vector<16xf32>
        %scatter3A_1068 = arith.constant 1 : i32
        %scatter3A_1069 = arith.constant 0 : i32
        %scatter3A_1070 = arith.constant 0 : i32
        %scatter3A_1071 = arith.constant 0 : i32
        %scatter3A_1072 = tpu.memref_slice %arg9[%scatter3A_1068, %scatter3A_1069, %scatter3A_1070, %scatter3A_1071] : memref<5x8x8x129xf32, #tpu.memory_space<vmem>> -> memref<1x8x8x129xf32, #tpu.memory_space<vmem>>
        %scatter3A_1073 = tpu.memref_squeeze %scatter3A_1072 : memref<1x8x8x129xf32, #tpu.memory_space<vmem>> -> memref<8x8x129xf32, #tpu.memory_space<vmem>>
        tpu.vector_store_idx %scatter3A_1073[%select_n3A_137, %select_n3A_253, %add3A_1049], %add3A_1067 : memref<8x8x129xf32, #tpu.memory_space<vmem>>[vector<16xi32>, vector<16xi32>, vector<16xi32>], vector<16xf32>,
        %get3A_1074 = arith.constant 1 : i32
        %get3A_1075 = arith.index_cast %get3A_1074 : i32 to index
        %get3A_1076 = arith.index_cast %add3A_1047 : i32 to index
        %get3A_1077 = arith.constant 32 : index
        %get3A_1078 = tpu.vector_load %arg8[%get3A_1075, %get3A_1076, %get3A_1077] {strides = array<i32>} : memref<5x128x64xf32, #tpu.memory_space<vmem>>, vector<16xf32>,
        %add3A_1079 = arith.addf %get3A_1078, %get3A_618 : vector<16xf32>
        %scatter3A_1080 = arith.constant 1 : i32
        %scatter3A_1081 = arith.constant 0 : i32
        %scatter3A_1082 = arith.constant 0 : i32
        %scatter3A_1083 = arith.constant 0 : i32
        %scatter3A_1084 = tpu.memref_slice %arg9[%scatter3A_1080, %scatter3A_1081, %scatter3A_1082, %scatter3A_1083] : memref<5x8x8x129xf32, #tpu.memory_space<vmem>> -> memref<1x8x8x129xf32, #tpu.memory_space<vmem>>
        %scatter3A_1085 = tpu.memref_squeeze %scatter3A_1084 : memref<1x8x8x129xf32, #tpu.memory_space<vmem>> -> memref<8x8x129xf32, #tpu.memory_space<vmem>>
        tpu.vector_store_idx %scatter3A_1085[%select_n3A_171, %select_n3A_278, %add3A_1049], %add3A_1079 : memref<8x8x129xf32, #tpu.memory_space<vmem>>[vector<16xi32>, vector<16xi32>, vector<16xi32>], vector<16xf32>,
        %get3A_1086 = arith.constant 1 : i32
        %get3A_1087 = arith.index_cast %get3A_1086 : i32 to index
        %get3A_1088 = arith.index_cast %add3A_1047 : i32 to index
        %get3A_1089 = arith.constant 48 : index
        %get3A_1090 = tpu.vector_load %arg8[%get3A_1087, %get3A_1088, %get3A_1089] {strides = array<i32>} : memref<5x128x64xf32, #tpu.memory_space<vmem>>, vector<16xf32>,
        %add3A_1091 = arith.addf %get3A_1090, %get3A_621 : vector<16xf32>
        %scatter3A_1092 = arith.constant 1 : i32
        %scatter3A_1093 = arith.constant 0 : i32
        %scatter3A_1094 = arith.constant 0 : i32
        %scatter3A_1095 = arith.constant 0 : i32
        %scatter3A_1096 = tpu.memref_slice %arg9[%scatter3A_1092, %scatter3A_1093, %scatter3A_1094, %scatter3A_1095] : memref<5x8x8x129xf32, #tpu.memory_space<vmem>> -> memref<1x8x8x129xf32, #tpu.memory_space<vmem>>
        %scatter3A_1097 = tpu.memref_squeeze %scatter3A_1096 : memref<1x8x8x129xf32, #tpu.memory_space<vmem>> -> memref<8x8x129xf32, #tpu.memory_space<vmem>>
        tpu.vector_store_idx %scatter3A_1097[%select_n3A_205, %select_n3A_303, %add3A_1049], %add3A_1091 : memref<8x8x129xf32, #tpu.memory_space<vmem>>[vector<16xi32>, vector<16xi32>, vector<16xi32>], vector<16xf32>,
        %scan3A_1098 = arith.constant 2 : i32
        %scan3A_1099 = arith.addi %scan3A_988, %scan3A_1098 : i32
        %mul3A_1100 = arith.constant 1 : i32
        %mul3A_1101 = arith.muli %scan3A_1099, %mul3A_1100 : i32
        %add3A_1102 = arith.constant 0 : i32
        %add3A_1103 = arith.addi %add3A_1102, %mul3A_1101 : i32
        %add3A_1104 = vector.broadcast %add3A_1103 : i32 to vector<16xi32>
        %add3A_1105 = arith.addi %broadcast_in_dim3A_77, %add3A_1104 : vector<16xi32>
        %get3A_1106 = arith.constant 1 : i32
        %get3A_1107 = arith.index_cast %get3A_1106 : i32 to index
        %get3A_1108 = arith.index_cast %add3A_1103 : i32 to index
        %get3A_1109 = arith.constant 0 : index
        %get3A_1110 = tpu.vector_load %arg8[%get3A_1107, %get3A_1108, %get3A_1109] {strides = array<i32>} : memref<5x128x64xf32, #tpu.memory_space<vmem>>, vector<16xf32>,
        %add3A_1111 = arith.addf %get3A_1110, %get3A_612 : vector<16xf32>
        %scatter3A_1112 = arith.constant 1 : i32
        %scatter3A_1113 = arith.constant 0 : i32
        %scatter3A_1114 = arith.constant 0 : i32
        %scatter3A_1115 = arith.constant 0 : i32
        %scatter3A_1116 = tpu.memref_slice %arg9[%scatter3A_1112, %scatter3A_1113, %scatter3A_1114, %scatter3A_1115] : memref<5x8x8x129xf32, #tpu.memory_space<vmem>> -> memref<1x8x8x129xf32, #tpu.memory_space<vmem>>
        %scatter3A_1117 = tpu.memref_squeeze %scatter3A_1116 : memref<1x8x8x129xf32, #tpu.memory_space<vmem>> -> memref<8x8x129xf32, #tpu.memory_space<vmem>>
        tpu.vector_store_idx %scatter3A_1117[%select_n3A, %select_n3A_228, %add3A_1105], %add3A_1111 : memref<8x8x129xf32, #tpu.memory_space<vmem>>[vector<16xi32>, vector<16xi32>, vector<16xi32>], vector<16xf32>,
        %get3A_1118 = arith.constant 1 : i32
        %get3A_1119 = arith.index_cast %get3A_1118 : i32 to index
        %get3A_1120 = arith.index_cast %add3A_1103 : i32 to index
        %get3A_1121 = arith.constant 16 : index
        %get3A_1122 = tpu.vector_load %arg8[%get3A_1119, %get3A_1120, %get3A_1121] {strides = array<i32>} : memref<5x128x64xf32, #tpu.memory_space<vmem>>, vector<16xf32>,
        %add3A_1123 = arith.addf %get3A_1122, %get3A_615 : vector<16xf32>
        %scatter3A_1124 = arith.constant 1 : i32
        %scatter3A_1125 = arith.constant 0 : i32
        %scatter3A_1126 = arith.constant 0 : i32
        %scatter3A_1127 = arith.constant 0 : i32
        %scatter3A_1128 = tpu.memref_slice %arg9[%scatter3A_1124, %scatter3A_1125, %scatter3A_1126, %scatter3A_1127] : memref<5x8x8x129xf32, #tpu.memory_space<vmem>> -> memref<1x8x8x129xf32, #tpu.memory_space<vmem>>
        %scatter3A_1129 = tpu.memref_squeeze %scatter3A_1128 : memref<1x8x8x129xf32, #tpu.memory_space<vmem>> -> memref<8x8x129xf32, #tpu.memory_space<vmem>>
        tpu.vector_store_idx %scatter3A_1129[%select_n3A_137, %select_n3A_253, %add3A_1105], %add3A_1123 : memref<8x8x129xf32, #tpu.memory_space<vmem>>[vector<16xi32>, vector<16xi32>, vector<16xi32>], vector<16xf32>,
        %get3A_1130 = arith.constant 1 : i32
        %get3A_1131 = arith.index_cast %get3A_1130 : i32 to index
        %get3A_1132 = arith.index_cast %add3A_1103 : i32 to index
        %get3A_1133 = arith.constant 32 : index
        %get3A_1134 = tpu.vector_load %arg8[%get3A_1131, %get3A_1132, %get3A_1133] {strides = array<i32>} : memref<5x128x64xf32, #tpu.memory_space<vmem>>, vector<16xf32>,
        %add3A_1135 = arith.addf %get3A_1134, %get3A_618 : vector<16xf32>
        %scatter3A_1136 = arith.constant 1 : i32
        %scatter3A_1137 = arith.constant 0 : i32
        %scatter3A_1138 = arith.constant 0 : i32
        %scatter3A_1139 = arith.constant 0 : i32
        %scatter3A_1140 = tpu.memref_slice %arg9[%scatter3A_1136, %scatter3A_1137, %scatter3A_1138, %scatter3A_1139] : memref<5x8x8x129xf32, #tpu.memory_space<vmem>> -> memref<1x8x8x129xf32, #tpu.memory_space<vmem>>
        %scatter3A_1141 = tpu.memref_squeeze %scatter3A_1140 : memref<1x8x8x129xf32, #tpu.memory_space<vmem>> -> memref<8x8x129xf32, #tpu.memory_space<vmem>>
        tpu.vector_store_idx %scatter3A_1141[%select_n3A_171, %select_n3A_278, %add3A_1105], %add3A_1135 : memref<8x8x129xf32, #tpu.memory_space<vmem>>[vector<16xi32>, vector<16xi32>, vector<16xi32>], vector<16xf32>,
        %get3A_1142 = arith.constant 1 : i32
        %get3A_1143 = arith.index_cast %get3A_1142 : i32 to index
        %get3A_1144 = arith.index_cast %add3A_1103 : i32 to index
        %get3A_1145 = arith.constant 48 : index
        %get3A_1146 = tpu.vector_load %arg8[%get3A_1143, %get3A_1144, %get3A_1145] {strides = array<i32>} : memref<5x128x64xf32, #tpu.memory_space<vmem>>, vector<16xf32>,
        %add3A_1147 = arith.addf %get3A_1146, %get3A_621 : vector<16xf32>
        %scatter3A_1148 = arith.constant 1 : i32
        %scatter3A_1149 = arith.constant 0 : i32
        %scatter3A_1150 = arith.constant 0 : i32
        %scatter3A_1151 = arith.constant 0 : i32
        %scatter3A_1152 = tpu.memref_slice %arg9[%scatter3A_1148, %scatter3A_1149, %scatter3A_1150, %scatter3A_1151] : memref<5x8x8x129xf32, #tpu.memory_space<vmem>> -> memref<1x8x8x129xf32, #tpu.memory_space<vmem>>
        %scatter3A_1153 = tpu.memref_squeeze %scatter3A_1152 : memref<1x8x8x129xf32, #tpu.memory_space<vmem>> -> memref<8x8x129xf32, #tpu.memory_space<vmem>>
        tpu.vector_store_idx %scatter3A_1153[%select_n3A_205, %select_n3A_303, %add3A_1105], %add3A_1147 : memref<8x8x129xf32, #tpu.memory_space<vmem>>[vector<16xi32>, vector<16xi32>, vector<16xi32>], vector<16xf32>,
        %scan3A_1154 = arith.constant 3 : i32
        %scan3A_1155 = arith.addi %scan3A_988, %scan3A_1154 : i32
        %mul3A_1156 = arith.constant 1 : i32
        %mul3A_1157 = arith.muli %scan3A_1155, %mul3A_1156 : i32
        %add3A_1158 = arith.constant 0 : i32
        %add3A_1159 = arith.addi %add3A_1158, %mul3A_1157 : i32
        %add3A_1160 = vector.broadcast %add3A_1159 : i32 to vector<16xi32>
        %add3A_1161 = arith.addi %broadcast_in_dim3A_77, %add3A_1160 : vector<16xi32>
        %get3A_1162 = arith.constant 1 : i32
        %get3A_1163 = arith.index_cast %get3A_1162 : i32 to index
        %get3A_1164 = arith.index_cast %add3A_1159 : i32 to index
        %get3A_1165 = arith.constant 0 : index
        %get3A_1166 = tpu.vector_load %arg8[%get3A_1163, %get3A_1164, %get3A_1165] {strides = array<i32>} : memref<5x128x64xf32, #tpu.memory_space<vmem>>, vector<16xf32>,
        %add3A_1167 = arith.addf %get3A_1166, %get3A_612 : vector<16xf32>
        %scatter3A_1168 = arith.constant 1 : i32
        %scatter3A_1169 = arith.constant 0 : i32
        %scatter3A_1170 = arith.constant 0 : i32
        %scatter3A_1171 = arith.constant 0 : i32
        %scatter3A_1172 = tpu.memref_slice %arg9[%scatter3A_1168, %scatter3A_1169, %scatter3A_1170, %scatter3A_1171] : memref<5x8x8x129xf32, #tpu.memory_space<vmem>> -> memref<1x8x8x129xf32, #tpu.memory_space<vmem>>
        %scatter3A_1173 = tpu.memref_squeeze %scatter3A_1172 : memref<1x8x8x129xf32, #tpu.memory_space<vmem>> -> memref<8x8x129xf32, #tpu.memory_space<vmem>>
        tpu.vector_store_idx %scatter3A_1173[%select_n3A, %select_n3A_228, %add3A_1161], %add3A_1167 : memref<8x8x129xf32, #tpu.memory_space<vmem>>[vector<16xi32>, vector<16xi32>, vector<16xi32>], vector<16xf32>,
        %get3A_1174 = arith.constant 1 : i32
        %get3A_1175 = arith.index_cast %get3A_1174 : i32 to index
        %get3A_1176 = arith.index_cast %add3A_1159 : i32 to index
        %get3A_1177 = arith.constant 16 : index
        %get3A_1178 = tpu.vector_load %arg8[%get3A_1175, %get3A_1176, %get3A_1177] {strides = array<i32>} : memref<5x128x64xf32, #tpu.memory_space<vmem>>, vector<16xf32>,
        %add3A_1179 = arith.addf %get3A_1178, %get3A_615 : vector<16xf32>
        %scatter3A_1180 = arith.constant 1 : i32
        %scatter3A_1181 = arith.constant 0 : i32
        %scatter3A_1182 = arith.constant 0 : i32
        %scatter3A_1183 = arith.constant 0 : i32
        %scatter3A_1184 = tpu.memref_slice %arg9[%scatter3A_1180, %scatter3A_1181, %scatter3A_1182, %scatter3A_1183] : memref<5x8x8x129xf32, #tpu.memory_space<vmem>> -> memref<1x8x8x129xf32, #tpu.memory_space<vmem>>
        %scatter3A_1185 = tpu.memref_squeeze %scatter3A_1184 : memref<1x8x8x129xf32, #tpu.memory_space<vmem>> -> memref<8x8x129xf32, #tpu.memory_space<vmem>>
        tpu.vector_store_idx %scatter3A_1185[%select_n3A_137, %select_n3A_253, %add3A_1161], %add3A_1179 : memref<8x8x129xf32, #tpu.memory_space<vmem>>[vector<16xi32>, vector<16xi32>, vector<16xi32>], vector<16xf32>,
        %get3A_1186 = arith.constant 1 : i32
        %get3A_1187 = arith.index_cast %get3A_1186 : i32 to index
        %get3A_1188 = arith.index_cast %add3A_1159 : i32 to index
        %get3A_1189 = arith.constant 32 : index
        %get3A_1190 = tpu.vector_load %arg8[%get3A_1187, %get3A_1188, %get3A_1189] {strides = array<i32>} : memref<5x128x64xf32, #tpu.memory_space<vmem>>, vector<16xf32>,
        %add3A_1191 = arith.addf %get3A_1190, %get3A_618 : vector<16xf32>
        %scatter3A_1192 = arith.constant 1 : i32
        %scatter3A_1193 = arith.constant 0 : i32
        %scatter3A_1194 = arith.constant 0 : i32
        %scatter3A_1195 = arith.constant 0 : i32
        %scatter3A_1196 = tpu.memref_slice %arg9[%scatter3A_1192, %scatter3A_1193, %scatter3A_1194, %scatter3A_1195] : memref<5x8x8x129xf32, #tpu.memory_space<vmem>> -> memref<1x8x8x129xf32, #tpu.memory_space<vmem>>
        %scatter3A_1197 = tpu.memref_squeeze %scatter3A_1196 : memref<1x8x8x129xf32, #tpu.memory_space<vmem>> -> memref<8x8x129xf32, #tpu.memory_space<vmem>>
        tpu.vector_store_idx %scatter3A_1197[%select_n3A_171, %select_n3A_278, %add3A_1161], %add3A_1191 : memref<8x8x129xf32, #tpu.memory_space<vmem>>[vector<16xi32>, vector<16xi32>, vector<16xi32>], vector<16xf32>,
        %get3A_1198 = arith.constant 1 : i32
        %get3A_1199 = arith.index_cast %get3A_1198 : i32 to index
        %get3A_1200 = arith.index_cast %add3A_1159 : i32 to index
        %get3A_1201 = arith.constant 48 : index
        %get3A_1202 = tpu.vector_load %arg8[%get3A_1199, %get3A_1200, %get3A_1201] {strides = array<i32>} : memref<5x128x64xf32, #tpu.memory_space<vmem>>, vector<16xf32>,
        %add3A_1203 = arith.addf %get3A_1202, %get3A_621 : vector<16xf32>
        %scatter3A_1204 = arith.constant 1 : i32
        %scatter3A_1205 = arith.constant 0 : i32
        %scatter3A_1206 = arith.constant 0 : i32
        %scatter3A_1207 = arith.constant 0 : i32
        %scatter3A_1208 = tpu.memref_slice %arg9[%scatter3A_1204, %scatter3A_1205, %scatter3A_1206, %scatter3A_1207] : memref<5x8x8x129xf32, #tpu.memory_space<vmem>> -> memref<1x8x8x129xf32, #tpu.memory_space<vmem>>
        %scatter3A_1209 = tpu.memref_squeeze %scatter3A_1208 : memref<1x8x8x129xf32, #tpu.memory_space<vmem>> -> memref<8x8x129xf32, #tpu.memory_space<vmem>>
        tpu.vector_store_idx %scatter3A_1209[%select_n3A_205, %select_n3A_303, %add3A_1161], %add3A_1203 : memref<8x8x129xf32, #tpu.memory_space<vmem>>[vector<16xi32>, vector<16xi32>, vector<16xi32>], vector<16xf32>,
      }
      %scan3A_626 = arith.constant 128 : i32
      %add3A_627 = arith.constant 5 : i32
      %add3A_628 = arith.addi %add3A_549, %add3A_627 : i32
      %lt3A_629 = arith.constant 50 : i32
      %lt3A_630 = arith.cmpi slt, %add3A_628, %lt3A_629 : i32
      %convert_element_type3A_631 = arith.extui %lt3A_630 : i1 to i32
      %cond3A_632 = arith.constant 0 : i32
      %cond3A_633 = arith.cmpi ne, %convert_element_type3A_631, %cond3A_632 : i32
      scf.if %cond3A_633 {
        %add3A_988 = arith.constant 5 : i32
        %add3A_989 = arith.addi %add3A_549, %add3A_988 : i32
        %dma_start3A_990 = arith.constant 1 : i32
        %dma_start3A_991 = arith.constant 1 : i32
        %dma_start3A_992 = arith.constant 0 : i32
        %dma_start3A_993 = arith.constant 0 : i32
        %dma_start3A_994 = tpu.memref_slice %arg8[%dma_start3A_990, %dma_start3A_992, %dma_start3A_993] : memref<5x128x64xf32, #tpu.memory_space<vmem>> -> memref<1x128x64xf32, #tpu.memory_space<vmem>>
        %dma_start3A_995 = tpu.memref_squeeze %dma_start3A_994 : memref<1x128x64xf32, #tpu.memory_space<vmem>> -> memref<128x64xf32, #tpu.memory_space<vmem>>
        %dma_start3A_996 = arith.constant 0 : i32
        %dma_start3A_997 = tpu.memref_slice %arg6[%add3A_989, %dma_start3A_996] : memref<50x128xi32, #tpu.memory_space<vmem>> -> memref<1x128xi32, #tpu.memory_space<vmem>>
        %dma_start3A_998 = tpu.memref_squeeze %dma_start3A_997 : memref<1x128xi32, #tpu.memory_space<vmem>> -> memref<128xi32, #tpu.memory_space<vmem>>
        %dma_start3A_999 = arith.constant 0 : i32
        %dma_start3A_1000 = arith.constant 0 : i32
        %dma_start3A_1001 = tpu.memref_slice %arg3[%dma_start3A_999, %dma_start3A_1000] : memref<1000000x64xf32, #tpu.memory_space<hbm>> -> memref<1000000x64xf32, #tpu.memory_space<hbm>>
        %dma_start3A_1002 = tpu.memref_slice %arg10[%dma_start3A_991] : memref<5x!tpu.dma_semaphore, #tpu.memory_space<semaphore_mem>> -> memref<1x!tpu.dma_semaphore, #tpu.memory_space<semaphore_mem>>
        %dma_start3A_1003 = tpu.memref_squeeze %dma_start3A_1002 : memref<1x!tpu.dma_semaphore, #tpu.memory_space<semaphore_mem>> -> memref<!tpu.dma_semaphore, #tpu.memory_space<semaphore_mem>>
        tpu.enqueue_indirect_dma source(%dma_start3A_1001 : memref<1000000x64xf32, #tpu.memory_space<hbm>>) target(%dma_start3A_995 : memref<128x64xf32, #tpu.memory_space<vmem>>) offsets(%dma_start3A_998 : memref<128xi32, #tpu.memory_space<vmem>>) semaphore(%dma_start3A_1003 : memref<!tpu.dma_semaphore, #tpu.memory_space<semaphore_mem>>)
      } else {
      }
      %dma_start3A_634 = arith.constant 1 : i32
      %dma_start3A_635 = arith.constant 1 : i32
      %dma_start3A_636 = arith.constant 0 : i32
      %dma_start3A_637 = arith.constant 0 : i32
      %dma_start3A_638 = arith.constant 0 : i32
      %dma_start3A_639 = tpu.memref_slice %arg9[%dma_start3A_634, %dma_start3A_636, %dma_start3A_637, %dma_start3A_638] : memref<5x8x8x129xf32, #tpu.memory_space<vmem>> -> memref<1x8x8x128xf32, #tpu.memory_space<vmem>>
      %dma_start3A_640 = tpu.memref_squeeze %dma_start3A_639 : memref<1x8x8x128xf32, #tpu.memory_space<vmem>> -> memref<8x8x128xf32, #tpu.memory_space<vmem>>
      %dma_start3A_641 = arith.constant 0 : i32
      %dma_start3A_642 = arith.constant 0 : i32
      %dma_start3A_643 = arith.constant 0 : i32
      %dma_start3A_644 = tpu.memref_slice %arg5[%select_n3A_574, %dma_start3A_641, %select_n3A_590, %dma_start3A_642, %dma_start3A_643] : memref<50x8x32x8x128xf32, #tpu.memory_space<hbm>> -> memref<1x8x1x8x128xf32, #tpu.memory_space<hbm>>
      %dma_start3A_645 = tpu.memref_squeeze %dma_start3A_644 : memref<1x8x1x8x128xf32, #tpu.memory_space<hbm>> -> memref<8x8x128xf32, #tpu.memory_space<hbm>>
      %dma_start3A_646 = tpu.memref_slice %arg11[%dma_start3A_635] : memref<5x!tpu.dma_semaphore, #tpu.memory_space<semaphore_mem>> -> memref<1x!tpu.dma_semaphore, #tpu.memory_space<semaphore_mem>>
      %dma_start3A_647 = tpu.memref_squeeze %dma_start3A_646 : memref<1x!tpu.dma_semaphore, #tpu.memory_space<semaphore_mem>> -> memref<!tpu.dma_semaphore, #tpu.memory_space<semaphore_mem>>
      %dma_start3A_648 = arith.constant 0 : i32
      %dma_start3A_649 = arith.constant 0 : i32
      %dma_start3A_650 = arith.constant 0 : i32
      %dma_start3A_651 = tpu.memref_slice %arg5[%select_n3A_574, %dma_start3A_648, %select_n3A_590, %dma_start3A_649, %dma_start3A_650] : memref<50x8x32x8x128xf32, #tpu.memory_space<hbm>> -> memref<1x8x1x8x128xf32, #tpu.memory_space<hbm>>
      %dma_start3A_652 = tpu.memref_squeeze %dma_start3A_651 : memref<1x8x1x8x128xf32, #tpu.memory_space<hbm>> -> memref<8x8x128xf32, #tpu.memory_space<hbm>>
      %dma_start3A_653 = arith.constant 0 : i32
      %dma_start3A_654 = arith.constant 0 : i32
      %dma_start3A_655 = arith.constant 0 : i32
      %dma_start3A_656 = tpu.memref_slice %arg9[%dma_start3A_634, %dma_start3A_653, %dma_start3A_654, %dma_start3A_655] : memref<5x8x8x129xf32, #tpu.memory_space<vmem>> -> memref<1x8x8x128xf32, #tpu.memory_space<vmem>>
      %dma_start3A_657 = tpu.memref_squeeze %dma_start3A_656 : memref<1x8x8x128xf32, #tpu.memory_space<vmem>> -> memref<8x8x128xf32, #tpu.memory_space<vmem>>
      tpu.enqueue_dma source(%dma_start3A_657 : memref<8x8x128xf32, #tpu.memory_space<vmem>>) target(%dma_start3A_652 : memref<8x8x128xf32, #tpu.memory_space<hbm>>) target_semaphore(%dma_start3A_647 : memref<!tpu.dma_semaphore, #tpu.memory_space<semaphore_mem>>)
      %add3A_658 = arith.constant 2 : i32
      %add3A_659 = arith.addi %add3A_441, %add3A_658 : i32
      %add3A_660 = arith.addi %mul3A_2, %add3A_659 : i32
      %jit3A_661 = arith.constant 32 : i32
      %div3A_662 = arith.divsi %add3A_660, %jit3A_661 : i32
      %sign3A_663 = arith.constant 0 : i32
      %sign3A_664 = arith.cmpi sgt, %add3A_660, %sign3A_663 : i32
      %sign3A_665 = arith.extui %sign3A_664 : i1 to i32
      %sign3A_666 = arith.constant 0 : i32
      %sign3A_667 = arith.cmpi slt, %add3A_660, %sign3A_666 : i32
      %sign3A_668 = arith.extui %sign3A_667 : i1 to i32
      %sign3A_669 = arith.subi %sign3A_665, %sign3A_668 : i32
      %sign3A_670 = arith.constant 0 : i32
      %sign3A_671 = arith.cmpi sgt, %jit3A_661, %sign3A_670 : i32
      %sign3A_672 = arith.extui %sign3A_671 : i1 to i32
      %sign3A_673 = arith.constant 0 : i32
      %sign3A_674 = arith.cmpi slt, %jit3A_661, %sign3A_673 : i32
      %sign3A_675 = arith.extui %sign3A_674 : i1 to i32
      %sign3A_676 = arith.subi %sign3A_672, %sign3A_675 : i32
      %ne3A_677 = arith.cmpi ne, %sign3A_669, %sign3A_676 : i32
      %rem3A_678 = arith.remsi %add3A_660, %jit3A_661 : i32
      %ne3A_679 = arith.constant 0 : i32
      %ne3A_680 = arith.cmpi ne, %rem3A_678, %ne3A_679 : i32
      %and3A_681 = arith.andi %ne3A_677, %ne3A_680 : i1
      %sub3A_682 = arith.constant 1 : i32
      %sub3A_683 = arith.subi %div3A_662, %sub3A_682 : i32
      %select_n3A_684 = arith.select %and3A_681, %sub3A_683, %div3A_662 : i32
      %jit3A_685 = arith.constant 32 : i32
      %eq3A_686 = arith.constant 0 : i32
      %eq3A_687 = arith.cmpi eq, %jit3A_685, %eq3A_686 : i32
      %jit3A_688 = arith.constant 1 : i32
      %select_n3A_689 = arith.select %eq3A_687, %jit3A_688, %jit3A_685 : i32
      %rem3A_690 = arith.remsi %add3A_660, %select_n3A_689 : i32
      %ne3A_691 = arith.constant 0 : i32
      %ne3A_692 = arith.cmpi ne, %rem3A_690, %ne3A_691 : i32
      %lt3A_693 = arith.constant 0 : i32
      %lt3A_694 = arith.cmpi slt, %rem3A_690, %lt3A_693 : i32
      %lt3A_695 = arith.constant 0 : i32
      %lt3A_696 = arith.cmpi slt, %select_n3A_689, %lt3A_695 : i32
      %ne3A_697 = arith.xori %lt3A_694, %lt3A_696 : i1
      %and3A_698 = arith.andi %ne3A_697, %ne3A_692 : i1
      %add3A_699 = arith.addi %rem3A_690, %select_n3A_689 : i32
      %select_n3A_700 = arith.select %and3A_698, %add3A_699, %rem3A_690 : i32
      %dma_wait3A_701 = arith.constant 2 : i32
      %dma_wait3A_702 = arith.constant 2 : i32
      %dma_wait3A_703 = arith.constant 0 : i32
      %dma_wait3A_704 = arith.constant 0 : i32
      %dma_wait3A_705 = tpu.memref_slice %arg8[%dma_wait3A_701, %dma_wait3A_703, %dma_wait3A_704] : memref<5x128x64xf32, #tpu.memory_space<vmem>> -> memref<1x128x64xf32, #tpu.memory_space<vmem>>
      %dma_wait3A_706 = tpu.memref_squeeze %dma_wait3A_705 : memref<1x128x64xf32, #tpu.memory_space<vmem>> -> memref<128x64xf32, #tpu.memory_space<vmem>>
      %dma_wait3A_707 = arith.constant 0 : i32
      %dma_wait3A_708 = tpu.memref_slice %arg6[%add3A_659, %dma_wait3A_707] : memref<50x128xi32, #tpu.memory_space<vmem>> -> memref<1x128xi32, #tpu.memory_space<vmem>>
      %dma_wait3A_709 = tpu.memref_squeeze %dma_wait3A_708 : memref<1x128xi32, #tpu.memory_space<vmem>> -> memref<128xi32, #tpu.memory_space<vmem>>
      %dma_wait3A_710 = arith.constant 0 : i32
      %dma_wait3A_711 = arith.constant 0 : i32
      %dma_wait3A_712 = tpu.memref_slice %arg3[%dma_wait3A_710, %dma_wait3A_711] : memref<1000000x64xf32, #tpu.memory_space<hbm>> -> memref<1000000x64xf32, #tpu.memory_space<hbm>>
      %dma_wait3A_713 = tpu.memref_slice %arg10[%dma_wait3A_702] : memref<5x!tpu.dma_semaphore, #tpu.memory_space<semaphore_mem>> -> memref<1x!tpu.dma_semaphore, #tpu.memory_space<semaphore_mem>>
      %dma_wait3A_714 = tpu.memref_squeeze %dma_wait3A_713 : memref<1x!tpu.dma_semaphore, #tpu.memory_space<semaphore_mem>> -> memref<!tpu.dma_semaphore, #tpu.memory_space<semaphore_mem>>
      tpu.wait_indirect_dma semaphore(%dma_wait3A_714 : memref<!tpu.dma_semaphore, #tpu.memory_space<semaphore_mem>>) src(%dma_wait3A_712 : memref<1000000x64xf32, #tpu.memory_space<hbm>>) dst(%dma_wait3A_706 : memref<128x64xf32, #tpu.memory_space<vmem>>)
      %gt3A_715 = arith.constant 0 : i32
      %gt3A_716 = arith.cmpi sgt, %add3A_441, %gt3A_715 : i32
      %convert_element_type3A_717 = arith.extui %gt3A_716 : i1 to i32
      %cond3A_718 = arith.constant 0 : i32
      %cond3A_719 = arith.cmpi ne, %convert_element_type3A_717, %cond3A_718 : i32
      scf.if %cond3A_719 {
        %dma_wait3A_988 = arith.constant 2 : i32
        %dma_wait3A_989 = arith.constant 0 : i32
        %dma_wait3A_990 = arith.constant 0 : i32
        %dma_wait3A_991 = arith.constant 2 : i32
        %dma_wait3A_992 = arith.constant 0 : i32
        %dma_wait3A_993 = arith.constant 0 : i32
        %dma_wait3A_994 = arith.constant 0 : i32
        %dma_wait3A_995 = tpu.memref_slice %arg9[%dma_wait3A_988, %dma_wait3A_992, %dma_wait3A_993, %dma_wait3A_994] : memref<5x8x8x129xf32, #tpu.memory_space<vmem>> -> memref<1x8x8x128xf32, #tpu.memory_space<vmem>>
        %dma_wait3A_996 = tpu.memref_squeeze %dma_wait3A_995 : memref<1x8x8x128xf32, #tpu.memory_space<vmem>> -> memref<8x8x128xf32, #tpu.memory_space<vmem>>
        %dma_wait3A_997 = arith.constant 0 : i32
        %dma_wait3A_998 = arith.constant 0 : i32
        %dma_wait3A_999 = arith.constant 0 : i32
        %dma_wait3A_1000 = tpu.memref_slice %arg5[%dma_wait3A_989, %dma_wait3A_997, %dma_wait3A_990, %dma_wait3A_998, %dma_wait3A_999] : memref<50x8x32x8x128xf32, #tpu.memory_space<hbm>> -> memref<1x8x1x8x128xf32, #tpu.memory_space<hbm>>
        %dma_wait3A_1001 = tpu.memref_squeeze %dma_wait3A_1000 : memref<1x8x1x8x128xf32, #tpu.memory_space<hbm>> -> memref<8x8x128xf32, #tpu.memory_space<hbm>>
        %dma_wait3A_1002 = tpu.memref_slice %arg11[%dma_wait3A_991] : memref<5x!tpu.dma_semaphore, #tpu.memory_space<semaphore_mem>> -> memref<1x!tpu.dma_semaphore, #tpu.memory_space<semaphore_mem>>
        %dma_wait3A_1003 = tpu.memref_squeeze %dma_wait3A_1002 : memref<1x!tpu.dma_semaphore, #tpu.memory_space<semaphore_mem>> -> memref<!tpu.dma_semaphore, #tpu.memory_space<semaphore_mem>>
        %dma_wait3A_1004 = arith.constant 0 : i32
        %dma_wait3A_1005 = arith.constant 0 : i32
        %dma_wait3A_1006 = arith.constant 0 : i32
        %dma_wait3A_1007 = tpu.memref_slice %arg5[%dma_wait3A_989, %dma_wait3A_1004, %dma_wait3A_990, %dma_wait3A_1005, %dma_wait3A_1006] : memref<50x8x32x8x128xf32, #tpu.memory_space<hbm>> -> memref<1x8x1x8x128xf32, #tpu.memory_space<hbm>>
        %dma_wait3A_1008 = tpu.memref_squeeze %dma_wait3A_1007 : memref<1x8x1x8x128xf32, #tpu.memory_space<hbm>> -> memref<8x8x128xf32, #tpu.memory_space<hbm>>
        %dma_wait3A_1009 = arith.constant 0 : i32
        %dma_wait3A_1010 = arith.constant 0 : i32
        %dma_wait3A_1011 = arith.constant 0 : i32
        %dma_wait3A_1012 = tpu.memref_slice %arg9[%dma_wait3A_988, %dma_wait3A_1009, %dma_wait3A_1010, %dma_wait3A_1011] : memref<5x8x8x129xf32, #tpu.memory_space<vmem>> -> memref<1x8x8x128xf32, #tpu.memory_space<vmem>>
        %dma_wait3A_1013 = tpu.memref_squeeze %dma_wait3A_1012 : memref<1x8x8x128xf32, #tpu.memory_space<vmem>> -> memref<8x8x128xf32, #tpu.memory_space<vmem>>
        tpu.wait_dma2 semaphore(%dma_wait3A_1003 : memref<!tpu.dma_semaphore, #tpu.memory_space<semaphore_mem>>) src(%dma_wait3A_1013 : memref<8x8x128xf32, #tpu.memory_space<vmem>>) dst(%dma_wait3A_1008 : memref<8x8x128xf32, #tpu.memory_space<hbm>>)
      } else {
      }
      %get3A_720 = arith.index_cast %select_n3A_684 : i32 to index
      %get3A_721 = arith.constant 0 : index
      %get3A_722 = tpu.vector_load %arg7[%get3A_720, %get3A_721] {strides = array<i32>} : memref<200x64xf32, #tpu.memory_space<vmem>>, vector<16xf32>,
      %get3A_723 = arith.index_cast %select_n3A_684 : i32 to index
      %get3A_724 = arith.constant 16 : index
      %get3A_725 = tpu.vector_load %arg7[%get3A_723, %get3A_724] {strides = array<i32>} : memref<200x64xf32, #tpu.memory_space<vmem>>, vector<16xf32>,
      %get3A_726 = arith.index_cast %select_n3A_684 : i32 to index
      %get3A_727 = arith.constant 32 : index
      %get3A_728 = tpu.vector_load %arg7[%get3A_726, %get3A_727] {strides = array<i32>} : memref<200x64xf32, #tpu.memory_space<vmem>>, vector<16xf32>,
      %get3A_729 = arith.index_cast %select_n3A_684 : i32 to index
      %get3A_730 = arith.constant 48 : index
      %get3A_731 = tpu.vector_load %arg7[%get3A_729, %get3A_730] {strides = array<i32>} : memref<200x64xf32, #tpu.memory_space<vmem>>, vector<16xf32>,
      %scan3A_732 = arith.constant 0 : i32
      %scan3A_733 = arith.constant 128 : i32
      %scan3A_734 = arith.addi %scan3A_732, %scan3A_733 : i32
      %scan3A_735 = arith.constant 4 : i32
      scf.for %scan3A_988 = %scan3A_732 to %scan3A_734 step %scan3A_735  : i32 {
        %mul3A_989 = arith.constant 1 : i32
        %mul3A_990 = arith.muli %scan3A_988, %mul3A_989 : i32
        %add3A_991 = arith.constant 0 : i32
        %add3A_992 = arith.addi %add3A_991, %mul3A_990 : i32
        %add3A_993 = vector.broadcast %add3A_992 : i32 to vector<16xi32>
        %add3A_994 = arith.addi %broadcast_in_dim3A_77, %add3A_993 : vector<16xi32>
        %get3A_995 = arith.constant 2 : i32
        %get3A_996 = arith.index_cast %get3A_995 : i32 to index
        %get3A_997 = arith.index_cast %add3A_992 : i32 to index
        %get3A_998 = arith.constant 0 : index
        %get3A_999 = tpu.vector_load %arg8[%get3A_996, %get3A_997, %get3A_998] {strides = array<i32>} : memref<5x128x64xf32, #tpu.memory_space<vmem>>, vector<16xf32>,
        %add3A_1000 = arith.addf %get3A_999, %get3A_722 : vector<16xf32>
        %scatter3A = arith.constant 2 : i32
        %scatter3A_1001 = arith.constant 0 : i32
        %scatter3A_1002 = arith.constant 0 : i32
        %scatter3A_1003 = arith.constant 0 : i32
        %scatter3A_1004 = tpu.memref_slice %arg9[%scatter3A, %scatter3A_1001, %scatter3A_1002, %scatter3A_1003] : memref<5x8x8x129xf32, #tpu.memory_space<vmem>> -> memref<1x8x8x129xf32, #tpu.memory_space<vmem>>
        %scatter3A_1005 = tpu.memref_squeeze %scatter3A_1004 : memref<1x8x8x129xf32, #tpu.memory_space<vmem>> -> memref<8x8x129xf32, #tpu.memory_space<vmem>>
        tpu.vector_store_idx %scatter3A_1005[%select_n3A, %select_n3A_228, %add3A_994], %add3A_1000 : memref<8x8x129xf32, #tpu.memory_space<vmem>>[vector<16xi32>, vector<16xi32>, vector<16xi32>], vector<16xf32>,
        %get3A_1006 = arith.constant 2 : i32
        %get3A_1007 = arith.index_cast %get3A_1006 : i32 to index
        %get3A_1008 = arith.index_cast %add3A_992 : i32 to index
        %get3A_1009 = arith.constant 16 : index
        %get3A_1010 = tpu.vector_load %arg8[%get3A_1007, %get3A_1008, %get3A_1009] {strides = array<i32>} : memref<5x128x64xf32, #tpu.memory_space<vmem>>, vector<16xf32>,
        %add3A_1011 = arith.addf %get3A_1010, %get3A_725 : vector<16xf32>
        %scatter3A_1012 = arith.constant 2 : i32
        %scatter3A_1013 = arith.constant 0 : i32
        %scatter3A_1014 = arith.constant 0 : i32
        %scatter3A_1015 = arith.constant 0 : i32
        %scatter3A_1016 = tpu.memref_slice %arg9[%scatter3A_1012, %scatter3A_1013, %scatter3A_1014, %scatter3A_1015] : memref<5x8x8x129xf32, #tpu.memory_space<vmem>> -> memref<1x8x8x129xf32, #tpu.memory_space<vmem>>
        %scatter3A_1017 = tpu.memref_squeeze %scatter3A_1016 : memref<1x8x8x129xf32, #tpu.memory_space<vmem>> -> memref<8x8x129xf32, #tpu.memory_space<vmem>>
        tpu.vector_store_idx %scatter3A_1017[%select_n3A_137, %select_n3A_253, %add3A_994], %add3A_1011 : memref<8x8x129xf32, #tpu.memory_space<vmem>>[vector<16xi32>, vector<16xi32>, vector<16xi32>], vector<16xf32>,
        %get3A_1018 = arith.constant 2 : i32
        %get3A_1019 = arith.index_cast %get3A_1018 : i32 to index
        %get3A_1020 = arith.index_cast %add3A_992 : i32 to index
        %get3A_1021 = arith.constant 32 : index
        %get3A_1022 = tpu.vector_load %arg8[%get3A_1019, %get3A_1020, %get3A_1021] {strides = array<i32>} : memref<5x128x64xf32, #tpu.memory_space<vmem>>, vector<16xf32>,
        %add3A_1023 = arith.addf %get3A_1022, %get3A_728 : vector<16xf32>
        %scatter3A_1024 = arith.constant 2 : i32
        %scatter3A_1025 = arith.constant 0 : i32
        %scatter3A_1026 = arith.constant 0 : i32
        %scatter3A_1027 = arith.constant 0 : i32
        %scatter3A_1028 = tpu.memref_slice %arg9[%scatter3A_1024, %scatter3A_1025, %scatter3A_1026, %scatter3A_1027] : memref<5x8x8x129xf32, #tpu.memory_space<vmem>> -> memref<1x8x8x129xf32, #tpu.memory_space<vmem>>
        %scatter3A_1029 = tpu.memref_squeeze %scatter3A_1028 : memref<1x8x8x129xf32, #tpu.memory_space<vmem>> -> memref<8x8x129xf32, #tpu.memory_space<vmem>>
        tpu.vector_store_idx %scatter3A_1029[%select_n3A_171, %select_n3A_278, %add3A_994], %add3A_1023 : memref<8x8x129xf32, #tpu.memory_space<vmem>>[vector<16xi32>, vector<16xi32>, vector<16xi32>], vector<16xf32>,
        %get3A_1030 = arith.constant 2 : i32
        %get3A_1031 = arith.index_cast %get3A_1030 : i32 to index
        %get3A_1032 = arith.index_cast %add3A_992 : i32 to index
        %get3A_1033 = arith.constant 48 : index
        %get3A_1034 = tpu.vector_load %arg8[%get3A_1031, %get3A_1032, %get3A_1033] {strides = array<i32>} : memref<5x128x64xf32, #tpu.memory_space<vmem>>, vector<16xf32>,
        %add3A_1035 = arith.addf %get3A_1034, %get3A_731 : vector<16xf32>
        %scatter3A_1036 = arith.constant 2 : i32
        %scatter3A_1037 = arith.constant 0 : i32
        %scatter3A_1038 = arith.constant 0 : i32
        %scatter3A_1039 = arith.constant 0 : i32
        %scatter3A_1040 = tpu.memref_slice %arg9[%scatter3A_1036, %scatter3A_1037, %scatter3A_1038, %scatter3A_1039] : memref<5x8x8x129xf32, #tpu.memory_space<vmem>> -> memref<1x8x8x129xf32, #tpu.memory_space<vmem>>
        %scatter3A_1041 = tpu.memref_squeeze %scatter3A_1040 : memref<1x8x8x129xf32, #tpu.memory_space<vmem>> -> memref<8x8x129xf32, #tpu.memory_space<vmem>>
        tpu.vector_store_idx %scatter3A_1041[%select_n3A_205, %select_n3A_303, %add3A_994], %add3A_1035 : memref<8x8x129xf32, #tpu.memory_space<vmem>>[vector<16xi32>, vector<16xi32>, vector<16xi32>], vector<16xf32>,
        %scan3A_1042 = arith.constant 1 : i32
        %scan3A_1043 = arith.addi %scan3A_988, %scan3A_1042 : i32
        %mul3A_1044 = arith.constant 1 : i32
        %mul3A_1045 = arith.muli %scan3A_1043, %mul3A_1044 : i32
        %add3A_1046 = arith.constant 0 : i32
        %add3A_1047 = arith.addi %add3A_1046, %mul3A_1045 : i32
        %add3A_1048 = vector.broadcast %add3A_1047 : i32 to vector<16xi32>
        %add3A_1049 = arith.addi %broadcast_in_dim3A_77, %add3A_1048 : vector<16xi32>
        %get3A_1050 = arith.constant 2 : i32
        %get3A_1051 = arith.index_cast %get3A_1050 : i32 to index
        %get3A_1052 = arith.index_cast %add3A_1047 : i32 to index
        %get3A_1053 = arith.constant 0 : index
        %get3A_1054 = tpu.vector_load %arg8[%get3A_1051, %get3A_1052, %get3A_1053] {strides = array<i32>} : memref<5x128x64xf32, #tpu.memory_space<vmem>>, vector<16xf32>,
        %add3A_1055 = arith.addf %get3A_1054, %get3A_722 : vector<16xf32>
        %scatter3A_1056 = arith.constant 2 : i32
        %scatter3A_1057 = arith.constant 0 : i32
        %scatter3A_1058 = arith.constant 0 : i32
        %scatter3A_1059 = arith.constant 0 : i32
        %scatter3A_1060 = tpu.memref_slice %arg9[%scatter3A_1056, %scatter3A_1057, %scatter3A_1058, %scatter3A_1059] : memref<5x8x8x129xf32, #tpu.memory_space<vmem>> -> memref<1x8x8x129xf32, #tpu.memory_space<vmem>>
        %scatter3A_1061 = tpu.memref_squeeze %scatter3A_1060 : memref<1x8x8x129xf32, #tpu.memory_space<vmem>> -> memref<8x8x129xf32, #tpu.memory_space<vmem>>
        tpu.vector_store_idx %scatter3A_1061[%select_n3A, %select_n3A_228, %add3A_1049], %add3A_1055 : memref<8x8x129xf32, #tpu.memory_space<vmem>>[vector<16xi32>, vector<16xi32>, vector<16xi32>], vector<16xf32>,
        %get3A_1062 = arith.constant 2 : i32
        %get3A_1063 = arith.index_cast %get3A_1062 : i32 to index
        %get3A_1064 = arith.index_cast %add3A_1047 : i32 to index
        %get3A_1065 = arith.constant 16 : index
        %get3A_1066 = tpu.vector_load %arg8[%get3A_1063, %get3A_1064, %get3A_1065] {strides = array<i32>} : memref<5x128x64xf32, #tpu.memory_space<vmem>>, vector<16xf32>,
        %add3A_1067 = arith.addf %get3A_1066, %get3A_725 : vector<16xf32>
        %scatter3A_1068 = arith.constant 2 : i32
        %scatter3A_1069 = arith.constant 0 : i32
        %scatter3A_1070 = arith.constant 0 : i32
        %scatter3A_1071 = arith.constant 0 : i32
        %scatter3A_1072 = tpu.memref_slice %arg9[%scatter3A_1068, %scatter3A_1069, %scatter3A_1070, %scatter3A_1071] : memref<5x8x8x129xf32, #tpu.memory_space<vmem>> -> memref<1x8x8x129xf32, #tpu.memory_space<vmem>>
        %scatter3A_1073 = tpu.memref_squeeze %scatter3A_1072 : memref<1x8x8x129xf32, #tpu.memory_space<vmem>> -> memref<8x8x129xf32, #tpu.memory_space<vmem>>
        tpu.vector_store_idx %scatter3A_1073[%select_n3A_137, %select_n3A_253, %add3A_1049], %add3A_1067 : memref<8x8x129xf32, #tpu.memory_space<vmem>>[vector<16xi32>, vector<16xi32>, vector<16xi32>], vector<16xf32>,
        %get3A_1074 = arith.constant 2 : i32
        %get3A_1075 = arith.index_cast %get3A_1074 : i32 to index
        %get3A_1076 = arith.index_cast %add3A_1047 : i32 to index
        %get3A_1077 = arith.constant 32 : index
        %get3A_1078 = tpu.vector_load %arg8[%get3A_1075, %get3A_1076, %get3A_1077] {strides = array<i32>} : memref<5x128x64xf32, #tpu.memory_space<vmem>>, vector<16xf32>,
        %add3A_1079 = arith.addf %get3A_1078, %get3A_728 : vector<16xf32>
        %scatter3A_1080 = arith.constant 2 : i32
        %scatter3A_1081 = arith.constant 0 : i32
        %scatter3A_1082 = arith.constant 0 : i32
        %scatter3A_1083 = arith.constant 0 : i32
        %scatter3A_1084 = tpu.memref_slice %arg9[%scatter3A_1080, %scatter3A_1081, %scatter3A_1082, %scatter3A_1083] : memref<5x8x8x129xf32, #tpu.memory_space<vmem>> -> memref<1x8x8x129xf32, #tpu.memory_space<vmem>>
        %scatter3A_1085 = tpu.memref_squeeze %scatter3A_1084 : memref<1x8x8x129xf32, #tpu.memory_space<vmem>> -> memref<8x8x129xf32, #tpu.memory_space<vmem>>
        tpu.vector_store_idx %scatter3A_1085[%select_n3A_171, %select_n3A_278, %add3A_1049], %add3A_1079 : memref<8x8x129xf32, #tpu.memory_space<vmem>>[vector<16xi32>, vector<16xi32>, vector<16xi32>], vector<16xf32>,
        %get3A_1086 = arith.constant 2 : i32
        %get3A_1087 = arith.index_cast %get3A_1086 : i32 to index
        %get3A_1088 = arith.index_cast %add3A_1047 : i32 to index
        %get3A_1089 = arith.constant 48 : index
        %get3A_1090 = tpu.vector_load %arg8[%get3A_1087, %get3A_1088, %get3A_1089] {strides = array<i32>} : memref<5x128x64xf32, #tpu.memory_space<vmem>>, vector<16xf32>,
        %add3A_1091 = arith.addf %get3A_1090, %get3A_731 : vector<16xf32>
        %scatter3A_1092 = arith.constant 2 : i32
        %scatter3A_1093 = arith.constant 0 : i32
        %scatter3A_1094 = arith.constant 0 : i32
        %scatter3A_1095 = arith.constant 0 : i32
        %scatter3A_1096 = tpu.memref_slice %arg9[%scatter3A_1092, %scatter3A_1093, %scatter3A_1094, %scatter3A_1095] : memref<5x8x8x129xf32, #tpu.memory_space<vmem>> -> memref<1x8x8x129xf32, #tpu.memory_space<vmem>>
        %scatter3A_1097 = tpu.memref_squeeze %scatter3A_1096 : memref<1x8x8x129xf32, #tpu.memory_space<vmem>> -> memref<8x8x129xf32, #tpu.memory_space<vmem>>
        tpu.vector_store_idx %scatter3A_1097[%select_n3A_205, %select_n3A_303, %add3A_1049], %add3A_1091 : memref<8x8x129xf32, #tpu.memory_space<vmem>>[vector<16xi32>, vector<16xi32>, vector<16xi32>], vector<16xf32>,
        %scan3A_1098 = arith.constant 2 : i32
        %scan3A_1099 = arith.addi %scan3A_988, %scan3A_1098 : i32
        %mul3A_1100 = arith.constant 1 : i32
        %mul3A_1101 = arith.muli %scan3A_1099, %mul3A_1100 : i32
        %add3A_1102 = arith.constant 0 : i32
        %add3A_1103 = arith.addi %add3A_1102, %mul3A_1101 : i32
        %add3A_1104 = vector.broadcast %add3A_1103 : i32 to vector<16xi32>
        %add3A_1105 = arith.addi %broadcast_in_dim3A_77, %add3A_1104 : vector<16xi32>
        %get3A_1106 = arith.constant 2 : i32
        %get3A_1107 = arith.index_cast %get3A_1106 : i32 to index
        %get3A_1108 = arith.index_cast %add3A_1103 : i32 to index
        %get3A_1109 = arith.constant 0 : index
        %get3A_1110 = tpu.vector_load %arg8[%get3A_1107, %get3A_1108, %get3A_1109] {strides = array<i32>} : memref<5x128x64xf32, #tpu.memory_space<vmem>>, vector<16xf32>,
        %add3A_1111 = arith.addf %get3A_1110, %get3A_722 : vector<16xf32>
        %scatter3A_1112 = arith.constant 2 : i32
        %scatter3A_1113 = arith.constant 0 : i32
        %scatter3A_1114 = arith.constant 0 : i32
        %scatter3A_1115 = arith.constant 0 : i32
        %scatter3A_1116 = tpu.memref_slice %arg9[%scatter3A_1112, %scatter3A_1113, %scatter3A_1114, %scatter3A_1115] : memref<5x8x8x129xf32, #tpu.memory_space<vmem>> -> memref<1x8x8x129xf32, #tpu.memory_space<vmem>>
        %scatter3A_1117 = tpu.memref_squeeze %scatter3A_1116 : memref<1x8x8x129xf32, #tpu.memory_space<vmem>> -> memref<8x8x129xf32, #tpu.memory_space<vmem>>
        tpu.vector_store_idx %scatter3A_1117[%select_n3A, %select_n3A_228, %add3A_1105], %add3A_1111 : memref<8x8x129xf32, #tpu.memory_space<vmem>>[vector<16xi32>, vector<16xi32>, vector<16xi32>], vector<16xf32>,
        %get3A_1118 = arith.constant 2 : i32
        %get3A_1119 = arith.index_cast %get3A_1118 : i32 to index
        %get3A_1120 = arith.index_cast %add3A_1103 : i32 to index
        %get3A_1121 = arith.constant 16 : index
        %get3A_1122 = tpu.vector_load %arg8[%get3A_1119, %get3A_1120, %get3A_1121] {strides = array<i32>} : memref<5x128x64xf32, #tpu.memory_space<vmem>>, vector<16xf32>,
        %add3A_1123 = arith.addf %get3A_1122, %get3A_725 : vector<16xf32>
        %scatter3A_1124 = arith.constant 2 : i32
        %scatter3A_1125 = arith.constant 0 : i32
        %scatter3A_1126 = arith.constant 0 : i32
        %scatter3A_1127 = arith.constant 0 : i32
        %scatter3A_1128 = tpu.memref_slice %arg9[%scatter3A_1124, %scatter3A_1125, %scatter3A_1126, %scatter3A_1127] : memref<5x8x8x129xf32, #tpu.memory_space<vmem>> -> memref<1x8x8x129xf32, #tpu.memory_space<vmem>>
        %scatter3A_1129 = tpu.memref_squeeze %scatter3A_1128 : memref<1x8x8x129xf32, #tpu.memory_space<vmem>> -> memref<8x8x129xf32, #tpu.memory_space<vmem>>
        tpu.vector_store_idx %scatter3A_1129[%select_n3A_137, %select_n3A_253, %add3A_1105], %add3A_1123 : memref<8x8x129xf32, #tpu.memory_space<vmem>>[vector<16xi32>, vector<16xi32>, vector<16xi32>], vector<16xf32>,
        %get3A_1130 = arith.constant 2 : i32
        %get3A_1131 = arith.index_cast %get3A_1130 : i32 to index
        %get3A_1132 = arith.index_cast %add3A_1103 : i32 to index
        %get3A_1133 = arith.constant 32 : index
        %get3A_1134 = tpu.vector_load %arg8[%get3A_1131, %get3A_1132, %get3A_1133] {strides = array<i32>} : memref<5x128x64xf32, #tpu.memory_space<vmem>>, vector<16xf32>,
        %add3A_1135 = arith.addf %get3A_1134, %get3A_728 : vector<16xf32>
        %scatter3A_1136 = arith.constant 2 : i32
        %scatter3A_1137 = arith.constant 0 : i32
        %scatter3A_1138 = arith.constant 0 : i32
        %scatter3A_1139 = arith.constant 0 : i32
        %scatter3A_1140 = tpu.memref_slice %arg9[%scatter3A_1136, %scatter3A_1137, %scatter3A_1138, %scatter3A_1139] : memref<5x8x8x129xf32, #tpu.memory_space<vmem>> -> memref<1x8x8x129xf32, #tpu.memory_space<vmem>>
        %scatter3A_1141 = tpu.memref_squeeze %scatter3A_1140 : memref<1x8x8x129xf32, #tpu.memory_space<vmem>> -> memref<8x8x129xf32, #tpu.memory_space<vmem>>
        tpu.vector_store_idx %scatter3A_1141[%select_n3A_171, %select_n3A_278, %add3A_1105], %add3A_1135 : memref<8x8x129xf32, #tpu.memory_space<vmem>>[vector<16xi32>, vector<16xi32>, vector<16xi32>], vector<16xf32>,
        %get3A_1142 = arith.constant 2 : i32
        %get3A_1143 = arith.index_cast %get3A_1142 : i32 to index
        %get3A_1144 = arith.index_cast %add3A_1103 : i32 to index
        %get3A_1145 = arith.constant 48 : index
        %get3A_1146 = tpu.vector_load %arg8[%get3A_1143, %get3A_1144, %get3A_1145] {strides = array<i32>} : memref<5x128x64xf32, #tpu.memory_space<vmem>>, vector<16xf32>,
        %add3A_1147 = arith.addf %get3A_1146, %get3A_731 : vector<16xf32>
        %scatter3A_1148 = arith.constant 2 : i32
        %scatter3A_1149 = arith.constant 0 : i32
        %scatter3A_1150 = arith.constant 0 : i32
        %scatter3A_1151 = arith.constant 0 : i32
        %scatter3A_1152 = tpu.memref_slice %arg9[%scatter3A_1148, %scatter3A_1149, %scatter3A_1150, %scatter3A_1151] : memref<5x8x8x129xf32, #tpu.memory_space<vmem>> -> memref<1x8x8x129xf32, #tpu.memory_space<vmem>>
        %scatter3A_1153 = tpu.memref_squeeze %scatter3A_1152 : memref<1x8x8x129xf32, #tpu.memory_space<vmem>> -> memref<8x8x129xf32, #tpu.memory_space<vmem>>
        tpu.vector_store_idx %scatter3A_1153[%select_n3A_205, %select_n3A_303, %add3A_1105], %add3A_1147 : memref<8x8x129xf32, #tpu.memory_space<vmem>>[vector<16xi32>, vector<16xi32>, vector<16xi32>], vector<16xf32>,
        %scan3A_1154 = arith.constant 3 : i32
        %scan3A_1155 = arith.addi %scan3A_988, %scan3A_1154 : i32
        %mul3A_1156 = arith.constant 1 : i32
        %mul3A_1157 = arith.muli %scan3A_1155, %mul3A_1156 : i32
        %add3A_1158 = arith.constant 0 : i32
        %add3A_1159 = arith.addi %add3A_1158, %mul3A_1157 : i32
        %add3A_1160 = vector.broadcast %add3A_1159 : i32 to vector<16xi32>
        %add3A_1161 = arith.addi %broadcast_in_dim3A_77, %add3A_1160 : vector<16xi32>
        %get3A_1162 = arith.constant 2 : i32
        %get3A_1163 = arith.index_cast %get3A_1162 : i32 to index
        %get3A_1164 = arith.index_cast %add3A_1159 : i32 to index
        %get3A_1165 = arith.constant 0 : index
        %get3A_1166 = tpu.vector_load %arg8[%get3A_1163, %get3A_1164, %get3A_1165] {strides = array<i32>} : memref<5x128x64xf32, #tpu.memory_space<vmem>>, vector<16xf32>,
        %add3A_1167 = arith.addf %get3A_1166, %get3A_722 : vector<16xf32>
        %scatter3A_1168 = arith.constant 2 : i32
        %scatter3A_1169 = arith.constant 0 : i32
        %scatter3A_1170 = arith.constant 0 : i32
        %scatter3A_1171 = arith.constant 0 : i32
        %scatter3A_1172 = tpu.memref_slice %arg9[%scatter3A_1168, %scatter3A_1169, %scatter3A_1170, %scatter3A_1171] : memref<5x8x8x129xf32, #tpu.memory_space<vmem>> -> memref<1x8x8x129xf32, #tpu.memory_space<vmem>>
        %scatter3A_1173 = tpu.memref_squeeze %scatter3A_1172 : memref<1x8x8x129xf32, #tpu.memory_space<vmem>> -> memref<8x8x129xf32, #tpu.memory_space<vmem>>
        tpu.vector_store_idx %scatter3A_1173[%select_n3A, %select_n3A_228, %add3A_1161], %add3A_1167 : memref<8x8x129xf32, #tpu.memory_space<vmem>>[vector<16xi32>, vector<16xi32>, vector<16xi32>], vector<16xf32>,
        %get3A_1174 = arith.constant 2 : i32
        %get3A_1175 = arith.index_cast %get3A_1174 : i32 to index
        %get3A_1176 = arith.index_cast %add3A_1159 : i32 to index
        %get3A_1177 = arith.constant 16 : index
        %get3A_1178 = tpu.vector_load %arg8[%get3A_1175, %get3A_1176, %get3A_1177] {strides = array<i32>} : memref<5x128x64xf32, #tpu.memory_space<vmem>>, vector<16xf32>,
        %add3A_1179 = arith.addf %get3A_1178, %get3A_725 : vector<16xf32>
        %scatter3A_1180 = arith.constant 2 : i32
        %scatter3A_1181 = arith.constant 0 : i32
        %scatter3A_1182 = arith.constant 0 : i32
        %scatter3A_1183 = arith.constant 0 : i32
        %scatter3A_1184 = tpu.memref_slice %arg9[%scatter3A_1180, %scatter3A_1181, %scatter3A_1182, %scatter3A_1183] : memref<5x8x8x129xf32, #tpu.memory_space<vmem>> -> memref<1x8x8x129xf32, #tpu.memory_space<vmem>>
        %scatter3A_1185 = tpu.memref_squeeze %scatter3A_1184 : memref<1x8x8x129xf32, #tpu.memory_space<vmem>> -> memref<8x8x129xf32, #tpu.memory_space<vmem>>
        tpu.vector_store_idx %scatter3A_1185[%select_n3A_137, %select_n3A_253, %add3A_1161], %add3A_1179 : memref<8x8x129xf32, #tpu.memory_space<vmem>>[vector<16xi32>, vector<16xi32>, vector<16xi32>], vector<16xf32>,
        %get3A_1186 = arith.constant 2 : i32
        %get3A_1187 = arith.index_cast %get3A_1186 : i32 to index
        %get3A_1188 = arith.index_cast %add3A_1159 : i32 to index
        %get3A_1189 = arith.constant 32 : index
        %get3A_1190 = tpu.vector_load %arg8[%get3A_1187, %get3A_1188, %get3A_1189] {strides = array<i32>} : memref<5x128x64xf32, #tpu.memory_space<vmem>>, vector<16xf32>,
        %add3A_1191 = arith.addf %get3A_1190, %get3A_728 : vector<16xf32>
        %scatter3A_1192 = arith.constant 2 : i32
        %scatter3A_1193 = arith.constant 0 : i32
        %scatter3A_1194 = arith.constant 0 : i32
        %scatter3A_1195 = arith.constant 0 : i32
        %scatter3A_1196 = tpu.memref_slice %arg9[%scatter3A_1192, %scatter3A_1193, %scatter3A_1194, %scatter3A_1195] : memref<5x8x8x129xf32, #tpu.memory_space<vmem>> -> memref<1x8x8x129xf32, #tpu.memory_space<vmem>>
        %scatter3A_1197 = tpu.memref_squeeze %scatter3A_1196 : memref<1x8x8x129xf32, #tpu.memory_space<vmem>> -> memref<8x8x129xf32, #tpu.memory_space<vmem>>
        tpu.vector_store_idx %scatter3A_1197[%select_n3A_171, %select_n3A_278, %add3A_1161], %add3A_1191 : memref<8x8x129xf32, #tpu.memory_space<vmem>>[vector<16xi32>, vector<16xi32>, vector<16xi32>], vector<16xf32>,
        %get3A_1198 = arith.constant 2 : i32
        %get3A_1199 = arith.index_cast %get3A_1198 : i32 to index
        %get3A_1200 = arith.index_cast %add3A_1159 : i32 to index
        %get3A_1201 = arith.constant 48 : index
        %get3A_1202 = tpu.vector_load %arg8[%get3A_1199, %get3A_1200, %get3A_1201] {strides = array<i32>} : memref<5x128x64xf32, #tpu.memory_space<vmem>>, vector<16xf32>,
        %add3A_1203 = arith.addf %get3A_1202, %get3A_731 : vector<16xf32>
        %scatter3A_1204 = arith.constant 2 : i32
        %scatter3A_1205 = arith.constant 0 : i32
        %scatter3A_1206 = arith.constant 0 : i32
        %scatter3A_1207 = arith.constant 0 : i32
        %scatter3A_1208 = tpu.memref_slice %arg9[%scatter3A_1204, %scatter3A_1205, %scatter3A_1206, %scatter3A_1207] : memref<5x8x8x129xf32, #tpu.memory_space<vmem>> -> memref<1x8x8x129xf32, #tpu.memory_space<vmem>>
        %scatter3A_1209 = tpu.memref_squeeze %scatter3A_1208 : memref<1x8x8x129xf32, #tpu.memory_space<vmem>> -> memref<8x8x129xf32, #tpu.memory_space<vmem>>
        tpu.vector_store_idx %scatter3A_1209[%select_n3A_205, %select_n3A_303, %add3A_1161], %add3A_1203 : memref<8x8x129xf32, #tpu.memory_space<vmem>>[vector<16xi32>, vector<16xi32>, vector<16xi32>], vector<16xf32>,
      }
      %scan3A_736 = arith.constant 128 : i32
      %add3A_737 = arith.constant 5 : i32
      %add3A_738 = arith.addi %add3A_659, %add3A_737 : i32
      %lt3A_739 = arith.constant 50 : i32
      %lt3A_740 = arith.cmpi slt, %add3A_738, %lt3A_739 : i32
      %convert_element_type3A_741 = arith.extui %lt3A_740 : i1 to i32
      %cond3A_742 = arith.constant 0 : i32
      %cond3A_743 = arith.cmpi ne, %convert_element_type3A_741, %cond3A_742 : i32
      scf.if %cond3A_743 {
        %add3A_988 = arith.constant 5 : i32
        %add3A_989 = arith.addi %add3A_659, %add3A_988 : i32
        %dma_start3A_990 = arith.constant 2 : i32
        %dma_start3A_991 = arith.constant 2 : i32
        %dma_start3A_992 = arith.constant 0 : i32
        %dma_start3A_993 = arith.constant 0 : i32
        %dma_start3A_994 = tpu.memref_slice %arg8[%dma_start3A_990, %dma_start3A_992, %dma_start3A_993] : memref<5x128x64xf32, #tpu.memory_space<vmem>> -> memref<1x128x64xf32, #tpu.memory_space<vmem>>
        %dma_start3A_995 = tpu.memref_squeeze %dma_start3A_994 : memref<1x128x64xf32, #tpu.memory_space<vmem>> -> memref<128x64xf32, #tpu.memory_space<vmem>>
        %dma_start3A_996 = arith.constant 0 : i32
        %dma_start3A_997 = tpu.memref_slice %arg6[%add3A_989, %dma_start3A_996] : memref<50x128xi32, #tpu.memory_space<vmem>> -> memref<1x128xi32, #tpu.memory_space<vmem>>
        %dma_start3A_998 = tpu.memref_squeeze %dma_start3A_997 : memref<1x128xi32, #tpu.memory_space<vmem>> -> memref<128xi32, #tpu.memory_space<vmem>>
        %dma_start3A_999 = arith.constant 0 : i32
        %dma_start3A_1000 = arith.constant 0 : i32
        %dma_start3A_1001 = tpu.memref_slice %arg3[%dma_start3A_999, %dma_start3A_1000] : memref<1000000x64xf32, #tpu.memory_space<hbm>> -> memref<1000000x64xf32, #tpu.memory_space<hbm>>
        %dma_start3A_1002 = tpu.memref_slice %arg10[%dma_start3A_991] : memref<5x!tpu.dma_semaphore, #tpu.memory_space<semaphore_mem>> -> memref<1x!tpu.dma_semaphore, #tpu.memory_space<semaphore_mem>>
        %dma_start3A_1003 = tpu.memref_squeeze %dma_start3A_1002 : memref<1x!tpu.dma_semaphore, #tpu.memory_space<semaphore_mem>> -> memref<!tpu.dma_semaphore, #tpu.memory_space<semaphore_mem>>
        tpu.enqueue_indirect_dma source(%dma_start3A_1001 : memref<1000000x64xf32, #tpu.memory_space<hbm>>) target(%dma_start3A_995 : memref<128x64xf32, #tpu.memory_space<vmem>>) offsets(%dma_start3A_998 : memref<128xi32, #tpu.memory_space<vmem>>) semaphore(%dma_start3A_1003 : memref<!tpu.dma_semaphore, #tpu.memory_space<semaphore_mem>>)
      } else {
      }
      %dma_start3A_744 = arith.constant 2 : i32
      %dma_start3A_745 = arith.constant 2 : i32
      %dma_start3A_746 = arith.constant 0 : i32
      %dma_start3A_747 = arith.constant 0 : i32
      %dma_start3A_748 = arith.constant 0 : i32
      %dma_start3A_749 = tpu.memref_slice %arg9[%dma_start3A_744, %dma_start3A_746, %dma_start3A_747, %dma_start3A_748] : memref<5x8x8x129xf32, #tpu.memory_space<vmem>> -> memref<1x8x8x128xf32, #tpu.memory_space<vmem>>
      %dma_start3A_750 = tpu.memref_squeeze %dma_start3A_749 : memref<1x8x8x128xf32, #tpu.memory_space<vmem>> -> memref<8x8x128xf32, #tpu.memory_space<vmem>>
      %dma_start3A_751 = arith.constant 0 : i32
      %dma_start3A_752 = arith.constant 0 : i32
      %dma_start3A_753 = arith.constant 0 : i32
      %dma_start3A_754 = tpu.memref_slice %arg5[%select_n3A_684, %dma_start3A_751, %select_n3A_700, %dma_start3A_752, %dma_start3A_753] : memref<50x8x32x8x128xf32, #tpu.memory_space<hbm>> -> memref<1x8x1x8x128xf32, #tpu.memory_space<hbm>>
      %dma_start3A_755 = tpu.memref_squeeze %dma_start3A_754 : memref<1x8x1x8x128xf32, #tpu.memory_space<hbm>> -> memref<8x8x128xf32, #tpu.memory_space<hbm>>
      %dma_start3A_756 = tpu.memref_slice %arg11[%dma_start3A_745] : memref<5x!tpu.dma_semaphore, #tpu.memory_space<semaphore_mem>> -> memref<1x!tpu.dma_semaphore, #tpu.memory_space<semaphore_mem>>
      %dma_start3A_757 = tpu.memref_squeeze %dma_start3A_756 : memref<1x!tpu.dma_semaphore, #tpu.memory_space<semaphore_mem>> -> memref<!tpu.dma_semaphore, #tpu.memory_space<semaphore_mem>>
      %dma_start3A_758 = arith.constant 0 : i32
      %dma_start3A_759 = arith.constant 0 : i32
      %dma_start3A_760 = arith.constant 0 : i32
      %dma_start3A_761 = tpu.memref_slice %arg5[%select_n3A_684, %dma_start3A_758, %select_n3A_700, %dma_start3A_759, %dma_start3A_760] : memref<50x8x32x8x128xf32, #tpu.memory_space<hbm>> -> memref<1x8x1x8x128xf32, #tpu.memory_space<hbm>>
      %dma_start3A_762 = tpu.memref_squeeze %dma_start3A_761 : memref<1x8x1x8x128xf32, #tpu.memory_space<hbm>> -> memref<8x8x128xf32, #tpu.memory_space<hbm>>
      %dma_start3A_763 = arith.constant 0 : i32
      %dma_start3A_764 = arith.constant 0 : i32
      %dma_start3A_765 = arith.constant 0 : i32
      %dma_start3A_766 = tpu.memref_slice %arg9[%dma_start3A_744, %dma_start3A_763, %dma_start3A_764, %dma_start3A_765] : memref<5x8x8x129xf32, #tpu.memory_space<vmem>> -> memref<1x8x8x128xf32, #tpu.memory_space<vmem>>
      %dma_start3A_767 = tpu.memref_squeeze %dma_start3A_766 : memref<1x8x8x128xf32, #tpu.memory_space<vmem>> -> memref<8x8x128xf32, #tpu.memory_space<vmem>>
      tpu.enqueue_dma source(%dma_start3A_767 : memref<8x8x128xf32, #tpu.memory_space<vmem>>) target(%dma_start3A_762 : memref<8x8x128xf32, #tpu.memory_space<hbm>>) target_semaphore(%dma_start3A_757 : memref<!tpu.dma_semaphore, #tpu.memory_space<semaphore_mem>>)
      %add3A_768 = arith.constant 3 : i32
      %add3A_769 = arith.addi %add3A_441, %add3A_768 : i32
      %add3A_770 = arith.addi %mul3A_2, %add3A_769 : i32
      %jit3A_771 = arith.constant 32 : i32
      %div3A_772 = arith.divsi %add3A_770, %jit3A_771 : i32
      %sign3A_773 = arith.constant 0 : i32
      %sign3A_774 = arith.cmpi sgt, %add3A_770, %sign3A_773 : i32
      %sign3A_775 = arith.extui %sign3A_774 : i1 to i32
      %sign3A_776 = arith.constant 0 : i32
      %sign3A_777 = arith.cmpi slt, %add3A_770, %sign3A_776 : i32
      %sign3A_778 = arith.extui %sign3A_777 : i1 to i32
      %sign3A_779 = arith.subi %sign3A_775, %sign3A_778 : i32
      %sign3A_780 = arith.constant 0 : i32
      %sign3A_781 = arith.cmpi sgt, %jit3A_771, %sign3A_780 : i32
      %sign3A_782 = arith.extui %sign3A_781 : i1 to i32
      %sign3A_783 = arith.constant 0 : i32
      %sign3A_784 = arith.cmpi slt, %jit3A_771, %sign3A_783 : i32
      %sign3A_785 = arith.extui %sign3A_784 : i1 to i32
      %sign3A_786 = arith.subi %sign3A_782, %sign3A_785 : i32
      %ne3A_787 = arith.cmpi ne, %sign3A_779, %sign3A_786 : i32
      %rem3A_788 = arith.remsi %add3A_770, %jit3A_771 : i32
      %ne3A_789 = arith.constant 0 : i32
      %ne3A_790 = arith.cmpi ne, %rem3A_788, %ne3A_789 : i32
      %and3A_791 = arith.andi %ne3A_787, %ne3A_790 : i1
      %sub3A_792 = arith.constant 1 : i32
      %sub3A_793 = arith.subi %div3A_772, %sub3A_792 : i32
      %select_n3A_794 = arith.select %and3A_791, %sub3A_793, %div3A_772 : i32
      %jit3A_795 = arith.constant 32 : i32
      %eq3A_796 = arith.constant 0 : i32
      %eq3A_797 = arith.cmpi eq, %jit3A_795, %eq3A_796 : i32
      %jit3A_798 = arith.constant 1 : i32
      %select_n3A_799 = arith.select %eq3A_797, %jit3A_798, %jit3A_795 : i32
      %rem3A_800 = arith.remsi %add3A_770, %select_n3A_799 : i32
      %ne3A_801 = arith.constant 0 : i32
      %ne3A_802 = arith.cmpi ne, %rem3A_800, %ne3A_801 : i32
      %lt3A_803 = arith.constant 0 : i32
      %lt3A_804 = arith.cmpi slt, %rem3A_800, %lt3A_803 : i32
      %lt3A_805 = arith.constant 0 : i32
      %lt3A_806 = arith.cmpi slt, %select_n3A_799, %lt3A_805 : i32
      %ne3A_807 = arith.xori %lt3A_804, %lt3A_806 : i1
      %and3A_808 = arith.andi %ne3A_807, %ne3A_802 : i1
      %add3A_809 = arith.addi %rem3A_800, %select_n3A_799 : i32
      %select_n3A_810 = arith.select %and3A_808, %add3A_809, %rem3A_800 : i32
      %dma_wait3A_811 = arith.constant 3 : i32
      %dma_wait3A_812 = arith.constant 3 : i32
      %dma_wait3A_813 = arith.constant 0 : i32
      %dma_wait3A_814 = arith.constant 0 : i32
      %dma_wait3A_815 = tpu.memref_slice %arg8[%dma_wait3A_811, %dma_wait3A_813, %dma_wait3A_814] : memref<5x128x64xf32, #tpu.memory_space<vmem>> -> memref<1x128x64xf32, #tpu.memory_space<vmem>>
      %dma_wait3A_816 = tpu.memref_squeeze %dma_wait3A_815 : memref<1x128x64xf32, #tpu.memory_space<vmem>> -> memref<128x64xf32, #tpu.memory_space<vmem>>
      %dma_wait3A_817 = arith.constant 0 : i32
      %dma_wait3A_818 = tpu.memref_slice %arg6[%add3A_769, %dma_wait3A_817] : memref<50x128xi32, #tpu.memory_space<vmem>> -> memref<1x128xi32, #tpu.memory_space<vmem>>
      %dma_wait3A_819 = tpu.memref_squeeze %dma_wait3A_818 : memref<1x128xi32, #tpu.memory_space<vmem>> -> memref<128xi32, #tpu.memory_space<vmem>>
      %dma_wait3A_820 = arith.constant 0 : i32
      %dma_wait3A_821 = arith.constant 0 : i32
      %dma_wait3A_822 = tpu.memref_slice %arg3[%dma_wait3A_820, %dma_wait3A_821] : memref<1000000x64xf32, #tpu.memory_space<hbm>> -> memref<1000000x64xf32, #tpu.memory_space<hbm>>
      %dma_wait3A_823 = tpu.memref_slice %arg10[%dma_wait3A_812] : memref<5x!tpu.dma_semaphore, #tpu.memory_space<semaphore_mem>> -> memref<1x!tpu.dma_semaphore, #tpu.memory_space<semaphore_mem>>
      %dma_wait3A_824 = tpu.memref_squeeze %dma_wait3A_823 : memref<1x!tpu.dma_semaphore, #tpu.memory_space<semaphore_mem>> -> memref<!tpu.dma_semaphore, #tpu.memory_space<semaphore_mem>>
      tpu.wait_indirect_dma semaphore(%dma_wait3A_824 : memref<!tpu.dma_semaphore, #tpu.memory_space<semaphore_mem>>) src(%dma_wait3A_822 : memref<1000000x64xf32, #tpu.memory_space<hbm>>) dst(%dma_wait3A_816 : memref<128x64xf32, #tpu.memory_space<vmem>>)
      %gt3A_825 = arith.constant 0 : i32
      %gt3A_826 = arith.cmpi sgt, %add3A_441, %gt3A_825 : i32
      %convert_element_type3A_827 = arith.extui %gt3A_826 : i1 to i32
      %cond3A_828 = arith.constant 0 : i32
      %cond3A_829 = arith.cmpi ne, %convert_element_type3A_827, %cond3A_828 : i32
      scf.if %cond3A_829 {
        %dma_wait3A_988 = arith.constant 3 : i32
        %dma_wait3A_989 = arith.constant 0 : i32
        %dma_wait3A_990 = arith.constant 0 : i32
        %dma_wait3A_991 = arith.constant 3 : i32
        %dma_wait3A_992 = arith.constant 0 : i32
        %dma_wait3A_993 = arith.constant 0 : i32
        %dma_wait3A_994 = arith.constant 0 : i32
        %dma_wait3A_995 = tpu.memref_slice %arg9[%dma_wait3A_988, %dma_wait3A_992, %dma_wait3A_993, %dma_wait3A_994] : memref<5x8x8x129xf32, #tpu.memory_space<vmem>> -> memref<1x8x8x128xf32, #tpu.memory_space<vmem>>
        %dma_wait3A_996 = tpu.memref_squeeze %dma_wait3A_995 : memref<1x8x8x128xf32, #tpu.memory_space<vmem>> -> memref<8x8x128xf32, #tpu.memory_space<vmem>>
        %dma_wait3A_997 = arith.constant 0 : i32
        %dma_wait3A_998 = arith.constant 0 : i32
        %dma_wait3A_999 = arith.constant 0 : i32
        %dma_wait3A_1000 = tpu.memref_slice %arg5[%dma_wait3A_989, %dma_wait3A_997, %dma_wait3A_990, %dma_wait3A_998, %dma_wait3A_999] : memref<50x8x32x8x128xf32, #tpu.memory_space<hbm>> -> memref<1x8x1x8x128xf32, #tpu.memory_space<hbm>>
        %dma_wait3A_1001 = tpu.memref_squeeze %dma_wait3A_1000 : memref<1x8x1x8x128xf32, #tpu.memory_space<hbm>> -> memref<8x8x128xf32, #tpu.memory_space<hbm>>
        %dma_wait3A_1002 = tpu.memref_slice %arg11[%dma_wait3A_991] : memref<5x!tpu.dma_semaphore, #tpu.memory_space<semaphore_mem>> -> memref<1x!tpu.dma_semaphore, #tpu.memory_space<semaphore_mem>>
        %dma_wait3A_1003 = tpu.memref_squeeze %dma_wait3A_1002 : memref<1x!tpu.dma_semaphore, #tpu.memory_space<semaphore_mem>> -> memref<!tpu.dma_semaphore, #tpu.memory_space<semaphore_mem>>
        %dma_wait3A_1004 = arith.constant 0 : i32
        %dma_wait3A_1005 = arith.constant 0 : i32
        %dma_wait3A_1006 = arith.constant 0 : i32
        %dma_wait3A_1007 = tpu.memref_slice %arg5[%dma_wait3A_989, %dma_wait3A_1004, %dma_wait3A_990, %dma_wait3A_1005, %dma_wait3A_1006] : memref<50x8x32x8x128xf32, #tpu.memory_space<hbm>> -> memref<1x8x1x8x128xf32, #tpu.memory_space<hbm>>
        %dma_wait3A_1008 = tpu.memref_squeeze %dma_wait3A_1007 : memref<1x8x1x8x128xf32, #tpu.memory_space<hbm>> -> memref<8x8x128xf32, #tpu.memory_space<hbm>>
        %dma_wait3A_1009 = arith.constant 0 : i32
        %dma_wait3A_1010 = arith.constant 0 : i32
        %dma_wait3A_1011 = arith.constant 0 : i32
        %dma_wait3A_1012 = tpu.memref_slice %arg9[%dma_wait3A_988, %dma_wait3A_1009, %dma_wait3A_1010, %dma_wait3A_1011] : memref<5x8x8x129xf32, #tpu.memory_space<vmem>> -> memref<1x8x8x128xf32, #tpu.memory_space<vmem>>
        %dma_wait3A_1013 = tpu.memref_squeeze %dma_wait3A_1012 : memref<1x8x8x128xf32, #tpu.memory_space<vmem>> -> memref<8x8x128xf32, #tpu.memory_space<vmem>>
        tpu.wait_dma2 semaphore(%dma_wait3A_1003 : memref<!tpu.dma_semaphore, #tpu.memory_space<semaphore_mem>>) src(%dma_wait3A_1013 : memref<8x8x128xf32, #tpu.memory_space<vmem>>) dst(%dma_wait3A_1008 : memref<8x8x128xf32, #tpu.memory_space<hbm>>)
      } else {
      }
      %get3A_830 = arith.index_cast %select_n3A_794 : i32 to index
      %get3A_831 = arith.constant 0 : index
      %get3A_832 = tpu.vector_load %arg7[%get3A_830, %get3A_831] {strides = array<i32>} : memref<200x64xf32, #tpu.memory_space<vmem>>, vector<16xf32>,
      %get3A_833 = arith.index_cast %select_n3A_794 : i32 to index
      %get3A_834 = arith.constant 16 : index
      %get3A_835 = tpu.vector_load %arg7[%get3A_833, %get3A_834] {strides = array<i32>} : memref<200x64xf32, #tpu.memory_space<vmem>>, vector<16xf32>,
      %get3A_836 = arith.index_cast %select_n3A_794 : i32 to index
      %get3A_837 = arith.constant 32 : index
      %get3A_838 = tpu.vector_load %arg7[%get3A_836, %get3A_837] {strides = array<i32>} : memref<200x64xf32, #tpu.memory_space<vmem>>, vector<16xf32>,
      %get3A_839 = arith.index_cast %select_n3A_794 : i32 to index
      %get3A_840 = arith.constant 48 : index
      %get3A_841 = tpu.vector_load %arg7[%get3A_839, %get3A_840] {strides = array<i32>} : memref<200x64xf32, #tpu.memory_space<vmem>>, vector<16xf32>,
      %scan3A_842 = arith.constant 0 : i32
      %scan3A_843 = arith.constant 128 : i32
      %scan3A_844 = arith.addi %scan3A_842, %scan3A_843 : i32
      %scan3A_845 = arith.constant 4 : i32
      scf.for %scan3A_988 = %scan3A_842 to %scan3A_844 step %scan3A_845  : i32 {
        %mul3A_989 = arith.constant 1 : i32
        %mul3A_990 = arith.muli %scan3A_988, %mul3A_989 : i32
        %add3A_991 = arith.constant 0 : i32
        %add3A_992 = arith.addi %add3A_991, %mul3A_990 : i32
        %add3A_993 = vector.broadcast %add3A_992 : i32 to vector<16xi32>
        %add3A_994 = arith.addi %broadcast_in_dim3A_77, %add3A_993 : vector<16xi32>
        %get3A_995 = arith.constant 3 : i32
        %get3A_996 = arith.index_cast %get3A_995 : i32 to index
        %get3A_997 = arith.index_cast %add3A_992 : i32 to index
        %get3A_998 = arith.constant 0 : index
        %get3A_999 = tpu.vector_load %arg8[%get3A_996, %get3A_997, %get3A_998] {strides = array<i32>} : memref<5x128x64xf32, #tpu.memory_space<vmem>>, vector<16xf32>,
        %add3A_1000 = arith.addf %get3A_999, %get3A_832 : vector<16xf32>
        %scatter3A = arith.constant 3 : i32
        %scatter3A_1001 = arith.constant 0 : i32
        %scatter3A_1002 = arith.constant 0 : i32
        %scatter3A_1003 = arith.constant 0 : i32
        %scatter3A_1004 = tpu.memref_slice %arg9[%scatter3A, %scatter3A_1001, %scatter3A_1002, %scatter3A_1003] : memref<5x8x8x129xf32, #tpu.memory_space<vmem>> -> memref<1x8x8x129xf32, #tpu.memory_space<vmem>>
        %scatter3A_1005 = tpu.memref_squeeze %scatter3A_1004 : memref<1x8x8x129xf32, #tpu.memory_space<vmem>> -> memref<8x8x129xf32, #tpu.memory_space<vmem>>
        tpu.vector_store_idx %scatter3A_1005[%select_n3A, %select_n3A_228, %add3A_994], %add3A_1000 : memref<8x8x129xf32, #tpu.memory_space<vmem>>[vector<16xi32>, vector<16xi32>, vector<16xi32>], vector<16xf32>,
        %get3A_1006 = arith.constant 3 : i32
        %get3A_1007 = arith.index_cast %get3A_1006 : i32 to index
        %get3A_1008 = arith.index_cast %add3A_992 : i32 to index
        %get3A_1009 = arith.constant 16 : index
        %get3A_1010 = tpu.vector_load %arg8[%get3A_1007, %get3A_1008, %get3A_1009] {strides = array<i32>} : memref<5x128x64xf32, #tpu.memory_space<vmem>>, vector<16xf32>,
        %add3A_1011 = arith.addf %get3A_1010, %get3A_835 : vector<16xf32>
        %scatter3A_1012 = arith.constant 3 : i32
        %scatter3A_1013 = arith.constant 0 : i32
        %scatter3A_1014 = arith.constant 0 : i32
        %scatter3A_1015 = arith.constant 0 : i32
        %scatter3A_1016 = tpu.memref_slice %arg9[%scatter3A_1012, %scatter3A_1013, %scatter3A_1014, %scatter3A_1015] : memref<5x8x8x129xf32, #tpu.memory_space<vmem>> -> memref<1x8x8x129xf32, #tpu.memory_space<vmem>>
        %scatter3A_1017 = tpu.memref_squeeze %scatter3A_1016 : memref<1x8x8x129xf32, #tpu.memory_space<vmem>> -> memref<8x8x129xf32, #tpu.memory_space<vmem>>
        tpu.vector_store_idx %scatter3A_1017[%select_n3A_137, %select_n3A_253, %add3A_994], %add3A_1011 : memref<8x8x129xf32, #tpu.memory_space<vmem>>[vector<16xi32>, vector<16xi32>, vector<16xi32>], vector<16xf32>,
        %get3A_1018 = arith.constant 3 : i32
        %get3A_1019 = arith.index_cast %get3A_1018 : i32 to index
        %get3A_1020 = arith.index_cast %add3A_992 : i32 to index
        %get3A_1021 = arith.constant 32 : index
        %get3A_1022 = tpu.vector_load %arg8[%get3A_1019, %get3A_1020, %get3A_1021] {strides = array<i32>} : memref<5x128x64xf32, #tpu.memory_space<vmem>>, vector<16xf32>,
        %add3A_1023 = arith.addf %get3A_1022, %get3A_838 : vector<16xf32>
        %scatter3A_1024 = arith.constant 3 : i32
        %scatter3A_1025 = arith.constant 0 : i32
        %scatter3A_1026 = arith.constant 0 : i32
        %scatter3A_1027 = arith.constant 0 : i32
        %scatter3A_1028 = tpu.memref_slice %arg9[%scatter3A_1024, %scatter3A_1025, %scatter3A_1026, %scatter3A_1027] : memref<5x8x8x129xf32, #tpu.memory_space<vmem>> -> memref<1x8x8x129xf32, #tpu.memory_space<vmem>>
        %scatter3A_1029 = tpu.memref_squeeze %scatter3A_1028 : memref<1x8x8x129xf32, #tpu.memory_space<vmem>> -> memref<8x8x129xf32, #tpu.memory_space<vmem>>
        tpu.vector_store_idx %scatter3A_1029[%select_n3A_171, %select_n3A_278, %add3A_994], %add3A_1023 : memref<8x8x129xf32, #tpu.memory_space<vmem>>[vector<16xi32>, vector<16xi32>, vector<16xi32>], vector<16xf32>,
        %get3A_1030 = arith.constant 3 : i32
        %get3A_1031 = arith.index_cast %get3A_1030 : i32 to index
        %get3A_1032 = arith.index_cast %add3A_992 : i32 to index
        %get3A_1033 = arith.constant 48 : index
        %get3A_1034 = tpu.vector_load %arg8[%get3A_1031, %get3A_1032, %get3A_1033] {strides = array<i32>} : memref<5x128x64xf32, #tpu.memory_space<vmem>>, vector<16xf32>,
        %add3A_1035 = arith.addf %get3A_1034, %get3A_841 : vector<16xf32>
        %scatter3A_1036 = arith.constant 3 : i32
        %scatter3A_1037 = arith.constant 0 : i32
        %scatter3A_1038 = arith.constant 0 : i32
        %scatter3A_1039 = arith.constant 0 : i32
        %scatter3A_1040 = tpu.memref_slice %arg9[%scatter3A_1036, %scatter3A_1037, %scatter3A_1038, %scatter3A_1039] : memref<5x8x8x129xf32, #tpu.memory_space<vmem>> -> memref<1x8x8x129xf32, #tpu.memory_space<vmem>>
        %scatter3A_1041 = tpu.memref_squeeze %scatter3A_1040 : memref<1x8x8x129xf32, #tpu.memory_space<vmem>> -> memref<8x8x129xf32, #tpu.memory_space<vmem>>
        tpu.vector_store_idx %scatter3A_1041[%select_n3A_205, %select_n3A_303, %add3A_994], %add3A_1035 : memref<8x8x129xf32, #tpu.memory_space<vmem>>[vector<16xi32>, vector<16xi32>, vector<16xi32>], vector<16xf32>,
        %scan3A_1042 = arith.constant 1 : i32
        %scan3A_1043 = arith.addi %scan3A_988, %scan3A_1042 : i32
        %mul3A_1044 = arith.constant 1 : i32
        %mul3A_1045 = arith.muli %scan3A_1043, %mul3A_1044 : i32
        %add3A_1046 = arith.constant 0 : i32
        %add3A_1047 = arith.addi %add3A_1046, %mul3A_1045 : i32
        %add3A_1048 = vector.broadcast %add3A_1047 : i32 to vector<16xi32>
        %add3A_1049 = arith.addi %broadcast_in_dim3A_77, %add3A_1048 : vector<16xi32>
        %get3A_1050 = arith.constant 3 : i32
        %get3A_1051 = arith.index_cast %get3A_1050 : i32 to index
        %get3A_1052 = arith.index_cast %add3A_1047 : i32 to index
        %get3A_1053 = arith.constant 0 : index
        %get3A_1054 = tpu.vector_load %arg8[%get3A_1051, %get3A_1052, %get3A_1053] {strides = array<i32>} : memref<5x128x64xf32, #tpu.memory_space<vmem>>, vector<16xf32>,
        %add3A_1055 = arith.addf %get3A_1054, %get3A_832 : vector<16xf32>
        %scatter3A_1056 = arith.constant 3 : i32
        %scatter3A_1057 = arith.constant 0 : i32
        %scatter3A_1058 = arith.constant 0 : i32
        %scatter3A_1059 = arith.constant 0 : i32
        %scatter3A_1060 = tpu.memref_slice %arg9[%scatter3A_1056, %scatter3A_1057, %scatter3A_1058, %scatter3A_1059] : memref<5x8x8x129xf32, #tpu.memory_space<vmem>> -> memref<1x8x8x129xf32, #tpu.memory_space<vmem>>
        %scatter3A_1061 = tpu.memref_squeeze %scatter3A_1060 : memref<1x8x8x129xf32, #tpu.memory_space<vmem>> -> memref<8x8x129xf32, #tpu.memory_space<vmem>>
        tpu.vector_store_idx %scatter3A_1061[%select_n3A, %select_n3A_228, %add3A_1049], %add3A_1055 : memref<8x8x129xf32, #tpu.memory_space<vmem>>[vector<16xi32>, vector<16xi32>, vector<16xi32>], vector<16xf32>,
        %get3A_1062 = arith.constant 3 : i32
        %get3A_1063 = arith.index_cast %get3A_1062 : i32 to index
        %get3A_1064 = arith.index_cast %add3A_1047 : i32 to index
        %get3A_1065 = arith.constant 16 : index
        %get3A_1066 = tpu.vector_load %arg8[%get3A_1063, %get3A_1064, %get3A_1065] {strides = array<i32>} : memref<5x128x64xf32, #tpu.memory_space<vmem>>, vector<16xf32>,
        %add3A_1067 = arith.addf %get3A_1066, %get3A_835 : vector<16xf32>
        %scatter3A_1068 = arith.constant 3 : i32
        %scatter3A_1069 = arith.constant 0 : i32
        %scatter3A_1070 = arith.constant 0 : i32
        %scatter3A_1071 = arith.constant 0 : i32
        %scatter3A_1072 = tpu.memref_slice %arg9[%scatter3A_1068, %scatter3A_1069, %scatter3A_1070, %scatter3A_1071] : memref<5x8x8x129xf32, #tpu.memory_space<vmem>> -> memref<1x8x8x129xf32, #tpu.memory_space<vmem>>
        %scatter3A_1073 = tpu.memref_squeeze %scatter3A_1072 : memref<1x8x8x129xf32, #tpu.memory_space<vmem>> -> memref<8x8x129xf32, #tpu.memory_space<vmem>>
        tpu.vector_store_idx %scatter3A_1073[%select_n3A_137, %select_n3A_253, %add3A_1049], %add3A_1067 : memref<8x8x129xf32, #tpu.memory_space<vmem>>[vector<16xi32>, vector<16xi32>, vector<16xi32>], vector<16xf32>,
        %get3A_1074 = arith.constant 3 : i32
        %get3A_1075 = arith.index_cast %get3A_1074 : i32 to index
        %get3A_1076 = arith.index_cast %add3A_1047 : i32 to index
        %get3A_1077 = arith.constant 32 : index
        %get3A_1078 = tpu.vector_load %arg8[%get3A_1075, %get3A_1076, %get3A_1077] {strides = array<i32>} : memref<5x128x64xf32, #tpu.memory_space<vmem>>, vector<16xf32>,
        %add3A_1079 = arith.addf %get3A_1078, %get3A_838 : vector<16xf32>
        %scatter3A_1080 = arith.constant 3 : i32
        %scatter3A_1081 = arith.constant 0 : i32
        %scatter3A_1082 = arith.constant 0 : i32
        %scatter3A_1083 = arith.constant 0 : i32
        %scatter3A_1084 = tpu.memref_slice %arg9[%scatter3A_1080, %scatter3A_1081, %scatter3A_1082, %scatter3A_1083] : memref<5x8x8x129xf32, #tpu.memory_space<vmem>> -> memref<1x8x8x129xf32, #tpu.memory_space<vmem>>
        %scatter3A_1085 = tpu.memref_squeeze %scatter3A_1084 : memref<1x8x8x129xf32, #tpu.memory_space<vmem>> -> memref<8x8x129xf32, #tpu.memory_space<vmem>>
        tpu.vector_store_idx %scatter3A_1085[%select_n3A_171, %select_n3A_278, %add3A_1049], %add3A_1079 : memref<8x8x129xf32, #tpu.memory_space<vmem>>[vector<16xi32>, vector<16xi32>, vector<16xi32>], vector<16xf32>,
        %get3A_1086 = arith.constant 3 : i32
        %get3A_1087 = arith.index_cast %get3A_1086 : i32 to index
        %get3A_1088 = arith.index_cast %add3A_1047 : i32 to index
        %get3A_1089 = arith.constant 48 : index
        %get3A_1090 = tpu.vector_load %arg8[%get3A_1087, %get3A_1088, %get3A_1089] {strides = array<i32>} : memref<5x128x64xf32, #tpu.memory_space<vmem>>, vector<16xf32>,
        %add3A_1091 = arith.addf %get3A_1090, %get3A_841 : vector<16xf32>
        %scatter3A_1092 = arith.constant 3 : i32
        %scatter3A_1093 = arith.constant 0 : i32
        %scatter3A_1094 = arith.constant 0 : i32
        %scatter3A_1095 = arith.constant 0 : i32
        %scatter3A_1096 = tpu.memref_slice %arg9[%scatter3A_1092, %scatter3A_1093, %scatter3A_1094, %scatter3A_1095] : memref<5x8x8x129xf32, #tpu.memory_space<vmem>> -> memref<1x8x8x129xf32, #tpu.memory_space<vmem>>
        %scatter3A_1097 = tpu.memref_squeeze %scatter3A_1096 : memref<1x8x8x129xf32, #tpu.memory_space<vmem>> -> memref<8x8x129xf32, #tpu.memory_space<vmem>>
        tpu.vector_store_idx %scatter3A_1097[%select_n3A_205, %select_n3A_303, %add3A_1049], %add3A_1091 : memref<8x8x129xf32, #tpu.memory_space<vmem>>[vector<16xi32>, vector<16xi32>, vector<16xi32>], vector<16xf32>,
        %scan3A_1098 = arith.constant 2 : i32
        %scan3A_1099 = arith.addi %scan3A_988, %scan3A_1098 : i32
        %mul3A_1100 = arith.constant 1 : i32
        %mul3A_1101 = arith.muli %scan3A_1099, %mul3A_1100 : i32
        %add3A_1102 = arith.constant 0 : i32
        %add3A_1103 = arith.addi %add3A_1102, %mul3A_1101 : i32
        %add3A_1104 = vector.broadcast %add3A_1103 : i32 to vector<16xi32>
        %add3A_1105 = arith.addi %broadcast_in_dim3A_77, %add3A_1104 : vector<16xi32>
        %get3A_1106 = arith.constant 3 : i32
        %get3A_1107 = arith.index_cast %get3A_1106 : i32 to index
        %get3A_1108 = arith.index_cast %add3A_1103 : i32 to index
        %get3A_1109 = arith.constant 0 : index
        %get3A_1110 = tpu.vector_load %arg8[%get3A_1107, %get3A_1108, %get3A_1109] {strides = array<i32>} : memref<5x128x64xf32, #tpu.memory_space<vmem>>, vector<16xf32>,
        %add3A_1111 = arith.addf %get3A_1110, %get3A_832 : vector<16xf32>
        %scatter3A_1112 = arith.constant 3 : i32
        %scatter3A_1113 = arith.constant 0 : i32
        %scatter3A_1114 = arith.constant 0 : i32
        %scatter3A_1115 = arith.constant 0 : i32
        %scatter3A_1116 = tpu.memref_slice %arg9[%scatter3A_1112, %scatter3A_1113, %scatter3A_1114, %scatter3A_1115] : memref<5x8x8x129xf32, #tpu.memory_space<vmem>> -> memref<1x8x8x129xf32, #tpu.memory_space<vmem>>
        %scatter3A_1117 = tpu.memref_squeeze %scatter3A_1116 : memref<1x8x8x129xf32, #tpu.memory_space<vmem>> -> memref<8x8x129xf32, #tpu.memory_space<vmem>>
        tpu.vector_store_idx %scatter3A_1117[%select_n3A, %select_n3A_228, %add3A_1105], %add3A_1111 : memref<8x8x129xf32, #tpu.memory_space<vmem>>[vector<16xi32>, vector<16xi32>, vector<16xi32>], vector<16xf32>,
        %get3A_1118 = arith.constant 3 : i32
        %get3A_1119 = arith.index_cast %get3A_1118 : i32 to index
        %get3A_1120 = arith.index_cast %add3A_1103 : i32 to index
        %get3A_1121 = arith.constant 16 : index
        %get3A_1122 = tpu.vector_load %arg8[%get3A_1119, %get3A_1120, %get3A_1121] {strides = array<i32>} : memref<5x128x64xf32, #tpu.memory_space<vmem>>, vector<16xf32>,
        %add3A_1123 = arith.addf %get3A_1122, %get3A_835 : vector<16xf32>
        %scatter3A_1124 = arith.constant 3 : i32
        %scatter3A_1125 = arith.constant 0 : i32
        %scatter3A_1126 = arith.constant 0 : i32
        %scatter3A_1127 = arith.constant 0 : i32
        %scatter3A_1128 = tpu.memref_slice %arg9[%scatter3A_1124, %scatter3A_1125, %scatter3A_1126, %scatter3A_1127] : memref<5x8x8x129xf32, #tpu.memory_space<vmem>> -> memref<1x8x8x129xf32, #tpu.memory_space<vmem>>
        %scatter3A_1129 = tpu.memref_squeeze %scatter3A_1128 : memref<1x8x8x129xf32, #tpu.memory_space<vmem>> -> memref<8x8x129xf32, #tpu.memory_space<vmem>>
        tpu.vector_store_idx %scatter3A_1129[%select_n3A_137, %select_n3A_253, %add3A_1105], %add3A_1123 : memref<8x8x129xf32, #tpu.memory_space<vmem>>[vector<16xi32>, vector<16xi32>, vector<16xi32>], vector<16xf32>,
        %get3A_1130 = arith.constant 3 : i32
        %get3A_1131 = arith.index_cast %get3A_1130 : i32 to index
        %get3A_1132 = arith.index_cast %add3A_1103 : i32 to index
        %get3A_1133 = arith.constant 32 : index
        %get3A_1134 = tpu.vector_load %arg8[%get3A_1131, %get3A_1132, %get3A_1133] {strides = array<i32>} : memref<5x128x64xf32, #tpu.memory_space<vmem>>, vector<16xf32>,
        %add3A_1135 = arith.addf %get3A_1134, %get3A_838 : vector<16xf32>
        %scatter3A_1136 = arith.constant 3 : i32
        %scatter3A_1137 = arith.constant 0 : i32
        %scatter3A_1138 = arith.constant 0 : i32
        %scatter3A_1139 = arith.constant 0 : i32
        %scatter3A_1140 = tpu.memref_slice %arg9[%scatter3A_1136, %scatter3A_1137, %scatter3A_1138, %scatter3A_1139] : memref<5x8x8x129xf32, #tpu.memory_space<vmem>> -> memref<1x8x8x129xf32, #tpu.memory_space<vmem>>
        %scatter3A_1141 = tpu.memref_squeeze %scatter3A_1140 : memref<1x8x8x129xf32, #tpu.memory_space<vmem>> -> memref<8x8x129xf32, #tpu.memory_space<vmem>>
        tpu.vector_store_idx %scatter3A_1141[%select_n3A_171, %select_n3A_278, %add3A_1105], %add3A_1135 : memref<8x8x129xf32, #tpu.memory_space<vmem>>[vector<16xi32>, vector<16xi32>, vector<16xi32>], vector<16xf32>,
        %get3A_1142 = arith.constant 3 : i32
        %get3A_1143 = arith.index_cast %get3A_1142 : i32 to index
        %get3A_1144 = arith.index_cast %add3A_1103 : i32 to index
        %get3A_1145 = arith.constant 48 : index
        %get3A_1146 = tpu.vector_load %arg8[%get3A_1143, %get3A_1144, %get3A_1145] {strides = array<i32>} : memref<5x128x64xf32, #tpu.memory_space<vmem>>, vector<16xf32>,
        %add3A_1147 = arith.addf %get3A_1146, %get3A_841 : vector<16xf32>
        %scatter3A_1148 = arith.constant 3 : i32
        %scatter3A_1149 = arith.constant 0 : i32
        %scatter3A_1150 = arith.constant 0 : i32
        %scatter3A_1151 = arith.constant 0 : i32
        %scatter3A_1152 = tpu.memref_slice %arg9[%scatter3A_1148, %scatter3A_1149, %scatter3A_1150, %scatter3A_1151] : memref<5x8x8x129xf32, #tpu.memory_space<vmem>> -> memref<1x8x8x129xf32, #tpu.memory_space<vmem>>
        %scatter3A_1153 = tpu.memref_squeeze %scatter3A_1152 : memref<1x8x8x129xf32, #tpu.memory_space<vmem>> -> memref<8x8x129xf32, #tpu.memory_space<vmem>>
        tpu.vector_store_idx %scatter3A_1153[%select_n3A_205, %select_n3A_303, %add3A_1105], %add3A_1147 : memref<8x8x129xf32, #tpu.memory_space<vmem>>[vector<16xi32>, vector<16xi32>, vector<16xi32>], vector<16xf32>,
        %scan3A_1154 = arith.constant 3 : i32
        %scan3A_1155 = arith.addi %scan3A_988, %scan3A_1154 : i32
        %mul3A_1156 = arith.constant 1 : i32
        %mul3A_1157 = arith.muli %scan3A_1155, %mul3A_1156 : i32
        %add3A_1158 = arith.constant 0 : i32
        %add3A_1159 = arith.addi %add3A_1158, %mul3A_1157 : i32
        %add3A_1160 = vector.broadcast %add3A_1159 : i32 to vector<16xi32>
        %add3A_1161 = arith.addi %broadcast_in_dim3A_77, %add3A_1160 : vector<16xi32>
        %get3A_1162 = arith.constant 3 : i32
        %get3A_1163 = arith.index_cast %get3A_1162 : i32 to index
        %get3A_1164 = arith.index_cast %add3A_1159 : i32 to index
        %get3A_1165 = arith.constant 0 : index
        %get3A_1166 = tpu.vector_load %arg8[%get3A_1163, %get3A_1164, %get3A_1165] {strides = array<i32>} : memref<5x128x64xf32, #tpu.memory_space<vmem>>, vector<16xf32>,
        %add3A_1167 = arith.addf %get3A_1166, %get3A_832 : vector<16xf32>
        %scatter3A_1168 = arith.constant 3 : i32
        %scatter3A_1169 = arith.constant 0 : i32
        %scatter3A_1170 = arith.constant 0 : i32
        %scatter3A_1171 = arith.constant 0 : i32
        %scatter3A_1172 = tpu.memref_slice %arg9[%scatter3A_1168, %scatter3A_1169, %scatter3A_1170, %scatter3A_1171] : memref<5x8x8x129xf32, #tpu.memory_space<vmem>> -> memref<1x8x8x129xf32, #tpu.memory_space<vmem>>
        %scatter3A_1173 = tpu.memref_squeeze %scatter3A_1172 : memref<1x8x8x129xf32, #tpu.memory_space<vmem>> -> memref<8x8x129xf32, #tpu.memory_space<vmem>>
        tpu.vector_store_idx %scatter3A_1173[%select_n3A, %select_n3A_228, %add3A_1161], %add3A_1167 : memref<8x8x129xf32, #tpu.memory_space<vmem>>[vector<16xi32>, vector<16xi32>, vector<16xi32>], vector<16xf32>,
        %get3A_1174 = arith.constant 3 : i32
        %get3A_1175 = arith.index_cast %get3A_1174 : i32 to index
        %get3A_1176 = arith.index_cast %add3A_1159 : i32 to index
        %get3A_1177 = arith.constant 16 : index
        %get3A_1178 = tpu.vector_load %arg8[%get3A_1175, %get3A_1176, %get3A_1177] {strides = array<i32>} : memref<5x128x64xf32, #tpu.memory_space<vmem>>, vector<16xf32>,
        %add3A_1179 = arith.addf %get3A_1178, %get3A_835 : vector<16xf32>
        %scatter3A_1180 = arith.constant 3 : i32
        %scatter3A_1181 = arith.constant 0 : i32
        %scatter3A_1182 = arith.constant 0 : i32
        %scatter3A_1183 = arith.constant 0 : i32
        %scatter3A_1184 = tpu.memref_slice %arg9[%scatter3A_1180, %scatter3A_1181, %scatter3A_1182, %scatter3A_1183] : memref<5x8x8x129xf32, #tpu.memory_space<vmem>> -> memref<1x8x8x129xf32, #tpu.memory_space<vmem>>
        %scatter3A_1185 = tpu.memref_squeeze %scatter3A_1184 : memref<1x8x8x129xf32, #tpu.memory_space<vmem>> -> memref<8x8x129xf32, #tpu.memory_space<vmem>>
        tpu.vector_store_idx %scatter3A_1185[%select_n3A_137, %select_n3A_253, %add3A_1161], %add3A_1179 : memref<8x8x129xf32, #tpu.memory_space<vmem>>[vector<16xi32>, vector<16xi32>, vector<16xi32>], vector<16xf32>,
        %get3A_1186 = arith.constant 3 : i32
        %get3A_1187 = arith.index_cast %get3A_1186 : i32 to index
        %get3A_1188 = arith.index_cast %add3A_1159 : i32 to index
        %get3A_1189 = arith.constant 32 : index
        %get3A_1190 = tpu.vector_load %arg8[%get3A_1187, %get3A_1188, %get3A_1189] {strides = array<i32>} : memref<5x128x64xf32, #tpu.memory_space<vmem>>, vector<16xf32>,
        %add3A_1191 = arith.addf %get3A_1190, %get3A_838 : vector<16xf32>
        %scatter3A_1192 = arith.constant 3 : i32
        %scatter3A_1193 = arith.constant 0 : i32
        %scatter3A_1194 = arith.constant 0 : i32
        %scatter3A_1195 = arith.constant 0 : i32
        %scatter3A_1196 = tpu.memref_slice %arg9[%scatter3A_1192, %scatter3A_1193, %scatter3A_1194, %scatter3A_1195] : memref<5x8x8x129xf32, #tpu.memory_space<vmem>> -> memref<1x8x8x129xf32, #tpu.memory_space<vmem>>
        %scatter3A_1197 = tpu.memref_squeeze %scatter3A_1196 : memref<1x8x8x129xf32, #tpu.memory_space<vmem>> -> memref<8x8x129xf32, #tpu.memory_space<vmem>>
        tpu.vector_store_idx %scatter3A_1197[%select_n3A_171, %select_n3A_278, %add3A_1161], %add3A_1191 : memref<8x8x129xf32, #tpu.memory_space<vmem>>[vector<16xi32>, vector<16xi32>, vector<16xi32>], vector<16xf32>,
        %get3A_1198 = arith.constant 3 : i32
        %get3A_1199 = arith.index_cast %get3A_1198 : i32 to index
        %get3A_1200 = arith.index_cast %add3A_1159 : i32 to index
        %get3A_1201 = arith.constant 48 : index
        %get3A_1202 = tpu.vector_load %arg8[%get3A_1199, %get3A_1200, %get3A_1201] {strides = array<i32>} : memref<5x128x64xf32, #tpu.memory_space<vmem>>, vector<16xf32>,
        %add3A_1203 = arith.addf %get3A_1202, %get3A_841 : vector<16xf32>
        %scatter3A_1204 = arith.constant 3 : i32
        %scatter3A_1205 = arith.constant 0 : i32
        %scatter3A_1206 = arith.constant 0 : i32
        %scatter3A_1207 = arith.constant 0 : i32
        %scatter3A_1208 = tpu.memref_slice %arg9[%scatter3A_1204, %scatter3A_1205, %scatter3A_1206, %scatter3A_1207] : memref<5x8x8x129xf32, #tpu.memory_space<vmem>> -> memref<1x8x8x129xf32, #tpu.memory_space<vmem>>
        %scatter3A_1209 = tpu.memref_squeeze %scatter3A_1208 : memref<1x8x8x129xf32, #tpu.memory_space<vmem>> -> memref<8x8x129xf32, #tpu.memory_space<vmem>>
        tpu.vector_store_idx %scatter3A_1209[%select_n3A_205, %select_n3A_303, %add3A_1161], %add3A_1203 : memref<8x8x129xf32, #tpu.memory_space<vmem>>[vector<16xi32>, vector<16xi32>, vector<16xi32>], vector<16xf32>,
      }
      %scan3A_846 = arith.constant 128 : i32
      %add3A_847 = arith.constant 5 : i32
      %add3A_848 = arith.addi %add3A_769, %add3A_847 : i32
      %lt3A_849 = arith.constant 50 : i32
      %lt3A_850 = arith.cmpi slt, %add3A_848, %lt3A_849 : i32
      %convert_element_type3A_851 = arith.extui %lt3A_850 : i1 to i32
      %cond3A_852 = arith.constant 0 : i32
      %cond3A_853 = arith.cmpi ne, %convert_element_type3A_851, %cond3A_852 : i32
      scf.if %cond3A_853 {
        %add3A_988 = arith.constant 5 : i32
        %add3A_989 = arith.addi %add3A_769, %add3A_988 : i32
        %dma_start3A_990 = arith.constant 3 : i32
        %dma_start3A_991 = arith.constant 3 : i32
        %dma_start3A_992 = arith.constant 0 : i32
        %dma_start3A_993 = arith.constant 0 : i32
        %dma_start3A_994 = tpu.memref_slice %arg8[%dma_start3A_990, %dma_start3A_992, %dma_start3A_993] : memref<5x128x64xf32, #tpu.memory_space<vmem>> -> memref<1x128x64xf32, #tpu.memory_space<vmem>>
        %dma_start3A_995 = tpu.memref_squeeze %dma_start3A_994 : memref<1x128x64xf32, #tpu.memory_space<vmem>> -> memref<128x64xf32, #tpu.memory_space<vmem>>
        %dma_start3A_996 = arith.constant 0 : i32
        %dma_start3A_997 = tpu.memref_slice %arg6[%add3A_989, %dma_start3A_996] : memref<50x128xi32, #tpu.memory_space<vmem>> -> memref<1x128xi32, #tpu.memory_space<vmem>>
        %dma_start3A_998 = tpu.memref_squeeze %dma_start3A_997 : memref<1x128xi32, #tpu.memory_space<vmem>> -> memref<128xi32, #tpu.memory_space<vmem>>
        %dma_start3A_999 = arith.constant 0 : i32
        %dma_start3A_1000 = arith.constant 0 : i32
        %dma_start3A_1001 = tpu.memref_slice %arg3[%dma_start3A_999, %dma_start3A_1000] : memref<1000000x64xf32, #tpu.memory_space<hbm>> -> memref<1000000x64xf32, #tpu.memory_space<hbm>>
        %dma_start3A_1002 = tpu.memref_slice %arg10[%dma_start3A_991] : memref<5x!tpu.dma_semaphore, #tpu.memory_space<semaphore_mem>> -> memref<1x!tpu.dma_semaphore, #tpu.memory_space<semaphore_mem>>
        %dma_start3A_1003 = tpu.memref_squeeze %dma_start3A_1002 : memref<1x!tpu.dma_semaphore, #tpu.memory_space<semaphore_mem>> -> memref<!tpu.dma_semaphore, #tpu.memory_space<semaphore_mem>>
        tpu.enqueue_indirect_dma source(%dma_start3A_1001 : memref<1000000x64xf32, #tpu.memory_space<hbm>>) target(%dma_start3A_995 : memref<128x64xf32, #tpu.memory_space<vmem>>) offsets(%dma_start3A_998 : memref<128xi32, #tpu.memory_space<vmem>>) semaphore(%dma_start3A_1003 : memref<!tpu.dma_semaphore, #tpu.memory_space<semaphore_mem>>)
      } else {
      }
      %dma_start3A_854 = arith.constant 3 : i32
      %dma_start3A_855 = arith.constant 3 : i32
      %dma_start3A_856 = arith.constant 0 : i32
      %dma_start3A_857 = arith.constant 0 : i32
      %dma_start3A_858 = arith.constant 0 : i32
      %dma_start3A_859 = tpu.memref_slice %arg9[%dma_start3A_854, %dma_start3A_856, %dma_start3A_857, %dma_start3A_858] : memref<5x8x8x129xf32, #tpu.memory_space<vmem>> -> memref<1x8x8x128xf32, #tpu.memory_space<vmem>>
      %dma_start3A_860 = tpu.memref_squeeze %dma_start3A_859 : memref<1x8x8x128xf32, #tpu.memory_space<vmem>> -> memref<8x8x128xf32, #tpu.memory_space<vmem>>
      %dma_start3A_861 = arith.constant 0 : i32
      %dma_start3A_862 = arith.constant 0 : i32
      %dma_start3A_863 = arith.constant 0 : i32
      %dma_start3A_864 = tpu.memref_slice %arg5[%select_n3A_794, %dma_start3A_861, %select_n3A_810, %dma_start3A_862, %dma_start3A_863] : memref<50x8x32x8x128xf32, #tpu.memory_space<hbm>> -> memref<1x8x1x8x128xf32, #tpu.memory_space<hbm>>
      %dma_start3A_865 = tpu.memref_squeeze %dma_start3A_864 : memref<1x8x1x8x128xf32, #tpu.memory_space<hbm>> -> memref<8x8x128xf32, #tpu.memory_space<hbm>>
      %dma_start3A_866 = tpu.memref_slice %arg11[%dma_start3A_855] : memref<5x!tpu.dma_semaphore, #tpu.memory_space<semaphore_mem>> -> memref<1x!tpu.dma_semaphore, #tpu.memory_space<semaphore_mem>>
      %dma_start3A_867 = tpu.memref_squeeze %dma_start3A_866 : memref<1x!tpu.dma_semaphore, #tpu.memory_space<semaphore_mem>> -> memref<!tpu.dma_semaphore, #tpu.memory_space<semaphore_mem>>
      %dma_start3A_868 = arith.constant 0 : i32
      %dma_start3A_869 = arith.constant 0 : i32
      %dma_start3A_870 = arith.constant 0 : i32
      %dma_start3A_871 = tpu.memref_slice %arg5[%select_n3A_794, %dma_start3A_868, %select_n3A_810, %dma_start3A_869, %dma_start3A_870] : memref<50x8x32x8x128xf32, #tpu.memory_space<hbm>> -> memref<1x8x1x8x128xf32, #tpu.memory_space<hbm>>
      %dma_start3A_872 = tpu.memref_squeeze %dma_start3A_871 : memref<1x8x1x8x128xf32, #tpu.memory_space<hbm>> -> memref<8x8x128xf32, #tpu.memory_space<hbm>>
      %dma_start3A_873 = arith.constant 0 : i32
      %dma_start3A_874 = arith.constant 0 : i32
      %dma_start3A_875 = arith.constant 0 : i32
      %dma_start3A_876 = tpu.memref_slice %arg9[%dma_start3A_854, %dma_start3A_873, %dma_start3A_874, %dma_start3A_875] : memref<5x8x8x129xf32, #tpu.memory_space<vmem>> -> memref<1x8x8x128xf32, #tpu.memory_space<vmem>>
      %dma_start3A_877 = tpu.memref_squeeze %dma_start3A_876 : memref<1x8x8x128xf32, #tpu.memory_space<vmem>> -> memref<8x8x128xf32, #tpu.memory_space<vmem>>
      tpu.enqueue_dma source(%dma_start3A_877 : memref<8x8x128xf32, #tpu.memory_space<vmem>>) target(%dma_start3A_872 : memref<8x8x128xf32, #tpu.memory_space<hbm>>) target_semaphore(%dma_start3A_867 : memref<!tpu.dma_semaphore, #tpu.memory_space<semaphore_mem>>)
      %add3A_878 = arith.constant 4 : i32
      %add3A_879 = arith.addi %add3A_441, %add3A_878 : i32
      %add3A_880 = arith.addi %mul3A_2, %add3A_879 : i32
      %jit3A_881 = arith.constant 32 : i32
      %div3A_882 = arith.divsi %add3A_880, %jit3A_881 : i32
      %sign3A_883 = arith.constant 0 : i32
      %sign3A_884 = arith.cmpi sgt, %add3A_880, %sign3A_883 : i32
      %sign3A_885 = arith.extui %sign3A_884 : i1 to i32
      %sign3A_886 = arith.constant 0 : i32
      %sign3A_887 = arith.cmpi slt, %add3A_880, %sign3A_886 : i32
      %sign3A_888 = arith.extui %sign3A_887 : i1 to i32
      %sign3A_889 = arith.subi %sign3A_885, %sign3A_888 : i32
      %sign3A_890 = arith.constant 0 : i32
      %sign3A_891 = arith.cmpi sgt, %jit3A_881, %sign3A_890 : i32
      %sign3A_892 = arith.extui %sign3A_891 : i1 to i32
      %sign3A_893 = arith.constant 0 : i32
      %sign3A_894 = arith.cmpi slt, %jit3A_881, %sign3A_893 : i32
      %sign3A_895 = arith.extui %sign3A_894 : i1 to i32
      %sign3A_896 = arith.subi %sign3A_892, %sign3A_895 : i32
      %ne3A_897 = arith.cmpi ne, %sign3A_889, %sign3A_896 : i32
      %rem3A_898 = arith.remsi %add3A_880, %jit3A_881 : i32
      %ne3A_899 = arith.constant 0 : i32
      %ne3A_900 = arith.cmpi ne, %rem3A_898, %ne3A_899 : i32
      %and3A_901 = arith.andi %ne3A_897, %ne3A_900 : i1
      %sub3A_902 = arith.constant 1 : i32
      %sub3A_903 = arith.subi %div3A_882, %sub3A_902 : i32
      %select_n3A_904 = arith.select %and3A_901, %sub3A_903, %div3A_882 : i32
      %jit3A_905 = arith.constant 32 : i32
      %eq3A_906 = arith.constant 0 : i32
      %eq3A_907 = arith.cmpi eq, %jit3A_905, %eq3A_906 : i32
      %jit3A_908 = arith.constant 1 : i32
      %select_n3A_909 = arith.select %eq3A_907, %jit3A_908, %jit3A_905 : i32
      %rem3A_910 = arith.remsi %add3A_880, %select_n3A_909 : i32
      %ne3A_911 = arith.constant 0 : i32
      %ne3A_912 = arith.cmpi ne, %rem3A_910, %ne3A_911 : i32
      %lt3A_913 = arith.constant 0 : i32
      %lt3A_914 = arith.cmpi slt, %rem3A_910, %lt3A_913 : i32
      %lt3A_915 = arith.constant 0 : i32
      %lt3A_916 = arith.cmpi slt, %select_n3A_909, %lt3A_915 : i32
      %ne3A_917 = arith.xori %lt3A_914, %lt3A_916 : i1
      %and3A_918 = arith.andi %ne3A_917, %ne3A_912 : i1
      %add3A_919 = arith.addi %rem3A_910, %select_n3A_909 : i32
      %select_n3A_920 = arith.select %and3A_918, %add3A_919, %rem3A_910 : i32
      %dma_wait3A_921 = arith.constant 4 : i32
      %dma_wait3A_922 = arith.constant 4 : i32
      %dma_wait3A_923 = arith.constant 0 : i32
      %dma_wait3A_924 = arith.constant 0 : i32
      %dma_wait3A_925 = tpu.memref_slice %arg8[%dma_wait3A_921, %dma_wait3A_923, %dma_wait3A_924] : memref<5x128x64xf32, #tpu.memory_space<vmem>> -> memref<1x128x64xf32, #tpu.memory_space<vmem>>
      %dma_wait3A_926 = tpu.memref_squeeze %dma_wait3A_925 : memref<1x128x64xf32, #tpu.memory_space<vmem>> -> memref<128x64xf32, #tpu.memory_space<vmem>>
      %dma_wait3A_927 = arith.constant 0 : i32
      %dma_wait3A_928 = tpu.memref_slice %arg6[%add3A_879, %dma_wait3A_927] : memref<50x128xi32, #tpu.memory_space<vmem>> -> memref<1x128xi32, #tpu.memory_space<vmem>>
      %dma_wait3A_929 = tpu.memref_squeeze %dma_wait3A_928 : memref<1x128xi32, #tpu.memory_space<vmem>> -> memref<128xi32, #tpu.memory_space<vmem>>
      %dma_wait3A_930 = arith.constant 0 : i32
      %dma_wait3A_931 = arith.constant 0 : i32
      %dma_wait3A_932 = tpu.memref_slice %arg3[%dma_wait3A_930, %dma_wait3A_931] : memref<1000000x64xf32, #tpu.memory_space<hbm>> -> memref<1000000x64xf32, #tpu.memory_space<hbm>>
      %dma_wait3A_933 = tpu.memref_slice %arg10[%dma_wait3A_922] : memref<5x!tpu.dma_semaphore, #tpu.memory_space<semaphore_mem>> -> memref<1x!tpu.dma_semaphore, #tpu.memory_space<semaphore_mem>>
      %dma_wait3A_934 = tpu.memref_squeeze %dma_wait3A_933 : memref<1x!tpu.dma_semaphore, #tpu.memory_space<semaphore_mem>> -> memref<!tpu.dma_semaphore, #tpu.memory_space<semaphore_mem>>
      tpu.wait_indirect_dma semaphore(%dma_wait3A_934 : memref<!tpu.dma_semaphore, #tpu.memory_space<semaphore_mem>>) src(%dma_wait3A_932 : memref<1000000x64xf32, #tpu.memory_space<hbm>>) dst(%dma_wait3A_926 : memref<128x64xf32, #tpu.memory_space<vmem>>)
      %gt3A_935 = arith.constant 0 : i32
      %gt3A_936 = arith.cmpi sgt, %add3A_441, %gt3A_935 : i32
      %convert_element_type3A_937 = arith.extui %gt3A_936 : i1 to i32
      %cond3A_938 = arith.constant 0 : i32
      %cond3A_939 = arith.cmpi ne, %convert_element_type3A_937, %cond3A_938 : i32
      scf.if %cond3A_939 {
        %dma_wait3A_988 = arith.constant 4 : i32
        %dma_wait3A_989 = arith.constant 0 : i32
        %dma_wait3A_990 = arith.constant 0 : i32
        %dma_wait3A_991 = arith.constant 4 : i32
        %dma_wait3A_992 = arith.constant 0 : i32
        %dma_wait3A_993 = arith.constant 0 : i32
        %dma_wait3A_994 = arith.constant 0 : i32
        %dma_wait3A_995 = tpu.memref_slice %arg9[%dma_wait3A_988, %dma_wait3A_992, %dma_wait3A_993, %dma_wait3A_994] : memref<5x8x8x129xf32, #tpu.memory_space<vmem>> -> memref<1x8x8x128xf32, #tpu.memory_space<vmem>>
        %dma_wait3A_996 = tpu.memref_squeeze %dma_wait3A_995 : memref<1x8x8x128xf32, #tpu.memory_space<vmem>> -> memref<8x8x128xf32, #tpu.memory_space<vmem>>
        %dma_wait3A_997 = arith.constant 0 : i32
        %dma_wait3A_998 = arith.constant 0 : i32
        %dma_wait3A_999 = arith.constant 0 : i32
        %dma_wait3A_1000 = tpu.memref_slice %arg5[%dma_wait3A_989, %dma_wait3A_997, %dma_wait3A_990, %dma_wait3A_998, %dma_wait3A_999] : memref<50x8x32x8x128xf32, #tpu.memory_space<hbm>> -> memref<1x8x1x8x128xf32, #tpu.memory_space<hbm>>
        %dma_wait3A_1001 = tpu.memref_squeeze %dma_wait3A_1000 : memref<1x8x1x8x128xf32, #tpu.memory_space<hbm>> -> memref<8x8x128xf32, #tpu.memory_space<hbm>>
        %dma_wait3A_1002 = tpu.memref_slice %arg11[%dma_wait3A_991] : memref<5x!tpu.dma_semaphore, #tpu.memory_space<semaphore_mem>> -> memref<1x!tpu.dma_semaphore, #tpu.memory_space<semaphore_mem>>
        %dma_wait3A_1003 = tpu.memref_squeeze %dma_wait3A_1002 : memref<1x!tpu.dma_semaphore, #tpu.memory_space<semaphore_mem>> -> memref<!tpu.dma_semaphore, #tpu.memory_space<semaphore_mem>>
        %dma_wait3A_1004 = arith.constant 0 : i32
        %dma_wait3A_1005 = arith.constant 0 : i32
        %dma_wait3A_1006 = arith.constant 0 : i32
        %dma_wait3A_1007 = tpu.memref_slice %arg5[%dma_wait3A_989, %dma_wait3A_1004, %dma_wait3A_990, %dma_wait3A_1005, %dma_wait3A_1006] : memref<50x8x32x8x128xf32, #tpu.memory_space<hbm>> -> memref<1x8x1x8x128xf32, #tpu.memory_space<hbm>>
        %dma_wait3A_1008 = tpu.memref_squeeze %dma_wait3A_1007 : memref<1x8x1x8x128xf32, #tpu.memory_space<hbm>> -> memref<8x8x128xf32, #tpu.memory_space<hbm>>
        %dma_wait3A_1009 = arith.constant 0 : i32
        %dma_wait3A_1010 = arith.constant 0 : i32
        %dma_wait3A_1011 = arith.constant 0 : i32
        %dma_wait3A_1012 = tpu.memref_slice %arg9[%dma_wait3A_988, %dma_wait3A_1009, %dma_wait3A_1010, %dma_wait3A_1011] : memref<5x8x8x129xf32, #tpu.memory_space<vmem>> -> memref<1x8x8x128xf32, #tpu.memory_space<vmem>>
        %dma_wait3A_1013 = tpu.memref_squeeze %dma_wait3A_1012 : memref<1x8x8x128xf32, #tpu.memory_space<vmem>> -> memref<8x8x128xf32, #tpu.memory_space<vmem>>
        tpu.wait_dma2 semaphore(%dma_wait3A_1003 : memref<!tpu.dma_semaphore, #tpu.memory_space<semaphore_mem>>) src(%dma_wait3A_1013 : memref<8x8x128xf32, #tpu.memory_space<vmem>>) dst(%dma_wait3A_1008 : memref<8x8x128xf32, #tpu.memory_space<hbm>>)
      } else {
      }
      %get3A_940 = arith.index_cast %select_n3A_904 : i32 to index
      %get3A_941 = arith.constant 0 : index
      %get3A_942 = tpu.vector_load %arg7[%get3A_940, %get3A_941] {strides = array<i32>} : memref<200x64xf32, #tpu.memory_space<vmem>>, vector<16xf32>,
      %get3A_943 = arith.index_cast %select_n3A_904 : i32 to index
      %get3A_944 = arith.constant 16 : index
      %get3A_945 = tpu.vector_load %arg7[%get3A_943, %get3A_944] {strides = array<i32>} : memref<200x64xf32, #tpu.memory_space<vmem>>, vector<16xf32>,
      %get3A_946 = arith.index_cast %select_n3A_904 : i32 to index
      %get3A_947 = arith.constant 32 : index
      %get3A_948 = tpu.vector_load %arg7[%get3A_946, %get3A_947] {strides = array<i32>} : memref<200x64xf32, #tpu.memory_space<vmem>>, vector<16xf32>,
      %get3A_949 = arith.index_cast %select_n3A_904 : i32 to index
      %get3A_950 = arith.constant 48 : index
      %get3A_951 = tpu.vector_load %arg7[%get3A_949, %get3A_950] {strides = array<i32>} : memref<200x64xf32, #tpu.memory_space<vmem>>, vector<16xf32>,
      %scan3A_952 = arith.constant 0 : i32
      %scan3A_953 = arith.constant 128 : i32
      %scan3A_954 = arith.addi %scan3A_952, %scan3A_953 : i32
      %scan3A_955 = arith.constant 4 : i32
      scf.for %scan3A_988 = %scan3A_952 to %scan3A_954 step %scan3A_955  : i32 {
        %mul3A_989 = arith.constant 1 : i32
        %mul3A_990 = arith.muli %scan3A_988, %mul3A_989 : i32
        %add3A_991 = arith.constant 0 : i32
        %add3A_992 = arith.addi %add3A_991, %mul3A_990 : i32
        %add3A_993 = vector.broadcast %add3A_992 : i32 to vector<16xi32>
        %add3A_994 = arith.addi %broadcast_in_dim3A_77, %add3A_993 : vector<16xi32>
        %get3A_995 = arith.constant 4 : i32
        %get3A_996 = arith.index_cast %get3A_995 : i32 to index
        %get3A_997 = arith.index_cast %add3A_992 : i32 to index
        %get3A_998 = arith.constant 0 : index
        %get3A_999 = tpu.vector_load %arg8[%get3A_996, %get3A_997, %get3A_998] {strides = array<i32>} : memref<5x128x64xf32, #tpu.memory_space<vmem>>, vector<16xf32>,
        %add3A_1000 = arith.addf %get3A_999, %get3A_942 : vector<16xf32>
        %scatter3A = arith.constant 4 : i32
        %scatter3A_1001 = arith.constant 0 : i32
        %scatter3A_1002 = arith.constant 0 : i32
        %scatter3A_1003 = arith.constant 0 : i32
        %scatter3A_1004 = tpu.memref_slice %arg9[%scatter3A, %scatter3A_1001, %scatter3A_1002, %scatter3A_1003] : memref<5x8x8x129xf32, #tpu.memory_space<vmem>> -> memref<1x8x8x129xf32, #tpu.memory_space<vmem>>
        %scatter3A_1005 = tpu.memref_squeeze %scatter3A_1004 : memref<1x8x8x129xf32, #tpu.memory_space<vmem>> -> memref<8x8x129xf32, #tpu.memory_space<vmem>>
        tpu.vector_store_idx %scatter3A_1005[%select_n3A, %select_n3A_228, %add3A_994], %add3A_1000 : memref<8x8x129xf32, #tpu.memory_space<vmem>>[vector<16xi32>, vector<16xi32>, vector<16xi32>], vector<16xf32>,
        %get3A_1006 = arith.constant 4 : i32
        %get3A_1007 = arith.index_cast %get3A_1006 : i32 to index
        %get3A_1008 = arith.index_cast %add3A_992 : i32 to index
        %get3A_1009 = arith.constant 16 : index
        %get3A_1010 = tpu.vector_load %arg8[%get3A_1007, %get3A_1008, %get3A_1009] {strides = array<i32>} : memref<5x128x64xf32, #tpu.memory_space<vmem>>, vector<16xf32>,
        %add3A_1011 = arith.addf %get3A_1010, %get3A_945 : vector<16xf32>
        %scatter3A_1012 = arith.constant 4 : i32
        %scatter3A_1013 = arith.constant 0 : i32
        %scatter3A_1014 = arith.constant 0 : i32
        %scatter3A_1015 = arith.constant 0 : i32
        %scatter3A_1016 = tpu.memref_slice %arg9[%scatter3A_1012, %scatter3A_1013, %scatter3A_1014, %scatter3A_1015] : memref<5x8x8x129xf32, #tpu.memory_space<vmem>> -> memref<1x8x8x129xf32, #tpu.memory_space<vmem>>
        %scatter3A_1017 = tpu.memref_squeeze %scatter3A_1016 : memref<1x8x8x129xf32, #tpu.memory_space<vmem>> -> memref<8x8x129xf32, #tpu.memory_space<vmem>>
        tpu.vector_store_idx %scatter3A_1017[%select_n3A_137, %select_n3A_253, %add3A_994], %add3A_1011 : memref<8x8x129xf32, #tpu.memory_space<vmem>>[vector<16xi32>, vector<16xi32>, vector<16xi32>], vector<16xf32>,
        %get3A_1018 = arith.constant 4 : i32
        %get3A_1019 = arith.index_cast %get3A_1018 : i32 to index
        %get3A_1020 = arith.index_cast %add3A_992 : i32 to index
        %get3A_1021 = arith.constant 32 : index
        %get3A_1022 = tpu.vector_load %arg8[%get3A_1019, %get3A_1020, %get3A_1021] {strides = array<i32>} : memref<5x128x64xf32, #tpu.memory_space<vmem>>, vector<16xf32>,
        %add3A_1023 = arith.addf %get3A_1022, %get3A_948 : vector<16xf32>
        %scatter3A_1024 = arith.constant 4 : i32
        %scatter3A_1025 = arith.constant 0 : i32
        %scatter3A_1026 = arith.constant 0 : i32
        %scatter3A_1027 = arith.constant 0 : i32
        %scatter3A_1028 = tpu.memref_slice %arg9[%scatter3A_1024, %scatter3A_1025, %scatter3A_1026, %scatter3A_1027] : memref<5x8x8x129xf32, #tpu.memory_space<vmem>> -> memref<1x8x8x129xf32, #tpu.memory_space<vmem>>
        %scatter3A_1029 = tpu.memref_squeeze %scatter3A_1028 : memref<1x8x8x129xf32, #tpu.memory_space<vmem>> -> memref<8x8x129xf32, #tpu.memory_space<vmem>>
        tpu.vector_store_idx %scatter3A_1029[%select_n3A_171, %select_n3A_278, %add3A_994], %add3A_1023 : memref<8x8x129xf32, #tpu.memory_space<vmem>>[vector<16xi32>, vector<16xi32>, vector<16xi32>], vector<16xf32>,
        %get3A_1030 = arith.constant 4 : i32
        %get3A_1031 = arith.index_cast %get3A_1030 : i32 to index
        %get3A_1032 = arith.index_cast %add3A_992 : i32 to index
        %get3A_1033 = arith.constant 48 : index
        %get3A_1034 = tpu.vector_load %arg8[%get3A_1031, %get3A_1032, %get3A_1033] {strides = array<i32>} : memref<5x128x64xf32, #tpu.memory_space<vmem>>, vector<16xf32>,
        %add3A_1035 = arith.addf %get3A_1034, %get3A_951 : vector<16xf32>
        %scatter3A_1036 = arith.constant 4 : i32
        %scatter3A_1037 = arith.constant 0 : i32
        %scatter3A_1038 = arith.constant 0 : i32
        %scatter3A_1039 = arith.constant 0 : i32
        %scatter3A_1040 = tpu.memref_slice %arg9[%scatter3A_1036, %scatter3A_1037, %scatter3A_1038, %scatter3A_1039] : memref<5x8x8x129xf32, #tpu.memory_space<vmem>> -> memref<1x8x8x129xf32, #tpu.memory_space<vmem>>
        %scatter3A_1041 = tpu.memref_squeeze %scatter3A_1040 : memref<1x8x8x129xf32, #tpu.memory_space<vmem>> -> memref<8x8x129xf32, #tpu.memory_space<vmem>>
        tpu.vector_store_idx %scatter3A_1041[%select_n3A_205, %select_n3A_303, %add3A_994], %add3A_1035 : memref<8x8x129xf32, #tpu.memory_space<vmem>>[vector<16xi32>, vector<16xi32>, vector<16xi32>], vector<16xf32>,
        %scan3A_1042 = arith.constant 1 : i32
        %scan3A_1043 = arith.addi %scan3A_988, %scan3A_1042 : i32
        %mul3A_1044 = arith.constant 1 : i32
        %mul3A_1045 = arith.muli %scan3A_1043, %mul3A_1044 : i32
        %add3A_1046 = arith.constant 0 : i32
        %add3A_1047 = arith.addi %add3A_1046, %mul3A_1045 : i32
        %add3A_1048 = vector.broadcast %add3A_1047 : i32 to vector<16xi32>
        %add3A_1049 = arith.addi %broadcast_in_dim3A_77, %add3A_1048 : vector<16xi32>
        %get3A_1050 = arith.constant 4 : i32
        %get3A_1051 = arith.index_cast %get3A_1050 : i32 to index
        %get3A_1052 = arith.index_cast %add3A_1047 : i32 to index
        %get3A_1053 = arith.constant 0 : index
        %get3A_1054 = tpu.vector_load %arg8[%get3A_1051, %get3A_1052, %get3A_1053] {strides = array<i32>} : memref<5x128x64xf32, #tpu.memory_space<vmem>>, vector<16xf32>,
        %add3A_1055 = arith.addf %get3A_1054, %get3A_942 : vector<16xf32>
        %scatter3A_1056 = arith.constant 4 : i32
        %scatter3A_1057 = arith.constant 0 : i32
        %scatter3A_1058 = arith.constant 0 : i32
        %scatter3A_1059 = arith.constant 0 : i32
        %scatter3A_1060 = tpu.memref_slice %arg9[%scatter3A_1056, %scatter3A_1057, %scatter3A_1058, %scatter3A_1059] : memref<5x8x8x129xf32, #tpu.memory_space<vmem>> -> memref<1x8x8x129xf32, #tpu.memory_space<vmem>>
        %scatter3A_1061 = tpu.memref_squeeze %scatter3A_1060 : memref<1x8x8x129xf32, #tpu.memory_space<vmem>> -> memref<8x8x129xf32, #tpu.memory_space<vmem>>
        tpu.vector_store_idx %scatter3A_1061[%select_n3A, %select_n3A_228, %add3A_1049], %add3A_1055 : memref<8x8x129xf32, #tpu.memory_space<vmem>>[vector<16xi32>, vector<16xi32>, vector<16xi32>], vector<16xf32>,
        %get3A_1062 = arith.constant 4 : i32
        %get3A_1063 = arith.index_cast %get3A_1062 : i32 to index
        %get3A_1064 = arith.index_cast %add3A_1047 : i32 to index
        %get3A_1065 = arith.constant 16 : index
        %get3A_1066 = tpu.vector_load %arg8[%get3A_1063, %get3A_1064, %get3A_1065] {strides = array<i32>} : memref<5x128x64xf32, #tpu.memory_space<vmem>>, vector<16xf32>,
        %add3A_1067 = arith.addf %get3A_1066, %get3A_945 : vector<16xf32>
        %scatter3A_1068 = arith.constant 4 : i32
        %scatter3A_1069 = arith.constant 0 : i32
        %scatter3A_1070 = arith.constant 0 : i32
        %scatter3A_1071 = arith.constant 0 : i32
        %scatter3A_1072 = tpu.memref_slice %arg9[%scatter3A_1068, %scatter3A_1069, %scatter3A_1070, %scatter3A_1071] : memref<5x8x8x129xf32, #tpu.memory_space<vmem>> -> memref<1x8x8x129xf32, #tpu.memory_space<vmem>>
        %scatter3A_1073 = tpu.memref_squeeze %scatter3A_1072 : memref<1x8x8x129xf32, #tpu.memory_space<vmem>> -> memref<8x8x129xf32, #tpu.memory_space<vmem>>
        tpu.vector_store_idx %scatter3A_1073[%select_n3A_137, %select_n3A_253, %add3A_1049], %add3A_1067 : memref<8x8x129xf32, #tpu.memory_space<vmem>>[vector<16xi32>, vector<16xi32>, vector<16xi32>], vector<16xf32>,
        %get3A_1074 = arith.constant 4 : i32
        %get3A_1075 = arith.index_cast %get3A_1074 : i32 to index
        %get3A_1076 = arith.index_cast %add3A_1047 : i32 to index
        %get3A_1077 = arith.constant 32 : index
        %get3A_1078 = tpu.vector_load %arg8[%get3A_1075, %get3A_1076, %get3A_1077] {strides = array<i32>} : memref<5x128x64xf32, #tpu.memory_space<vmem>>, vector<16xf32>,
        %add3A_1079 = arith.addf %get3A_1078, %get3A_948 : vector<16xf32>
        %scatter3A_1080 = arith.constant 4 : i32
        %scatter3A_1081 = arith.constant 0 : i32
        %scatter3A_1082 = arith.constant 0 : i32
        %scatter3A_1083 = arith.constant 0 : i32
        %scatter3A_1084 = tpu.memref_slice %arg9[%scatter3A_1080, %scatter3A_1081, %scatter3A_1082, %scatter3A_1083] : memref<5x8x8x129xf32, #tpu.memory_space<vmem>> -> memref<1x8x8x129xf32, #tpu.memory_space<vmem>>
        %scatter3A_1085 = tpu.memref_squeeze %scatter3A_1084 : memref<1x8x8x129xf32, #tpu.memory_space<vmem>> -> memref<8x8x129xf32, #tpu.memory_space<vmem>>
        tpu.vector_store_idx %scatter3A_1085[%select_n3A_171, %select_n3A_278, %add3A_1049], %add3A_1079 : memref<8x8x129xf32, #tpu.memory_space<vmem>>[vector<16xi32>, vector<16xi32>, vector<16xi32>], vector<16xf32>,
        %get3A_1086 = arith.constant 4 : i32
        %get3A_1087 = arith.index_cast %get3A_1086 : i32 to index
        %get3A_1088 = arith.index_cast %add3A_1047 : i32 to index
        %get3A_1089 = arith.constant 48 : index
        %get3A_1090 = tpu.vector_load %arg8[%get3A_1087, %get3A_1088, %get3A_1089] {strides = array<i32>} : memref<5x128x64xf32, #tpu.memory_space<vmem>>, vector<16xf32>,
        %add3A_1091 = arith.addf %get3A_1090, %get3A_951 : vector<16xf32>
        %scatter3A_1092 = arith.constant 4 : i32
        %scatter3A_1093 = arith.constant 0 : i32
        %scatter3A_1094 = arith.constant 0 : i32
        %scatter3A_1095 = arith.constant 0 : i32
        %scatter3A_1096 = tpu.memref_slice %arg9[%scatter3A_1092, %scatter3A_1093, %scatter3A_1094, %scatter3A_1095] : memref<5x8x8x129xf32, #tpu.memory_space<vmem>> -> memref<1x8x8x129xf32, #tpu.memory_space<vmem>>
        %scatter3A_1097 = tpu.memref_squeeze %scatter3A_1096 : memref<1x8x8x129xf32, #tpu.memory_space<vmem>> -> memref<8x8x129xf32, #tpu.memory_space<vmem>>
        tpu.vector_store_idx %scatter3A_1097[%select_n3A_205, %select_n3A_303, %add3A_1049], %add3A_1091 : memref<8x8x129xf32, #tpu.memory_space<vmem>>[vector<16xi32>, vector<16xi32>, vector<16xi32>], vector<16xf32>,
        %scan3A_1098 = arith.constant 2 : i32
        %scan3A_1099 = arith.addi %scan3A_988, %scan3A_1098 : i32
        %mul3A_1100 = arith.constant 1 : i32
        %mul3A_1101 = arith.muli %scan3A_1099, %mul3A_1100 : i32
        %add3A_1102 = arith.constant 0 : i32
        %add3A_1103 = arith.addi %add3A_1102, %mul3A_1101 : i32
        %add3A_1104 = vector.broadcast %add3A_1103 : i32 to vector<16xi32>
        %add3A_1105 = arith.addi %broadcast_in_dim3A_77, %add3A_1104 : vector<16xi32>
        %get3A_1106 = arith.constant 4 : i32
        %get3A_1107 = arith.index_cast %get3A_1106 : i32 to index
        %get3A_1108 = arith.index_cast %add3A_1103 : i32 to index
        %get3A_1109 = arith.constant 0 : index
        %get3A_1110 = tpu.vector_load %arg8[%get3A_1107, %get3A_1108, %get3A_1109] {strides = array<i32>} : memref<5x128x64xf32, #tpu.memory_space<vmem>>, vector<16xf32>,
        %add3A_1111 = arith.addf %get3A_1110, %get3A_942 : vector<16xf32>
        %scatter3A_1112 = arith.constant 4 : i32
        %scatter3A_1113 = arith.constant 0 : i32
        %scatter3A_1114 = arith.constant 0 : i32
        %scatter3A_1115 = arith.constant 0 : i32
        %scatter3A_1116 = tpu.memref_slice %arg9[%scatter3A_1112, %scatter3A_1113, %scatter3A_1114, %scatter3A_1115] : memref<5x8x8x129xf32, #tpu.memory_space<vmem>> -> memref<1x8x8x129xf32, #tpu.memory_space<vmem>>
        %scatter3A_1117 = tpu.memref_squeeze %scatter3A_1116 : memref<1x8x8x129xf32, #tpu.memory_space<vmem>> -> memref<8x8x129xf32, #tpu.memory_space<vmem>>
        tpu.vector_store_idx %scatter3A_1117[%select_n3A, %select_n3A_228, %add3A_1105], %add3A_1111 : memref<8x8x129xf32, #tpu.memory_space<vmem>>[vector<16xi32>, vector<16xi32>, vector<16xi32>], vector<16xf32>,
        %get3A_1118 = arith.constant 4 : i32
        %get3A_1119 = arith.index_cast %get3A_1118 : i32 to index
        %get3A_1120 = arith.index_cast %add3A_1103 : i32 to index
        %get3A_1121 = arith.constant 16 : index
        %get3A_1122 = tpu.vector_load %arg8[%get3A_1119, %get3A_1120, %get3A_1121] {strides = array<i32>} : memref<5x128x64xf32, #tpu.memory_space<vmem>>, vector<16xf32>,
        %add3A_1123 = arith.addf %get3A_1122, %get3A_945 : vector<16xf32>
        %scatter3A_1124 = arith.constant 4 : i32
        %scatter3A_1125 = arith.constant 0 : i32
        %scatter3A_1126 = arith.constant 0 : i32
        %scatter3A_1127 = arith.constant 0 : i32
        %scatter3A_1128 = tpu.memref_slice %arg9[%scatter3A_1124, %scatter3A_1125, %scatter3A_1126, %scatter3A_1127] : memref<5x8x8x129xf32, #tpu.memory_space<vmem>> -> memref<1x8x8x129xf32, #tpu.memory_space<vmem>>
        %scatter3A_1129 = tpu.memref_squeeze %scatter3A_1128 : memref<1x8x8x129xf32, #tpu.memory_space<vmem>> -> memref<8x8x129xf32, #tpu.memory_space<vmem>>
        tpu.vector_store_idx %scatter3A_1129[%select_n3A_137, %select_n3A_253, %add3A_1105], %add3A_1123 : memref<8x8x129xf32, #tpu.memory_space<vmem>>[vector<16xi32>, vector<16xi32>, vector<16xi32>], vector<16xf32>,
        %get3A_1130 = arith.constant 4 : i32
        %get3A_1131 = arith.index_cast %get3A_1130 : i32 to index
        %get3A_1132 = arith.index_cast %add3A_1103 : i32 to index
        %get3A_1133 = arith.constant 32 : index
        %get3A_1134 = tpu.vector_load %arg8[%get3A_1131, %get3A_1132, %get3A_1133] {strides = array<i32>} : memref<5x128x64xf32, #tpu.memory_space<vmem>>, vector<16xf32>,
        %add3A_1135 = arith.addf %get3A_1134, %get3A_948 : vector<16xf32>
        %scatter3A_1136 = arith.constant 4 : i32
        %scatter3A_1137 = arith.constant 0 : i32
        %scatter3A_1138 = arith.constant 0 : i32
        %scatter3A_1139 = arith.constant 0 : i32
        %scatter3A_1140 = tpu.memref_slice %arg9[%scatter3A_1136, %scatter3A_1137, %scatter3A_1138, %scatter3A_1139] : memref<5x8x8x129xf32, #tpu.memory_space<vmem>> -> memref<1x8x8x129xf32, #tpu.memory_space<vmem>>
        %scatter3A_1141 = tpu.memref_squeeze %scatter3A_1140 : memref<1x8x8x129xf32, #tpu.memory_space<vmem>> -> memref<8x8x129xf32, #tpu.memory_space<vmem>>
        tpu.vector_store_idx %scatter3A_1141[%select_n3A_171, %select_n3A_278, %add3A_1105], %add3A_1135 : memref<8x8x129xf32, #tpu.memory_space<vmem>>[vector<16xi32>, vector<16xi32>, vector<16xi32>], vector<16xf32>,
        %get3A_1142 = arith.constant 4 : i32
        %get3A_1143 = arith.index_cast %get3A_1142 : i32 to index
        %get3A_1144 = arith.index_cast %add3A_1103 : i32 to index
        %get3A_1145 = arith.constant 48 : index
        %get3A_1146 = tpu.vector_load %arg8[%get3A_1143, %get3A_1144, %get3A_1145] {strides = array<i32>} : memref<5x128x64xf32, #tpu.memory_space<vmem>>, vector<16xf32>,
        %add3A_1147 = arith.addf %get3A_1146, %get3A_951 : vector<16xf32>
        %scatter3A_1148 = arith.constant 4 : i32
        %scatter3A_1149 = arith.constant 0 : i32
        %scatter3A_1150 = arith.constant 0 : i32
        %scatter3A_1151 = arith.constant 0 : i32
        %scatter3A_1152 = tpu.memref_slice %arg9[%scatter3A_1148, %scatter3A_1149, %scatter3A_1150, %scatter3A_1151] : memref<5x8x8x129xf32, #tpu.memory_space<vmem>> -> memref<1x8x8x129xf32, #tpu.memory_space<vmem>>
        %scatter3A_1153 = tpu.memref_squeeze %scatter3A_1152 : memref<1x8x8x129xf32, #tpu.memory_space<vmem>> -> memref<8x8x129xf32, #tpu.memory_space<vmem>>
        tpu.vector_store_idx %scatter3A_1153[%select_n3A_205, %select_n3A_303, %add3A_1105], %add3A_1147 : memref<8x8x129xf32, #tpu.memory_space<vmem>>[vector<16xi32>, vector<16xi32>, vector<16xi32>], vector<16xf32>,
        %scan3A_1154 = arith.constant 3 : i32
        %scan3A_1155 = arith.addi %scan3A_988, %scan3A_1154 : i32
        %mul3A_1156 = arith.constant 1 : i32
        %mul3A_1157 = arith.muli %scan3A_1155, %mul3A_1156 : i32
        %add3A_1158 = arith.constant 0 : i32
        %add3A_1159 = arith.addi %add3A_1158, %mul3A_1157 : i32
        %add3A_1160 = vector.broadcast %add3A_1159 : i32 to vector<16xi32>
        %add3A_1161 = arith.addi %broadcast_in_dim3A_77, %add3A_1160 : vector<16xi32>
        %get3A_1162 = arith.constant 4 : i32
        %get3A_1163 = arith.index_cast %get3A_1162 : i32 to index
        %get3A_1164 = arith.index_cast %add3A_1159 : i32 to index
        %get3A_1165 = arith.constant 0 : index
        %get3A_1166 = tpu.vector_load %arg8[%get3A_1163, %get3A_1164, %get3A_1165] {strides = array<i32>} : memref<5x128x64xf32, #tpu.memory_space<vmem>>, vector<16xf32>,
        %add3A_1167 = arith.addf %get3A_1166, %get3A_942 : vector<16xf32>
        %scatter3A_1168 = arith.constant 4 : i32
        %scatter3A_1169 = arith.constant 0 : i32
        %scatter3A_1170 = arith.constant 0 : i32
        %scatter3A_1171 = arith.constant 0 : i32
        %scatter3A_1172 = tpu.memref_slice %arg9[%scatter3A_1168, %scatter3A_1169, %scatter3A_1170, %scatter3A_1171] : memref<5x8x8x129xf32, #tpu.memory_space<vmem>> -> memref<1x8x8x129xf32, #tpu.memory_space<vmem>>
        %scatter3A_1173 = tpu.memref_squeeze %scatter3A_1172 : memref<1x8x8x129xf32, #tpu.memory_space<vmem>> -> memref<8x8x129xf32, #tpu.memory_space<vmem>>
        tpu.vector_store_idx %scatter3A_1173[%select_n3A, %select_n3A_228, %add3A_1161], %add3A_1167 : memref<8x8x129xf32, #tpu.memory_space<vmem>>[vector<16xi32>, vector<16xi32>, vector<16xi32>], vector<16xf32>,
        %get3A_1174 = arith.constant 4 : i32
        %get3A_1175 = arith.index_cast %get3A_1174 : i32 to index
        %get3A_1176 = arith.index_cast %add3A_1159 : i32 to index
        %get3A_1177 = arith.constant 16 : index
        %get3A_1178 = tpu.vector_load %arg8[%get3A_1175, %get3A_1176, %get3A_1177] {strides = array<i32>} : memref<5x128x64xf32, #tpu.memory_space<vmem>>, vector<16xf32>,
        %add3A_1179 = arith.addf %get3A_1178, %get3A_945 : vector<16xf32>
        %scatter3A_1180 = arith.constant 4 : i32
        %scatter3A_1181 = arith.constant 0 : i32
        %scatter3A_1182 = arith.constant 0 : i32
        %scatter3A_1183 = arith.constant 0 : i32
        %scatter3A_1184 = tpu.memref_slice %arg9[%scatter3A_1180, %scatter3A_1181, %scatter3A_1182, %scatter3A_1183] : memref<5x8x8x129xf32, #tpu.memory_space<vmem>> -> memref<1x8x8x129xf32, #tpu.memory_space<vmem>>
        %scatter3A_1185 = tpu.memref_squeeze %scatter3A_1184 : memref<1x8x8x129xf32, #tpu.memory_space<vmem>> -> memref<8x8x129xf32, #tpu.memory_space<vmem>>
        tpu.vector_store_idx %scatter3A_1185[%select_n3A_137, %select_n3A_253, %add3A_1161], %add3A_1179 : memref<8x8x129xf32, #tpu.memory_space<vmem>>[vector<16xi32>, vector<16xi32>, vector<16xi32>], vector<16xf32>,
        %get3A_1186 = arith.constant 4 : i32
        %get3A_1187 = arith.index_cast %get3A_1186 : i32 to index
        %get3A_1188 = arith.index_cast %add3A_1159 : i32 to index
        %get3A_1189 = arith.constant 32 : index
        %get3A_1190 = tpu.vector_load %arg8[%get3A_1187, %get3A_1188, %get3A_1189] {strides = array<i32>} : memref<5x128x64xf32, #tpu.memory_space<vmem>>, vector<16xf32>,
        %add3A_1191 = arith.addf %get3A_1190, %get3A_948 : vector<16xf32>
        %scatter3A_1192 = arith.constant 4 : i32
        %scatter3A_1193 = arith.constant 0 : i32
        %scatter3A_1194 = arith.constant 0 : i32
        %scatter3A_1195 = arith.constant 0 : i32
        %scatter3A_1196 = tpu.memref_slice %arg9[%scatter3A_1192, %scatter3A_1193, %scatter3A_1194, %scatter3A_1195] : memref<5x8x8x129xf32, #tpu.memory_space<vmem>> -> memref<1x8x8x129xf32, #tpu.memory_space<vmem>>
        %scatter3A_1197 = tpu.memref_squeeze %scatter3A_1196 : memref<1x8x8x129xf32, #tpu.memory_space<vmem>> -> memref<8x8x129xf32, #tpu.memory_space<vmem>>
        tpu.vector_store_idx %scatter3A_1197[%select_n3A_171, %select_n3A_278, %add3A_1161], %add3A_1191 : memref<8x8x129xf32, #tpu.memory_space<vmem>>[vector<16xi32>, vector<16xi32>, vector<16xi32>], vector<16xf32>,
        %get3A_1198 = arith.constant 4 : i32
        %get3A_1199 = arith.index_cast %get3A_1198 : i32 to index
        %get3A_1200 = arith.index_cast %add3A_1159 : i32 to index
        %get3A_1201 = arith.constant 48 : index
        %get3A_1202 = tpu.vector_load %arg8[%get3A_1199, %get3A_1200, %get3A_1201] {strides = array<i32>} : memref<5x128x64xf32, #tpu.memory_space<vmem>>, vector<16xf32>,
        %add3A_1203 = arith.addf %get3A_1202, %get3A_951 : vector<16xf32>
        %scatter3A_1204 = arith.constant 4 : i32
        %scatter3A_1205 = arith.constant 0 : i32
        %scatter3A_1206 = arith.constant 0 : i32
        %scatter3A_1207 = arith.constant 0 : i32
        %scatter3A_1208 = tpu.memref_slice %arg9[%scatter3A_1204, %scatter3A_1205, %scatter3A_1206, %scatter3A_1207] : memref<5x8x8x129xf32, #tpu.memory_space<vmem>> -> memref<1x8x8x129xf32, #tpu.memory_space<vmem>>
        %scatter3A_1209 = tpu.memref_squeeze %scatter3A_1208 : memref<1x8x8x129xf32, #tpu.memory_space<vmem>> -> memref<8x8x129xf32, #tpu.memory_space<vmem>>
        tpu.vector_store_idx %scatter3A_1209[%select_n3A_205, %select_n3A_303, %add3A_1161], %add3A_1203 : memref<8x8x129xf32, #tpu.memory_space<vmem>>[vector<16xi32>, vector<16xi32>, vector<16xi32>], vector<16xf32>,
      }
      %scan3A_956 = arith.constant 128 : i32
      %add3A_957 = arith.constant 5 : i32
      %add3A_958 = arith.addi %add3A_879, %add3A_957 : i32
      %lt3A_959 = arith.constant 50 : i32
      %lt3A_960 = arith.cmpi slt, %add3A_958, %lt3A_959 : i32
      %convert_element_type3A_961 = arith.extui %lt3A_960 : i1 to i32
      %cond3A_962 = arith.constant 0 : i32
      %cond3A_963 = arith.cmpi ne, %convert_element_type3A_961, %cond3A_962 : i32
      scf.if %cond3A_963 {
        %add3A_988 = arith.constant 5 : i32
        %add3A_989 = arith.addi %add3A_879, %add3A_988 : i32
        %dma_start3A_990 = arith.constant 4 : i32
        %dma_start3A_991 = arith.constant 4 : i32
        %dma_start3A_992 = arith.constant 0 : i32
        %dma_start3A_993 = arith.constant 0 : i32
        %dma_start3A_994 = tpu.memref_slice %arg8[%dma_start3A_990, %dma_start3A_992, %dma_start3A_993] : memref<5x128x64xf32, #tpu.memory_space<vmem>> -> memref<1x128x64xf32, #tpu.memory_space<vmem>>
        %dma_start3A_995 = tpu.memref_squeeze %dma_start3A_994 : memref<1x128x64xf32, #tpu.memory_space<vmem>> -> memref<128x64xf32, #tpu.memory_space<vmem>>
        %dma_start3A_996 = arith.constant 0 : i32
        %dma_start3A_997 = tpu.memref_slice %arg6[%add3A_989, %dma_start3A_996] : memref<50x128xi32, #tpu.memory_space<vmem>> -> memref<1x128xi32, #tpu.memory_space<vmem>>
        %dma_start3A_998 = tpu.memref_squeeze %dma_start3A_997 : memref<1x128xi32, #tpu.memory_space<vmem>> -> memref<128xi32, #tpu.memory_space<vmem>>
        %dma_start3A_999 = arith.constant 0 : i32
        %dma_start3A_1000 = arith.constant 0 : i32
        %dma_start3A_1001 = tpu.memref_slice %arg3[%dma_start3A_999, %dma_start3A_1000] : memref<1000000x64xf32, #tpu.memory_space<hbm>> -> memref<1000000x64xf32, #tpu.memory_space<hbm>>
        %dma_start3A_1002 = tpu.memref_slice %arg10[%dma_start3A_991] : memref<5x!tpu.dma_semaphore, #tpu.memory_space<semaphore_mem>> -> memref<1x!tpu.dma_semaphore, #tpu.memory_space<semaphore_mem>>
        %dma_start3A_1003 = tpu.memref_squeeze %dma_start3A_1002 : memref<1x!tpu.dma_semaphore, #tpu.memory_space<semaphore_mem>> -> memref<!tpu.dma_semaphore, #tpu.memory_space<semaphore_mem>>
        tpu.enqueue_indirect_dma source(%dma_start3A_1001 : memref<1000000x64xf32, #tpu.memory_space<hbm>>) target(%dma_start3A_995 : memref<128x64xf32, #tpu.memory_space<vmem>>) offsets(%dma_start3A_998 : memref<128xi32, #tpu.memory_space<vmem>>) semaphore(%dma_start3A_1003 : memref<!tpu.dma_semaphore, #tpu.memory_space<semaphore_mem>>)
      } else {
      }
      %dma_start3A_964 = arith.constant 4 : i32
      %dma_start3A_965 = arith.constant 4 : i32
      %dma_start3A_966 = arith.constant 0 : i32
      %dma_start3A_967 = arith.constant 0 : i32
      %dma_start3A_968 = arith.constant 0 : i32
      %dma_start3A_969 = tpu.memref_slice %arg9[%dma_start3A_964, %dma_start3A_966, %dma_start3A_967, %dma_start3A_968] : memref<5x8x8x129xf32, #tpu.memory_space<vmem>> -> memref<1x8x8x128xf32, #tpu.memory_space<vmem>>
      %dma_start3A_970 = tpu.memref_squeeze %dma_start3A_969 : memref<1x8x8x128xf32, #tpu.memory_space<vmem>> -> memref<8x8x128xf32, #tpu.memory_space<vmem>>
      %dma_start3A_971 = arith.constant 0 : i32
      %dma_start3A_972 = arith.constant 0 : i32
      %dma_start3A_973 = arith.constant 0 : i32
      %dma_start3A_974 = tpu.memref_slice %arg5[%select_n3A_904, %dma_start3A_971, %select_n3A_920, %dma_start3A_972, %dma_start3A_973] : memref<50x8x32x8x128xf32, #tpu.memory_space<hbm>> -> memref<1x8x1x8x128xf32, #tpu.memory_space<hbm>>
      %dma_start3A_975 = tpu.memref_squeeze %dma_start3A_974 : memref<1x8x1x8x128xf32, #tpu.memory_space<hbm>> -> memref<8x8x128xf32, #tpu.memory_space<hbm>>
      %dma_start3A_976 = tpu.memref_slice %arg11[%dma_start3A_965] : memref<5x!tpu.dma_semaphore, #tpu.memory_space<semaphore_mem>> -> memref<1x!tpu.dma_semaphore, #tpu.memory_space<semaphore_mem>>
      %dma_start3A_977 = tpu.memref_squeeze %dma_start3A_976 : memref<1x!tpu.dma_semaphore, #tpu.memory_space<semaphore_mem>> -> memref<!tpu.dma_semaphore, #tpu.memory_space<semaphore_mem>>
      %dma_start3A_978 = arith.constant 0 : i32
      %dma_start3A_979 = arith.constant 0 : i32
      %dma_start3A_980 = arith.constant 0 : i32
      %dma_start3A_981 = tpu.memref_slice %arg5[%select_n3A_904, %dma_start3A_978, %select_n3A_920, %dma_start3A_979, %dma_start3A_980] : memref<50x8x32x8x128xf32, #tpu.memory_space<hbm>> -> memref<1x8x1x8x128xf32, #tpu.memory_space<hbm>>
      %dma_start3A_982 = tpu.memref_squeeze %dma_start3A_981 : memref<1x8x1x8x128xf32, #tpu.memory_space<hbm>> -> memref<8x8x128xf32, #tpu.memory_space<hbm>>
      %dma_start3A_983 = arith.constant 0 : i32
      %dma_start3A_984 = arith.constant 0 : i32
      %dma_start3A_985 = arith.constant 0 : i32
      %dma_start3A_986 = tpu.memref_slice %arg9[%dma_start3A_964, %dma_start3A_983, %dma_start3A_984, %dma_start3A_985] : memref<5x8x8x129xf32, #tpu.memory_space<vmem>> -> memref<1x8x8x128xf32, #tpu.memory_space<vmem>>
      %dma_start3A_987 = tpu.memref_squeeze %dma_start3A_986 : memref<1x8x8x128xf32, #tpu.memory_space<vmem>> -> memref<8x8x128xf32, #tpu.memory_space<vmem>>
      tpu.enqueue_dma source(%dma_start3A_987 : memref<8x8x128xf32, #tpu.memory_space<vmem>>) target(%dma_start3A_982 : memref<8x8x128xf32, #tpu.memory_space<hbm>>) target_semaphore(%dma_start3A_977 : memref<!tpu.dma_semaphore, #tpu.memory_space<semaphore_mem>>)
    }
    %scan3A_307 = arith.constant 10 : i32
    %dma_wait3A = arith.constant 0 : i32
    %dma_wait3A_308 = arith.constant 0 : i32
    %dma_wait3A_309 = arith.constant 0 : i32
    %dma_wait3A_310 = arith.constant 0 : i32
    %dma_wait3A_311 = arith.constant 0 : i32
    %dma_wait3A_312 = arith.constant 0 : i32
    %dma_wait3A_313 = arith.constant 0 : i32
    %dma_wait3A_314 = tpu.memref_slice %arg9[%dma_wait3A, %dma_wait3A_311, %dma_wait3A_312, %dma_wait3A_313] : memref<5x8x8x129xf32, #tpu.memory_space<vmem>> -> memref<1x8x8x128xf32, #tpu.memory_space<vmem>>
    %dma_wait3A_315 = tpu.memref_squeeze %dma_wait3A_314 : memref<1x8x8x128xf32, #tpu.memory_space<vmem>> -> memref<8x8x128xf32, #tpu.memory_space<vmem>>
    %dma_wait3A_316 = arith.constant 0 : i32
    %dma_wait3A_317 = arith.constant 0 : i32
    %dma_wait3A_318 = arith.constant 0 : i32
    %dma_wait3A_319 = tpu.memref_slice %arg5[%dma_wait3A_308, %dma_wait3A_316, %dma_wait3A_309, %dma_wait3A_317, %dma_wait3A_318] : memref<50x8x32x8x128xf32, #tpu.memory_space<hbm>> -> memref<1x8x1x8x128xf32, #tpu.memory_space<hbm>>
    %dma_wait3A_320 = tpu.memref_squeeze %dma_wait3A_319 : memref<1x8x1x8x128xf32, #tpu.memory_space<hbm>> -> memref<8x8x128xf32, #tpu.memory_space<hbm>>
    %dma_wait3A_321 = tpu.memref_slice %arg11[%dma_wait3A_310] : memref<5x!tpu.dma_semaphore, #tpu.memory_space<semaphore_mem>> -> memref<1x!tpu.dma_semaphore, #tpu.memory_space<semaphore_mem>>
    %dma_wait3A_322 = tpu.memref_squeeze %dma_wait3A_321 : memref<1x!tpu.dma_semaphore, #tpu.memory_space<semaphore_mem>> -> memref<!tpu.dma_semaphore, #tpu.memory_space<semaphore_mem>>
    %dma_wait3A_323 = arith.constant 0 : i32
    %dma_wait3A_324 = arith.constant 0 : i32
    %dma_wait3A_325 = arith.constant 0 : i32
    %dma_wait3A_326 = tpu.memref_slice %arg5[%dma_wait3A_308, %dma_wait3A_323, %dma_wait3A_309, %dma_wait3A_324, %dma_wait3A_325] : memref<50x8x32x8x128xf32, #tpu.memory_space<hbm>> -> memref<1x8x1x8x128xf32, #tpu.memory_space<hbm>>
    %dma_wait3A_327 = tpu.memref_squeeze %dma_wait3A_326 : memref<1x8x1x8x128xf32, #tpu.memory_space<hbm>> -> memref<8x8x128xf32, #tpu.memory_space<hbm>>
    %dma_wait3A_328 = arith.constant 0 : i32
    %dma_wait3A_329 = arith.constant 0 : i32
    %dma_wait3A_330 = arith.constant 0 : i32
    %dma_wait3A_331 = tpu.memref_slice %arg9[%dma_wait3A, %dma_wait3A_328, %dma_wait3A_329, %dma_wait3A_330] : memref<5x8x8x129xf32, #tpu.memory_space<vmem>> -> memref<1x8x8x128xf32, #tpu.memory_space<vmem>>
    %dma_wait3A_332 = tpu.memref_squeeze %dma_wait3A_331 : memref<1x8x8x128xf32, #tpu.memory_space<vmem>> -> memref<8x8x128xf32, #tpu.memory_space<vmem>>
    tpu.wait_dma2 semaphore(%dma_wait3A_322 : memref<!tpu.dma_semaphore, #tpu.memory_space<semaphore_mem>>) src(%dma_wait3A_332 : memref<8x8x128xf32, #tpu.memory_space<vmem>>) dst(%dma_wait3A_327 : memref<8x8x128xf32, #tpu.memory_space<hbm>>)
    %dma_wait3A_333 = arith.constant 1 : i32
    %dma_wait3A_334 = arith.constant 0 : i32
    %dma_wait3A_335 = arith.constant 0 : i32
    %dma_wait3A_336 = arith.constant 1 : i32
    %dma_wait3A_337 = arith.constant 0 : i32
    %dma_wait3A_338 = arith.constant 0 : i32
    %dma_wait3A_339 = arith.constant 0 : i32
    %dma_wait3A_340 = tpu.memref_slice %arg9[%dma_wait3A_333, %dma_wait3A_337, %dma_wait3A_338, %dma_wait3A_339] : memref<5x8x8x129xf32, #tpu.memory_space<vmem>> -> memref<1x8x8x128xf32, #tpu.memory_space<vmem>>
    %dma_wait3A_341 = tpu.memref_squeeze %dma_wait3A_340 : memref<1x8x8x128xf32, #tpu.memory_space<vmem>> -> memref<8x8x128xf32, #tpu.memory_space<vmem>>
    %dma_wait3A_342 = arith.constant 0 : i32
    %dma_wait3A_343 = arith.constant 0 : i32
    %dma_wait3A_344 = arith.constant 0 : i32
    %dma_wait3A_345 = tpu.memref_slice %arg5[%dma_wait3A_334, %dma_wait3A_342, %dma_wait3A_335, %dma_wait3A_343, %dma_wait3A_344] : memref<50x8x32x8x128xf32, #tpu.memory_space<hbm>> -> memref<1x8x1x8x128xf32, #tpu.memory_space<hbm>>
    %dma_wait3A_346 = tpu.memref_squeeze %dma_wait3A_345 : memref<1x8x1x8x128xf32, #tpu.memory_space<hbm>> -> memref<8x8x128xf32, #tpu.memory_space<hbm>>
    %dma_wait3A_347 = tpu.memref_slice %arg11[%dma_wait3A_336] : memref<5x!tpu.dma_semaphore, #tpu.memory_space<semaphore_mem>> -> memref<1x!tpu.dma_semaphore, #tpu.memory_space<semaphore_mem>>
    %dma_wait3A_348 = tpu.memref_squeeze %dma_wait3A_347 : memref<1x!tpu.dma_semaphore, #tpu.memory_space<semaphore_mem>> -> memref<!tpu.dma_semaphore, #tpu.memory_space<semaphore_mem>>
    %dma_wait3A_349 = arith.constant 0 : i32
    %dma_wait3A_350 = arith.constant 0 : i32
    %dma_wait3A_351 = arith.constant 0 : i32
    %dma_wait3A_352 = tpu.memref_slice %arg5[%dma_wait3A_334, %dma_wait3A_349, %dma_wait3A_335, %dma_wait3A_350, %dma_wait3A_351] : memref<50x8x32x8x128xf32, #tpu.memory_space<hbm>> -> memref<1x8x1x8x128xf32, #tpu.memory_space<hbm>>
    %dma_wait3A_353 = tpu.memref_squeeze %dma_wait3A_352 : memref<1x8x1x8x128xf32, #tpu.memory_space<hbm>> -> memref<8x8x128xf32, #tpu.memory_space<hbm>>
    %dma_wait3A_354 = arith.constant 0 : i32
    %dma_wait3A_355 = arith.constant 0 : i32
    %dma_wait3A_356 = arith.constant 0 : i32
    %dma_wait3A_357 = tpu.memref_slice %arg9[%dma_wait3A_333, %dma_wait3A_354, %dma_wait3A_355, %dma_wait3A_356] : memref<5x8x8x129xf32, #tpu.memory_space<vmem>> -> memref<1x8x8x128xf32, #tpu.memory_space<vmem>>
    %dma_wait3A_358 = tpu.memref_squeeze %dma_wait3A_357 : memref<1x8x8x128xf32, #tpu.memory_space<vmem>> -> memref<8x8x128xf32, #tpu.memory_space<vmem>>
    tpu.wait_dma2 semaphore(%dma_wait3A_348 : memref<!tpu.dma_semaphore, #tpu.memory_space<semaphore_mem>>) src(%dma_wait3A_358 : memref<8x8x128xf32, #tpu.memory_space<vmem>>) dst(%dma_wait3A_353 : memref<8x8x128xf32, #tpu.memory_space<hbm>>)
    %dma_wait3A_359 = arith.constant 2 : i32
    %dma_wait3A_360 = arith.constant 0 : i32
    %dma_wait3A_361 = arith.constant 0 : i32
    %dma_wait3A_362 = arith.constant 2 : i32
    %dma_wait3A_363 = arith.constant 0 : i32
    %dma_wait3A_364 = arith.constant 0 : i32
    %dma_wait3A_365 = arith.constant 0 : i32
    %dma_wait3A_366 = tpu.memref_slice %arg9[%dma_wait3A_359, %dma_wait3A_363, %dma_wait3A_364, %dma_wait3A_365] : memref<5x8x8x129xf32, #tpu.memory_space<vmem>> -> memref<1x8x8x128xf32, #tpu.memory_space<vmem>>
    %dma_wait3A_367 = tpu.memref_squeeze %dma_wait3A_366 : memref<1x8x8x128xf32, #tpu.memory_space<vmem>> -> memref<8x8x128xf32, #tpu.memory_space<vmem>>
    %dma_wait3A_368 = arith.constant 0 : i32
    %dma_wait3A_369 = arith.constant 0 : i32
    %dma_wait3A_370 = arith.constant 0 : i32
    %dma_wait3A_371 = tpu.memref_slice %arg5[%dma_wait3A_360, %dma_wait3A_368, %dma_wait3A_361, %dma_wait3A_369, %dma_wait3A_370] : memref<50x8x32x8x128xf32, #tpu.memory_space<hbm>> -> memref<1x8x1x8x128xf32, #tpu.memory_space<hbm>>
    %dma_wait3A_372 = tpu.memref_squeeze %dma_wait3A_371 : memref<1x8x1x8x128xf32, #tpu.memory_space<hbm>> -> memref<8x8x128xf32, #tpu.memory_space<hbm>>
    %dma_wait3A_373 = tpu.memref_slice %arg11[%dma_wait3A_362] : memref<5x!tpu.dma_semaphore, #tpu.memory_space<semaphore_mem>> -> memref<1x!tpu.dma_semaphore, #tpu.memory_space<semaphore_mem>>
    %dma_wait3A_374 = tpu.memref_squeeze %dma_wait3A_373 : memref<1x!tpu.dma_semaphore, #tpu.memory_space<semaphore_mem>> -> memref<!tpu.dma_semaphore, #tpu.memory_space<semaphore_mem>>
    %dma_wait3A_375 = arith.constant 0 : i32
    %dma_wait3A_376 = arith.constant 0 : i32
    %dma_wait3A_377 = arith.constant 0 : i32
    %dma_wait3A_378 = tpu.memref_slice %arg5[%dma_wait3A_360, %dma_wait3A_375, %dma_wait3A_361, %dma_wait3A_376, %dma_wait3A_377] : memref<50x8x32x8x128xf32, #tpu.memory_space<hbm>> -> memref<1x8x1x8x128xf32, #tpu.memory_space<hbm>>
    %dma_wait3A_379 = tpu.memref_squeeze %dma_wait3A_378 : memref<1x8x1x8x128xf32, #tpu.memory_space<hbm>> -> memref<8x8x128xf32, #tpu.memory_space<hbm>>
    %dma_wait3A_380 = arith.constant 0 : i32
    %dma_wait3A_381 = arith.constant 0 : i32
    %dma_wait3A_382 = arith.constant 0 : i32
    %dma_wait3A_383 = tpu.memref_slice %arg9[%dma_wait3A_359, %dma_wait3A_380, %dma_wait3A_381, %dma_wait3A_382] : memref<5x8x8x129xf32, #tpu.memory_space<vmem>> -> memref<1x8x8x128xf32, #tpu.memory_space<vmem>>
    %dma_wait3A_384 = tpu.memref_squeeze %dma_wait3A_383 : memref<1x8x8x128xf32, #tpu.memory_space<vmem>> -> memref<8x8x128xf32, #tpu.memory_space<vmem>>
    tpu.wait_dma2 semaphore(%dma_wait3A_374 : memref<!tpu.dma_semaphore, #tpu.memory_space<semaphore_mem>>) src(%dma_wait3A_384 : memref<8x8x128xf32, #tpu.memory_space<vmem>>) dst(%dma_wait3A_379 : memref<8x8x128xf32, #tpu.memory_space<hbm>>)
    %dma_wait3A_385 = arith.constant 3 : i32
    %dma_wait3A_386 = arith.constant 0 : i32
    %dma_wait3A_387 = arith.constant 0 : i32
    %dma_wait3A_388 = arith.constant 3 : i32
    %dma_wait3A_389 = arith.constant 0 : i32
    %dma_wait3A_390 = arith.constant 0 : i32
    %dma_wait3A_391 = arith.constant 0 : i32
    %dma_wait3A_392 = tpu.memref_slice %arg9[%dma_wait3A_385, %dma_wait3A_389, %dma_wait3A_390, %dma_wait3A_391] : memref<5x8x8x129xf32, #tpu.memory_space<vmem>> -> memref<1x8x8x128xf32, #tpu.memory_space<vmem>>
    %dma_wait3A_393 = tpu.memref_squeeze %dma_wait3A_392 : memref<1x8x8x128xf32, #tpu.memory_space<vmem>> -> memref<8x8x128xf32, #tpu.memory_space<vmem>>
    %dma_wait3A_394 = arith.constant 0 : i32
    %dma_wait3A_395 = arith.constant 0 : i32
    %dma_wait3A_396 = arith.constant 0 : i32
    %dma_wait3A_397 = tpu.memref_slice %arg5[%dma_wait3A_386, %dma_wait3A_394, %dma_wait3A_387, %dma_wait3A_395, %dma_wait3A_396] : memref<50x8x32x8x128xf32, #tpu.memory_space<hbm>> -> memref<1x8x1x8x128xf32, #tpu.memory_space<hbm>>
    %dma_wait3A_398 = tpu.memref_squeeze %dma_wait3A_397 : memref<1x8x1x8x128xf32, #tpu.memory_space<hbm>> -> memref<8x8x128xf32, #tpu.memory_space<hbm>>
    %dma_wait3A_399 = tpu.memref_slice %arg11[%dma_wait3A_388] : memref<5x!tpu.dma_semaphore, #tpu.memory_space<semaphore_mem>> -> memref<1x!tpu.dma_semaphore, #tpu.memory_space<semaphore_mem>>
    %dma_wait3A_400 = tpu.memref_squeeze %dma_wait3A_399 : memref<1x!tpu.dma_semaphore, #tpu.memory_space<semaphore_mem>> -> memref<!tpu.dma_semaphore, #tpu.memory_space<semaphore_mem>>
    %dma_wait3A_401 = arith.constant 0 : i32
    %dma_wait3A_402 = arith.constant 0 : i32
    %dma_wait3A_403 = arith.constant 0 : i32
    %dma_wait3A_404 = tpu.memref_slice %arg5[%dma_wait3A_386, %dma_wait3A_401, %dma_wait3A_387, %dma_wait3A_402, %dma_wait3A_403] : memref<50x8x32x8x128xf32, #tpu.memory_space<hbm>> -> memref<1x8x1x8x128xf32, #tpu.memory_space<hbm>>
    %dma_wait3A_405 = tpu.memref_squeeze %dma_wait3A_404 : memref<1x8x1x8x128xf32, #tpu.memory_space<hbm>> -> memref<8x8x128xf32, #tpu.memory_space<hbm>>
    %dma_wait3A_406 = arith.constant 0 : i32
    %dma_wait3A_407 = arith.constant 0 : i32
    %dma_wait3A_408 = arith.constant 0 : i32
    %dma_wait3A_409 = tpu.memref_slice %arg9[%dma_wait3A_385, %dma_wait3A_406, %dma_wait3A_407, %dma_wait3A_408] : memref<5x8x8x129xf32, #tpu.memory_space<vmem>> -> memref<1x8x8x128xf32, #tpu.memory_space<vmem>>
    %dma_wait3A_410 = tpu.memref_squeeze %dma_wait3A_409 : memref<1x8x8x128xf32, #tpu.memory_space<vmem>> -> memref<8x8x128xf32, #tpu.memory_space<vmem>>
    tpu.wait_dma2 semaphore(%dma_wait3A_400 : memref<!tpu.dma_semaphore, #tpu.memory_space<semaphore_mem>>) src(%dma_wait3A_410 : memref<8x8x128xf32, #tpu.memory_space<vmem>>) dst(%dma_wait3A_405 : memref<8x8x128xf32, #tpu.memory_space<hbm>>)
    %dma_wait3A_411 = arith.constant 4 : i32
    %dma_wait3A_412 = arith.constant 0 : i32
    %dma_wait3A_413 = arith.constant 0 : i32
    %dma_wait3A_414 = arith.constant 4 : i32
    %dma_wait3A_415 = arith.constant 0 : i32
    %dma_wait3A_416 = arith.constant 0 : i32
    %dma_wait3A_417 = arith.constant 0 : i32
    %dma_wait3A_418 = tpu.memref_slice %arg9[%dma_wait3A_411, %dma_wait3A_415, %dma_wait3A_416, %dma_wait3A_417] : memref<5x8x8x129xf32, #tpu.memory_space<vmem>> -> memref<1x8x8x128xf32, #tpu.memory_space<vmem>>
    %dma_wait3A_419 = tpu.memref_squeeze %dma_wait3A_418 : memref<1x8x8x128xf32, #tpu.memory_space<vmem>> -> memref<8x8x128xf32, #tpu.memory_space<vmem>>
    %dma_wait3A_420 = arith.constant 0 : i32
    %dma_wait3A_421 = arith.constant 0 : i32
    %dma_wait3A_422 = arith.constant 0 : i32
    %dma_wait3A_423 = tpu.memref_slice %arg5[%dma_wait3A_412, %dma_wait3A_420, %dma_wait3A_413, %dma_wait3A_421, %dma_wait3A_422] : memref<50x8x32x8x128xf32, #tpu.memory_space<hbm>> -> memref<1x8x1x8x128xf32, #tpu.memory_space<hbm>>
    %dma_wait3A_424 = tpu.memref_squeeze %dma_wait3A_423 : memref<1x8x1x8x128xf32, #tpu.memory_space<hbm>> -> memref<8x8x128xf32, #tpu.memory_space<hbm>>
    %dma_wait3A_425 = tpu.memref_slice %arg11[%dma_wait3A_414] : memref<5x!tpu.dma_semaphore, #tpu.memory_space<semaphore_mem>> -> memref<1x!tpu.dma_semaphore, #tpu.memory_space<semaphore_mem>>
    %dma_wait3A_426 = tpu.memref_squeeze %dma_wait3A_425 : memref<1x!tpu.dma_semaphore, #tpu.memory_space<semaphore_mem>> -> memref<!tpu.dma_semaphore, #tpu.memory_space<semaphore_mem>>
    %dma_wait3A_427 = arith.constant 0 : i32
    %dma_wait3A_428 = arith.constant 0 : i32
    %dma_wait3A_429 = arith.constant 0 : i32
    %dma_wait3A_430 = tpu.memref_slice %arg5[%dma_wait3A_412, %dma_wait3A_427, %dma_wait3A_413, %dma_wait3A_428, %dma_wait3A_429] : memref<50x8x32x8x128xf32, #tpu.memory_space<hbm>> -> memref<1x8x1x8x128xf32, #tpu.memory_space<hbm>>
    %dma_wait3A_431 = tpu.memref_squeeze %dma_wait3A_430 : memref<1x8x1x8x128xf32, #tpu.memory_space<hbm>> -> memref<8x8x128xf32, #tpu.memory_space<hbm>>
    %dma_wait3A_432 = arith.constant 0 : i32
    %dma_wait3A_433 = arith.constant 0 : i32
    %dma_wait3A_434 = arith.constant 0 : i32
    %dma_wait3A_435 = tpu.memref_slice %arg9[%dma_wait3A_411, %dma_wait3A_432, %dma_wait3A_433, %dma_wait3A_434] : memref<5x8x8x129xf32, #tpu.memory_space<vmem>> -> memref<1x8x8x128xf32, #tpu.memory_space<vmem>>
    %dma_wait3A_436 = tpu.memref_squeeze %dma_wait3A_435 : memref<1x8x8x128xf32, #tpu.memory_space<vmem>> -> memref<8x8x128xf32, #tpu.memory_space<vmem>>
    tpu.wait_dma2 semaphore(%dma_wait3A_426 : memref<!tpu.dma_semaphore, #tpu.memory_space<semaphore_mem>>) src(%dma_wait3A_436 : memref<8x8x128xf32, #tpu.memory_space<vmem>>) dst(%dma_wait3A_431 : memref<8x8x128xf32, #tpu.memory_space<hbm>>)
    return
  }
}

</mosaic_0001>

<sc_bundles>
// kernel: kernel.3.cloned.1.call-start
scs
__scs_entry_jumppad:
0x0: {  	(pc) =	sbr.rel $0x88, $3  }
0x1: {  	(tag) =	ssettag $0x0;
	lr =	simm.s32 $0x1  }
0x2: {  	[smem:$0x3F9E] =	sst lr;
	_ =	strace $0xD0000000  }
0x3: {  	_ = 	snop  }
0x4: {  	_ = 	snop  }
0x5: {  	_ = 	snop  }
0x6: {  	_ = 	snop  }
0x7: {  	_ = 	snop  }
__scs_overlays_trampoline_lowered:
0x8: {  	[smem:$0x3FAD] =	sst s0  }
0x9: {  	[smem:$0x3FAE] =	sst s1  }
0xa: {  	[smem:$0x3FAF] =	sst s2  }
0xb: {  	[smem:$0x3FB0] =	sst s3  }
0xc: {  	[smem:$0x3FB1] =	sst s4  }
0xd: {  	[smem:$0x3FB2] =	sst s5  }
0xe: {  	[smem:$0x3FB3] =	sst s6  }
0xf: {  	[smem:$0x3FB4] =	sst s7  }
0x10: {  	[smem:$0x3FB5] =	sst s8  }
0x11: {  	[smem:$0x3FB6] =	sst s9;
	s0 =	simm.s32 @!p0 $0x0  }
0x12: {  	s1 =	sld [smem:$0x3F9C];
	s0 =	simm.s32 @p0 $0x1  }
0x13: {  	[smem:$0x3FB7] =	sst s0;
	s0 =	simm.s32 @!p1 $0x0  }
0x14: {  	s2 =	sld [smem:$0x3F9B];
	s0 =	simm.s32 @p1 $0x1  }
0x15: {  	[smem:$0x3FB8] =	sst s0;
	s0 =	simm.s32 @!p2 $0x0  }
0x16: {  	s3 =	sld [smem:$0x3FDB];
	s0 =	simm.s32 @p2 $0x1  }
0x17: {  	s4 =	simm.s32 $0x1BF5;
	[smem:$0x3FBA] =	sst s0  }
0x18: {  	s0 =	sld [smem:$0x3F9D];
	_ =	swait.ge [sflag:s4], $0x0  }
0x19: {  	s7 =	sld [smem:$0x3F9E]  }
0x1a: {  	s8 =	sadd.s32 $0xFFFFE003, lr  }
0x1b: {  	s9 =	sadd.s32 $0xFFFFFEF7, lr;
	s5 =	simm.s32 $0xFFFFFFFF;
	p2 =	slt.u32 s8, $0xFFFFF086  }
0x1c: {  	p1 =	slt.u32 s9, $0xF7A;
	s5 =	simm.s32 @!p2 $0x0  }
0x1d: {  	s5 =	simm.s32 @p1 $0x1;
	p0 =	seq.s32 s7, s2  }
0x1e: {  	s7 =	smul.u32 @!p0 $0xF7A, s2;
	p2 =	seq.s32 @!p0 s5, $0x0  }
0x1f: {  	s9 =	smul.u32 $0xF7A, s1;
	s8 =	simm.s32 @!p0 $0x1BF5;
	p2 =	por !p2, p0  }
0x20: {  	[sflag:s8] =	ssyncset.s32 @!p0 $0xFFFFF086;
	s6 =	sadd.s32 @!p0 s3, s7;
	s7 =	simm.s32 @!p0 $0x108  }
0x21: {  	s3 =	sadd.s32 s3, s9;
	s6 =	sadd.s32 @!p0 $0x88, s6;
	s7 =	simm.s32 @p2 $0x1082  }
0x22: {  	[simem:s7], [sflag:s8] =	dma.local @!p0 [hbm:s6], $0xF7A  }
0x23: {  	s9 =	sor.u32 $0xD0000000, s2;
	s6 =	simm.s32 $0x108;
	_ =	swait.ge @!p0 [sflag:s8], $0x0  }
0x24: {  	s3 =	sadd.s32 $0x88, s3;
	s6 =	simm.s32 @!p1 $0x1082;
	[sflag:s4] =	ssyncset.s32 $0xFFFFF086  }
0x25: {  	[simem:s6], [sflag:s4] =	dma.local [hbm:s3], $0xF7A  }
0x26: {  	[smem:$0x3F9E] =	sst s1;
	(tag) =	ssettag s2;
	_ =	strace s9  }
0x27: {  	s1 =	sld [smem:$0x3FAE]  }
0x28: {  	s2 =	sld [smem:$0x3FAF]  }
0x29: {  	s4 =	sld [smem:$0x3FB1]  }
0x2a: {  	p0 =	seq.s32 s5, $0x0;
	s5 =	sld [smem:$0x3FB2]  }
0x2b: {  	s6 =	sld [smem:$0x3FB3]  }
0x2c: {  	s7 =	sld [smem:$0x3FB4]  }
0x2d: {  	s3 =	simm.s32 $0x108;
	s8 =	sld [smem:$0x3FB5]  }
0x2e: {  	s3 =	simm.s32 @!p0 $0x1082;
	s9 =	sld [smem:$0x3FB6]  }
0x2f: {  	lr =	sadd.s32 s0, s3;
	s0 =	sld [smem:$0x3FAD]  }
0x30: {  	s3 =	sld [smem:$0x3FB0]  }
0x31: {  	[smem:$0x3FB9] =	sst s10  }
0x32: {  	s10 =	sld [smem:$0x3FB7];
	_ =	sdelay $0x3  }
0x33: {  	p0 =	seq.s32 s10, $0x1;
	s10 =	sld [smem:$0x3FB9];
	_ =	sdelay $0x3  }
0x34: {  	[smem:$0x3FB9] =	sst s10  }
0x35: {  	s10 =	sld [smem:$0x3FB8];
	_ =	sdelay $0x3  }
0x36: {  	p1 =	seq.s32 s10, $0x1;
	s10 =	sld [smem:$0x3FB9];
	_ =	sdelay $0x3  }
0x37: {  	[smem:$0x3FB9] =	sst s10  }
0x38: {  	s10 =	sld [smem:$0x3FBA]  }
0x39: {  	_ = 	snop;
	(pc) =	sbr.ind lr, $3  }
0x3a: {  	_ = 	snop  }
0x3b: {  	_ = 	snop  }
0x3c: {  	p2 =	seq.s32 s10, $0x1;
	s10 =	sld [smem:$0x3FB9]  }
0x3d: {  	_ =	shalt  }
0x3e: {  	_ =	shalt  }
0x3f: {  	_ =	shalt  }
0x40: {  	_ =	shalt  }
0x41: {  	_ =	shalt  }
0x42: {  	_ =	shalt  }
0x43: {  	_ =	shalt  }
0x44: {  	_ =	shalt  }
0x45: {  	_ =	shalt  }
0x46: {  	_ =	shalt  }
0x47: {  	_ =	shalt  }
0x48: {  	_ =	shalt  }
0x49: {  	_ =	shalt  }
0x4a: {  	_ =	shalt  }
0x4b: {  	_ =	shalt  }
0x4c: {  	_ =	shalt  }
0x4d: {  	_ =	shalt  }
0x4e: {  	_ =	shalt  }
0x4f: {  	_ =	shalt  }
0x50: {  	_ =	shalt  }
0x51: {  	_ =	shalt  }
0x52: {  	_ =	shalt  }
0x53: {  	_ =	shalt  }
0x54: {  	_ =	shalt  }
0x55: {  	_ =	shalt  }
0x56: {  	_ =	shalt  }
0x57: {  	_ =	shalt  }
0x58: {  	_ =	shalt  }
0x59: {  	_ =	shalt  }
0x5a: {  	_ =	shalt  }
0x5b: {  	_ =	shalt  }
0x5c: {  	_ =	shalt  }
0x5d: {  	_ =	shalt  }
0x5e: {  	_ =	shalt  }
0x5f: {  	_ =	shalt  }
0x60: {  	_ =	shalt  }
0x61: {  	_ =	shalt  }
0x62: {  	_ =	shalt  }
0x63: {  	_ =	shalt  }
0x64: {  	_ =	shalt  }
0x65: {  	_ =	shalt  }
0x66: {  	_ =	shalt  }
0x67: {  	_ =	shalt  }
0x68: {  	_ =	shalt  }
0x69: {  	_ =	shalt  }
0x6a: {  	_ =	shalt  }
0x6b: {  	_ =	shalt  }
0x6c: {  	_ =	shalt  }
0x6d: {  	_ =	shalt  }
0x6e: {  	_ =	shalt  }
0x6f: {  	_ =	shalt  }
0x70: {  	_ =	shalt  }
0x71: {  	_ =	shalt  }
0x72: {  	_ =	shalt  }
0x73: {  	_ =	shalt  }
0x74: {  	_ =	shalt  }
0x75: {  	_ =	shalt  }
0x76: {  	_ =	shalt  }
0x77: {  	_ =	shalt  }
0x78: {  	_ =	shalt  }
0x79: {  	_ =	shalt  }
0x7a: {  	_ =	shalt  }
0x7b: {  	_ =	shalt  }
0x7c: {  	_ =	shalt  }
0x7d: {  	_ =	shalt  }
0x7e: {  	_ =	shalt  }
0x7f: {  	_ =	shalt  }
0x80: {  	_ =	shalt  }
0x81: {  	_ =	shalt  }
0x82: {  	_ =	shalt  }
0x83: {  	_ =	shalt  }
0x84: {  	_ =	shalt  }
0x85: {  	_ =	shalt  }
0x86: {  	_ =	shalt  }
0x87: {  	_ =	shalt  }
.Lfunc_end0:
.L_simem_size_0:
called_computation_lowered:
.L_overlay_start_0:
0x88: {  	s2 =	sld [smem:$0x3FD9]  }
0x89: {  	s3 =	sld [smem:$0x3FFE];
	_ =	sdelay $0x1  }
0x8a: {  	s1 =	srdreg.scid  }
0x8b: {  	s0 =	sand.u32 $0x1, s1  }
0x8c: {  	s17 =	sshll.u32 s0, $0xA;
	s2 =	sadd.s32 s3, s2  }
0x8d: {  	s2 =	sadd.s32 s2, s17  }
0x8e: {  	[smem:$0x3FC5] =	sst s2  }
0x8f: {  	_ = 	snop  }
0x90: {  	s2 =	sld [smem:$0x3FD0];
	(tm) =	ssettm $0x1  }
0x91: {  	s18 =	sld [smem:$0x3FFB];
	_ =	sdelay $0x3  }
0x92: {  	_ =	strace s18  }
0x93: {  	s3 =	sld [smem:$0x3FFC];
	_ =	sdelay $0x3  }
0x94: {  	_ =	strace s3  }
0x95: {  	s3 =	sld [smem:$0x3FFD];
	_ =	sdelay $0x3  }
0x96: {  	_ =	strace s3  }
0x97: {  	_ =	strace $0x8FFFFFFF  }
0x98: {  	s19 =	sld [smem:$0x3FDB];
	_ =	sdelay $0x1  }
0x99: {  	s4 =	simm.s32 $_scs_section_size  }
0x9a: {  	s5 =	simm.s32 $_size__tile_overlayer_lowered;
	s6 =	simm.s32 $_tile_overlayer_lowered  }
0x9b: {  	s22 =	simm.s32 $0x1BFF;
	s21 =	sshll.u32 s6, $0x1;
	s3 =	sadd.s32 s4, s19  }
0x9c: {  	s7 =	simm.s32 $0x0;
	s20 =	sshll.u32 s5, $0x1;
	s5 =	sadd.s32 s21, s3  }
0x9d: {  	[timem:s7], [sflag:s22] =	dma.local [hbm:s5], s20  }
0x9e: {  	_ =	swait.ge [sflag:s22], s20  }
0x9f: {  	s4 =	ssub.s32 $0x0, s20;
	[sflag:s22] =	ssyncset.done $0x0  }
0xa0: {  	[sflag:s22] =	ssyncadd.s32 s4;
	_ =	sdelay $0x1  }
0xa1: {  	s23 =	simm.s32 $0x1B8B  }
0xa2: {  	_ =	swait.ge [sflag:s23], $0x1  }
0xa3: {  	[sflag:s23] =	ssyncset.done $0x0  }
0xa4: {  	s25 =	simm.s32 $0x1B8E;
	s24 =	sld [smem:$0x3FFE];
	[sflag:s23] =	ssyncadd.s32 $0xFFFFFFFF  }
0xa5: {  	s26 =	simm.s32 $execute0_lowered;
	[smem:$0x3FD2] =	sst s25  }
0xa6: {  	s5 =	sshll.u32 s26, $0x1;
	_ =	strace $0x80000046;
	[dreg:$0x1] =	wrdreg $0xFFFFFFFF  }
0xa7: {  	s28 =	simm.s32 $_size_execute0_lowered;
	s3 =	sadd.s32 s3, s5;
	[dreg:$0x0] =	wrdreg $0x0  }
0xa8: {  	s5 =	sshll.u32 s28, $0x1;
	[dreg:$0x2] =	wrdreg s3  }
0xa9: {  	[dreg:$0x3] =	wrdreg s5  }
0xaa: {  	[dreg:$0x4] =	wrdreg $0xC0  }
0xab: {  	_ =	task [dreg:s7], $0x5FFFF  }
0xac: {  	[dreg:$0x1] =	wrdreg $0xFFFFFFFF  }
0xad: {  	[dreg:$0x0] =	wrdreg $0x60  }
0xae: {  	[dreg:$0x2] =	wrdreg s24  }
0xaf: {  	[dreg:$0x3] =	wrdreg s2  }
0xb0: {  	[dreg:$0x4] =	wrdreg $0x9  }
0xb1: {  	_ =	task.clear_ibuf [dreg:s7], $0x5FFFF;
	_ =	strace $0x90000046  }
0xb2: {  	s29 =	simm.s32 $0x9;
	_ =	strace $0x80000048  }
0xb3: {  	_ =	swait.ge [sflag:s29], $0x1  }
0xb4: {  	[sflag:s29] =	ssyncadd.s32 $0xFFFFFFFF  }
0xb5: {  	_ =	strace $0x90000048  }
0xb6: {  	_ =	sfence  }
0xb7: {  	s30 =	sld [smem:$0x0];
	_ =	sdelay $0x2  }
0xb8: {  	s31 =	sshll.u32 s1, $0xD;
	s1 =	sshrl.u32 s1, $0x2  }
0xb9: {  	s3 =	sand.u32 $0x4000, s31;
	s1 =	sadd.s32 s1, s30  }
0xba: {  	s0 =	sor.u32 s3, s0;
	s1 =	sshll.u32 s1, $0x11  }
0xbb: {  	s0 =	sor.u32 s1, s0  }
0xbc: {  	s0 =	sadd.s32 $0x8F2B, s0  }
0xbd: {  	[sflag:s0] =	ssyncadd.remote.s32 $0x1  }
0xbe: {  	_ =	sfence.sel $0xFFFF  }
0xbf: {  	[dreg:$0x0] =	wrdreg $0xFFFFFFFF;
	(pc) =	sbr.abs _section_cstart, $3  }
0xc0: {  	[dreg:$0x1] =	wrdreg $0xFFFFFFFF  }
0xc1: {  	_ =	task.clear_ibuf [dreg:s7], $0x2FFFF;
	_ =	strace $0x9FFFFFFF  }
0xc2: {  	(tm) =	ssettm $0x7FFFFFFF  }
0xc3: {  	_ =	shalt  }
tec
execute0_lowered:
.L_overlay_start_1:
0x0: {  	(tag) =	ssettag $0x1  }
0x1: {  	s0 =	rddreg [dreg:$0x0];
	s1 =	srdreg.scid  }
0x2: {  	s3 =	stileid.u32;
	s2 =	rddreg [dreg:$0x1];
	s13 =	simm.s32 $0xB  }
0x3: {  	s15 =	simm.s32 $0x80;
	s24 =	simm.s32 $0x1;
	s28 =	simm.s32 $0x10D00  }
0x4: {  	s29 =	simm.s32 $0x3;
	s30 =	simm.s32 $0x12F00;
	s31 =	simm.s32 $0x4  }
0x5: {  	s14 =	simm.s32 $0x17300;
	s20 =	simm.s32 $0xA;
	s21 =	simm.s32 $0x0  }
0x6: {  	s1 =	sand.u32 $0x1, s1;
	s4 =	sshll.u32 s3, $0x1;
	s3 =	simm.s32 $0x0  }
0x7: {  	s4 =	sor.u32 s1, s4;
	[smem:$0x7FF] =	sst s3;
	s1 =	ssub.s32 $0x2, s1  }
0x8: {  	s5 =	smul.u32 $0x320, s4;
	_ =	strace $0x80000047;
	s7 =	sshrl.u32 s1, $0x1  }
0x9: {  	s4 =	smul.u32 $0x32, s4;
	s25 =	ssub.s32 s1, s7;
	s1 =	simm.s32 $0x15100  }
0xa: {  	s6 =	sadd.s32 s5, s0;
	s5 =	sadd.s32 $0xF42C00, s0;
	s0 =	sadd.s32 $0x6C00, s0  }
0xb: {  	v0 =	vlaneseq.u32;
	s8 =	sor.u32 $0x1, s4;
	s9 =	sadd.s32 $0x2, s4;
	s10 =	sadd.s32 $0x3, s4  }
0xc: {  	v0 =	vmul.u32 $0x88, v0;
	s11 =	sadd.s32 $0x4, s4;
	[dreg:$0x3] =	wrdreg s0;
	s26 =	sadd.s32 $0x800, s6  }
0xd: {  	s0 =	smax.u32 s25, $0x1;
	s25 =	simm.s32 $0xEB00;
	[dreg:$0x4] =	wrdreg s26  }
0xe: {  	v1 =	vadd.s32 $0x880, v0;
	v2 =	vadd.s32 $0x1100, v0;
	v3 =	vadd.s32 $0x1980, v0;
	[dreg:$0x5] =	wrdreg s0;
	s26 =	simm.s32 $0x2;
	s0 =	simm.s32 $0x5  }
.LBB2_1:
0xf: {  	s6 =	rddreg [dreg:$0x4]  }
0x10: {  	[tilespmem:s3], [sflag:$0xB] =	stream.linear.gather [hbm4b:s6+s3], $0x1900, $0x38;
	[tilespmem:$0x19500] =	vst v63  }
0x11: {  	_ =	swait.ge [sflag:s13], $0x1900  }
0x12: {  	[sflag:s13] =	ssyncset.done $0x0  }
0x13: {  	s7 =	simm.s32 $0x1900;
	s23 =	rddreg [dreg:$0x3];
	[sflag:s13] =	ssyncadd.s32 $0xFFFFE700  }
0x14: {  	[tilespmem:s7], [sflag:$0xB] =	stream.linear.gather [hbm4b:s23+s3], $0x3200, $0x38;
	[tilespmem:$0x19500] =	vst v63  }
0x15: {  	_ =	swait.ge [sflag:s13], $0x3200  }
0x16: {  	[sflag:s13] =	ssyncset.done $0x0  }
0x17: {  	s7 =	simm.s32 $0x4B00;
	[sflag:s13] =	ssyncadd.s32 $0xFFFFCE00  }
0x18: {  	[tilespmem:s7], [sflag:$0x1] =	stream.indirect.gather [hbm4b:s5+s15], $0x40, s3, s15, $0xb8;
	[tilespmem:$0x19500] =	vst v63  }
0x19: {  	s12 =	simm.s32 $0x6B00  }
0x1a: {  	[tilespmem:s12], [sflag:$0x2] =	stream.indirect.gather [hbm4b:s5+s15], $0x40, s15, s15, $0xb8;
	[tilespmem:$0x19500] =	vst v63  }
0x1b: {  	s16 =	simm.s32 $0x100;
	s17 =	simm.s32 $0x8B00  }
0x1c: {  	[tilespmem:s17], [sflag:$0x3] =	stream.indirect.gather [hbm4b:s5+s15], $0x40, s16, s15, $0xb8;
	[tilespmem:$0x19500] =	vst v63  }
0x1d: {  	s18 =	simm.s32 $0x180;
	s19 =	simm.s32 $0xAB00  }
0x1e: {  	[tilespmem:s19], [sflag:$0x4] =	stream.indirect.gather [hbm4b:s5+s15], $0x40, s18, s15, $0xb8;
	[tilespmem:$0x19500] =	vst v63  }
0x1f: {  	s22 =	simm.s32 $0x200;
	s23 =	simm.s32 $0xCB00  }
0x20: {  	[tilespmem:s23], [sflag:$0x5] =	stream.indirect.gather [hbm4b:s5+s15], $0x40, s22, s15, $0xb8;
	[tilespmem:$0x19500] =	vst v63  }
0x21: {  	s22 =	simm.s32 $0x0  }
.LBB2_2:
0x22: {  	s23 =	smul.u32 $0x5, s22;
	_ =	swait.ge [sflag:s24], $0x2000  }
0x23: {  	p0 =	seq.s32 s22, $0x0;
	[sflag:s24] =	ssyncset.done $0x0  }
0x24: {  	s6 =	simm.s32 @!p0 $0x6;
	s7 =	sadd.s32 s4, s23;
	[sflag:s24] =	ssyncadd.s32 $0xFFFFE000  }
0x25: {  	s12 =	sshrl.u32 s7, $0x5;
	_ =	swait.ge @!p0 [sflag:s6], $0x2000  }
0x26: {  	[sflag:s6] =	ssyncset.done @!p0 $0x0;
	s16 =	sshll.u32 s12, $0x6  }
0x27: {  	[sflag:s6] =	ssyncadd.s32 @!p0 $0xFFFFE000;
	s16 =	sand.u32 $0x3FFFFFC0, s16  }
0x28: {  	s17 =	simm.s32 $0x0;
	s6 =	simm.s32 $0x4B80;
	v4 =	vld [tilespmem:s16+$0x1900]  }
0x29: {  	v5 =	vmov s17;
	v7 =	vld [tilespmem:s6+$0xFFFFFF80]  }
0x2a: {  	v8 =	vand.u32 $0x7C, v5  }
0x2b: {  	v9 =	vadd.s32 v0, v8;
	_ =	sdelay $0x2  }
0x2c: {  	v5 =	vld [tilespmem:s16+$0x1910];
	v10 =	vadd.f32 v7, v4  }
0x2d: {  	v6 =	vld [tilespmem:s16+$0x1920]  }
0x2e: {  	v7 =	vld [tilespmem:s16+$0x1930];
	[tilespmem:v9+s25+$0x0] =	vst.idx.msk $0xffff, v10  }
0x2f: {  	v9 =	vld [tilespmem:s6+$0xFFFFFF90];
	_ =	sdelay $0x1  }
0x30: {  	v10 =	vadd.s32 v1, v8;
	_ =	sdelay $0x2  }
0x31: {  	v9 =	vadd.f32 v9, v5;
	_ =	sdelay $0x1  }
0x32: {  	[tilespmem:v10+s25+$0x0] =	vst.idx.msk $0xffff, v9  }
0x33: {  	v9 =	vld [tilespmem:s6+$0xFFFFFFA0];
	_ =	sdelay $0x1  }
0x34: {  	v10 =	vadd.s32 v2, v8;
	_ =	sdelay $0x2  }
0x35: {  	v9 =	vadd.f32 v9, v6;
	_ =	sdelay $0x1  }
0x36: {  	[tilespmem:v10+s25+$0x0] =	vst.idx.msk $0xffff, v9  }
0x37: {  	v9 =	vld [tilespmem:s6+$0xFFFFFFB0];
	_ =	sdelay $0x1  }
0x38: {  	v8 =	vadd.s32 v3, v8;
	_ =	sdelay $0x2  }
0x39: {  	v9 =	vadd.f32 v9, v7;
	_ =	sdelay $0x1  }
0x3a: {  	s17 =	simm.s32 $0x1;
	[tilespmem:v8+s25+$0x0] =	vst.idx.msk $0xffff, v9  }
0x3b: {  	v8 =	vmov s17;
	v9 =	vld [tilespmem:s6+$0xFFFFFFC0]  }
0x3c: {  	v8 =	vand.u32 $0x7D, v8  }
0x3d: {  	v10 =	vadd.s32 v0, v8;
	_ =	sdelay $0x2  }
0x3e: {  	v9 =	vadd.f32 v9, v4;
	_ =	sdelay $0x1  }
0x3f: {  	[tilespmem:v10+s25+$0x0] =	vst.idx.msk $0xffff, v9  }
0x40: {  	v9 =	vld [tilespmem:s6+$0xFFFFFFD0];
	_ =	sdelay $0x1  }
0x41: {  	v10 =	vadd.s32 v1, v8;
	_ =	sdelay $0x2  }
0x42: {  	v9 =	vadd.f32 v9, v5;
	_ =	sdelay $0x1  }
0x43: {  	[tilespmem:v10+s25+$0x0] =	vst.idx.msk $0xffff, v9  }
0x44: {  	v9 =	vld [tilespmem:s6+$0xFFFFFFE0];
	_ =	sdelay $0x1  }
0x45: {  	v10 =	vadd.s32 v2, v8;
	_ =	sdelay $0x2  }
0x46: {  	v9 =	vadd.f32 v9, v6;
	_ =	sdelay $0x1  }
0x47: {  	[tilespmem:v10+s25+$0x0] =	vst.idx.msk $0xffff, v9  }
0x48: {  	v9 =	vld [tilespmem:s6+$0xFFFFFFF0];
	_ =	sdelay $0x1  }
0x49: {  	v8 =	vadd.s32 v3, v8;
	_ =	sdelay $0x2  }
0x4a: {  	v9 =	vadd.f32 v9, v7;
	_ =	sdelay $0x1  }
0x4b: {  	s18 =	simm.s32 $0x2;
	[tilespmem:v8+s25+$0x0] =	vst.idx.msk $0xffff, v9  }
0x4c: {  	v8 =	vmov s18;
	v9 =	vld [tilespmem:s6+$0x0]  }
0x4d: {  	v8 =	vand.u32 $0x7E, v8  }
0x4e: {  	v10 =	vadd.s32 v0, v8;
	_ =	sdelay $0x2  }
0x4f: {  	v9 =	vadd.f32 v9, v4;
	_ =	sdelay $0x1  }
0x50: {  	[tilespmem:v10+s25+$0x0] =	vst.idx.msk $0xffff, v9  }
0x51: {  	v9 =	vld [tilespmem:s6+$0x10];
	_ =	sdelay $0x1  }
0x52: {  	v10 =	vadd.s32 v1, v8;
	_ =	sdelay $0x2  }
0x53: {  	v9 =	vadd.f32 v9, v5;
	_ =	sdelay $0x1  }
0x54: {  	[tilespmem:v10+s25+$0x0] =	vst.idx.msk $0xffff, v9  }
0x55: {  	v9 =	vld [tilespmem:s6+$0x20];
	_ =	sdelay $0x1  }
0x56: {  	v10 =	vadd.s32 v2, v8;
	_ =	sdelay $0x2  }
0x57: {  	v9 =	vadd.f32 v9, v6;
	_ =	sdelay $0x1  }
0x58: {  	[tilespmem:v10+s25+$0x0] =	vst.idx.msk $0xffff, v9  }
0x59: {  	v9 =	vld [tilespmem:s6+$0x30];
	_ =	sdelay $0x1  }
0x5a: {  	v8 =	vadd.s32 v3, v8;
	_ =	sdelay $0x2  }
0x5b: {  	v9 =	vadd.f32 v9, v7;
	_ =	sdelay $0x1  }
0x5c: {  	s19 =	simm.s32 $0x3;
	[tilespmem:v8+s25+$0x0] =	vst.idx.msk $0xffff, v9  }
0x5d: {  	v8 =	vmov s19;
	v9 =	vld [tilespmem:s6+$0x40]  }
0x5e: {  	v8 =	vand.u32 $0x7F, v8  }
0x5f: {  	v10 =	vadd.s32 v0, v8;
	_ =	sdelay $0x2  }
0x60: {  	v9 =	vadd.f32 v9, v4;
	_ =	sdelay $0x1  }
0x61: {  	[tilespmem:v10+s25+$0x0] =	vst.idx.msk $0xffff, v9  }
0x62: {  	v9 =	vld [tilespmem:s6+$0x50];
	_ =	sdelay $0x1  }
0x63: {  	v10 =	vadd.s32 v1, v8;
	_ =	sdelay $0x2  }
0x64: {  	v9 =	vadd.f32 v9, v5;
	_ =	sdelay $0x1  }
0x65: {  	[tilespmem:v10+s25+$0x0] =	vst.idx.msk $0xffff, v9  }
0x66: {  	v9 =	vld [tilespmem:s6+$0x60];
	_ =	sdelay $0x1  }
0x67: {  	v10 =	vadd.s32 v2, v8;
	_ =	sdelay $0x2  }
0x68: {  	v9 =	vadd.f32 v9, v6;
	_ =	sdelay $0x1  }
0x69: {  	[tilespmem:v10+s25+$0x0] =	vst.idx.msk $0xffff, v9  }
0x6a: {  	v9 =	vld [tilespmem:s6+$0x70];
	_ =	sdelay $0x1  }
0x6b: {  	v8 =	vadd.s32 v3, v8;
	_ =	sdelay $0x2  }
0x6c: {  	s16 =	simm.s32 $0x4;
	v9 =	vadd.f32 v9, v7  }
.LBB2_3:
0x6d: {  	p1 =	slt.u32 s16, $0x7C  }
0x6e: {  	s6 =	sadd.s32 $0x100, s6;
	s17 =	smov.u32 s16;
	s16 =	sadd.s32 $0x4, s16;
	[tilespmem:v8+s25+$0x0] =	vst.idx.msk $0xffff, v9  }
0x6f: {  	v8 =	vmov s17;
	v9 =	vld [tilespmem:s6+$0xFFFFFF80]  }
0x70: {  	v8 =	vand.u32 $0x7C, v8  }
0x71: {  	v10 =	vadd.s32 v0, v8;
	_ =	sdelay $0x2  }
0x72: {  	v9 =	vadd.f32 v9, v4;
	_ =	sdelay $0x1  }
0x73: {  	[tilespmem:v10+s25+$0x0] =	vst.idx.msk $0xffff, v9  }
0x74: {  	v9 =	vld [tilespmem:s6+$0xFFFFFF90];
	_ =	sdelay $0x1  }
0x75: {  	v10 =	vadd.s32 v1, v8;
	_ =	sdelay $0x2  }
0x76: {  	v9 =	vadd.f32 v9, v5;
	_ =	sdelay $0x1  }
0x77: {  	[tilespmem:v10+s25+$0x0] =	vst.idx.msk $0xffff, v9  }
0x78: {  	v9 =	vld [tilespmem:s6+$0xFFFFFFA0];
	_ =	sdelay $0x1  }
0x79: {  	v10 =	vadd.s32 v2, v8;
	_ =	sdelay $0x2  }
0x7a: {  	v9 =	vadd.f32 v9, v6;
	_ =	sdelay $0x1  }
0x7b: {  	[tilespmem:v10+s25+$0x0] =	vst.idx.msk $0xffff, v9  }
0x7c: {  	v9 =	vld [tilespmem:s6+$0xFFFFFFB0];
	_ =	sdelay $0x1  }
0x7d: {  	v8 =	vadd.s32 v3, v8;
	_ =	sdelay $0x2  }
0x7e: {  	v9 =	vadd.f32 v9, v7;
	_ =	sdelay $0x1  }
0x7f: {  	s18 =	sadd.s32 $0x1, s17;
	[tilespmem:v8+s25+$0x0] =	vst.idx.msk $0xffff, v9  }
0x80: {  	v8 =	vmov s18;
	v9 =	vld [tilespmem:s6+$0xFFFFFFC0]  }
0x81: {  	v8 =	vand.u32 $0x7D, v8  }
0x82: {  	v10 =	vadd.s32 v0, v8;
	_ =	sdelay $0x2  }
0x83: {  	v9 =	vadd.f32 v9, v4;
	_ =	sdelay $0x1  }
0x84: {  	[tilespmem:v10+s25+$0x0] =	vst.idx.msk $0xffff, v9  }
0x85: {  	v9 =	vld [tilespmem:s6+$0xFFFFFFD0];
	_ =	sdelay $0x1  }
0x86: {  	v10 =	vadd.s32 v1, v8;
	_ =	sdelay $0x2  }
0x87: {  	v9 =	vadd.f32 v9, v5;
	_ =	sdelay $0x1  }
0x88: {  	[tilespmem:v10+s25+$0x0] =	vst.idx.msk $0xffff, v9  }
0x89: {  	v9 =	vld [tilespmem:s6+$0xFFFFFFE0];
	_ =	sdelay $0x1  }
0x8a: {  	v10 =	vadd.s32 v2, v8;
	_ =	sdelay $0x2  }
0x8b: {  	v9 =	vadd.f32 v9, v6;
	_ =	sdelay $0x1  }
0x8c: {  	[tilespmem:v10+s25+$0x0] =	vst.idx.msk $0xffff, v9  }
0x8d: {  	v9 =	vld [tilespmem:s6+$0xFFFFFFF0];
	_ =	sdelay $0x1  }
0x8e: {  	v8 =	vadd.s32 v3, v8;
	_ =	sdelay $0x2  }
0x8f: {  	v9 =	vadd.f32 v9, v7;
	_ =	sdelay $0x1  }
0x90: {  	s18 =	sadd.s32 $0x2, s17;
	[tilespmem:v8+s25+$0x0] =	vst.idx.msk $0xffff, v9  }
0x91: {  	v8 =	vmov s18;
	v9 =	vld [tilespmem:s6+$0x0]  }
0x92: {  	v8 =	vand.u32 $0x7E, v8  }
0x93: {  	v10 =	vadd.s32 v0, v8;
	_ =	sdelay $0x2  }
0x94: {  	v9 =	vadd.f32 v9, v4;
	_ =	sdelay $0x1  }
0x95: {  	[tilespmem:v10+s25+$0x0] =	vst.idx.msk $0xffff, v9  }
0x96: {  	v9 =	vld [tilespmem:s6+$0x10];
	_ =	sdelay $0x1  }
0x97: {  	v10 =	vadd.s32 v1, v8;
	_ =	sdelay $0x2  }
0x98: {  	v9 =	vadd.f32 v9, v5;
	_ =	sdelay $0x1  }
0x99: {  	[tilespmem:v10+s25+$0x0] =	vst.idx.msk $0xffff, v9  }
0x9a: {  	v9 =	vld [tilespmem:s6+$0x20];
	_ =	sdelay $0x1  }
0x9b: {  	v10 =	vadd.s32 v2, v8;
	_ =	sdelay $0x2  }
0x9c: {  	v9 =	vadd.f32 v9, v6;
	_ =	sdelay $0x1  }
0x9d: {  	[tilespmem:v10+s25+$0x0] =	vst.idx.msk $0xffff, v9  }
0x9e: {  	v9 =	vld [tilespmem:s6+$0x30];
	_ =	sdelay $0x1  }
0x9f: {  	v8 =	vadd.s32 v3, v8;
	_ =	sdelay $0x2  }
0xa0: {  	v9 =	vadd.f32 v9, v7;
	_ =	sdelay $0x1  }
0xa1: {  	s17 =	sadd.s32 $0x3, s17;
	[tilespmem:v8+s25+$0x0] =	vst.idx.msk $0xffff, v9  }
0xa2: {  	v8 =	vmov s17;
	v9 =	vld [tilespmem:s6+$0x40]  }
0xa3: {  	v8 =	vand.u32 $0x7F, v8  }
0xa4: {  	v10 =	vadd.s32 v0, v8;
	_ =	sdelay $0x2  }
0xa5: {  	v9 =	vadd.f32 v9, v4;
	_ =	sdelay $0x1  }
0xa6: {  	[tilespmem:v10+s25+$0x0] =	vst.idx.msk $0xffff, v9  }
0xa7: {  	v9 =	vld [tilespmem:s6+$0x50];
	_ =	sdelay $0x1  }
0xa8: {  	v10 =	vadd.s32 v1, v8;
	_ =	sdelay $0x2  }
0xa9: {  	v9 =	vadd.f32 v9, v5;
	_ =	sdelay $0x1  }
0xaa: {  	[tilespmem:v10+s25+$0x0] =	vst.idx.msk $0xffff, v9  }
0xab: {  	v9 =	vld [tilespmem:s6+$0x60];
	_ =	sdelay $0x1  }
0xac: {  	v10 =	vadd.s32 v2, v8;
	_ =	sdelay $0x2  }
0xad: {  	v9 =	vadd.f32 v9, v6;
	_ =	sdelay $0x1  }
0xae: {  	[tilespmem:v10+s25+$0x0] =	vst.idx.msk $0xffff, v9  }
0xaf: {  	v9 =	vld [tilespmem:s6+$0x70]  }
.Ltmp0:
0xb0: {  	(pc) =	sbr.rel @p1 .LBB2_3-.Ltmp0, $2  }
0xb1: {  	v8 =	vadd.s32 v3, v8;
	_ =	sdelay $0x2  }
0xb2: {  	v9 =	vadd.f32 v9, v7  }
0xb3: {  	p1 =	seq.s32 s22, $0x9  }
0xb4: {  	s6 =	smul.u32 @!p1 $0xA00, s22  }
0xb5: {  	s7 =	sshll.u32 s7, $0x7;
	s12 =	sshll.u32 s12, $0xF  }
0xb6: {  	s17 =	simm.s32 @!p1 $0x80;
	s7 =	sand.u32 $0xF80, s7;
	s6 =	sshra.s32 @!p1 s6, $0x2  }
0xb7: {  	[tilespmem:v8+s25+$0x0] =	vst.idx.msk $0xffff, v9;
	s18 =	simm.s32 @!p1 $0x4B00;
	s7 =	sadd.s32 s2, s7;
	s16 =	sadd.s32 @!p1 $0x280, s6  }
0xb8: {  	[tilespmem:s18], [sflag:$0x1] =	stream.indirect.gather @!p1 [hbm4b:s5+s17], $0x40, s16, s17, $0xb8;
	[tilespmem:$0x19500] =	vst v63  }
0xb9: {  	s19 =	simm.s32 $0xEB00;
	s12 =	sadd.s32 s12, s7  }
0xba: {  	[hbm4b:s12+s3] =	stream.linear.scatter [tilespmem:s19], [sflag:$0x6], $0x80, $0x38;
	[tilespmem:$0x19500] =	vst v63  }
0xbb: {  	s16 =	simm.s32 $0xEB88;
	s17 =	sadd.s32 $0x10, s12  }
0xbc: {  	[hbm4b:s17+s3] =	stream.linear.scatter [tilespmem:s16], [sflag:$0x6], $0x80, $0x38;
	[tilespmem:$0x19500] =	vst v63  }
0xbd: {  	s18 =	simm.s32 $0xEC10;
	s19 =	sadd.s32 $0x20, s12  }
0xbe: {  	[hbm4b:s19+s3] =	stream.linear.scatter [tilespmem:s18], [sflag:$0x6], $0x80, $0x38;
	[tilespmem:$0x19500] =	vst v63  }
0xbf: {  	s16 =	simm.s32 $0xEC98;
	s17 =	sadd.s32 $0x30, s12  }
0xc0: {  	[hbm4b:s17+s3] =	stream.linear.scatter [tilespmem:s16], [sflag:$0x6], $0x80, $0x38;
	[tilespmem:$0x19500] =	vst v63  }
0xc1: {  	s18 =	simm.s32 $0xED20;
	s19 =	sadd.s32 $0x40, s12  }
0xc2: {  	[hbm4b:s19+s3] =	stream.linear.scatter [tilespmem:s18], [sflag:$0x6], $0x80, $0x38;
	[tilespmem:$0x19500] =	vst v63  }
0xc3: {  	s7 =	simm.s32 $0x440;
	s16 =	simm.s32 $0xEDA8;
	s17 =	sadd.s32 $0x50, s12  }
0xc4: {  	[hbm4b:s17+s3] =	stream.linear.scatter [tilespmem:s16], [sflag:$0x6], $0x80, $0x38;
	[tilespmem:$0x19500] =	vst v63  }
0xc5: {  	s18 =	simm.s32 $0xEE30;
	s19 =	sadd.s32 $0x60, s12;
	s16 =	simm.s32 $0x2200  }
0xc6: {  	[hbm4b:s19+s3] =	stream.linear.scatter [tilespmem:s18], [sflag:$0x6], $0x80, $0x38;
	[tilespmem:$0x19500] =	vst v63  }
0xc7: {  	s17 =	simm.s32 $0xEEB8;
	s18 =	sadd.s32 $0x70, s12;
	s12 =	sadd.s32 $0x1000, s12  }
.LBB2_5:
0xc8: {  	[hbm4b:s18+s3] =	stream.linear.scatter [tilespmem:s17], [sflag:$0x6], $0x80, $0x38;
	[tilespmem:$0x19500] =	vst v63  }
0xc9: {  	s17 =	smov.u32 s7;
	s7 =	smov.u32 s16  }
0xca: {  	s19 =	sadd.s32 $0x1100, s16;
	s7 =	sshra.s32 s7, $0x2;
	s18 =	sadd.s32 $0xEB00, s17  }
0xcb: {  	[hbm4b:s12+s3] =	stream.linear.scatter [tilespmem:s18], [sflag:$0x6], $0x80, $0x38;
	[tilespmem:$0x19500] =	vst v63  }
0xcc: {  	p2 =	sne.s32 s16, $0x7700;
	s16 =	sadd.s32 $0xEB88, s17;
	s18 =	sadd.s32 $0x10, s12  }
0xcd: {  	[hbm4b:s18+s3] =	stream.linear.scatter [tilespmem:s16], [sflag:$0x6], $0x80, $0x38;
	[tilespmem:$0x19500] =	vst v63  }
0xce: {  	s16 =	sadd.s32 $0xEC10, s17;
	s18 =	sadd.s32 $0x20, s12  }
0xcf: {  	[hbm4b:s18+s3] =	stream.linear.scatter [tilespmem:s16], [sflag:$0x6], $0x80, $0x38;
	[tilespmem:$0x19500] =	vst v63  }
0xd0: {  	s16 =	sadd.s32 $0xEC98, s17;
	s18 =	sadd.s32 $0x30, s12  }
0xd1: {  	[hbm4b:s18+s3] =	stream.linear.scatter [tilespmem:s16], [sflag:$0x6], $0x80, $0x38;
	[tilespmem:$0x19500] =	vst v63  }
0xd2: {  	s16 =	sadd.s32 $0xED20, s17;
	s18 =	sadd.s32 $0x40, s12  }
0xd3: {  	[hbm4b:s18+s3] =	stream.linear.scatter [tilespmem:s16], [sflag:$0x6], $0x80, $0x38;
	[tilespmem:$0x19500] =	vst v63  }
.Ltmp1:
0xd4: {  	s16 =	sadd.s32 $0xEDA8, s17;
	s18 =	sadd.s32 $0x50, s12;
	(pc) =	sbr.rel @p2 .LBB2_5-.Ltmp1, $4  }
0xd5: {  	[hbm4b:s18+s3] =	stream.linear.scatter [tilespmem:s16], [sflag:$0x6], $0x80, $0x38;
	[tilespmem:$0x19500] =	vst v63  }
0xd6: {  	s16 =	sadd.s32 $0xEE30, s17;
	s18 =	sadd.s32 $0x60, s12;
	s17 =	sadd.s32 $0xEEB8, s17  }
0xd7: {  	[hbm4b:s18+s3] =	stream.linear.scatter [tilespmem:s16], [sflag:$0x6], $0x80, $0x38;
	[tilespmem:$0x19500] =	vst v63  }
0xd8: {  	s18 =	sadd.s32 $0x70, s12;
	s12 =	sadd.s32 $0x1000, s12;
	s16 =	smov.u32 s19  }
0xd9: {  	[hbm4b:s18+s3] =	stream.linear.scatter [tilespmem:s17], [sflag:$0x6], $0x80, $0x38;
	[tilespmem:$0x19500] =	vst v63  }
0xda: {  	s16 =	sadd.s32 $0xEB00, s7  }
0xdb: {  	[hbm4b:s12+s3] =	stream.linear.scatter [tilespmem:s16], [sflag:$0x6], $0x80, $0x38;
	[tilespmem:$0x19500] =	vst v63  }
0xdc: {  	s18 =	sadd.s32 $0xEB88, s7;
	s19 =	sadd.s32 $0x10, s12  }
0xdd: {  	[hbm4b:s19+s3] =	stream.linear.scatter [tilespmem:s18], [sflag:$0x6], $0x80, $0x38;
	[tilespmem:$0x19500] =	vst v63  }
0xde: {  	s18 =	sadd.s32 $0xEC10, s7;
	s19 =	sadd.s32 $0x20, s12  }
0xdf: {  	[hbm4b:s19+s3] =	stream.linear.scatter [tilespmem:s18], [sflag:$0x6], $0x80, $0x38;
	[tilespmem:$0x19500] =	vst v63  }
0xe0: {  	s18 =	sadd.s32 $0xEC98, s7;
	s19 =	sadd.s32 $0x30, s12  }
0xe1: {  	[hbm4b:s19+s3] =	stream.linear.scatter [tilespmem:s18], [sflag:$0x6], $0x80, $0x38;
	[tilespmem:$0x19500] =	vst v63  }
0xe2: {  	s18 =	sadd.s32 $0xED20, s7;
	s19 =	sadd.s32 $0x40, s12  }
0xe3: {  	[hbm4b:s19+s3] =	stream.linear.scatter [tilespmem:s18], [sflag:$0x6], $0x80, $0x38;
	[tilespmem:$0x19500] =	vst v63  }
0xe4: {  	s18 =	sadd.s32 $0xEDA8, s7;
	s19 =	sadd.s32 $0x50, s12  }
0xe5: {  	[hbm4b:s19+s3] =	stream.linear.scatter [tilespmem:s18], [sflag:$0x6], $0x80, $0x38;
	[tilespmem:$0x19500] =	vst v63  }
0xe6: {  	s18 =	sadd.s32 $0xEE30, s7;
	s19 =	sadd.s32 $0x60, s12  }
0xe7: {  	[hbm4b:s19+s3] =	stream.linear.scatter [tilespmem:s18], [sflag:$0x6], $0x80, $0x38;
	[tilespmem:$0x19500] =	vst v63  }
0xe8: {  	s17 =	sadd.s32 $0x70, s12;
	s16 =	sadd.s32 $0xEEB8, s7  }
0xe9: {  	[hbm4b:s17+s3] =	stream.linear.scatter [tilespmem:s16], [sflag:$0x6], $0x80, $0x38;
	[tilespmem:$0x19500] =	vst v63  }
0xea: {  	_ =	swait.ge [sflag:s26], $0x2000  }
0xeb: {  	[sflag:s26] =	ssyncset.done $0x0  }
0xec: {  	s7 =	sadd.s32 s23, s8;
	s16 =	simm.s32 @!p0 $0x7;
	[sflag:s26] =	ssyncadd.s32 $0xFFFFE000  }
0xed: {  	s12 =	sshrl.u32 s7, $0x5;
	_ =	swait.ge @!p0 [sflag:s16], $0x2000  }
0xee: {  	s18 =	sshll.u32 s12, $0x6;
	[sflag:s16] =	ssyncset.done @!p0 $0x0  }
0xef: {  	s17 =	sand.u32 $0x3FFFFFC0, s18;
	[sflag:s16] =	ssyncadd.s32 @!p0 $0xFFFFE000  }
0xf0: {  	s19 =	simm.s32 $0x0;
	s16 =	simm.s32 $0x6BF0;
	v4 =	vld [tilespmem:s17+$0x1900]  }
0xf1: {  	v5 =	vmov s19;
	v7 =	vld [tilespmem:s16+$0xFFFFFF10]  }
0xf2: {  	v8 =	vand.u32 $0x7C, v5  }
0xf3: {  	v9 =	vadd.s32 v0, v8;
	_ =	sdelay $0x2  }
0xf4: {  	v5 =	vld [tilespmem:s17+$0x1910];
	v10 =	vadd.f32 v7, v4  }
0xf5: {  	v6 =	vld [tilespmem:s17+$0x1920]  }
0xf6: {  	v7 =	vld [tilespmem:s17+$0x1930];
	[tilespmem:v9+s28+$0x0] =	vst.idx.msk $0xffff, v10  }
0xf7: {  	v9 =	vld [tilespmem:s16+$0xFFFFFF20];
	_ =	sdelay $0x1  }
0xf8: {  	v10 =	vadd.s32 v1, v8;
	_ =	sdelay $0x2  }
0xf9: {  	v9 =	vadd.f32 v9, v5;
	_ =	sdelay $0x1  }
0xfa: {  	[tilespmem:v10+s28+$0x0] =	vst.idx.msk $0xffff, v9  }
0xfb: {  	v9 =	vld [tilespmem:s16+$0xFFFFFF30];
	_ =	sdelay $0x1  }
0xfc: {  	v10 =	vadd.s32 v2, v8;
	_ =	sdelay $0x2  }
0xfd: {  	v9 =	vadd.f32 v9, v6;
	_ =	sdelay $0x1  }
0xfe: {  	[tilespmem:v10+s28+$0x0] =	vst.idx.msk $0xffff, v9  }
0xff: {  	v9 =	vld [tilespmem:s16+$0xFFFFFF40];
	_ =	sdelay $0x1  }
0x100: {  	v8 =	vadd.s32 v3, v8;
	_ =	sdelay $0x2  }
0x101: {  	v9 =	vadd.f32 v9, v7;
	_ =	sdelay $0x1  }
0x102: {  	s19 =	simm.s32 $0x1;
	[tilespmem:v8+s28+$0x0] =	vst.idx.msk $0xffff, v9  }
0x103: {  	v8 =	vmov s19;
	v9 =	vld [tilespmem:s16+$0xFFFFFF50]  }
0x104: {  	v8 =	vand.u32 $0x7D, v8  }
0x105: {  	v10 =	vadd.s32 v0, v8;
	_ =	sdelay $0x2  }
0x106: {  	v9 =	vadd.f32 v9, v4;
	_ =	sdelay $0x1  }
0x107: {  	[tilespmem:v10+s28+$0x0] =	vst.idx.msk $0xffff, v9  }
0x108: {  	v9 =	vld [tilespmem:s16+$0xFFFFFF60];
	_ =	sdelay $0x1  }
0x109: {  	v10 =	vadd.s32 v1, v8;
	_ =	sdelay $0x2  }
0x10a: {  	v9 =	vadd.f32 v9, v5;
	_ =	sdelay $0x1  }
0x10b: {  	[tilespmem:v10+s28+$0x0] =	vst.idx.msk $0xffff, v9  }
0x10c: {  	v9 =	vld [tilespmem:s16+$0xFFFFFF70];
	_ =	sdelay $0x1  }
0x10d: {  	v10 =	vadd.s32 v2, v8;
	_ =	sdelay $0x2  }
0x10e: {  	v9 =	vadd.f32 v9, v6;
	_ =	sdelay $0x1  }
0x10f: {  	[tilespmem:v10+s28+$0x0] =	vst.idx.msk $0xffff, v9  }
0x110: {  	v9 =	vld [tilespmem:s16+$0xFFFFFF80];
	_ =	sdelay $0x1  }
0x111: {  	v8 =	vadd.s32 v3, v8;
	_ =	sdelay $0x2  }
0x112: {  	v9 =	vadd.f32 v9, v7;
	_ =	sdelay $0x1  }
0x113: {  	s18 =	simm.s32 $0x2;
	[tilespmem:v8+s28+$0x0] =	vst.idx.msk $0xffff, v9  }
0x114: {  	v8 =	vmov s18;
	v9 =	vld [tilespmem:s16+$0xFFFFFF90]  }
0x115: {  	v8 =	vand.u32 $0x7E, v8  }
0x116: {  	v10 =	vadd.s32 v0, v8;
	_ =	sdelay $0x2  }
0x117: {  	v9 =	vadd.f32 v9, v4;
	_ =	sdelay $0x1  }
0x118: {  	[tilespmem:v10+s28+$0x0] =	vst.idx.msk $0xffff, v9  }
0x119: {  	v9 =	vld [tilespmem:s16+$0xFFFFFFA0];
	_ =	sdelay $0x1  }
0x11a: {  	v10 =	vadd.s32 v1, v8;
	_ =	sdelay $0x2  }
0x11b: {  	v9 =	vadd.f32 v9, v5;
	_ =	sdelay $0x1  }
0x11c: {  	[tilespmem:v10+s28+$0x0] =	vst.idx.msk $0xffff, v9  }
0x11d: {  	v9 =	vld [tilespmem:s16+$0xFFFFFFB0];
	_ =	sdelay $0x1  }
0x11e: {  	v10 =	vadd.s32 v2, v8;
	_ =	sdelay $0x2  }
0x11f: {  	v9 =	vadd.f32 v9, v6;
	_ =	sdelay $0x1  }
0x120: {  	[tilespmem:v10+s28+$0x0] =	vst.idx.msk $0xffff, v9  }
0x121: {  	v9 =	vld [tilespmem:s16+$0xFFFFFFC0];
	_ =	sdelay $0x1  }
0x122: {  	v8 =	vadd.s32 v3, v8;
	_ =	sdelay $0x2  }
0x123: {  	v9 =	vadd.f32 v9, v7;
	_ =	sdelay $0x1  }
0x124: {  	s19 =	simm.s32 $0x3;
	[tilespmem:v8+s28+$0x0] =	vst.idx.msk $0xffff, v9  }
0x125: {  	v8 =	vmov s19;
	v9 =	vld [tilespmem:s16+$0xFFFFFFD0]  }
0x126: {  	v8 =	vand.u32 $0x7F, v8  }
0x127: {  	v10 =	vadd.s32 v0, v8;
	_ =	sdelay $0x2  }
0x128: {  	v9 =	vadd.f32 v9, v4;
	_ =	sdelay $0x1  }
0x129: {  	[tilespmem:v10+s28+$0x0] =	vst.idx.msk $0xffff, v9  }
0x12a: {  	v9 =	vld [tilespmem:s16+$0xFFFFFFE0];
	_ =	sdelay $0x1  }
0x12b: {  	v10 =	vadd.s32 v1, v8;
	_ =	sdelay $0x2  }
0x12c: {  	v9 =	vadd.f32 v9, v5;
	_ =	sdelay $0x1  }
0x12d: {  	[tilespmem:v10+s28+$0x0] =	vst.idx.msk $0xffff, v9  }
0x12e: {  	v9 =	vld [tilespmem:s16+$0xFFFFFFF0];
	_ =	sdelay $0x1  }
0x12f: {  	v10 =	vadd.s32 v2, v8;
	_ =	sdelay $0x2  }
0x130: {  	v9 =	vadd.f32 v9, v6;
	_ =	sdelay $0x1  }
0x131: {  	[tilespmem:v10+s28+$0x0] =	vst.idx.msk $0xffff, v9  }
0x132: {  	v9 =	vld [tilespmem:s16+$0x0];
	_ =	sdelay $0x1  }
0x133: {  	v8 =	vadd.s32 v3, v8;
	_ =	sdelay $0x2  }
0x134: {  	s17 =	simm.s32 $0x4;
	v9 =	vadd.f32 v9, v7  }
.LBB2_7:
0x135: {  	p2 =	slt.u32 s17, $0x7C  }
0x136: {  	s16 =	sadd.s32 $0x100, s16;
	s18 =	smov.u32 s17;
	s17 =	sadd.s32 $0x4, s17;
	[tilespmem:v8+s28+$0x0] =	vst.idx.msk $0xffff, v9  }
0x137: {  	v8 =	vmov s18;
	v9 =	vld [tilespmem:s16+$0xFFFFFF10]  }
0x138: {  	v8 =	vand.u32 $0x7C, v8  }
0x139: {  	v10 =	vadd.s32 v0, v8;
	_ =	sdelay $0x2  }
0x13a: {  	v9 =	vadd.f32 v9, v4;
	_ =	sdelay $0x1  }
0x13b: {  	[tilespmem:v10+s28+$0x0] =	vst.idx.msk $0xffff, v9  }
0x13c: {  	v9 =	vld [tilespmem:s16+$0xFFFFFF20];
	_ =	sdelay $0x1  }
0x13d: {  	v10 =	vadd.s32 v1, v8;
	_ =	sdelay $0x2  }
0x13e: {  	v9 =	vadd.f32 v9, v5;
	_ =	sdelay $0x1  }
0x13f: {  	[tilespmem:v10+s28+$0x0] =	vst.idx.msk $0xffff, v9  }
0x140: {  	v9 =	vld [tilespmem:s16+$0xFFFFFF30];
	_ =	sdelay $0x1  }
0x141: {  	v10 =	vadd.s32 v2, v8;
	_ =	sdelay $0x2  }
0x142: {  	v9 =	vadd.f32 v9, v6;
	_ =	sdelay $0x1  }
0x143: {  	[tilespmem:v10+s28+$0x0] =	vst.idx.msk $0xffff, v9  }
0x144: {  	v9 =	vld [tilespmem:s16+$0xFFFFFF40];
	_ =	sdelay $0x1  }
0x145: {  	v8 =	vadd.s32 v3, v8;
	_ =	sdelay $0x2  }
0x146: {  	v9 =	vadd.f32 v9, v7;
	_ =	sdelay $0x1  }
0x147: {  	s19 =	sadd.s32 $0x1, s18;
	[tilespmem:v8+s28+$0x0] =	vst.idx.msk $0xffff, v9  }
0x148: {  	v8 =	vmov s19;
	v9 =	vld [tilespmem:s16+$0xFFFFFF50]  }
0x149: {  	v8 =	vand.u32 $0x7D, v8  }
0x14a: {  	v10 =	vadd.s32 v0, v8;
	_ =	sdelay $0x2  }
0x14b: {  	v9 =	vadd.f32 v9, v4;
	_ =	sdelay $0x1  }
0x14c: {  	[tilespmem:v10+s28+$0x0] =	vst.idx.msk $0xffff, v9  }
0x14d: {  	v9 =	vld [tilespmem:s16+$0xFFFFFF60];
	_ =	sdelay $0x1  }
0x14e: {  	v10 =	vadd.s32 v1, v8;
	_ =	sdelay $0x2  }
0x14f: {  	v9 =	vadd.f32 v9, v5;
	_ =	sdelay $0x1  }
0x150: {  	[tilespmem:v10+s28+$0x0] =	vst.idx.msk $0xffff, v9  }
0x151: {  	v9 =	vld [tilespmem:s16+$0xFFFFFF70];
	_ =	sdelay $0x1  }
0x152: {  	v10 =	vadd.s32 v2, v8;
	_ =	sdelay $0x2  }
0x153: {  	v9 =	vadd.f32 v9, v6;
	_ =	sdelay $0x1  }
0x154: {  	[tilespmem:v10+s28+$0x0] =	vst.idx.msk $0xffff, v9  }
0x155: {  	v9 =	vld [tilespmem:s16+$0xFFFFFF80];
	_ =	sdelay $0x1  }
0x156: {  	v8 =	vadd.s32 v3, v8;
	_ =	sdelay $0x2  }
0x157: {  	v9 =	vadd.f32 v9, v7;
	_ =	sdelay $0x1  }
0x158: {  	s19 =	sadd.s32 $0x2, s18;
	[tilespmem:v8+s28+$0x0] =	vst.idx.msk $0xffff, v9  }
0x159: {  	v8 =	vmov s19;
	v9 =	vld [tilespmem:s16+$0xFFFFFF90]  }
0x15a: {  	v8 =	vand.u32 $0x7E, v8  }
0x15b: {  	v10 =	vadd.s32 v0, v8;
	_ =	sdelay $0x2  }
0x15c: {  	v9 =	vadd.f32 v9, v4;
	_ =	sdelay $0x1  }
0x15d: {  	[tilespmem:v10+s28+$0x0] =	vst.idx.msk $0xffff, v9  }
0x15e: {  	v9 =	vld [tilespmem:s16+$0xFFFFFFA0];
	_ =	sdelay $0x1  }
0x15f: {  	v10 =	vadd.s32 v1, v8;
	_ =	sdelay $0x2  }
0x160: {  	v9 =	vadd.f32 v9, v5;
	_ =	sdelay $0x1  }
0x161: {  	[tilespmem:v10+s28+$0x0] =	vst.idx.msk $0xffff, v9  }
0x162: {  	v9 =	vld [tilespmem:s16+$0xFFFFFFB0];
	_ =	sdelay $0x1  }
0x163: {  	v10 =	vadd.s32 v2, v8;
	_ =	sdelay $0x2  }
0x164: {  	v9 =	vadd.f32 v9, v6;
	_ =	sdelay $0x1  }
0x165: {  	[tilespmem:v10+s28+$0x0] =	vst.idx.msk $0xffff, v9  }
0x166: {  	v9 =	vld [tilespmem:s16+$0xFFFFFFC0];
	_ =	sdelay $0x1  }
0x167: {  	v8 =	vadd.s32 v3, v8;
	_ =	sdelay $0x2  }
0x168: {  	v9 =	vadd.f32 v9, v7;
	_ =	sdelay $0x1  }
0x169: {  	s18 =	sadd.s32 $0x3, s18;
	[tilespmem:v8+s28+$0x0] =	vst.idx.msk $0xffff, v9  }
0x16a: {  	v8 =	vmov s18;
	v9 =	vld [tilespmem:s16+$0xFFFFFFD0]  }
0x16b: {  	v8 =	vand.u32 $0x7F, v8  }
0x16c: {  	v10 =	vadd.s32 v0, v8;
	_ =	sdelay $0x2  }
0x16d: {  	v9 =	vadd.f32 v9, v4;
	_ =	sdelay $0x1  }
0x16e: {  	[tilespmem:v10+s28+$0x0] =	vst.idx.msk $0xffff, v9  }
0x16f: {  	v9 =	vld [tilespmem:s16+$0xFFFFFFE0];
	_ =	sdelay $0x1  }
0x170: {  	v10 =	vadd.s32 v1, v8;
	_ =	sdelay $0x2  }
0x171: {  	v9 =	vadd.f32 v9, v5;
	_ =	sdelay $0x1  }
0x172: {  	[tilespmem:v10+s28+$0x0] =	vst.idx.msk $0xffff, v9  }
0x173: {  	v9 =	vld [tilespmem:s16+$0xFFFFFFF0];
	_ =	sdelay $0x1  }
0x174: {  	v10 =	vadd.s32 v2, v8;
	_ =	sdelay $0x2  }
0x175: {  	v9 =	vadd.f32 v9, v6;
	_ =	sdelay $0x1  }
0x176: {  	[tilespmem:v10+s28+$0x0] =	vst.idx.msk $0xffff, v9  }
0x177: {  	v9 =	vld [tilespmem:s16+$0x0]  }
.Ltmp2:
0x178: {  	(pc) =	sbr.rel @p2 .LBB2_7-.Ltmp2, $2  }
0x179: {  	v8 =	vadd.s32 v3, v8;
	_ =	sdelay $0x2  }
0x17a: {  	v9 =	vadd.f32 v9, v7  }
0x17b: {  	_ =	sdelay $0x2  }
0x17c: {  	s16 =	sadd.s32 @!p1 $0x300, s6;
	s7 =	sshll.u32 s7, $0x7  }
0x17d: {  	s17 =	simm.s32 @!p1 $0x80;
	s18 =	simm.s32 @!p1 $0x6B00;
	[tilespmem:v8+s28+$0x0] =	vst.idx.msk $0xffff, v9;
	s7 =	sand.u32 $0xF80, s7  }
0x17e: {  	[tilespmem:s18], [sflag:$0x2] =	stream.indirect.gather @!p1 [hbm4b:s5+s17], $0x40, s16, s17, $0xb8;
	[tilespmem:$0x19500] =	vst v63  }
0x17f: {  	s12 =	sshll.u32 s12, $0xF;
	s7 =	sadd.s32 s2, s7  }
0x180: {  	s19 =	simm.s32 $0x10D00;
	s12 =	sadd.s32 s12, s7  }
0x181: {  	[hbm4b:s12+s3] =	stream.linear.scatter [tilespmem:s19], [sflag:$0x7], $0x80, $0x38;
	[tilespmem:$0x19500] =	vst v63  }
0x182: {  	s16 =	simm.s32 $0x10D88;
	s17 =	sadd.s32 $0x10, s12  }
0x183: {  	[hbm4b:s17+s3] =	stream.linear.scatter [tilespmem:s16], [sflag:$0x7], $0x80, $0x38;
	[tilespmem:$0x19500] =	vst v63  }
0x184: {  	s18 =	simm.s32 $0x10E10;
	s19 =	sadd.s32 $0x20, s12  }
0x185: {  	[hbm4b:s19+s3] =	stream.linear.scatter [tilespmem:s18], [sflag:$0x7], $0x80, $0x38;
	[tilespmem:$0x19500] =	vst v63  }
0x186: {  	s16 =	simm.s32 $0x10E98;
	s17 =	sadd.s32 $0x30, s12  }
0x187: {  	[hbm4b:s17+s3] =	stream.linear.scatter [tilespmem:s16], [sflag:$0x7], $0x80, $0x38;
	[tilespmem:$0x19500] =	vst v63  }
0x188: {  	s18 =	simm.s32 $0x10F20;
	s19 =	sadd.s32 $0x40, s12  }
0x189: {  	[hbm4b:s19+s3] =	stream.linear.scatter [tilespmem:s18], [sflag:$0x7], $0x80, $0x38;
	[tilespmem:$0x19500] =	vst v63  }
0x18a: {  	s7 =	simm.s32 $0x440;
	s16 =	simm.s32 $0x10FA8;
	s17 =	sadd.s32 $0x50, s12  }
0x18b: {  	[hbm4b:s17+s3] =	stream.linear.scatter [tilespmem:s16], [sflag:$0x7], $0x80, $0x38;
	[tilespmem:$0x19500] =	vst v63  }
0x18c: {  	s18 =	simm.s32 $0x11030;
	s19 =	sadd.s32 $0x60, s12;
	s16 =	simm.s32 $0x2200  }
0x18d: {  	[hbm4b:s19+s3] =	stream.linear.scatter [tilespmem:s18], [sflag:$0x7], $0x80, $0x38;
	[tilespmem:$0x19500] =	vst v63  }
0x18e: {  	s17 =	simm.s32 $0x110B8;
	s18 =	sadd.s32 $0x70, s12;
	s12 =	sadd.s32 $0x1000, s12  }
.LBB2_9:
0x18f: {  	[hbm4b:s18+s3] =	stream.linear.scatter [tilespmem:s17], [sflag:$0x7], $0x80, $0x38;
	[tilespmem:$0x19500] =	vst v63  }
0x190: {  	s17 =	smov.u32 s7;
	s7 =	smov.u32 s16  }
0x191: {  	s19 =	sadd.s32 $0x1100, s16;
	s7 =	sshra.s32 s7, $0x2;
	s18 =	sadd.s32 $0x10D00, s17  }
0x192: {  	[hbm4b:s12+s3] =	stream.linear.scatter [tilespmem:s18], [sflag:$0x7], $0x80, $0x38;
	[tilespmem:$0x19500] =	vst v63  }
0x193: {  	p2 =	sne.s32 s16, $0x7700;
	s16 =	sadd.s32 $0x10D88, s17;
	s18 =	sadd.s32 $0x10, s12  }
0x194: {  	[hbm4b:s18+s3] =	stream.linear.scatter [tilespmem:s16], [sflag:$0x7], $0x80, $0x38;
	[tilespmem:$0x19500] =	vst v63  }
0x195: {  	s16 =	sadd.s32 $0x10E10, s17;
	s18 =	sadd.s32 $0x20, s12  }
0x196: {  	[hbm4b:s18+s3] =	stream.linear.scatter [tilespmem:s16], [sflag:$0x7], $0x80, $0x38;
	[tilespmem:$0x19500] =	vst v63  }
0x197: {  	s16 =	sadd.s32 $0x10E98, s17;
	s18 =	sadd.s32 $0x30, s12  }
0x198: {  	[hbm4b:s18+s3] =	stream.linear.scatter [tilespmem:s16], [sflag:$0x7], $0x80, $0x38;
	[tilespmem:$0x19500] =	vst v63  }
0x199: {  	s16 =	sadd.s32 $0x10F20, s17;
	s18 =	sadd.s32 $0x40, s12  }
0x19a: {  	[hbm4b:s18+s3] =	stream.linear.scatter [tilespmem:s16], [sflag:$0x7], $0x80, $0x38;
	[tilespmem:$0x19500] =	vst v63  }
.Ltmp3:
0x19b: {  	s16 =	sadd.s32 $0x10FA8, s17;
	s18 =	sadd.s32 $0x50, s12;
	(pc) =	sbr.rel @p2 .LBB2_9-.Ltmp3, $4  }
0x19c: {  	[hbm4b:s18+s3] =	stream.linear.scatter [tilespmem:s16], [sflag:$0x7], $0x80, $0x38;
	[tilespmem:$0x19500] =	vst v63  }
0x19d: {  	s16 =	sadd.s32 $0x11030, s17;
	s18 =	sadd.s32 $0x60, s12;
	s17 =	sadd.s32 $0x110B8, s17  }
0x19e: {  	[hbm4b:s18+s3] =	stream.linear.scatter [tilespmem:s16], [sflag:$0x7], $0x80, $0x38;
	[tilespmem:$0x19500] =	vst v63  }
0x19f: {  	s18 =	sadd.s32 $0x70, s12;
	s12 =	sadd.s32 $0x1000, s12;
	s16 =	smov.u32 s19  }
0x1a0: {  	[hbm4b:s18+s3] =	stream.linear.scatter [tilespmem:s17], [sflag:$0x7], $0x80, $0x38;
	[tilespmem:$0x19500] =	vst v63  }
0x1a1: {  	s16 =	sadd.s32 $0x10D00, s7  }
0x1a2: {  	[hbm4b:s12+s3] =	stream.linear.scatter [tilespmem:s16], [sflag:$0x7], $0x80, $0x38;
	[tilespmem:$0x19500] =	vst v63  }
0x1a3: {  	s18 =	sadd.s32 $0x10D88, s7;
	s19 =	sadd.s32 $0x10, s12  }
0x1a4: {  	[hbm4b:s19+s3] =	stream.linear.scatter [tilespmem:s18], [sflag:$0x7], $0x80, $0x38;
	[tilespmem:$0x19500] =	vst v63  }
0x1a5: {  	s18 =	sadd.s32 $0x10E10, s7;
	s19 =	sadd.s32 $0x20, s12  }
0x1a6: {  	[hbm4b:s19+s3] =	stream.linear.scatter [tilespmem:s18], [sflag:$0x7], $0x80, $0x38;
	[tilespmem:$0x19500] =	vst v63  }
0x1a7: {  	s18 =	sadd.s32 $0x10E98, s7;
	s19 =	sadd.s32 $0x30, s12  }
0x1a8: {  	[hbm4b:s19+s3] =	stream.linear.scatter [tilespmem:s18], [sflag:$0x7], $0x80, $0x38;
	[tilespmem:$0x19500] =	vst v63  }
0x1a9: {  	s18 =	sadd.s32 $0x10F20, s7;
	s19 =	sadd.s32 $0x40, s12  }
0x1aa: {  	[hbm4b:s19+s3] =	stream.linear.scatter [tilespmem:s18], [sflag:$0x7], $0x80, $0x38;
	[tilespmem:$0x19500] =	vst v63  }
0x1ab: {  	s18 =	sadd.s32 $0x10FA8, s7;
	s19 =	sadd.s32 $0x50, s12  }
0x1ac: {  	[hbm4b:s19+s3] =	stream.linear.scatter [tilespmem:s18], [sflag:$0x7], $0x80, $0x38;
	[tilespmem:$0x19500] =	vst v63  }
0x1ad: {  	s18 =	sadd.s32 $0x11030, s7;
	s19 =	sadd.s32 $0x60, s12  }
0x1ae: {  	[hbm4b:s19+s3] =	stream.linear.scatter [tilespmem:s18], [sflag:$0x7], $0x80, $0x38;
	[tilespmem:$0x19500] =	vst v63  }
0x1af: {  	s17 =	sadd.s32 $0x70, s12;
	s16 =	sadd.s32 $0x110B8, s7  }
0x1b0: {  	[hbm4b:s17+s3] =	stream.linear.scatter [tilespmem:s16], [sflag:$0x7], $0x80, $0x38;
	[tilespmem:$0x19500] =	vst v63  }
0x1b1: {  	_ =	swait.ge [sflag:s29], $0x2000  }
0x1b2: {  	[sflag:s29] =	ssyncset.done $0x0  }
0x1b3: {  	s7 =	sadd.s32 s23, s9;
	s16 =	simm.s32 @!p0 $0x8;
	[sflag:s29] =	ssyncadd.s32 $0xFFFFE000  }
0x1b4: {  	s12 =	sshrl.u32 s7, $0x5;
	_ =	swait.ge @!p0 [sflag:s16], $0x2000  }
0x1b5: {  	s18 =	sshll.u32 s12, $0x6;
	[sflag:s16] =	ssyncset.done @!p0 $0x0  }
0x1b6: {  	s17 =	sand.u32 $0x3FFFFFC0, s18;
	[sflag:s16] =	ssyncadd.s32 @!p0 $0xFFFFE000  }
0x1b7: {  	s19 =	simm.s32 $0x0;
	s16 =	simm.s32 $0x8BF0;
	v4 =	vld [tilespmem:s17+$0x1900]  }
0x1b8: {  	v5 =	vmov s19;
	v7 =	vld [tilespmem:s16+$0xFFFFFF10]  }
0x1b9: {  	v8 =	vand.u32 $0x7C, v5  }
0x1ba: {  	v9 =	vadd.s32 v0, v8;
	_ =	sdelay $0x2  }
0x1bb: {  	v5 =	vld [tilespmem:s17+$0x1910];
	v10 =	vadd.f32 v7, v4  }
0x1bc: {  	v6 =	vld [tilespmem:s17+$0x1920]  }
0x1bd: {  	v7 =	vld [tilespmem:s17+$0x1930];
	[tilespmem:v9+s30+$0x0] =	vst.idx.msk $0xffff, v10  }
0x1be: {  	v9 =	vld [tilespmem:s16+$0xFFFFFF20];
	_ =	sdelay $0x1  }
0x1bf: {  	v10 =	vadd.s32 v1, v8;
	_ =	sdelay $0x2  }
0x1c0: {  	v9 =	vadd.f32 v9, v5;
	_ =	sdelay $0x1  }
0x1c1: {  	[tilespmem:v10+s30+$0x0] =	vst.idx.msk $0xffff, v9  }
0x1c2: {  	v9 =	vld [tilespmem:s16+$0xFFFFFF30];
	_ =	sdelay $0x1  }
0x1c3: {  	v10 =	vadd.s32 v2, v8;
	_ =	sdelay $0x2  }
0x1c4: {  	v9 =	vadd.f32 v9, v6;
	_ =	sdelay $0x1  }
0x1c5: {  	[tilespmem:v10+s30+$0x0] =	vst.idx.msk $0xffff, v9  }
0x1c6: {  	v9 =	vld [tilespmem:s16+$0xFFFFFF40];
	_ =	sdelay $0x1  }
0x1c7: {  	v8 =	vadd.s32 v3, v8;
	_ =	sdelay $0x2  }
0x1c8: {  	v9 =	vadd.f32 v9, v7;
	_ =	sdelay $0x1  }
0x1c9: {  	s19 =	simm.s32 $0x1;
	[tilespmem:v8+s30+$0x0] =	vst.idx.msk $0xffff, v9  }
0x1ca: {  	v8 =	vmov s19;
	v9 =	vld [tilespmem:s16+$0xFFFFFF50]  }
0x1cb: {  	v8 =	vand.u32 $0x7D, v8  }
0x1cc: {  	v10 =	vadd.s32 v0, v8;
	_ =	sdelay $0x2  }
0x1cd: {  	v9 =	vadd.f32 v9, v4;
	_ =	sdelay $0x1  }
0x1ce: {  	[tilespmem:v10+s30+$0x0] =	vst.idx.msk $0xffff, v9  }
0x1cf: {  	v9 =	vld [tilespmem:s16+$0xFFFFFF60];
	_ =	sdelay $0x1  }
0x1d0: {  	v10 =	vadd.s32 v1, v8;
	_ =	sdelay $0x2  }
0x1d1: {  	v9 =	vadd.f32 v9, v5;
	_ =	sdelay $0x1  }
0x1d2: {  	[tilespmem:v10+s30+$0x0] =	vst.idx.msk $0xffff, v9  }
0x1d3: {  	v9 =	vld [tilespmem:s16+$0xFFFFFF70];
	_ =	sdelay $0x1  }
0x1d4: {  	v10 =	vadd.s32 v2, v8;
	_ =	sdelay $0x2  }
0x1d5: {  	v9 =	vadd.f32 v9, v6;
	_ =	sdelay $0x1  }
0x1d6: {  	[tilespmem:v10+s30+$0x0] =	vst.idx.msk $0xffff, v9  }
0x1d7: {  	v9 =	vld [tilespmem:s16+$0xFFFFFF80];
	_ =	sdelay $0x1  }
0x1d8: {  	v8 =	vadd.s32 v3, v8;
	_ =	sdelay $0x2  }
0x1d9: {  	v9 =	vadd.f32 v9, v7;
	_ =	sdelay $0x1  }
0x1da: {  	s18 =	simm.s32 $0x2;
	[tilespmem:v8+s30+$0x0] =	vst.idx.msk $0xffff, v9  }
0x1db: {  	v8 =	vmov s18;
	v9 =	vld [tilespmem:s16+$0xFFFFFF90]  }
0x1dc: {  	v8 =	vand.u32 $0x7E, v8  }
0x1dd: {  	v10 =	vadd.s32 v0, v8;
	_ =	sdelay $0x2  }
0x1de: {  	v9 =	vadd.f32 v9, v4;
	_ =	sdelay $0x1  }
0x1df: {  	[tilespmem:v10+s30+$0x0] =	vst.idx.msk $0xffff, v9  }
0x1e0: {  	v9 =	vld [tilespmem:s16+$0xFFFFFFA0];
	_ =	sdelay $0x1  }
0x1e1: {  	v10 =	vadd.s32 v1, v8;
	_ =	sdelay $0x2  }
0x1e2: {  	v9 =	vadd.f32 v9, v5;
	_ =	sdelay $0x1  }
0x1e3: {  	[tilespmem:v10+s30+$0x0] =	vst.idx.msk $0xffff, v9  }
0x1e4: {  	v9 =	vld [tilespmem:s16+$0xFFFFFFB0];
	_ =	sdelay $0x1  }
0x1e5: {  	v10 =	vadd.s32 v2, v8;
	_ =	sdelay $0x2  }
0x1e6: {  	v9 =	vadd.f32 v9, v6;
	_ =	sdelay $0x1  }
0x1e7: {  	[tilespmem:v10+s30+$0x0] =	vst.idx.msk $0xffff, v9  }
0x1e8: {  	v9 =	vld [tilespmem:s16+$0xFFFFFFC0];
	_ =	sdelay $0x1  }
0x1e9: {  	v8 =	vadd.s32 v3, v8;
	_ =	sdelay $0x2  }
0x1ea: {  	v9 =	vadd.f32 v9, v7;
	_ =	sdelay $0x1  }
0x1eb: {  	s19 =	simm.s32 $0x3;
	[tilespmem:v8+s30+$0x0] =	vst.idx.msk $0xffff, v9  }
0x1ec: {  	v8 =	vmov s19;
	v9 =	vld [tilespmem:s16+$0xFFFFFFD0]  }
0x1ed: {  	v8 =	vand.u32 $0x7F, v8  }
0x1ee: {  	v10 =	vadd.s32 v0, v8;
	_ =	sdelay $0x2  }
0x1ef: {  	v9 =	vadd.f32 v9, v4;
	_ =	sdelay $0x1  }
0x1f0: {  	[tilespmem:v10+s30+$0x0] =	vst.idx.msk $0xffff, v9  }
0x1f1: {  	v9 =	vld [tilespmem:s16+$0xFFFFFFE0];
	_ =	sdelay $0x1  }
0x1f2: {  	v10 =	vadd.s32 v1, v8;
	_ =	sdelay $0x2  }
0x1f3: {  	v9 =	vadd.f32 v9, v5;
	_ =	sdelay $0x1  }
0x1f4: {  	[tilespmem:v10+s30+$0x0] =	vst.idx.msk $0xffff, v9  }
0x1f5: {  	v9 =	vld [tilespmem:s16+$0xFFFFFFF0];
	_ =	sdelay $0x1  }
0x1f6: {  	v10 =	vadd.s32 v2, v8;
	_ =	sdelay $0x2  }
0x1f7: {  	v9 =	vadd.f32 v9, v6;
	_ =	sdelay $0x1  }
0x1f8: {  	[tilespmem:v10+s30+$0x0] =	vst.idx.msk $0xffff, v9  }
0x1f9: {  	v9 =	vld [tilespmem:s16+$0x0];
	_ =	sdelay $0x1  }
0x1fa: {  	v8 =	vadd.s32 v3, v8;
	_ =	sdelay $0x2  }
0x1fb: {  	s17 =	simm.s32 $0x4;
	v9 =	vadd.f32 v9, v7  }
.LBB2_11:
0x1fc: {  	p2 =	slt.u32 s17, $0x7C  }
0x1fd: {  	s16 =	sadd.s32 $0x100, s16;
	s18 =	smov.u32 s17;
	s17 =	sadd.s32 $0x4, s17;
	[tilespmem:v8+s30+$0x0] =	vst.idx.msk $0xffff, v9  }
0x1fe: {  	v8 =	vmov s18;
	v9 =	vld [tilespmem:s16+$0xFFFFFF10]  }
0x1ff: {  	v8 =	vand.u32 $0x7C, v8  }
0x200: {  	v10 =	vadd.s32 v0, v8;
	_ =	sdelay $0x2  }
0x201: {  	v9 =	vadd.f32 v9, v4;
	_ =	sdelay $0x1  }
0x202: {  	[tilespmem:v10+s30+$0x0] =	vst.idx.msk $0xffff, v9  }
0x203: {  	v9 =	vld [tilespmem:s16+$0xFFFFFF20];
	_ =	sdelay $0x1  }
0x204: {  	v10 =	vadd.s32 v1, v8;
	_ =	sdelay $0x2  }
0x205: {  	v9 =	vadd.f32 v9, v5;
	_ =	sdelay $0x1  }
0x206: {  	[tilespmem:v10+s30+$0x0] =	vst.idx.msk $0xffff, v9  }
0x207: {  	v9 =	vld [tilespmem:s16+$0xFFFFFF30];
	_ =	sdelay $0x1  }
0x208: {  	v10 =	vadd.s32 v2, v8;
	_ =	sdelay $0x2  }
0x209: {  	v9 =	vadd.f32 v9, v6;
	_ =	sdelay $0x1  }
0x20a: {  	[tilespmem:v10+s30+$0x0] =	vst.idx.msk $0xffff, v9  }
0x20b: {  	v9 =	vld [tilespmem:s16+$0xFFFFFF40];
	_ =	sdelay $0x1  }
0x20c: {  	v8 =	vadd.s32 v3, v8;
	_ =	sdelay $0x2  }
0x20d: {  	v9 =	vadd.f32 v9, v7;
	_ =	sdelay $0x1  }
0x20e: {  	s19 =	sadd.s32 $0x1, s18;
	[tilespmem:v8+s30+$0x0] =	vst.idx.msk $0xffff, v9  }
0x20f: {  	v8 =	vmov s19;
	v9 =	vld [tilespmem:s16+$0xFFFFFF50]  }
0x210: {  	v8 =	vand.u32 $0x7D, v8  }
0x211: {  	v10 =	vadd.s32 v0, v8;
	_ =	sdelay $0x2  }
0x212: {  	v9 =	vadd.f32 v9, v4;
	_ =	sdelay $0x1  }
0x213: {  	[tilespmem:v10+s30+$0x0] =	vst.idx.msk $0xffff, v9  }
0x214: {  	v9 =	vld [tilespmem:s16+$0xFFFFFF60];
	_ =	sdelay $0x1  }
0x215: {  	v10 =	vadd.s32 v1, v8;
	_ =	sdelay $0x2  }
0x216: {  	v9 =	vadd.f32 v9, v5;
	_ =	sdelay $0x1  }
0x217: {  	[tilespmem:v10+s30+$0x0] =	vst.idx.msk $0xffff, v9  }
0x218: {  	v9 =	vld [tilespmem:s16+$0xFFFFFF70];
	_ =	sdelay $0x1  }
0x219: {  	v10 =	vadd.s32 v2, v8;
	_ =	sdelay $0x2  }
0x21a: {  	v9 =	vadd.f32 v9, v6;
	_ =	sdelay $0x1  }
0x21b: {  	[tilespmem:v10+s30+$0x0] =	vst.idx.msk $0xffff, v9  }
0x21c: {  	v9 =	vld [tilespmem:s16+$0xFFFFFF80];
	_ =	sdelay $0x1  }
0x21d: {  	v8 =	vadd.s32 v3, v8;
	_ =	sdelay $0x2  }
0x21e: {  	v9 =	vadd.f32 v9, v7;
	_ =	sdelay $0x1  }
0x21f: {  	s19 =	sadd.s32 $0x2, s18;
	[tilespmem:v8+s30+$0x0] =	vst.idx.msk $0xffff, v9  }
0x220: {  	v8 =	vmov s19;
	v9 =	vld [tilespmem:s16+$0xFFFFFF90]  }
0x221: {  	v8 =	vand.u32 $0x7E, v8  }
0x222: {  	v10 =	vadd.s32 v0, v8;
	_ =	sdelay $0x2  }
0x223: {  	v9 =	vadd.f32 v9, v4;
	_ =	sdelay $0x1  }
0x224: {  	[tilespmem:v10+s30+$0x0] =	vst.idx.msk $0xffff, v9  }
0x225: {  	v9 =	vld [tilespmem:s16+$0xFFFFFFA0];
	_ =	sdelay $0x1  }
0x226: {  	v10 =	vadd.s32 v1, v8;
	_ =	sdelay $0x2  }
0x227: {  	v9 =	vadd.f32 v9, v5;
	_ =	sdelay $0x1  }
0x228: {  	[tilespmem:v10+s30+$0x0] =	vst.idx.msk $0xffff, v9  }
0x229: {  	v9 =	vld [tilespmem:s16+$0xFFFFFFB0];
	_ =	sdelay $0x1  }
0x22a: {  	v10 =	vadd.s32 v2, v8;
	_ =	sdelay $0x2  }
0x22b: {  	v9 =	vadd.f32 v9, v6;
	_ =	sdelay $0x1  }
0x22c: {  	[tilespmem:v10+s30+$0x0] =	vst.idx.msk $0xffff, v9  }
0x22d: {  	v9 =	vld [tilespmem:s16+$0xFFFFFFC0];
	_ =	sdelay $0x1  }
0x22e: {  	v8 =	vadd.s32 v3, v8;
	_ =	sdelay $0x2  }
0x22f: {  	v9 =	vadd.f32 v9, v7;
	_ =	sdelay $0x1  }
0x230: {  	s18 =	sadd.s32 $0x3, s18;
	[tilespmem:v8+s30+$0x0] =	vst.idx.msk $0xffff, v9  }
0x231: {  	v8 =	vmov s18;
	v9 =	vld [tilespmem:s16+$0xFFFFFFD0]  }
0x232: {  	v8 =	vand.u32 $0x7F, v8  }
0x233: {  	v10 =	vadd.s32 v0, v8;
	_ =	sdelay $0x2  }
0x234: {  	v9 =	vadd.f32 v9, v4;
	_ =	sdelay $0x1  }
0x235: {  	[tilespmem:v10+s30+$0x0] =	vst.idx.msk $0xffff, v9  }
0x236: {  	v9 =	vld [tilespmem:s16+$0xFFFFFFE0];
	_ =	sdelay $0x1  }
0x237: {  	v10 =	vadd.s32 v1, v8;
	_ =	sdelay $0x2  }
0x238: {  	v9 =	vadd.f32 v9, v5;
	_ =	sdelay $0x1  }
0x239: {  	[tilespmem:v10+s30+$0x0] =	vst.idx.msk $0xffff, v9  }
0x23a: {  	v9 =	vld [tilespmem:s16+$0xFFFFFFF0];
	_ =	sdelay $0x1  }
0x23b: {  	v10 =	vadd.s32 v2, v8;
	_ =	sdelay $0x2  }
0x23c: {  	v9 =	vadd.f32 v9, v6;
	_ =	sdelay $0x1  }
0x23d: {  	[tilespmem:v10+s30+$0x0] =	vst.idx.msk $0xffff, v9  }
0x23e: {  	v9 =	vld [tilespmem:s16+$0x0]  }
.Ltmp4:
0x23f: {  	(pc) =	sbr.rel @p2 .LBB2_11-.Ltmp4, $2  }
0x240: {  	v8 =	vadd.s32 v3, v8;
	_ =	sdelay $0x2  }
0x241: {  	v9 =	vadd.f32 v9, v7  }
0x242: {  	_ =	sdelay $0x2  }
0x243: {  	s16 =	sadd.s32 @!p1 $0x380, s6;
	s7 =	sshll.u32 s7, $0x7  }
0x244: {  	s17 =	simm.s32 @!p1 $0x80;
	s18 =	simm.s32 @!p1 $0x8B00;
	[tilespmem:v8+s30+$0x0] =	vst.idx.msk $0xffff, v9;
	s7 =	sand.u32 $0xF80, s7  }
0x245: {  	[tilespmem:s18], [sflag:$0x3] =	stream.indirect.gather @!p1 [hbm4b:s5+s17], $0x40, s16, s17, $0xb8;
	[tilespmem:$0x19500] =	vst v63  }
0x246: {  	s12 =	sshll.u32 s12, $0xF;
	s7 =	sadd.s32 s2, s7  }
0x247: {  	s19 =	simm.s32 $0x12F00;
	s12 =	sadd.s32 s12, s7  }
0x248: {  	[hbm4b:s12+s3] =	stream.linear.scatter [tilespmem:s19], [sflag:$0x8], $0x80, $0x38;
	[tilespmem:$0x19500] =	vst v63  }
0x249: {  	s16 =	simm.s32 $0x12F88;
	s17 =	sadd.s32 $0x10, s12  }
0x24a: {  	[hbm4b:s17+s3] =	stream.linear.scatter [tilespmem:s16], [sflag:$0x8], $0x80, $0x38;
	[tilespmem:$0x19500] =	vst v63  }
0x24b: {  	s18 =	simm.s32 $0x13010;
	s19 =	sadd.s32 $0x20, s12  }
0x24c: {  	[hbm4b:s19+s3] =	stream.linear.scatter [tilespmem:s18], [sflag:$0x8], $0x80, $0x38;
	[tilespmem:$0x19500] =	vst v63  }
0x24d: {  	s16 =	simm.s32 $0x13098;
	s17 =	sadd.s32 $0x30, s12  }
0x24e: {  	[hbm4b:s17+s3] =	stream.linear.scatter [tilespmem:s16], [sflag:$0x8], $0x80, $0x38;
	[tilespmem:$0x19500] =	vst v63  }
0x24f: {  	s18 =	simm.s32 $0x13120;
	s19 =	sadd.s32 $0x40, s12  }
0x250: {  	[hbm4b:s19+s3] =	stream.linear.scatter [tilespmem:s18], [sflag:$0x8], $0x80, $0x38;
	[tilespmem:$0x19500] =	vst v63  }
0x251: {  	s7 =	simm.s32 $0x440;
	s16 =	simm.s32 $0x131A8;
	s17 =	sadd.s32 $0x50, s12  }
0x252: {  	[hbm4b:s17+s3] =	stream.linear.scatter [tilespmem:s16], [sflag:$0x8], $0x80, $0x38;
	[tilespmem:$0x19500] =	vst v63  }
0x253: {  	s18 =	simm.s32 $0x13230;
	s19 =	sadd.s32 $0x60, s12;
	s16 =	simm.s32 $0x2200  }
0x254: {  	[hbm4b:s19+s3] =	stream.linear.scatter [tilespmem:s18], [sflag:$0x8], $0x80, $0x38;
	[tilespmem:$0x19500] =	vst v63  }
0x255: {  	s17 =	simm.s32 $0x132B8;
	s18 =	sadd.s32 $0x70, s12;
	s12 =	sadd.s32 $0x1000, s12  }
.LBB2_13:
0x256: {  	[hbm4b:s18+s3] =	stream.linear.scatter [tilespmem:s17], [sflag:$0x8], $0x80, $0x38;
	[tilespmem:$0x19500] =	vst v63  }
0x257: {  	s17 =	smov.u32 s7;
	s7 =	smov.u32 s16  }
0x258: {  	s19 =	sadd.s32 $0x1100, s16;
	s7 =	sshra.s32 s7, $0x2;
	s18 =	sadd.s32 $0x12F00, s17  }
0x259: {  	[hbm4b:s12+s3] =	stream.linear.scatter [tilespmem:s18], [sflag:$0x8], $0x80, $0x38;
	[tilespmem:$0x19500] =	vst v63  }
0x25a: {  	p2 =	sne.s32 s16, $0x7700;
	s16 =	sadd.s32 $0x12F88, s17;
	s18 =	sadd.s32 $0x10, s12  }
0x25b: {  	[hbm4b:s18+s3] =	stream.linear.scatter [tilespmem:s16], [sflag:$0x8], $0x80, $0x38;
	[tilespmem:$0x19500] =	vst v63  }
0x25c: {  	s16 =	sadd.s32 $0x13010, s17;
	s18 =	sadd.s32 $0x20, s12  }
0x25d: {  	[hbm4b:s18+s3] =	stream.linear.scatter [tilespmem:s16], [sflag:$0x8], $0x80, $0x38;
	[tilespmem:$0x19500] =	vst v63  }
0x25e: {  	s16 =	sadd.s32 $0x13098, s17;
	s18 =	sadd.s32 $0x30, s12  }
0x25f: {  	[hbm4b:s18+s3] =	stream.linear.scatter [tilespmem:s16], [sflag:$0x8], $0x80, $0x38;
	[tilespmem:$0x19500] =	vst v63  }
0x260: {  	s16 =	sadd.s32 $0x13120, s17;
	s18 =	sadd.s32 $0x40, s12  }
0x261: {  	[hbm4b:s18+s3] =	stream.linear.scatter [tilespmem:s16], [sflag:$0x8], $0x80, $0x38;
	[tilespmem:$0x19500] =	vst v63  }
.Ltmp5:
0x262: {  	s16 =	sadd.s32 $0x131A8, s17;
	s18 =	sadd.s32 $0x50, s12;
	(pc) =	sbr.rel @p2 .LBB2_13-.Ltmp5, $4  }
0x263: {  	[hbm4b:s18+s3] =	stream.linear.scatter [tilespmem:s16], [sflag:$0x8], $0x80, $0x38;
	[tilespmem:$0x19500] =	vst v63  }
0x264: {  	s16 =	sadd.s32 $0x13230, s17;
	s18 =	sadd.s32 $0x60, s12;
	s17 =	sadd.s32 $0x132B8, s17  }
0x265: {  	[hbm4b:s18+s3] =	stream.linear.scatter [tilespmem:s16], [sflag:$0x8], $0x80, $0x38;
	[tilespmem:$0x19500] =	vst v63  }
0x266: {  	s18 =	sadd.s32 $0x70, s12;
	s12 =	sadd.s32 $0x1000, s12;
	s16 =	smov.u32 s19  }
0x267: {  	[hbm4b:s18+s3] =	stream.linear.scatter [tilespmem:s17], [sflag:$0x8], $0x80, $0x38;
	[tilespmem:$0x19500] =	vst v63  }
0x268: {  	s16 =	sadd.s32 $0x12F00, s7  }
0x269: {  	[hbm4b:s12+s3] =	stream.linear.scatter [tilespmem:s16], [sflag:$0x8], $0x80, $0x38;
	[tilespmem:$0x19500] =	vst v63  }
0x26a: {  	s18 =	sadd.s32 $0x12F88, s7;
	s19 =	sadd.s32 $0x10, s12  }
0x26b: {  	[hbm4b:s19+s3] =	stream.linear.scatter [tilespmem:s18], [sflag:$0x8], $0x80, $0x38;
	[tilespmem:$0x19500] =	vst v63  }
0x26c: {  	s18 =	sadd.s32 $0x13010, s7;
	s19 =	sadd.s32 $0x20, s12  }
0x26d: {  	[hbm4b:s19+s3] =	stream.linear.scatter [tilespmem:s18], [sflag:$0x8], $0x80, $0x38;
	[tilespmem:$0x19500] =	vst v63  }
0x26e: {  	s18 =	sadd.s32 $0x13098, s7;
	s19 =	sadd.s32 $0x30, s12  }
0x26f: {  	[hbm4b:s19+s3] =	stream.linear.scatter [tilespmem:s18], [sflag:$0x8], $0x80, $0x38;
	[tilespmem:$0x19500] =	vst v63  }
0x270: {  	s18 =	sadd.s32 $0x13120, s7;
	s19 =	sadd.s32 $0x40, s12  }
0x271: {  	[hbm4b:s19+s3] =	stream.linear.scatter [tilespmem:s18], [sflag:$0x8], $0x80, $0x38;
	[tilespmem:$0x19500] =	vst v63  }
0x272: {  	s18 =	sadd.s32 $0x131A8, s7;
	s19 =	sadd.s32 $0x50, s12  }
0x273: {  	[hbm4b:s19+s3] =	stream.linear.scatter [tilespmem:s18], [sflag:$0x8], $0x80, $0x38;
	[tilespmem:$0x19500] =	vst v63  }
0x274: {  	s18 =	sadd.s32 $0x13230, s7;
	s19 =	sadd.s32 $0x60, s12  }
0x275: {  	[hbm4b:s19+s3] =	stream.linear.scatter [tilespmem:s18], [sflag:$0x8], $0x80, $0x38;
	[tilespmem:$0x19500] =	vst v63  }
0x276: {  	s17 =	sadd.s32 $0x70, s12;
	s16 =	sadd.s32 $0x132B8, s7  }
0x277: {  	[hbm4b:s17+s3] =	stream.linear.scatter [tilespmem:s16], [sflag:$0x8], $0x80, $0x38;
	[tilespmem:$0x19500] =	vst v63  }
0x278: {  	_ =	swait.ge [sflag:s31], $0x2000  }
0x279: {  	[sflag:s31] =	ssyncset.done $0x0  }
0x27a: {  	s7 =	sadd.s32 s23, s10;
	s16 =	simm.s32 @!p0 $0x9;
	[sflag:s31] =	ssyncadd.s32 $0xFFFFE000  }
0x27b: {  	s12 =	sshrl.u32 s7, $0x5;
	_ =	swait.ge @!p0 [sflag:s16], $0x2000  }
0x27c: {  	s18 =	sshll.u32 s12, $0x6;
	[sflag:s16] =	ssyncset.done @!p0 $0x0  }
0x27d: {  	s17 =	sand.u32 $0x3FFFFFC0, s18;
	[sflag:s16] =	ssyncadd.s32 @!p0 $0xFFFFE000  }
0x27e: {  	s19 =	simm.s32 $0x0;
	s16 =	simm.s32 $0xABF0;
	v4 =	vld [tilespmem:s17+$0x1900]  }
0x27f: {  	v5 =	vmov s19;
	v7 =	vld [tilespmem:s16+$0xFFFFFF10]  }
0x280: {  	v8 =	vand.u32 $0x7C, v5  }
0x281: {  	v9 =	vadd.s32 v0, v8;
	_ =	sdelay $0x2  }
0x282: {  	v5 =	vld [tilespmem:s17+$0x1910];
	v10 =	vadd.f32 v7, v4  }
0x283: {  	v6 =	vld [tilespmem:s17+$0x1920]  }
0x284: {  	v7 =	vld [tilespmem:s17+$0x1930];
	[tilespmem:v9+s1+$0x0] =	vst.idx.msk $0xffff, v10  }
0x285: {  	v9 =	vld [tilespmem:s16+$0xFFFFFF20];
	_ =	sdelay $0x1  }
0x286: {  	v10 =	vadd.s32 v1, v8;
	_ =	sdelay $0x2  }
0x287: {  	v9 =	vadd.f32 v9, v5;
	_ =	sdelay $0x1  }
0x288: {  	[tilespmem:v10+s1+$0x0] =	vst.idx.msk $0xffff, v9  }
0x289: {  	v9 =	vld [tilespmem:s16+$0xFFFFFF30];
	_ =	sdelay $0x1  }
0x28a: {  	v10 =	vadd.s32 v2, v8;
	_ =	sdelay $0x2  }
0x28b: {  	v9 =	vadd.f32 v9, v6;
	_ =	sdelay $0x1  }
0x28c: {  	[tilespmem:v10+s1+$0x0] =	vst.idx.msk $0xffff, v9  }
0x28d: {  	v9 =	vld [tilespmem:s16+$0xFFFFFF40];
	_ =	sdelay $0x1  }
0x28e: {  	v8 =	vadd.s32 v3, v8;
	_ =	sdelay $0x2  }
0x28f: {  	v9 =	vadd.f32 v9, v7;
	_ =	sdelay $0x1  }
0x290: {  	s19 =	simm.s32 $0x1;
	[tilespmem:v8+s1+$0x0] =	vst.idx.msk $0xffff, v9  }
0x291: {  	v8 =	vmov s19;
	v9 =	vld [tilespmem:s16+$0xFFFFFF50]  }
0x292: {  	v8 =	vand.u32 $0x7D, v8  }
0x293: {  	v10 =	vadd.s32 v0, v8;
	_ =	sdelay $0x2  }
0x294: {  	v9 =	vadd.f32 v9, v4;
	_ =	sdelay $0x1  }
0x295: {  	[tilespmem:v10+s1+$0x0] =	vst.idx.msk $0xffff, v9  }
0x296: {  	v9 =	vld [tilespmem:s16+$0xFFFFFF60];
	_ =	sdelay $0x1  }
0x297: {  	v10 =	vadd.s32 v1, v8;
	_ =	sdelay $0x2  }
0x298: {  	v9 =	vadd.f32 v9, v5;
	_ =	sdelay $0x1  }
0x299: {  	[tilespmem:v10+s1+$0x0] =	vst.idx.msk $0xffff, v9  }
0x29a: {  	v9 =	vld [tilespmem:s16+$0xFFFFFF70];
	_ =	sdelay $0x1  }
0x29b: {  	v10 =	vadd.s32 v2, v8;
	_ =	sdelay $0x2  }
0x29c: {  	v9 =	vadd.f32 v9, v6;
	_ =	sdelay $0x1  }
0x29d: {  	[tilespmem:v10+s1+$0x0] =	vst.idx.msk $0xffff, v9  }
0x29e: {  	v9 =	vld [tilespmem:s16+$0xFFFFFF80];
	_ =	sdelay $0x1  }
0x29f: {  	v8 =	vadd.s32 v3, v8;
	_ =	sdelay $0x2  }
0x2a0: {  	v9 =	vadd.f32 v9, v7;
	_ =	sdelay $0x1  }
0x2a1: {  	s18 =	simm.s32 $0x2;
	[tilespmem:v8+s1+$0x0] =	vst.idx.msk $0xffff, v9  }
0x2a2: {  	v8 =	vmov s18;
	v9 =	vld [tilespmem:s16+$0xFFFFFF90]  }
0x2a3: {  	v8 =	vand.u32 $0x7E, v8  }
0x2a4: {  	v10 =	vadd.s32 v0, v8;
	_ =	sdelay $0x2  }
0x2a5: {  	v9 =	vadd.f32 v9, v4;
	_ =	sdelay $0x1  }
0x2a6: {  	[tilespmem:v10+s1+$0x0] =	vst.idx.msk $0xffff, v9  }
0x2a7: {  	v9 =	vld [tilespmem:s16+$0xFFFFFFA0];
	_ =	sdelay $0x1  }
0x2a8: {  	v10 =	vadd.s32 v1, v8;
	_ =	sdelay $0x2  }
0x2a9: {  	v9 =	vadd.f32 v9, v5;
	_ =	sdelay $0x1  }
0x2aa: {  	[tilespmem:v10+s1+$0x0] =	vst.idx.msk $0xffff, v9  }
0x2ab: {  	v9 =	vld [tilespmem:s16+$0xFFFFFFB0];
	_ =	sdelay $0x1  }
0x2ac: {  	v10 =	vadd.s32 v2, v8;
	_ =	sdelay $0x2  }
0x2ad: {  	v9 =	vadd.f32 v9, v6;
	_ =	sdelay $0x1  }
0x2ae: {  	[tilespmem:v10+s1+$0x0] =	vst.idx.msk $0xffff, v9  }
0x2af: {  	v9 =	vld [tilespmem:s16+$0xFFFFFFC0];
	_ =	sdelay $0x1  }
0x2b0: {  	v8 =	vadd.s32 v3, v8;
	_ =	sdelay $0x2  }
0x2b1: {  	v9 =	vadd.f32 v9, v7;
	_ =	sdelay $0x1  }
0x2b2: {  	s19 =	simm.s32 $0x3;
	[tilespmem:v8+s1+$0x0] =	vst.idx.msk $0xffff, v9  }
0x2b3: {  	v8 =	vmov s19;
	v9 =	vld [tilespmem:s16+$0xFFFFFFD0]  }
0x2b4: {  	v8 =	vand.u32 $0x7F, v8  }
0x2b5: {  	v10 =	vadd.s32 v0, v8;
	_ =	sdelay $0x2  }
0x2b6: {  	v9 =	vadd.f32 v9, v4;
	_ =	sdelay $0x1  }
0x2b7: {  	[tilespmem:v10+s1+$0x0] =	vst.idx.msk $0xffff, v9  }
0x2b8: {  	v9 =	vld [tilespmem:s16+$0xFFFFFFE0];
	_ =	sdelay $0x1  }
0x2b9: {  	v10 =	vadd.s32 v1, v8;
	_ =	sdelay $0x2  }
0x2ba: {  	v9 =	vadd.f32 v9, v5;
	_ =	sdelay $0x1  }
0x2bb: {  	[tilespmem:v10+s1+$0x0] =	vst.idx.msk $0xffff, v9  }
0x2bc: {  	v9 =	vld [tilespmem:s16+$0xFFFFFFF0];
	_ =	sdelay $0x1  }
0x2bd: {  	v10 =	vadd.s32 v2, v8;
	_ =	sdelay $0x2  }
0x2be: {  	v9 =	vadd.f32 v9, v6;
	_ =	sdelay $0x1  }
0x2bf: {  	[tilespmem:v10+s1+$0x0] =	vst.idx.msk $0xffff, v9  }
0x2c0: {  	v9 =	vld [tilespmem:s16+$0x0];
	_ =	sdelay $0x1  }
0x2c1: {  	v8 =	vadd.s32 v3, v8;
	_ =	sdelay $0x2  }
0x2c2: {  	s17 =	simm.s32 $0x4;
	v9 =	vadd.f32 v9, v7  }
.LBB2_15:
0x2c3: {  	p2 =	slt.u32 s17, $0x7C  }
0x2c4: {  	s16 =	sadd.s32 $0x100, s16;
	s18 =	smov.u32 s17;
	s17 =	sadd.s32 $0x4, s17;
	[tilespmem:v8+s1+$0x0] =	vst.idx.msk $0xffff, v9  }
0x2c5: {  	v8 =	vmov s18;
	v9 =	vld [tilespmem:s16+$0xFFFFFF10]  }
0x2c6: {  	v8 =	vand.u32 $0x7C, v8  }
0x2c7: {  	v10 =	vadd.s32 v0, v8;
	_ =	sdelay $0x2  }
0x2c8: {  	v9 =	vadd.f32 v9, v4;
	_ =	sdelay $0x1  }
0x2c9: {  	[tilespmem:v10+s1+$0x0] =	vst.idx.msk $0xffff, v9  }
0x2ca: {  	v9 =	vld [tilespmem:s16+$0xFFFFFF20];
	_ =	sdelay $0x1  }
0x2cb: {  	v10 =	vadd.s32 v1, v8;
	_ =	sdelay $0x2  }
0x2cc: {  	v9 =	vadd.f32 v9, v5;
	_ =	sdelay $0x1  }
0x2cd: {  	[tilespmem:v10+s1+$0x0] =	vst.idx.msk $0xffff, v9  }
0x2ce: {  	v9 =	vld [tilespmem:s16+$0xFFFFFF30];
	_ =	sdelay $0x1  }
0x2cf: {  	v10 =	vadd.s32 v2, v8;
	_ =	sdelay $0x2  }
0x2d0: {  	v9 =	vadd.f32 v9, v6;
	_ =	sdelay $0x1  }
0x2d1: {  	[tilespmem:v10+s1+$0x0] =	vst.idx.msk $0xffff, v9  }
0x2d2: {  	v9 =	vld [tilespmem:s16+$0xFFFFFF40];
	_ =	sdelay $0x1  }
0x2d3: {  	v8 =	vadd.s32 v3, v8;
	_ =	sdelay $0x2  }
0x2d4: {  	v9 =	vadd.f32 v9, v7;
	_ =	sdelay $0x1  }
0x2d5: {  	s19 =	sadd.s32 $0x1, s18;
	[tilespmem:v8+s1+$0x0] =	vst.idx.msk $0xffff, v9  }
0x2d6: {  	v8 =	vmov s19;
	v9 =	vld [tilespmem:s16+$0xFFFFFF50]  }
0x2d7: {  	v8 =	vand.u32 $0x7D, v8  }
0x2d8: {  	v10 =	vadd.s32 v0, v8;
	_ =	sdelay $0x2  }
0x2d9: {  	v9 =	vadd.f32 v9, v4;
	_ =	sdelay $0x1  }
0x2da: {  	[tilespmem:v10+s1+$0x0] =	vst.idx.msk $0xffff, v9  }
0x2db: {  	v9 =	vld [tilespmem:s16+$0xFFFFFF60];
	_ =	sdelay $0x1  }
0x2dc: {  	v10 =	vadd.s32 v1, v8;
	_ =	sdelay $0x2  }
0x2dd: {  	v9 =	vadd.f32 v9, v5;
	_ =	sdelay $0x1  }
0x2de: {  	[tilespmem:v10+s1+$0x0] =	vst.idx.msk $0xffff, v9  }
0x2df: {  	v9 =	vld [tilespmem:s16+$0xFFFFFF70];
	_ =	sdelay $0x1  }
0x2e0: {  	v10 =	vadd.s32 v2, v8;
	_ =	sdelay $0x2  }
0x2e1: {  	v9 =	vadd.f32 v9, v6;
	_ =	sdelay $0x1  }
0x2e2: {  	[tilespmem:v10+s1+$0x0] =	vst.idx.msk $0xffff, v9  }
0x2e3: {  	v9 =	vld [tilespmem:s16+$0xFFFFFF80];
	_ =	sdelay $0x1  }
0x2e4: {  	v8 =	vadd.s32 v3, v8;
	_ =	sdelay $0x2  }
0x2e5: {  	v9 =	vadd.f32 v9, v7;
	_ =	sdelay $0x1  }
0x2e6: {  	s19 =	sadd.s32 $0x2, s18;
	[tilespmem:v8+s1+$0x0] =	vst.idx.msk $0xffff, v9  }
0x2e7: {  	v8 =	vmov s19;
	v9 =	vld [tilespmem:s16+$0xFFFFFF90]  }
0x2e8: {  	v8 =	vand.u32 $0x7E, v8  }
0x2e9: {  	v10 =	vadd.s32 v0, v8;
	_ =	sdelay $0x2  }
0x2ea: {  	v9 =	vadd.f32 v9, v4;
	_ =	sdelay $0x1  }
0x2eb: {  	[tilespmem:v10+s1+$0x0] =	vst.idx.msk $0xffff, v9  }
0x2ec: {  	v9 =	vld [tilespmem:s16+$0xFFFFFFA0];
	_ =	sdelay $0x1  }
0x2ed: {  	v10 =	vadd.s32 v1, v8;
	_ =	sdelay $0x2  }
0x2ee: {  	v9 =	vadd.f32 v9, v5;
	_ =	sdelay $0x1  }
0x2ef: {  	[tilespmem:v10+s1+$0x0] =	vst.idx.msk $0xffff, v9  }
0x2f0: {  	v9 =	vld [tilespmem:s16+$0xFFFFFFB0];
	_ =	sdelay $0x1  }
0x2f1: {  	v10 =	vadd.s32 v2, v8;
	_ =	sdelay $0x2  }
0x2f2: {  	v9 =	vadd.f32 v9, v6;
	_ =	sdelay $0x1  }
0x2f3: {  	[tilespmem:v10+s1+$0x0] =	vst.idx.msk $0xffff, v9  }
0x2f4: {  	v9 =	vld [tilespmem:s16+$0xFFFFFFC0];
	_ =	sdelay $0x1  }
0x2f5: {  	v8 =	vadd.s32 v3, v8;
	_ =	sdelay $0x2  }
0x2f6: {  	v9 =	vadd.f32 v9, v7;
	_ =	sdelay $0x1  }
0x2f7: {  	s18 =	sadd.s32 $0x3, s18;
	[tilespmem:v8+s1+$0x0] =	vst.idx.msk $0xffff, v9  }
0x2f8: {  	v8 =	vmov s18;
	v9 =	vld [tilespmem:s16+$0xFFFFFFD0]  }
0x2f9: {  	v8 =	vand.u32 $0x7F, v8  }
0x2fa: {  	v10 =	vadd.s32 v0, v8;
	_ =	sdelay $0x2  }
0x2fb: {  	v9 =	vadd.f32 v9, v4;
	_ =	sdelay $0x1  }
0x2fc: {  	[tilespmem:v10+s1+$0x0] =	vst.idx.msk $0xffff, v9  }
0x2fd: {  	v9 =	vld [tilespmem:s16+$0xFFFFFFE0];
	_ =	sdelay $0x1  }
0x2fe: {  	v10 =	vadd.s32 v1, v8;
	_ =	sdelay $0x2  }
0x2ff: {  	v9 =	vadd.f32 v9, v5;
	_ =	sdelay $0x1  }
0x300: {  	[tilespmem:v10+s1+$0x0] =	vst.idx.msk $0xffff, v9  }
0x301: {  	v9 =	vld [tilespmem:s16+$0xFFFFFFF0];
	_ =	sdelay $0x1  }
0x302: {  	v10 =	vadd.s32 v2, v8;
	_ =	sdelay $0x2  }
0x303: {  	v9 =	vadd.f32 v9, v6;
	_ =	sdelay $0x1  }
0x304: {  	[tilespmem:v10+s1+$0x0] =	vst.idx.msk $0xffff, v9  }
0x305: {  	v9 =	vld [tilespmem:s16+$0x0]  }
.Ltmp6:
0x306: {  	(pc) =	sbr.rel @p2 .LBB2_15-.Ltmp6, $2  }
0x307: {  	v8 =	vadd.s32 v3, v8;
	_ =	sdelay $0x2  }
0x308: {  	v9 =	vadd.f32 v9, v7  }
0x309: {  	_ =	sdelay $0x2  }
0x30a: {  	s16 =	sadd.s32 @!p1 $0x400, s6;
	s7 =	sshll.u32 s7, $0x7  }
0x30b: {  	s17 =	simm.s32 @!p1 $0x80;
	s18 =	simm.s32 @!p1 $0xAB00;
	[tilespmem:v8+s1+$0x0] =	vst.idx.msk $0xffff, v9;
	s7 =	sand.u32 $0xF80, s7  }
0x30c: {  	[tilespmem:s18], [sflag:$0x4] =	stream.indirect.gather @!p1 [hbm4b:s5+s17], $0x40, s16, s17, $0xb8;
	[tilespmem:$0x19500] =	vst v63  }
0x30d: {  	s12 =	sshll.u32 s12, $0xF;
	s7 =	sadd.s32 s2, s7  }
0x30e: {  	s19 =	simm.s32 $0x15100;
	s12 =	sadd.s32 s12, s7  }
0x30f: {  	[hbm4b:s12+s3] =	stream.linear.scatter [tilespmem:s19], [sflag:$0x9], $0x80, $0x38;
	[tilespmem:$0x19500] =	vst v63  }
0x310: {  	s16 =	simm.s32 $0x15188;
	s17 =	sadd.s32 $0x10, s12  }
0x311: {  	[hbm4b:s17+s3] =	stream.linear.scatter [tilespmem:s16], [sflag:$0x9], $0x80, $0x38;
	[tilespmem:$0x19500] =	vst v63  }
0x312: {  	s18 =	simm.s32 $0x15210;
	s19 =	sadd.s32 $0x20, s12  }
0x313: {  	[hbm4b:s19+s3] =	stream.linear.scatter [tilespmem:s18], [sflag:$0x9], $0x80, $0x38;
	[tilespmem:$0x19500] =	vst v63  }
0x314: {  	s16 =	simm.s32 $0x15298;
	s17 =	sadd.s32 $0x30, s12  }
0x315: {  	[hbm4b:s17+s3] =	stream.linear.scatter [tilespmem:s16], [sflag:$0x9], $0x80, $0x38;
	[tilespmem:$0x19500] =	vst v63  }
0x316: {  	s18 =	simm.s32 $0x15320;
	s19 =	sadd.s32 $0x40, s12  }
0x317: {  	[hbm4b:s19+s3] =	stream.linear.scatter [tilespmem:s18], [sflag:$0x9], $0x80, $0x38;
	[tilespmem:$0x19500] =	vst v63  }
0x318: {  	s7 =	simm.s32 $0x440;
	s16 =	simm.s32 $0x153A8;
	s17 =	sadd.s32 $0x50, s12  }
0x319: {  	[hbm4b:s17+s3] =	stream.linear.scatter [tilespmem:s16], [sflag:$0x9], $0x80, $0x38;
	[tilespmem:$0x19500] =	vst v63  }
0x31a: {  	s18 =	simm.s32 $0x15430;
	s19 =	sadd.s32 $0x60, s12;
	s16 =	simm.s32 $0x2200  }
0x31b: {  	[hbm4b:s19+s3] =	stream.linear.scatter [tilespmem:s18], [sflag:$0x9], $0x80, $0x38;
	[tilespmem:$0x19500] =	vst v63  }
0x31c: {  	s17 =	simm.s32 $0x154B8;
	s18 =	sadd.s32 $0x70, s12;
	s12 =	sadd.s32 $0x1000, s12  }
.LBB2_17:
0x31d: {  	[hbm4b:s18+s3] =	stream.linear.scatter [tilespmem:s17], [sflag:$0x9], $0x80, $0x38;
	[tilespmem:$0x19500] =	vst v63  }
0x31e: {  	s17 =	smov.u32 s7;
	s7 =	smov.u32 s16  }
0x31f: {  	s19 =	sadd.s32 $0x1100, s16;
	s7 =	sshra.s32 s7, $0x2;
	s18 =	sadd.s32 $0x15100, s17  }
0x320: {  	[hbm4b:s12+s3] =	stream.linear.scatter [tilespmem:s18], [sflag:$0x9], $0x80, $0x38;
	[tilespmem:$0x19500] =	vst v63  }
0x321: {  	p2 =	sne.s32 s16, $0x7700;
	s16 =	sadd.s32 $0x15188, s17;
	s18 =	sadd.s32 $0x10, s12  }
0x322: {  	[hbm4b:s18+s3] =	stream.linear.scatter [tilespmem:s16], [sflag:$0x9], $0x80, $0x38;
	[tilespmem:$0x19500] =	vst v63  }
0x323: {  	s16 =	sadd.s32 $0x15210, s17;
	s18 =	sadd.s32 $0x20, s12  }
0x324: {  	[hbm4b:s18+s3] =	stream.linear.scatter [tilespmem:s16], [sflag:$0x9], $0x80, $0x38;
	[tilespmem:$0x19500] =	vst v63  }
0x325: {  	s16 =	sadd.s32 $0x15298, s17;
	s18 =	sadd.s32 $0x30, s12  }
0x326: {  	[hbm4b:s18+s3] =	stream.linear.scatter [tilespmem:s16], [sflag:$0x9], $0x80, $0x38;
	[tilespmem:$0x19500] =	vst v63  }
0x327: {  	s16 =	sadd.s32 $0x15320, s17;
	s18 =	sadd.s32 $0x40, s12  }
0x328: {  	[hbm4b:s18+s3] =	stream.linear.scatter [tilespmem:s16], [sflag:$0x9], $0x80, $0x38;
	[tilespmem:$0x19500] =	vst v63  }
.Ltmp7:
0x329: {  	s16 =	sadd.s32 $0x153A8, s17;
	s18 =	sadd.s32 $0x50, s12;
	(pc) =	sbr.rel @p2 .LBB2_17-.Ltmp7, $4  }
0x32a: {  	[hbm4b:s18+s3] =	stream.linear.scatter [tilespmem:s16], [sflag:$0x9], $0x80, $0x38;
	[tilespmem:$0x19500] =	vst v63  }
0x32b: {  	s16 =	sadd.s32 $0x15430, s17;
	s18 =	sadd.s32 $0x60, s12;
	s17 =	sadd.s32 $0x154B8, s17  }
0x32c: {  	[hbm4b:s18+s3] =	stream.linear.scatter [tilespmem:s16], [sflag:$0x9], $0x80, $0x38;
	[tilespmem:$0x19500] =	vst v63  }
0x32d: {  	s18 =	sadd.s32 $0x70, s12;
	s12 =	sadd.s32 $0x1000, s12;
	s16 =	smov.u32 s19  }
0x32e: {  	[hbm4b:s18+s3] =	stream.linear.scatter [tilespmem:s17], [sflag:$0x9], $0x80, $0x38;
	[tilespmem:$0x19500] =	vst v63  }
0x32f: {  	s16 =	sadd.s32 $0x15100, s7  }
0x330: {  	[hbm4b:s12+s3] =	stream.linear.scatter [tilespmem:s16], [sflag:$0x9], $0x80, $0x38;
	[tilespmem:$0x19500] =	vst v63  }
0x331: {  	s18 =	sadd.s32 $0x15188, s7;
	s19 =	sadd.s32 $0x10, s12  }
0x332: {  	[hbm4b:s19+s3] =	stream.linear.scatter [tilespmem:s18], [sflag:$0x9], $0x80, $0x38;
	[tilespmem:$0x19500] =	vst v63  }
0x333: {  	s18 =	sadd.s32 $0x15210, s7;
	s19 =	sadd.s32 $0x20, s12  }
0x334: {  	[hbm4b:s19+s3] =	stream.linear.scatter [tilespmem:s18], [sflag:$0x9], $0x80, $0x38;
	[tilespmem:$0x19500] =	vst v63  }
0x335: {  	s18 =	sadd.s32 $0x15298, s7;
	s19 =	sadd.s32 $0x30, s12  }
0x336: {  	[hbm4b:s19+s3] =	stream.linear.scatter [tilespmem:s18], [sflag:$0x9], $0x80, $0x38;
	[tilespmem:$0x19500] =	vst v63  }
0x337: {  	s18 =	sadd.s32 $0x15320, s7;
	s19 =	sadd.s32 $0x40, s12  }
0x338: {  	[hbm4b:s19+s3] =	stream.linear.scatter [tilespmem:s18], [sflag:$0x9], $0x80, $0x38;
	[tilespmem:$0x19500] =	vst v63  }
0x339: {  	s18 =	sadd.s32 $0x153A8, s7;
	s19 =	sadd.s32 $0x50, s12  }
0x33a: {  	[hbm4b:s19+s3] =	stream.linear.scatter [tilespmem:s18], [sflag:$0x9], $0x80, $0x38;
	[tilespmem:$0x19500] =	vst v63  }
0x33b: {  	s18 =	sadd.s32 $0x15430, s7;
	s19 =	sadd.s32 $0x60, s12  }
0x33c: {  	[hbm4b:s19+s3] =	stream.linear.scatter [tilespmem:s18], [sflag:$0x9], $0x80, $0x38;
	[tilespmem:$0x19500] =	vst v63  }
0x33d: {  	s17 =	sadd.s32 $0x154B8, s7;
	s18 =	sadd.s32 $0x70, s12  }
0x33e: {  	[hbm4b:s18+s3] =	stream.linear.scatter [tilespmem:s17], [sflag:$0x9], $0x80, $0x38;
	[tilespmem:$0x19500] =	vst v63  }
0x33f: {  	_ =	swait.ge [sflag:s0], $0x2000  }
0x340: {  	[sflag:s0] =	ssyncset.done $0x0  }
0x341: {  	s16 =	simm.s32 @!p0 $0xA;
	s7 =	sadd.s32 s23, s11;
	[sflag:s0] =	ssyncadd.s32 $0xFFFFE000  }
0x342: {  	s12 =	sshrl.u32 s7, $0x5;
	_ =	swait.ge @!p0 [sflag:s16], $0x2000  }
0x343: {  	s19 =	sshll.u32 s12, $0x6;
	[sflag:s16] =	ssyncset.done @!p0 $0x0  }
0x344: {  	s17 =	sand.u32 $0x3FFFFFC0, s19;
	[sflag:s16] =	ssyncadd.s32 @!p0 $0xFFFFE000  }
0x345: {  	s23 =	simm.s32 $0x0;
	s16 =	simm.s32 $0xCBF0;
	v4 =	vld [tilespmem:s17+$0x1900]  }
0x346: {  	v5 =	vmov s23;
	v7 =	vld [tilespmem:s16+$0xFFFFFF10]  }
0x347: {  	v8 =	vand.u32 $0x7C, v5  }
0x348: {  	v9 =	vadd.s32 v0, v8;
	_ =	sdelay $0x2  }
0x349: {  	v5 =	vld [tilespmem:s17+$0x1910];
	v10 =	vadd.f32 v7, v4  }
0x34a: {  	v6 =	vld [tilespmem:s17+$0x1920]  }
0x34b: {  	v7 =	vld [tilespmem:s17+$0x1930];
	[tilespmem:v9+s14+$0x0] =	vst.idx.msk $0xffff, v10  }
0x34c: {  	v9 =	vld [tilespmem:s16+$0xFFFFFF20];
	_ =	sdelay $0x1  }
0x34d: {  	v10 =	vadd.s32 v1, v8;
	_ =	sdelay $0x2  }
0x34e: {  	v9 =	vadd.f32 v9, v5;
	_ =	sdelay $0x1  }
0x34f: {  	[tilespmem:v10+s14+$0x0] =	vst.idx.msk $0xffff, v9  }
0x350: {  	v9 =	vld [tilespmem:s16+$0xFFFFFF30];
	_ =	sdelay $0x1  }
0x351: {  	v10 =	vadd.s32 v2, v8;
	_ =	sdelay $0x2  }
0x352: {  	v9 =	vadd.f32 v9, v6;
	_ =	sdelay $0x1  }
0x353: {  	[tilespmem:v10+s14+$0x0] =	vst.idx.msk $0xffff, v9  }
0x354: {  	v9 =	vld [tilespmem:s16+$0xFFFFFF40];
	_ =	sdelay $0x1  }
0x355: {  	v8 =	vadd.s32 v3, v8;
	_ =	sdelay $0x2  }
0x356: {  	v9 =	vadd.f32 v9, v7;
	_ =	sdelay $0x1  }
0x357: {  	s18 =	simm.s32 $0x1;
	[tilespmem:v8+s14+$0x0] =	vst.idx.msk $0xffff, v9  }
0x358: {  	v8 =	vmov s18;
	v9 =	vld [tilespmem:s16+$0xFFFFFF50]  }
0x359: {  	v8 =	vand.u32 $0x7D, v8  }
0x35a: {  	v10 =	vadd.s32 v0, v8;
	_ =	sdelay $0x2  }
0x35b: {  	v9 =	vadd.f32 v9, v4;
	_ =	sdelay $0x1  }
0x35c: {  	[tilespmem:v10+s14+$0x0] =	vst.idx.msk $0xffff, v9  }
0x35d: {  	v9 =	vld [tilespmem:s16+$0xFFFFFF60];
	_ =	sdelay $0x1  }
0x35e: {  	v10 =	vadd.s32 v1, v8;
	_ =	sdelay $0x2  }
0x35f: {  	v9 =	vadd.f32 v9, v5;
	_ =	sdelay $0x1  }
0x360: {  	[tilespmem:v10+s14+$0x0] =	vst.idx.msk $0xffff, v9  }
0x361: {  	v9 =	vld [tilespmem:s16+$0xFFFFFF70];
	_ =	sdelay $0x1  }
0x362: {  	v10 =	vadd.s32 v2, v8;
	_ =	sdelay $0x2  }
0x363: {  	v9 =	vadd.f32 v9, v6;
	_ =	sdelay $0x1  }
0x364: {  	[tilespmem:v10+s14+$0x0] =	vst.idx.msk $0xffff, v9  }
0x365: {  	v9 =	vld [tilespmem:s16+$0xFFFFFF80];
	_ =	sdelay $0x1  }
0x366: {  	v8 =	vadd.s32 v3, v8;
	_ =	sdelay $0x2  }
0x367: {  	v9 =	vadd.f32 v9, v7;
	_ =	sdelay $0x1  }
0x368: {  	s19 =	simm.s32 $0x2;
	[tilespmem:v8+s14+$0x0] =	vst.idx.msk $0xffff, v9  }
0x369: {  	v8 =	vmov s19;
	v9 =	vld [tilespmem:s16+$0xFFFFFF90]  }
0x36a: {  	v8 =	vand.u32 $0x7E, v8  }
0x36b: {  	v10 =	vadd.s32 v0, v8;
	_ =	sdelay $0x2  }
0x36c: {  	v9 =	vadd.f32 v9, v4;
	_ =	sdelay $0x1  }
0x36d: {  	[tilespmem:v10+s14+$0x0] =	vst.idx.msk $0xffff, v9  }
0x36e: {  	v9 =	vld [tilespmem:s16+$0xFFFFFFA0];
	_ =	sdelay $0x1  }
0x36f: {  	v10 =	vadd.s32 v1, v8;
	_ =	sdelay $0x2  }
0x370: {  	v9 =	vadd.f32 v9, v5;
	_ =	sdelay $0x1  }
0x371: {  	[tilespmem:v10+s14+$0x0] =	vst.idx.msk $0xffff, v9  }
0x372: {  	v9 =	vld [tilespmem:s16+$0xFFFFFFB0];
	_ =	sdelay $0x1  }
0x373: {  	v10 =	vadd.s32 v2, v8;
	_ =	sdelay $0x2  }
0x374: {  	v9 =	vadd.f32 v9, v6;
	_ =	sdelay $0x1  }
0x375: {  	[tilespmem:v10+s14+$0x0] =	vst.idx.msk $0xffff, v9  }
0x376: {  	v9 =	vld [tilespmem:s16+$0xFFFFFFC0];
	_ =	sdelay $0x1  }
0x377: {  	v8 =	vadd.s32 v3, v8;
	_ =	sdelay $0x2  }
0x378: {  	v9 =	vadd.f32 v9, v7;
	_ =	sdelay $0x1  }
0x379: {  	s23 =	simm.s32 $0x3;
	[tilespmem:v8+s14+$0x0] =	vst.idx.msk $0xffff, v9  }
0x37a: {  	v8 =	vmov s23;
	v9 =	vld [tilespmem:s16+$0xFFFFFFD0]  }
0x37b: {  	v8 =	vand.u32 $0x7F, v8  }
0x37c: {  	v10 =	vadd.s32 v0, v8;
	_ =	sdelay $0x2  }
0x37d: {  	v9 =	vadd.f32 v9, v4;
	_ =	sdelay $0x1  }
0x37e: {  	[tilespmem:v10+s14+$0x0] =	vst.idx.msk $0xffff, v9  }
0x37f: {  	v9 =	vld [tilespmem:s16+$0xFFFFFFE0];
	_ =	sdelay $0x1  }
0x380: {  	v10 =	vadd.s32 v1, v8;
	_ =	sdelay $0x2  }
0x381: {  	v9 =	vadd.f32 v9, v5;
	_ =	sdelay $0x1  }
0x382: {  	[tilespmem:v10+s14+$0x0] =	vst.idx.msk $0xffff, v9  }
0x383: {  	v9 =	vld [tilespmem:s16+$0xFFFFFFF0];
	_ =	sdelay $0x1  }
0x384: {  	v10 =	vadd.s32 v2, v8;
	_ =	sdelay $0x2  }
0x385: {  	v9 =	vadd.f32 v9, v6;
	_ =	sdelay $0x1  }
0x386: {  	[tilespmem:v10+s14+$0x0] =	vst.idx.msk $0xffff, v9  }
0x387: {  	v9 =	vld [tilespmem:s16+$0x0];
	_ =	sdelay $0x1  }
0x388: {  	v8 =	vadd.s32 v3, v8;
	_ =	sdelay $0x2  }
0x389: {  	s17 =	simm.s32 $0x4;
	v9 =	vadd.f32 v9, v7  }
.LBB2_19:
0x38a: {  	p0 =	slt.u32 s17, $0x7C  }
0x38b: {  	s16 =	sadd.s32 $0x100, s16;
	s18 =	smov.u32 s17;
	s17 =	sadd.s32 $0x4, s17;
	[tilespmem:v8+s14+$0x0] =	vst.idx.msk $0xffff, v9  }
0x38c: {  	v8 =	vmov s18;
	v9 =	vld [tilespmem:s16+$0xFFFFFF10]  }
0x38d: {  	v8 =	vand.u32 $0x7C, v8  }
0x38e: {  	v10 =	vadd.s32 v0, v8;
	_ =	sdelay $0x2  }
0x38f: {  	v9 =	vadd.f32 v9, v4;
	_ =	sdelay $0x1  }
0x390: {  	[tilespmem:v10+s14+$0x0] =	vst.idx.msk $0xffff, v9  }
0x391: {  	v9 =	vld [tilespmem:s16+$0xFFFFFF20];
	_ =	sdelay $0x1  }
0x392: {  	v10 =	vadd.s32 v1, v8;
	_ =	sdelay $0x2  }
0x393: {  	v9 =	vadd.f32 v9, v5;
	_ =	sdelay $0x1  }
0x394: {  	[tilespmem:v10+s14+$0x0] =	vst.idx.msk $0xffff, v9  }
0x395: {  	v9 =	vld [tilespmem:s16+$0xFFFFFF30];
	_ =	sdelay $0x1  }
0x396: {  	v10 =	vadd.s32 v2, v8;
	_ =	sdelay $0x2  }
0x397: {  	v9 =	vadd.f32 v9, v6;
	_ =	sdelay $0x1  }
0x398: {  	[tilespmem:v10+s14+$0x0] =	vst.idx.msk $0xffff, v9  }
0x399: {  	v9 =	vld [tilespmem:s16+$0xFFFFFF40];
	_ =	sdelay $0x1  }
0x39a: {  	v8 =	vadd.s32 v3, v8;
	_ =	sdelay $0x2  }
0x39b: {  	v9 =	vadd.f32 v9, v7;
	_ =	sdelay $0x1  }
0x39c: {  	s19 =	sadd.s32 $0x1, s18;
	[tilespmem:v8+s14+$0x0] =	vst.idx.msk $0xffff, v9  }
0x39d: {  	v8 =	vmov s19;
	v9 =	vld [tilespmem:s16+$0xFFFFFF50]  }
0x39e: {  	v8 =	vand.u32 $0x7D, v8  }
0x39f: {  	v10 =	vadd.s32 v0, v8;
	_ =	sdelay $0x2  }
0x3a0: {  	v9 =	vadd.f32 v9, v4;
	_ =	sdelay $0x1  }
0x3a1: {  	[tilespmem:v10+s14+$0x0] =	vst.idx.msk $0xffff, v9  }
0x3a2: {  	v9 =	vld [tilespmem:s16+$0xFFFFFF60];
	_ =	sdelay $0x1  }
0x3a3: {  	v10 =	vadd.s32 v1, v8;
	_ =	sdelay $0x2  }
0x3a4: {  	v9 =	vadd.f32 v9, v5;
	_ =	sdelay $0x1  }
0x3a5: {  	[tilespmem:v10+s14+$0x0] =	vst.idx.msk $0xffff, v9  }
0x3a6: {  	v9 =	vld [tilespmem:s16+$0xFFFFFF70];
	_ =	sdelay $0x1  }
0x3a7: {  	v10 =	vadd.s32 v2, v8;
	_ =	sdelay $0x2  }
0x3a8: {  	v9 =	vadd.f32 v9, v6;
	_ =	sdelay $0x1  }
0x3a9: {  	[tilespmem:v10+s14+$0x0] =	vst.idx.msk $0xffff, v9  }
0x3aa: {  	v9 =	vld [tilespmem:s16+$0xFFFFFF80];
	_ =	sdelay $0x1  }
0x3ab: {  	v8 =	vadd.s32 v3, v8;
	_ =	sdelay $0x2  }
0x3ac: {  	v9 =	vadd.f32 v9, v7;
	_ =	sdelay $0x1  }
0x3ad: {  	s19 =	sadd.s32 $0x2, s18;
	[tilespmem:v8+s14+$0x0] =	vst.idx.msk $0xffff, v9  }
0x3ae: {  	v8 =	vmov s19;
	v9 =	vld [tilespmem:s16+$0xFFFFFF90]  }
0x3af: {  	v8 =	vand.u32 $0x7E, v8  }
0x3b0: {  	v10 =	vadd.s32 v0, v8;
	_ =	sdelay $0x2  }
0x3b1: {  	v9 =	vadd.f32 v9, v4;
	_ =	sdelay $0x1  }
0x3b2: {  	[tilespmem:v10+s14+$0x0] =	vst.idx.msk $0xffff, v9  }
0x3b3: {  	v9 =	vld [tilespmem:s16+$0xFFFFFFA0];
	_ =	sdelay $0x1  }
0x3b4: {  	v10 =	vadd.s32 v1, v8;
	_ =	sdelay $0x2  }
0x3b5: {  	v9 =	vadd.f32 v9, v5;
	_ =	sdelay $0x1  }
0x3b6: {  	[tilespmem:v10+s14+$0x0] =	vst.idx.msk $0xffff, v9  }
0x3b7: {  	v9 =	vld [tilespmem:s16+$0xFFFFFFB0];
	_ =	sdelay $0x1  }
0x3b8: {  	v10 =	vadd.s32 v2, v8;
	_ =	sdelay $0x2  }
0x3b9: {  	v9 =	vadd.f32 v9, v6;
	_ =	sdelay $0x1  }
0x3ba: {  	[tilespmem:v10+s14+$0x0] =	vst.idx.msk $0xffff, v9  }
0x3bb: {  	v9 =	vld [tilespmem:s16+$0xFFFFFFC0];
	_ =	sdelay $0x1  }
0x3bc: {  	v8 =	vadd.s32 v3, v8;
	_ =	sdelay $0x2  }
0x3bd: {  	v9 =	vadd.f32 v9, v7;
	_ =	sdelay $0x1  }
0x3be: {  	s18 =	sadd.s32 $0x3, s18;
	[tilespmem:v8+s14+$0x0] =	vst.idx.msk $0xffff, v9  }
0x3bf: {  	v8 =	vmov s18;
	v9 =	vld [tilespmem:s16+$0xFFFFFFD0]  }
0x3c0: {  	v8 =	vand.u32 $0x7F, v8  }
0x3c1: {  	v10 =	vadd.s32 v0, v8;
	_ =	sdelay $0x2  }
0x3c2: {  	v9 =	vadd.f32 v9, v4;
	_ =	sdelay $0x1  }
0x3c3: {  	[tilespmem:v10+s14+$0x0] =	vst.idx.msk $0xffff, v9  }
0x3c4: {  	v9 =	vld [tilespmem:s16+$0xFFFFFFE0];
	_ =	sdelay $0x1  }
0x3c5: {  	v10 =	vadd.s32 v1, v8;
	_ =	sdelay $0x2  }
0x3c6: {  	v9 =	vadd.f32 v9, v5;
	_ =	sdelay $0x1  }
0x3c7: {  	[tilespmem:v10+s14+$0x0] =	vst.idx.msk $0xffff, v9  }
0x3c8: {  	v9 =	vld [tilespmem:s16+$0xFFFFFFF0];
	_ =	sdelay $0x1  }
0x3c9: {  	v10 =	vadd.s32 v2, v8;
	_ =	sdelay $0x2  }
0x3ca: {  	v9 =	vadd.f32 v9, v6;
	_ =	sdelay $0x1  }
0x3cb: {  	[tilespmem:v10+s14+$0x0] =	vst.idx.msk $0xffff, v9  }
0x3cc: {  	v9 =	vld [tilespmem:s16+$0x0]  }
.Ltmp8:
0x3cd: {  	(pc) =	sbr.rel @p0 .LBB2_19-.Ltmp8, $2  }
0x3ce: {  	v8 =	vadd.s32 v3, v8;
	_ =	sdelay $0x2  }
0x3cf: {  	v9 =	vadd.f32 v9, v7  }
0x3d0: {  	_ =	sdelay $0x2  }
0x3d1: {  	s6 =	sadd.s32 @!p1 $0x480, s6  }
0x3d2: {  	s16 =	simm.s32 @!p1 $0x80;
	s17 =	simm.s32 @!p1 $0xCB00;
	s18 =	sshll.u32 s7, $0x7;
	[tilespmem:v8+s14+$0x0] =	vst.idx.msk $0xffff, v9  }
0x3d3: {  	[tilespmem:s17], [sflag:$0x5] =	stream.indirect.gather @!p1 [hbm4b:s5+s16], $0x40, s6, s16, $0xb8;
	[tilespmem:$0x19500] =	vst v63  }
0x3d4: {  	s6 =	sand.u32 $0xF80, s18  }
0x3d5: {  	s19 =	sshll.u32 s12, $0xF;
	s6 =	sadd.s32 s2, s6  }
0x3d6: {  	s23 =	simm.s32 $0x17300;
	s7 =	sadd.s32 s19, s6  }
0x3d7: {  	[hbm4b:s7+s3] =	stream.linear.scatter [tilespmem:s23], [sflag:$0xA], $0x80, $0x38;
	[tilespmem:$0x19500] =	vst v63  }
0x3d8: {  	s12 =	simm.s32 $0x17388;
	s16 =	sadd.s32 $0x10, s7  }
0x3d9: {  	[hbm4b:s16+s3] =	stream.linear.scatter [tilespmem:s12], [sflag:$0xA], $0x80, $0x38;
	[tilespmem:$0x19500] =	vst v63  }
0x3da: {  	s17 =	simm.s32 $0x17410;
	s19 =	simm.s32 $0x17498;
	s18 =	sadd.s32 $0x20, s7  }
0x3db: {  	[hbm4b:s18+s3] =	stream.linear.scatter [tilespmem:s17], [sflag:$0xA], $0x80, $0x38;
	[tilespmem:$0x19500] =	vst v63  }
0x3dc: {  	s6 =	simm.s32 $0x440;
	s23 =	sadd.s32 $0x30, s7;
	s12 =	simm.s32 $0x17520  }
0x3dd: {  	[hbm4b:s23+s3] =	stream.linear.scatter [tilespmem:s19], [sflag:$0xA], $0x80, $0x38;
	[tilespmem:$0x19500] =	vst v63  }
0x3de: {  	s16 =	sadd.s32 $0x40, s7;
	s17 =	simm.s32 $0x175A8;
	s18 =	sadd.s32 $0x50, s7  }
0x3df: {  	[hbm4b:s16+s3] =	stream.linear.scatter [tilespmem:s12], [sflag:$0xA], $0x80, $0x38;
	[tilespmem:$0x19500] =	vst v63  }
0x3e0: {  	s19 =	simm.s32 $0x17630;
	s23 =	sadd.s32 $0x60, s7;
	s12 =	simm.s32 $0x2200  }
0x3e1: {  	[hbm4b:s18+s3] =	stream.linear.scatter [tilespmem:s17], [sflag:$0xA], $0x80, $0x38;
	[tilespmem:$0x19500] =	vst v63  }
0x3e2: {  	s16 =	simm.s32 $0x176B8;
	s17 =	sadd.s32 $0x70, s7;
	s7 =	sadd.s32 $0x1000, s7  }
0x3e3: {  	[hbm4b:s23+s3] =	stream.linear.scatter [tilespmem:s19], [sflag:$0xA], $0x80, $0x38;
	[tilespmem:$0x19500] =	vst v63  }
.LBB2_21:
0x3e4: {  	[hbm4b:s17+s3] =	stream.linear.scatter [tilespmem:s16], [sflag:$0xA], $0x80, $0x38;
	[tilespmem:$0x19500] =	vst v63  }
0x3e5: {  	s16 =	smov.u32 s6;
	s6 =	smov.u32 s12  }
0x3e6: {  	s18 =	sadd.s32 $0x1100, s12;
	s6 =	sshra.s32 s6, $0x2;
	s17 =	sadd.s32 $0x17300, s16  }
0x3e7: {  	[hbm4b:s7+s3] =	stream.linear.scatter [tilespmem:s17], [sflag:$0xA], $0x80, $0x38;
	[tilespmem:$0x19500] =	vst v63  }
0x3e8: {  	p0 =	sne.s32 s12, $0x7700;
	s12 =	sadd.s32 $0x17388, s16;
	s17 =	sadd.s32 $0x10, s7  }
0x3e9: {  	[hbm4b:s17+s3] =	stream.linear.scatter [tilespmem:s12], [sflag:$0xA], $0x80, $0x38;
	[tilespmem:$0x19500] =	vst v63  }
0x3ea: {  	s12 =	sadd.s32 $0x17410, s16;
	s17 =	sadd.s32 $0x20, s7  }
0x3eb: {  	[hbm4b:s17+s3] =	stream.linear.scatter [tilespmem:s12], [sflag:$0xA], $0x80, $0x38;
	[tilespmem:$0x19500] =	vst v63  }
0x3ec: {  	s12 =	sadd.s32 $0x17498, s16;
	s17 =	sadd.s32 $0x30, s7  }
0x3ed: {  	[hbm4b:s17+s3] =	stream.linear.scatter [tilespmem:s12], [sflag:$0xA], $0x80, $0x38;
	[tilespmem:$0x19500] =	vst v63  }
0x3ee: {  	s12 =	sadd.s32 $0x17520, s16;
	s17 =	sadd.s32 $0x40, s7  }
0x3ef: {  	[hbm4b:s17+s3] =	stream.linear.scatter [tilespmem:s12], [sflag:$0xA], $0x80, $0x38;
	[tilespmem:$0x19500] =	vst v63  }
.Ltmp9:
0x3f0: {  	s12 =	sadd.s32 $0x175A8, s16;
	s17 =	sadd.s32 $0x50, s7;
	(pc) =	sbr.rel @p0 .LBB2_21-.Ltmp9, $4  }
0x3f1: {  	[hbm4b:s17+s3] =	stream.linear.scatter [tilespmem:s12], [sflag:$0xA], $0x80, $0x38;
	[tilespmem:$0x19500] =	vst v63  }
0x3f2: {  	s12 =	sadd.s32 $0x17630, s16;
	s17 =	sadd.s32 $0x60, s7;
	s16 =	sadd.s32 $0x176B8, s16  }
0x3f3: {  	[hbm4b:s17+s3] =	stream.linear.scatter [tilespmem:s12], [sflag:$0xA], $0x80, $0x38;
	[tilespmem:$0x19500] =	vst v63  }
0x3f4: {  	s17 =	sadd.s32 $0x70, s7;
	s7 =	sadd.s32 $0x1000, s7;
	s12 =	smov.u32 s18  }
0x3f5: {  	[hbm4b:s17+s3] =	stream.linear.scatter [tilespmem:s16], [sflag:$0xA], $0x80, $0x38;
	[tilespmem:$0x19500] =	vst v63  }
0x3f6: {  	s12 =	sadd.s32 $0x17300, s6  }
0x3f7: {  	[hbm4b:s7+s3] =	stream.linear.scatter [tilespmem:s12], [sflag:$0xA], $0x80, $0x38;
	[tilespmem:$0x19500] =	vst v63  }
0x3f8: {  	s19 =	sadd.s32 $0x17388, s6;
	s23 =	sadd.s32 $0x10, s7  }
0x3f9: {  	[hbm4b:s23+s3] =	stream.linear.scatter [tilespmem:s19], [sflag:$0xA], $0x80, $0x38;
	[tilespmem:$0x19500] =	vst v63  }
0x3fa: {  	s17 =	sadd.s32 $0x17410, s6;
	s18 =	sadd.s32 $0x20, s7  }
0x3fb: {  	[hbm4b:s18+s3] =	stream.linear.scatter [tilespmem:s17], [sflag:$0xA], $0x80, $0x38;
	[tilespmem:$0x19500] =	vst v63  }
0x3fc: {  	s19 =	sadd.s32 $0x17498, s6;
	s23 =	sadd.s32 $0x30, s7  }
0x3fd: {  	[hbm4b:s23+s3] =	stream.linear.scatter [tilespmem:s19], [sflag:$0xA], $0x80, $0x38;
	[tilespmem:$0x19500] =	vst v63  }
0x3fe: {  	s22 =	sadd.s32 $0x1, s22;
	s17 =	sadd.s32 $0x17520, s6;
	s18 =	sadd.s32 $0x40, s7  }
0x3ff: {  	[hbm4b:s18+s3] =	stream.linear.scatter [tilespmem:s17], [sflag:$0xA], $0x80, $0x38;
	[tilespmem:$0x19500] =	vst v63  }
0x400: {  	p0 =	sne.s32 s22, $0xA;
	s19 =	sadd.s32 $0x175A8, s6;
	s23 =	sadd.s32 $0x50, s7  }
0x401: {  	[hbm4b:s23+s3] =	stream.linear.scatter [tilespmem:s19], [sflag:$0xA], $0x80, $0x38;
	[tilespmem:$0x19500] =	vst v63  }
.Ltmp10:
0x402: {  	_ = 	snop;
	(pc) =	sbr.rel @p0 .LBB2_2-.Ltmp10, $4  }
0x403: {  	s17 =	sadd.s32 $0x17630, s6;
	s18 =	sadd.s32 $0x60, s7  }
0x404: {  	[hbm4b:s18+s3] =	stream.linear.scatter [tilespmem:s17], [sflag:$0xA], $0x80, $0x38;
	[tilespmem:$0x19500] =	vst v63  }
0x405: {  	s19 =	sadd.s32 $0x176B8, s6;
	s23 =	sadd.s32 $0x70, s7  }
0x406: {  	[hbm4b:s23+s3] =	stream.linear.scatter [tilespmem:s19], [sflag:$0xA], $0x80, $0x38;
	[tilespmem:$0x19500] =	vst v63  }
0x407: {  	s6 =	simm.s32 $0x6  }
0x408: {  	_ =	swait.ge [sflag:s6], $0x2000  }
0x409: {  	[sflag:s6] =	ssyncset.done $0x0  }
0x40a: {  	s18 =	simm.s32 $0x7;
	[sflag:s6] =	ssyncadd.s32 $0xFFFFE000  }
0x40b: {  	_ =	swait.ge [sflag:s18], $0x2000  }
0x40c: {  	[sflag:s18] =	ssyncset.done $0x0  }
0x40d: {  	s19 =	simm.s32 $0x8;
	[sflag:s18] =	ssyncadd.s32 $0xFFFFE000  }
0x40e: {  	_ =	swait.ge [sflag:s19], $0x2000  }
0x40f: {  	[sflag:s19] =	ssyncset.done $0x0  }
0x410: {  	s22 =	simm.s32 $0x9;
	[sflag:s19] =	ssyncadd.s32 $0xFFFFE000  }
0x411: {  	_ =	swait.ge [sflag:s22], $0x2000  }
0x412: {  	[sflag:s22] =	ssyncset.done $0x0  }
0x413: {  	[sflag:s22] =	ssyncadd.s32 $0xFFFFE000  }
0x414: {  	_ =	swait.ge [sflag:s20], $0x2000  }
0x415: {  	s21 =	sadd.s32 $0x1, s21;
	s23 =	rddreg [dreg:$0x5]  }
0x416: {  	p0 =	sne.s32 s21, s23  }
.Ltmp11:
0x417: {  	_ = 	snop;
	(pc) =	sbr.rel @p0 .LBB2_1-.Ltmp11, $3  }
0x418: {  	_ =	sdelay $0x1  }
0x419: {  	[sflag:s20] =	ssyncset.done $0x0  }
0x41a: {  	[sflag:s20] =	ssyncadd.s32 $0xFFFFE000  }
0x41b: {  	_ =	sfence.sel $0x180000  }
0x41c: {  	[bflag:$0x0] =	sbarrier.arrive $0xFFFF  }
0x41d: {  	_ =	strace $0x90000047  }
0x41e: {  	s0 =	stileid.u32;
	[bflag:$0x2] =	sbarrier.arrive $0xFFFF  }
0x41f: {  	p0 =	sne.s32 s0, $0x0;
	s0 =	rddreg [dreg:$0x2]  }
0x420: {  	s0 =	sadd.s32 @!p0 $0x100000, s0  }
0x421: {  	[sflag:s0] =	ssyncadd.tile.s32 @!p0 $0x1;
	_ =	shalt  }
.Lfunc_end2:
_tile_overlayer_lowered:
.L_overlay_start_2:
0x422: {  	(tag) =	ssettag $0x2  }
0x423: {  	s0 =	rddreg [dreg:$0x0];
	s2 =	stileid.u32  }
0x424: {  	s1 =	rddreg [dreg:$0x1];
	p0 =	sne.s32 s2, $0x0  }
0x425: {  	s3 =	rddreg [dreg:$0x2];
	[bflag:$0x3] =	sbarrier.arrive $0xFFFF;
	s2 =	simm.s32 @!p0 $0x1C0B  }
0x426: {  	[timem:s3], [sflag:s2] =	dma.local @!p0 [hbm:s0], s1  }
0x427: {  	s0 =	simm.s32 @!p0 $0xB  }
0x428: {  	_ =	swait.ge @!p0 [sflag:s0], s1  }
0x429: {  	s1 =	ssub.s32 @!p0 $0x0, s1;
	[sflag:s0] =	ssyncset.done @!p0 $0x0  }
0x42a: {  	[sflag:s0] =	ssyncadd.s32 @!p0 s1  }
0x42b: {  	[bflag:$0x3] =	sbarrier.arrive $0xFFFF  }
0x42c: {  	_ =	shalt  }

</sc_bundles>
